<compile_context>
chip_gen: v7x
topology: tpu7x:2x2x1
jax: 0.10.2.dev20260603
libtpu: 0.0.44.dev20260713+nightly
codegen_flags: <defaults>
</compile_context>

<pallas_src>
import functools

import jax
import jax.numpy as jnp
from jax import lax
from jax.experimental import pallas as pl
from jax.experimental.pallas import tpu as pltpu
from jax.experimental.pallas import tpu_sc as plsc

_NW = 32
_L = 16
_V = 1000001
_D = 32
_BPW = 248
_NBUF = 4
_LAST_B0 = 999808
_TAIL_B0 = 999936


def _wid():
    return lax.axis_index("s") * 2 + lax.axis_index("c")


def _conv_body(tt_hbm, tail_hbm, flat_hbm, tin, tout,
               sg0, sg1, sg2, sg3, sw0, sw1, sw2, sw3):
    w = _wid()
    lo = w * _BPW
    sg = (sg0, sg1, sg2, sg3)
    sw = (sw0, sw1, sw2, sw3)

    def b0_of(i):
        return jnp.minimum(i * 128, _LAST_B0)

    def issue_in(i, par):
        pltpu.async_copy(tt_hbm.at[:, pl.ds(b0_of(i), 128)],
                         tin.at[pl.ds(par * _D, _D)], sg[par])

    def wait_in(par):
        pltpu.make_async_copy(tt_hbm.at[:, pl.ds(0, 128)],
                              tin.at[pl.ds(par * _D, _D)], sg[par]).wait()

    def drain_out(par):
        pltpu.make_async_copy(flat_hbm.at[pl.ds(0, _D * 128)],
                              tout.at[pl.ds(par * _D * 128, _D * 128)],
                              sw[par]).wait()

    def transpose(par):
        iota = jax.lax.iota(jnp.int32, _L)

        def dstep(d2, carry):
            for dd in range(2):
                d = d2 * 2 + dd
                t = (iota + d) & (_L - 1)
                u = t * _D + iota
                for m in range(_D // _L):
                    cvec = iota + (par * _D + m * _L)
                    for g in range(128 // _L):
                        bvec = t + g * _L
                        v = plsc.load_gather(tin, [cvec, bvec])
                        sidx = u + (par * _D * 128 + g * _L * _D + m * _L)
                        plsc.store_scatter(tout, [sidx], v)
            return carry

        lax.fori_loop(0, _L // 2, dstep, 0)

    def issue_out(i, par):
        pltpu.async_copy(tout.at[pl.ds(par * _D * 128, _D * 128)],
                         flat_hbm.at[pl.ds(b0_of(i) * _D, _D * 128)],
                         sw[par])

    for q in range(_NBUF):
        issue_in(lo + q, q)

    def body(j, carry):
        for par in range(_NBUF):
            i = lo + _NBUF * j + par
            wait_in(par)

            @pl.when(j >= 1)
            def _():
                drain_out(par)

            transpose(par)
            issue_out(i, par)

            @pl.when(j < (_BPW // _NBUF) - 1)
            def _():
                issue_in(i + _NBUF, par)
        return carry

    lax.fori_loop(0, _BPW // _NBUF, body, 0)
    for q in range(_NBUF):
        drain_out(q)

    @pl.when(w == 0)
    def _():
        pltpu.sync_copy(tail_hbm, tout.at[pl.ds(0, 65 * _D)])
        pltpu.sync_copy(tout.at[pl.ds(0, 65 * _D)],
                        flat_hbm.at[pl.ds(_TAIL_B0 * _D, 65 * _D)])


def _gather_body(n_s, xts_hbm, tab_hbm, out_hbm, xbuf, rows, rowsT,
                 sg0, sg1, sw0, sw1):
    w = _wid()
    sg = (sg0, sg1)
    sw = (sw0, sw1)
    pltpu.sync_copy(xts_hbm.at[:, pl.ds(w * 128, 128)], xbuf)

    def issue_g(s, par):
        pltpu.async_copy(tab_hbm.at[xbuf.at[s]], rows.at[par], sg[par])

    def wait_g(par):
        pltpu.make_async_copy(tab_hbm.at[pl.ds(0, 128)], rows.at[par],
                              sg[par]).wait()

    def drain_w(par):
        pltpu.make_async_copy(out_hbm.at[pl.ds(0, _D * 128)],
                              rowsT.at[pl.ds(par * _D * 128, _D * 128)],
                              sw[par]).wait()

    def transpose(par):
        iota = jax.lax.iota(jnp.int32, _L)

        def dstep(d2, carry):
            for dd in range(2):
                d = d2 * 2 + dd
                t = (iota + d) & (_L - 1)
                for m in range(_D // _L):
                    u = (iota + m * _L) * 128 + t
                    for g in range(128 // _L):
                        bvec = t + g * _L
                        cvec = iota + m * _L
                        v = plsc.load_gather(rows.at[par], [bvec, cvec])
                        sidx = u + (par * _D * 128 + g * _L)
                        plsc.store_scatter(rowsT, [sidx], v)
            return carry

        lax.fori_loop(0, _L // 2, dstep, 0)

    def issue_w(s, par):
        for cb in range(_D // 8):
            off = (((s * (_D // 8) + cb) * _NW) + w) * 1024
            pltpu.async_copy(
                rowsT.at[pl.ds(par * _D * 128 + cb * 1024, 1024)],
                out_hbm.at[pl.ds(off, 1024)], sw[par])

    issue_g(0, 0)
    issue_g(1, 1)

    def body(j, carry):
        for par in (0, 1):
            s = 2 * j + par
            wait_g(par)

            @pl.when(j >= 1)
            def _():
                drain_w(par)

            transpose(par)
            issue_w(s, par)

            @pl.when(j < (n_s // 2) - 1)
            def _():
                issue_g(s + 2, par)
        return carry

    lax.fori_loop(0, n_s // 2, body, 0)
    drain_w(0)
    drain_w(1)


def kernel(x, table):
    s0, s1 = x.shape
    v, d = table.shape
    xts = jnp.transpose(x).astype(jnp.int32)
    tt = jnp.transpose(table)

    mesh = plsc.VectorSubcoreMesh(core_axis_name="c", subcore_axis_name="s")

    conv = pl.kernel(
        _conv_body,
        mesh=mesh,
        out_type=jax.ShapeDtypeStruct((v * d,), jnp.float32),
        scratch_types=[
            pltpu.VMEM((_NBUF * d, 128), jnp.float32),
            pltpu.VMEM((_NBUF * d * 128,), jnp.float32),
        ] + [pltpu.SemaphoreType.DMA] * (2 * _NBUF),
        compiler_params=pltpu.CompilerParams(use_tc_tiling_on_sc=True,
                                             needs_layout_passes=False),
    )
    tail = lax.slice(table, (_TAIL_B0, 0), (v, d)).reshape(-1)
    flat_tab = conv(tt, tail)
    tab = flat_tab.reshape(v, d)

    gather = pl.kernel(
        functools.partial(_gather_body, s1),
        mesh=mesh,
        out_type=jax.ShapeDtypeStruct((s0 * s1 * d,), jnp.float32),
        scratch_types=[
            pltpu.VMEM((s1, 128), jnp.int32),
            pltpu.VMEM((2, 128, d), jnp.float32),
            pltpu.VMEM((2 * d * 128,), jnp.float32),
            pltpu.SemaphoreType.DMA,
            pltpu.SemaphoreType.DMA,
            pltpu.SemaphoreType.DMA,
            pltpu.SemaphoreType.DMA,
        ],
        compiler_params=pltpu.CompilerParams(use_tc_tiling_on_sc=False,
                                             needs_layout_passes=False),
    )
    flat = gather(xts, tab)
    out = flat.reshape(s1, d // 8, s0 // 128, 8, 128)
    out = out.transpose(2, 4, 0, 1, 3).reshape(s0, s1, d)
    return out

# --- scband reference (transcript-rebuilt; emitter-appended) ---
"""Pipeline reference for scband-emb-6038724018705 (READ-ONLY COPY).

The authoritative reference and input builder live on the scoring server;
editing this copy changes nothing except your own understanding.
"""

import jax, jax.numpy as jnp
import numpy as np

EMB_CT = 1000000
EMB_DIM = 32

def setup_inputs(seed: int = 0) -> dict:
    key = jax.random.key(seed)
    k_idx, k_tab = jax.random.split(key)
    x = jax.random.randint(k_idx, (4096, 50), 0, 1000000, dtype=jnp.int64) if jax.config.jax_enable_x64 else jax.random.randint(k_idx, (4096, 50), 0, 1000000, dtype=jnp.int32)
    # Embedding table: (emb_ct + 1, emb_dim), padding_idx = emb_ct (last row zeroed, matching nn.Embedding padding init)
    table = jax.random.normal(k_tab, (EMB_CT + 1, EMB_DIM), dtype=jnp.float32)
    table = table.at[EMB_CT].set(0.0)
    return {"x": x, "table": table}

def reference(x, table):
    # Faithful to nn.Embedding(emb_ct+1, emb_dim, padding_idx=emb_ct): pure row gather.
    return jnp.take(table, x, axis=0)

if __name__ == "__main__":
    import jax
    _d = setup_inputs()
    print(jax.jit(kernel)(*tuple(_d.values())))

</pallas_src>

<mosaic_0001>
#map = affine_map<(d0, d1) -> (0, 0)>
#map1 = affine_map<(d0, d1) -> (0)>
module attributes {stable_mosaic.version = 14 : i64} {
  func.func @_conv_body(%arg0: i32, %arg1: i32, %arg2: memref<32x1000001xf32, #tpu.memory_space<hbm>>, %arg3: memref<2080xf32, #tpu.memory_space<hbm>>, %arg4: memref<32000032xf32, #tpu.memory_space<hbm>>, %arg5: memref<128x128xf32, #tpu.memory_space<vmem>>, %arg6: memref<16384xf32, #tpu.memory_space<vmem>>, %arg7: memref<!tpu.dma_semaphore, #tpu.memory_space<semaphore_mem>>, %arg8: memref<!tpu.dma_semaphore, #tpu.memory_space<semaphore_mem>>, %arg9: memref<!tpu.dma_semaphore, #tpu.memory_space<semaphore_mem>>, %arg10: memref<!tpu.dma_semaphore, #tpu.memory_space<semaphore_mem>>, %arg11: memref<!tpu.dma_semaphore, #tpu.memory_space<semaphore_mem>>, %arg12: memref<!tpu.dma_semaphore, #tpu.memory_space<semaphore_mem>>, %arg13: memref<!tpu.dma_semaphore, #tpu.memory_space<semaphore_mem>>, %arg14: memref<!tpu.dma_semaphore, #tpu.memory_space<semaphore_mem>>) attributes {dimension_semantics = [#tpu.dimension_semantics<core_parallel>, #tpu.dimension_semantics<subcore_parallel>], iteration_bounds = array<i64: 2, 16>, scalar_prefetch = 0 : i64, scratch_operands = 10 : i64, tpu.core_type = #tpu.core_type<sc_vector_subcore>, window_params = [{transform_indices = #map}, {transform_indices = #map1}, {transform_indices = #map1}]} {
    %mul3A = arith.constant 2 : i32
    %mul3A_0 = arith.muli %arg1, %mul3A : i32
    %add3A = arith.addi %mul3A_0, %arg0 : i32
    %mul3A_1 = arith.constant 248 : i32
    %mul3A_2 = arith.muli %add3A, %mul3A_1 : i32
    %add3A_3 = arith.constant 0 : i32
    %add3A_4 = arith.addi %mul3A_2, %add3A_3 : i32
    %mul3A_5 = arith.constant 128 : i32
    %mul3A_6 = arith.muli %add3A_4, %mul3A_5 : i32
    %min3A = arith.constant 999808 : i32
    %min3A_7 = arith.minsi %mul3A_6, %min3A : i32
    %dma_start3A = arith.constant 0 : i32
    %dma_start3A_8 = arith.constant 0 : i32
    %dma_start3A_9 = tpu.memref_slice %arg5[%dma_start3A, %dma_start3A_8] : memref<128x128xf32, #tpu.memory_space<vmem>> -> memref<32x128xf32, #tpu.memory_space<vmem>>
    %dma_start3A_10 = arith.constant 0 : i32
    %dma_start3A_11 = tpu.memref_slice %arg2[%dma_start3A_10, %min3A_7] : memref<32x1000001xf32, #tpu.memory_space<hbm>> -> memref<32x128xf32, #tpu.memory_space<hbm>>
    %dma_start3A_12 = arith.constant 0 : i32
    %dma_start3A_13 = arith.constant 0 : i32
    %dma_start3A_14 = tpu.memref_slice %arg5[%dma_start3A_12, %dma_start3A_13] : memref<128x128xf32, #tpu.memory_space<vmem>> -> memref<32x128xf32, #tpu.memory_space<vmem>>
    %dma_start3A_15 = arith.constant 0 : i32
    %dma_start3A_16 = tpu.memref_slice %arg2[%dma_start3A_15, %min3A_7] : memref<32x1000001xf32, #tpu.memory_space<hbm>> -> memref<32x128xf32, #tpu.memory_space<hbm>>
    tpu.enqueue_dma source(%dma_start3A_16 : memref<32x128xf32, #tpu.memory_space<hbm>>) target(%dma_start3A_14 : memref<32x128xf32, #tpu.memory_space<vmem>>) target_semaphore(%arg7 : memref<!tpu.dma_semaphore, #tpu.memory_space<semaphore_mem>>)
    %add3A_17 = arith.constant 1 : i32
    %add3A_18 = arith.addi %mul3A_2, %add3A_17 : i32
    %mul3A_19 = arith.constant 128 : i32
    %mul3A_20 = arith.muli %add3A_18, %mul3A_19 : i32
    %min3A_21 = arith.constant 999808 : i32
    %min3A_22 = arith.minsi %mul3A_20, %min3A_21 : i32
    %dma_start3A_23 = arith.constant 32 : i32
    %dma_start3A_24 = arith.constant 0 : i32
    %dma_start3A_25 = tpu.memref_slice %arg5[%dma_start3A_23, %dma_start3A_24] : memref<128x128xf32, #tpu.memory_space<vmem>> -> memref<32x128xf32, #tpu.memory_space<vmem>>
    %dma_start3A_26 = arith.constant 0 : i32
    %dma_start3A_27 = tpu.memref_slice %arg2[%dma_start3A_26, %min3A_22] : memref<32x1000001xf32, #tpu.memory_space<hbm>> -> memref<32x128xf32, #tpu.memory_space<hbm>>
    %dma_start3A_28 = arith.constant 32 : i32
    %dma_start3A_29 = arith.constant 0 : i32
    %dma_start3A_30 = tpu.memref_slice %arg5[%dma_start3A_28, %dma_start3A_29] : memref<128x128xf32, #tpu.memory_space<vmem>> -> memref<32x128xf32, #tpu.memory_space<vmem>>
    %dma_start3A_31 = arith.constant 0 : i32
    %dma_start3A_32 = tpu.memref_slice %arg2[%dma_start3A_31, %min3A_22] : memref<32x1000001xf32, #tpu.memory_space<hbm>> -> memref<32x128xf32, #tpu.memory_space<hbm>>
    tpu.enqueue_dma source(%dma_start3A_32 : memref<32x128xf32, #tpu.memory_space<hbm>>) target(%dma_start3A_30 : memref<32x128xf32, #tpu.memory_space<vmem>>) target_semaphore(%arg8 : memref<!tpu.dma_semaphore, #tpu.memory_space<semaphore_mem>>)
    %add3A_33 = arith.constant 2 : i32
    %add3A_34 = arith.addi %mul3A_2, %add3A_33 : i32
    %mul3A_35 = arith.constant 128 : i32
    %mul3A_36 = arith.muli %add3A_34, %mul3A_35 : i32
    %min3A_37 = arith.constant 999808 : i32
    %min3A_38 = arith.minsi %mul3A_36, %min3A_37 : i32
    %dma_start3A_39 = arith.constant 64 : i32
    %dma_start3A_40 = arith.constant 0 : i32
    %dma_start3A_41 = tpu.memref_slice %arg5[%dma_start3A_39, %dma_start3A_40] : memref<128x128xf32, #tpu.memory_space<vmem>> -> memref<32x128xf32, #tpu.memory_space<vmem>>
    %dma_start3A_42 = arith.constant 0 : i32
    %dma_start3A_43 = tpu.memref_slice %arg2[%dma_start3A_42, %min3A_38] : memref<32x1000001xf32, #tpu.memory_space<hbm>> -> memref<32x128xf32, #tpu.memory_space<hbm>>
    %dma_start3A_44 = arith.constant 64 : i32
    %dma_start3A_45 = arith.constant 0 : i32
    %dma_start3A_46 = tpu.memref_slice %arg5[%dma_start3A_44, %dma_start3A_45] : memref<128x128xf32, #tpu.memory_space<vmem>> -> memref<32x128xf32, #tpu.memory_space<vmem>>
    %dma_start3A_47 = arith.constant 0 : i32
    %dma_start3A_48 = tpu.memref_slice %arg2[%dma_start3A_47, %min3A_38] : memref<32x1000001xf32, #tpu.memory_space<hbm>> -> memref<32x128xf32, #tpu.memory_space<hbm>>
    tpu.enqueue_dma source(%dma_start3A_48 : memref<32x128xf32, #tpu.memory_space<hbm>>) target(%dma_start3A_46 : memref<32x128xf32, #tpu.memory_space<vmem>>) target_semaphore(%arg9 : memref<!tpu.dma_semaphore, #tpu.memory_space<semaphore_mem>>)
    %add3A_49 = arith.constant 3 : i32
    %add3A_50 = arith.addi %mul3A_2, %add3A_49 : i32
    %mul3A_51 = arith.constant 128 : i32
    %mul3A_52 = arith.muli %add3A_50, %mul3A_51 : i32
    %min3A_53 = arith.constant 999808 : i32
    %min3A_54 = arith.minsi %mul3A_52, %min3A_53 : i32
    %dma_start3A_55 = arith.constant 96 : i32
    %dma_start3A_56 = arith.constant 0 : i32
    %dma_start3A_57 = tpu.memref_slice %arg5[%dma_start3A_55, %dma_start3A_56] : memref<128x128xf32, #tpu.memory_space<vmem>> -> memref<32x128xf32, #tpu.memory_space<vmem>>
    %dma_start3A_58 = arith.constant 0 : i32
    %dma_start3A_59 = tpu.memref_slice %arg2[%dma_start3A_58, %min3A_54] : memref<32x1000001xf32, #tpu.memory_space<hbm>> -> memref<32x128xf32, #tpu.memory_space<hbm>>
    %dma_start3A_60 = arith.constant 96 : i32
    %dma_start3A_61 = arith.constant 0 : i32
    %dma_start3A_62 = tpu.memref_slice %arg5[%dma_start3A_60, %dma_start3A_61] : memref<128x128xf32, #tpu.memory_space<vmem>> -> memref<32x128xf32, #tpu.memory_space<vmem>>
    %dma_start3A_63 = arith.constant 0 : i32
    %dma_start3A_64 = tpu.memref_slice %arg2[%dma_start3A_63, %min3A_54] : memref<32x1000001xf32, #tpu.memory_space<hbm>> -> memref<32x128xf32, #tpu.memory_space<hbm>>
    tpu.enqueue_dma source(%dma_start3A_64 : memref<32x128xf32, #tpu.memory_space<hbm>>) target(%dma_start3A_62 : memref<32x128xf32, #tpu.memory_space<vmem>>) target_semaphore(%arg10 : memref<!tpu.dma_semaphore, #tpu.memory_space<semaphore_mem>>)
    %scan3A = arith.constant 0 : i32
    %scan3A_65 = arith.constant 0 : i32
    %scan3A_66 = arith.constant 62 : i32
    %scan3A_67 = arith.addi %scan3A_65, %scan3A_66 : i32
    %scan3A_68 = arith.constant 1 : i32
    scf.for %scan3A_103 = %scan3A_65 to %scan3A_67 step %scan3A_68  : i32 {
      %mul3A_104 = arith.constant 4 : i32
      %mul3A_105 = arith.muli %mul3A_104, %scan3A_103 : i32
      %add3A_106 = arith.addi %mul3A_2, %mul3A_105 : i32
      %add3A_107 = arith.constant 0 : i32
      %add3A_108 = arith.addi %add3A_106, %add3A_107 : i32
      %dma_wait3A_109 = arith.constant 0 : i32
      %dma_wait3A_110 = arith.constant 0 : i32
      %dma_wait3A_111 = tpu.memref_slice %arg5[%dma_wait3A_109, %dma_wait3A_110] : memref<128x128xf32, #tpu.memory_space<vmem>> -> memref<32x128xf32, #tpu.memory_space<vmem>>
      %dma_wait3A_112 = arith.constant 0 : i32
      %dma_wait3A_113 = arith.constant 0 : i32
      %dma_wait3A_114 = tpu.memref_slice %arg2[%dma_wait3A_112, %dma_wait3A_113] : memref<32x1000001xf32, #tpu.memory_space<hbm>> -> memref<32x128xf32, #tpu.memory_space<hbm>>
      %dma_wait3A_115 = arith.constant 0 : i32
      %dma_wait3A_116 = arith.constant 0 : i32
      %dma_wait3A_117 = tpu.memref_slice %arg5[%dma_wait3A_115, %dma_wait3A_116] : memref<128x128xf32, #tpu.memory_space<vmem>> -> memref<32x128xf32, #tpu.memory_space<vmem>>
      %dma_wait3A_118 = arith.constant 0 : i32
      %dma_wait3A_119 = arith.constant 0 : i32
      %dma_wait3A_120 = tpu.memref_slice %arg2[%dma_wait3A_118, %dma_wait3A_119] : memref<32x1000001xf32, #tpu.memory_space<hbm>> -> memref<32x128xf32, #tpu.memory_space<hbm>>
      tpu.wait_dma2 semaphore(%arg7 : memref<!tpu.dma_semaphore, #tpu.memory_space<semaphore_mem>>) src(%dma_wait3A_120 : memref<32x128xf32, #tpu.memory_space<hbm>>) dst(%dma_wait3A_117 : memref<32x128xf32, #tpu.memory_space<vmem>>)
      %ge3A = arith.constant 1 : i32
      %ge3A_121 = arith.cmpi sge, %scan3A_103, %ge3A : i32
      %convert_element_type3A_122 = arith.extui %ge3A_121 : i1 to i32
      %cond3A_123 = arith.constant 0 : i32
      %cond3A_124 = arith.cmpi ne, %convert_element_type3A_122, %cond3A_123 : i32
      scf.if %cond3A_124 {
        %dma_wait3A_285 = arith.constant 0 : i32
        %dma_wait3A_286 = tpu.memref_slice %arg6[%dma_wait3A_285] : memref<16384xf32, #tpu.memory_space<vmem>> -> memref<4096xf32, #tpu.memory_space<vmem>>
        %dma_wait3A_287 = arith.constant 0 : i32
        %dma_wait3A_288 = tpu.memref_slice %arg4[%dma_wait3A_287] : memref<32000032xf32, #tpu.memory_space<hbm>> -> memref<4096xf32, #tpu.memory_space<hbm>>
        %dma_wait3A_289 = arith.constant 0 : i32
        %dma_wait3A_290 = tpu.memref_slice %arg6[%dma_wait3A_289] : memref<16384xf32, #tpu.memory_space<vmem>> -> memref<4096xf32, #tpu.memory_space<vmem>>
        %dma_wait3A_291 = arith.constant 0 : i32
        %dma_wait3A_292 = tpu.memref_slice %arg4[%dma_wait3A_291] : memref<32000032xf32, #tpu.memory_space<hbm>> -> memref<4096xf32, #tpu.memory_space<hbm>>
        tpu.wait_dma2 semaphore(%arg11 : memref<!tpu.dma_semaphore, #tpu.memory_space<semaphore_mem>>) src(%dma_wait3A_292 : memref<4096xf32, #tpu.memory_space<hbm>>) dst(%dma_wait3A_290 : memref<4096xf32, #tpu.memory_space<vmem>>)
      } else {
      }
      %iota3A = tpu.iota {dimensions = array<i32: 0>} : vector<16xi32>
      %scan3A_125 = arith.constant 0 : i32
      %scan3A_126 = arith.constant 0 : i32
      %scan3A_127 = arith.constant 8 : i32
      %scan3A_128 = arith.addi %scan3A_126, %scan3A_127 : i32
      %scan3A_129 = arith.constant 1 : i32
      scf.for %scan3A_285 = %scan3A_126 to %scan3A_128 step %scan3A_129  : i32 {
        %mul3A_286 = arith.constant 2 : i32
        %mul3A_287 = arith.muli %scan3A_285, %mul3A_286 : i32
        %add3A_288 = arith.constant 0 : i32
        %add3A_289 = arith.addi %mul3A_287, %add3A_288 : i32
        %add3A_290 = vector.broadcast %add3A_289 : i32 to vector<16xi32>
        %add3A_291 = arith.addi %iota3A, %add3A_290 : vector<16xi32>
        %and3A = arith.constant 15 : i32
        %and3A_292 = vector.broadcast %and3A : i32 to vector<16xi32>
        %and3A_293 = arith.andi %add3A_291, %and3A_292 : vector<16xi32>
        %mul3A_294 = arith.constant 32 : i32
        %mul3A_295 = vector.broadcast %mul3A_294 : i32 to vector<16xi32>
        %mul3A_296 = arith.muli %and3A_293, %mul3A_295 : vector<16xi32>
        %add3A_297 = arith.addi %mul3A_296, %iota3A : vector<16xi32>
        %add3A_298 = arith.constant 0 : i32
        %add3A_299 = vector.broadcast %add3A_298 : i32 to vector<16xi32>
        %add3A_300 = arith.addi %iota3A, %add3A_299 : vector<16xi32>
        %add3A_301 = arith.constant 0 : i32
        %add3A_302 = vector.broadcast %add3A_301 : i32 to vector<16xi32>
        %add3A_303 = arith.addi %and3A_293, %add3A_302 : vector<16xi32>
        %gather3A = tpu.vector_load_idx %arg5[%add3A_300, %add3A_303] : memref<128x128xf32, #tpu.memory_space<vmem>>[vector<16xi32>, vector<16xi32>], vector<16xf32>,
        %add3A_304 = arith.constant 0 : i32
        %add3A_305 = vector.broadcast %add3A_304 : i32 to vector<16xi32>
        %add3A_306 = arith.addi %add3A_297, %add3A_305 : vector<16xi32>
        tpu.vector_store_idx %arg6[%add3A_306], %gather3A : memref<16384xf32, #tpu.memory_space<vmem>>[vector<16xi32>], vector<16xf32>,
        %add3A_307 = arith.constant 16 : i32
        %add3A_308 = vector.broadcast %add3A_307 : i32 to vector<16xi32>
        %add3A_309 = arith.addi %and3A_293, %add3A_308 : vector<16xi32>
        %gather3A_310 = tpu.vector_load_idx %arg5[%add3A_300, %add3A_309] : memref<128x128xf32, #tpu.memory_space<vmem>>[vector<16xi32>, vector<16xi32>], vector<16xf32>,
        %add3A_311 = arith.constant 512 : i32
        %add3A_312 = vector.broadcast %add3A_311 : i32 to vector<16xi32>
        %add3A_313 = arith.addi %add3A_297, %add3A_312 : vector<16xi32>
        tpu.vector_store_idx %arg6[%add3A_313], %gather3A_310 : memref<16384xf32, #tpu.memory_space<vmem>>[vector<16xi32>], vector<16xf32>,
        %add3A_314 = arith.constant 32 : i32
        %add3A_315 = vector.broadcast %add3A_314 : i32 to vector<16xi32>
        %add3A_316 = arith.addi %and3A_293, %add3A_315 : vector<16xi32>
        %gather3A_317 = tpu.vector_load_idx %arg5[%add3A_300, %add3A_316] : memref<128x128xf32, #tpu.memory_space<vmem>>[vector<16xi32>, vector<16xi32>], vector<16xf32>,
        %add3A_318 = arith.constant 1024 : i32
        %add3A_319 = vector.broadcast %add3A_318 : i32 to vector<16xi32>
        %add3A_320 = arith.addi %add3A_297, %add3A_319 : vector<16xi32>
        tpu.vector_store_idx %arg6[%add3A_320], %gather3A_317 : memref<16384xf32, #tpu.memory_space<vmem>>[vector<16xi32>], vector<16xf32>,
        %add3A_321 = arith.constant 48 : i32
        %add3A_322 = vector.broadcast %add3A_321 : i32 to vector<16xi32>
        %add3A_323 = arith.addi %and3A_293, %add3A_322 : vector<16xi32>
        %gather3A_324 = tpu.vector_load_idx %arg5[%add3A_300, %add3A_323] : memref<128x128xf32, #tpu.memory_space<vmem>>[vector<16xi32>, vector<16xi32>], vector<16xf32>,
        %add3A_325 = arith.constant 1536 : i32
        %add3A_326 = vector.broadcast %add3A_325 : i32 to vector<16xi32>
        %add3A_327 = arith.addi %add3A_297, %add3A_326 : vector<16xi32>
        tpu.vector_store_idx %arg6[%add3A_327], %gather3A_324 : memref<16384xf32, #tpu.memory_space<vmem>>[vector<16xi32>], vector<16xf32>,
        %add3A_328 = arith.constant 64 : i32
        %add3A_329 = vector.broadcast %add3A_328 : i32 to vector<16xi32>
        %add3A_330 = arith.addi %and3A_293, %add3A_329 : vector<16xi32>
        %gather3A_331 = tpu.vector_load_idx %arg5[%add3A_300, %add3A_330] : memref<128x128xf32, #tpu.memory_space<vmem>>[vector<16xi32>, vector<16xi32>], vector<16xf32>,
        %add3A_332 = arith.constant 2048 : i32
        %add3A_333 = vector.broadcast %add3A_332 : i32 to vector<16xi32>
        %add3A_334 = arith.addi %add3A_297, %add3A_333 : vector<16xi32>
        tpu.vector_store_idx %arg6[%add3A_334], %gather3A_331 : memref<16384xf32, #tpu.memory_space<vmem>>[vector<16xi32>], vector<16xf32>,
        %add3A_335 = arith.constant 80 : i32
        %add3A_336 = vector.broadcast %add3A_335 : i32 to vector<16xi32>
        %add3A_337 = arith.addi %and3A_293, %add3A_336 : vector<16xi32>
        %gather3A_338 = tpu.vector_load_idx %arg5[%add3A_300, %add3A_337] : memref<128x128xf32, #tpu.memory_space<vmem>>[vector<16xi32>, vector<16xi32>], vector<16xf32>,
        %add3A_339 = arith.constant 2560 : i32
        %add3A_340 = vector.broadcast %add3A_339 : i32 to vector<16xi32>
        %add3A_341 = arith.addi %add3A_297, %add3A_340 : vector<16xi32>
        tpu.vector_store_idx %arg6[%add3A_341], %gather3A_338 : memref<16384xf32, #tpu.memory_space<vmem>>[vector<16xi32>], vector<16xf32>,
        %add3A_342 = arith.constant 96 : i32
        %add3A_343 = vector.broadcast %add3A_342 : i32 to vector<16xi32>
        %add3A_344 = arith.addi %and3A_293, %add3A_343 : vector<16xi32>
        %gather3A_345 = tpu.vector_load_idx %arg5[%add3A_300, %add3A_344] : memref<128x128xf32, #tpu.memory_space<vmem>>[vector<16xi32>, vector<16xi32>], vector<16xf32>,
        %add3A_346 = arith.constant 3072 : i32
        %add3A_347 = vector.broadcast %add3A_346 : i32 to vector<16xi32>
        %add3A_348 = arith.addi %add3A_297, %add3A_347 : vector<16xi32>
        tpu.vector_store_idx %arg6[%add3A_348], %gather3A_345 : memref<16384xf32, #tpu.memory_space<vmem>>[vector<16xi32>], vector<16xf32>,
        %add3A_349 = arith.constant 112 : i32
        %add3A_350 = vector.broadcast %add3A_349 : i32 to vector<16xi32>
        %add3A_351 = arith.addi %and3A_293, %add3A_350 : vector<16xi32>
        %gather3A_352 = tpu.vector_load_idx %arg5[%add3A_300, %add3A_351] : memref<128x128xf32, #tpu.memory_space<vmem>>[vector<16xi32>, vector<16xi32>], vector<16xf32>,
        %add3A_353 = arith.constant 3584 : i32
        %add3A_354 = vector.broadcast %add3A_353 : i32 to vector<16xi32>
        %add3A_355 = arith.addi %add3A_297, %add3A_354 : vector<16xi32>
        tpu.vector_store_idx %arg6[%add3A_355], %gather3A_352 : memref<16384xf32, #tpu.memory_space<vmem>>[vector<16xi32>], vector<16xf32>,
        %add3A_356 = arith.constant 16 : i32
        %add3A_357 = vector.broadcast %add3A_356 : i32 to vector<16xi32>
        %add3A_358 = arith.addi %iota3A, %add3A_357 : vector<16xi32>
        %add3A_359 = arith.constant 0 : i32
        %add3A_360 = vector.broadcast %add3A_359 : i32 to vector<16xi32>
        %add3A_361 = arith.addi %and3A_293, %add3A_360 : vector<16xi32>
        %gather3A_362 = tpu.vector_load_idx %arg5[%add3A_358, %add3A_361] : memref<128x128xf32, #tpu.memory_space<vmem>>[vector<16xi32>, vector<16xi32>], vector<16xf32>,
        %add3A_363 = arith.constant 16 : i32
        %add3A_364 = vector.broadcast %add3A_363 : i32 to vector<16xi32>
        %add3A_365 = arith.addi %add3A_297, %add3A_364 : vector<16xi32>
        tpu.vector_store_idx %arg6[%add3A_365], %gather3A_362 : memref<16384xf32, #tpu.memory_space<vmem>>[vector<16xi32>], vector<16xf32>,
        %add3A_366 = arith.constant 16 : i32
        %add3A_367 = vector.broadcast %add3A_366 : i32 to vector<16xi32>
        %add3A_368 = arith.addi %and3A_293, %add3A_367 : vector<16xi32>
        %gather3A_369 = tpu.vector_load_idx %arg5[%add3A_358, %add3A_368] : memref<128x128xf32, #tpu.memory_space<vmem>>[vector<16xi32>, vector<16xi32>], vector<16xf32>,
        %add3A_370 = arith.constant 528 : i32
        %add3A_371 = vector.broadcast %add3A_370 : i32 to vector<16xi32>
        %add3A_372 = arith.addi %add3A_297, %add3A_371 : vector<16xi32>
        tpu.vector_store_idx %arg6[%add3A_372], %gather3A_369 : memref<16384xf32, #tpu.memory_space<vmem>>[vector<16xi32>], vector<16xf32>,
        %add3A_373 = arith.constant 32 : i32
        %add3A_374 = vector.broadcast %add3A_373 : i32 to vector<16xi32>
        %add3A_375 = arith.addi %and3A_293, %add3A_374 : vector<16xi32>
        %gather3A_376 = tpu.vector_load_idx %arg5[%add3A_358, %add3A_375] : memref<128x128xf32, #tpu.memory_space<vmem>>[vector<16xi32>, vector<16xi32>], vector<16xf32>,
        %add3A_377 = arith.constant 1040 : i32
        %add3A_378 = vector.broadcast %add3A_377 : i32 to vector<16xi32>
        %add3A_379 = arith.addi %add3A_297, %add3A_378 : vector<16xi32>
        tpu.vector_store_idx %arg6[%add3A_379], %gather3A_376 : memref<16384xf32, #tpu.memory_space<vmem>>[vector<16xi32>], vector<16xf32>,
        %add3A_380 = arith.constant 48 : i32
        %add3A_381 = vector.broadcast %add3A_380 : i32 to vector<16xi32>
        %add3A_382 = arith.addi %and3A_293, %add3A_381 : vector<16xi32>
        %gather3A_383 = tpu.vector_load_idx %arg5[%add3A_358, %add3A_382] : memref<128x128xf32, #tpu.memory_space<vmem>>[vector<16xi32>, vector<16xi32>], vector<16xf32>,
        %add3A_384 = arith.constant 1552 : i32
        %add3A_385 = vector.broadcast %add3A_384 : i32 to vector<16xi32>
        %add3A_386 = arith.addi %add3A_297, %add3A_385 : vector<16xi32>
        tpu.vector_store_idx %arg6[%add3A_386], %gather3A_383 : memref<16384xf32, #tpu.memory_space<vmem>>[vector<16xi32>], vector<16xf32>,
        %add3A_387 = arith.constant 64 : i32
        %add3A_388 = vector.broadcast %add3A_387 : i32 to vector<16xi32>
        %add3A_389 = arith.addi %and3A_293, %add3A_388 : vector<16xi32>
        %gather3A_390 = tpu.vector_load_idx %arg5[%add3A_358, %add3A_389] : memref<128x128xf32, #tpu.memory_space<vmem>>[vector<16xi32>, vector<16xi32>], vector<16xf32>,
        %add3A_391 = arith.constant 2064 : i32
        %add3A_392 = vector.broadcast %add3A_391 : i32 to vector<16xi32>
        %add3A_393 = arith.addi %add3A_297, %add3A_392 : vector<16xi32>
        tpu.vector_store_idx %arg6[%add3A_393], %gather3A_390 : memref<16384xf32, #tpu.memory_space<vmem>>[vector<16xi32>], vector<16xf32>,
        %add3A_394 = arith.constant 80 : i32
        %add3A_395 = vector.broadcast %add3A_394 : i32 to vector<16xi32>
        %add3A_396 = arith.addi %and3A_293, %add3A_395 : vector<16xi32>
        %gather3A_397 = tpu.vector_load_idx %arg5[%add3A_358, %add3A_396] : memref<128x128xf32, #tpu.memory_space<vmem>>[vector<16xi32>, vector<16xi32>], vector<16xf32>,
        %add3A_398 = arith.constant 2576 : i32
        %add3A_399 = vector.broadcast %add3A_398 : i32 to vector<16xi32>
        %add3A_400 = arith.addi %add3A_297, %add3A_399 : vector<16xi32>
        tpu.vector_store_idx %arg6[%add3A_400], %gather3A_397 : memref<16384xf32, #tpu.memory_space<vmem>>[vector<16xi32>], vector<16xf32>,
        %add3A_401 = arith.constant 96 : i32
        %add3A_402 = vector.broadcast %add3A_401 : i32 to vector<16xi32>
        %add3A_403 = arith.addi %and3A_293, %add3A_402 : vector<16xi32>
        %gather3A_404 = tpu.vector_load_idx %arg5[%add3A_358, %add3A_403] : memref<128x128xf32, #tpu.memory_space<vmem>>[vector<16xi32>, vector<16xi32>], vector<16xf32>,
        %add3A_405 = arith.constant 3088 : i32
        %add3A_406 = vector.broadcast %add3A_405 : i32 to vector<16xi32>
        %add3A_407 = arith.addi %add3A_297, %add3A_406 : vector<16xi32>
        tpu.vector_store_idx %arg6[%add3A_407], %gather3A_404 : memref<16384xf32, #tpu.memory_space<vmem>>[vector<16xi32>], vector<16xf32>,
        %add3A_408 = arith.constant 112 : i32
        %add3A_409 = vector.broadcast %add3A_408 : i32 to vector<16xi32>
        %add3A_410 = arith.addi %and3A_293, %add3A_409 : vector<16xi32>
        %gather3A_411 = tpu.vector_load_idx %arg5[%add3A_358, %add3A_410] : memref<128x128xf32, #tpu.memory_space<vmem>>[vector<16xi32>, vector<16xi32>], vector<16xf32>,
        %add3A_412 = arith.constant 3600 : i32
        %add3A_413 = vector.broadcast %add3A_412 : i32 to vector<16xi32>
        %add3A_414 = arith.addi %add3A_297, %add3A_413 : vector<16xi32>
        tpu.vector_store_idx %arg6[%add3A_414], %gather3A_411 : memref<16384xf32, #tpu.memory_space<vmem>>[vector<16xi32>], vector<16xf32>,
        %mul3A_415 = arith.constant 2 : i32
        %mul3A_416 = arith.muli %scan3A_285, %mul3A_415 : i32
        %add3A_417 = arith.constant 1 : i32
        %add3A_418 = arith.addi %mul3A_416, %add3A_417 : i32
        %add3A_419 = vector.broadcast %add3A_418 : i32 to vector<16xi32>
        %add3A_420 = arith.addi %iota3A, %add3A_419 : vector<16xi32>
        %and3A_421 = arith.constant 15 : i32
        %and3A_422 = vector.broadcast %and3A_421 : i32 to vector<16xi32>
        %and3A_423 = arith.andi %add3A_420, %and3A_422 : vector<16xi32>
        %mul3A_424 = arith.constant 32 : i32
        %mul3A_425 = vector.broadcast %mul3A_424 : i32 to vector<16xi32>
        %mul3A_426 = arith.muli %and3A_423, %mul3A_425 : vector<16xi32>
        %add3A_427 = arith.addi %mul3A_426, %iota3A : vector<16xi32>
        %add3A_428 = arith.constant 0 : i32
        %add3A_429 = vector.broadcast %add3A_428 : i32 to vector<16xi32>
        %add3A_430 = arith.addi %iota3A, %add3A_429 : vector<16xi32>
        %add3A_431 = arith.constant 0 : i32
        %add3A_432 = vector.broadcast %add3A_431 : i32 to vector<16xi32>
        %add3A_433 = arith.addi %and3A_423, %add3A_432 : vector<16xi32>
        %gather3A_434 = tpu.vector_load_idx %arg5[%add3A_430, %add3A_433] : memref<128x128xf32, #tpu.memory_space<vmem>>[vector<16xi32>, vector<16xi32>], vector<16xf32>,
        %add3A_435 = arith.constant 0 : i32
        %add3A_436 = vector.broadcast %add3A_435 : i32 to vector<16xi32>
        %add3A_437 = arith.addi %add3A_427, %add3A_436 : vector<16xi32>
        tpu.vector_store_idx %arg6[%add3A_437], %gather3A_434 : memref<16384xf32, #tpu.memory_space<vmem>>[vector<16xi32>], vector<16xf32>,
        %add3A_438 = arith.constant 16 : i32
        %add3A_439 = vector.broadcast %add3A_438 : i32 to vector<16xi32>
        %add3A_440 = arith.addi %and3A_423, %add3A_439 : vector<16xi32>
        %gather3A_441 = tpu.vector_load_idx %arg5[%add3A_430, %add3A_440] : memref<128x128xf32, #tpu.memory_space<vmem>>[vector<16xi32>, vector<16xi32>], vector<16xf32>,
        %add3A_442 = arith.constant 512 : i32
        %add3A_443 = vector.broadcast %add3A_442 : i32 to vector<16xi32>
        %add3A_444 = arith.addi %add3A_427, %add3A_443 : vector<16xi32>
        tpu.vector_store_idx %arg6[%add3A_444], %gather3A_441 : memref<16384xf32, #tpu.memory_space<vmem>>[vector<16xi32>], vector<16xf32>,
        %add3A_445 = arith.constant 32 : i32
        %add3A_446 = vector.broadcast %add3A_445 : i32 to vector<16xi32>
        %add3A_447 = arith.addi %and3A_423, %add3A_446 : vector<16xi32>
        %gather3A_448 = tpu.vector_load_idx %arg5[%add3A_430, %add3A_447] : memref<128x128xf32, #tpu.memory_space<vmem>>[vector<16xi32>, vector<16xi32>], vector<16xf32>,
        %add3A_449 = arith.constant 1024 : i32
        %add3A_450 = vector.broadcast %add3A_449 : i32 to vector<16xi32>
        %add3A_451 = arith.addi %add3A_427, %add3A_450 : vector<16xi32>
        tpu.vector_store_idx %arg6[%add3A_451], %gather3A_448 : memref<16384xf32, #tpu.memory_space<vmem>>[vector<16xi32>], vector<16xf32>,
        %add3A_452 = arith.constant 48 : i32
        %add3A_453 = vector.broadcast %add3A_452 : i32 to vector<16xi32>
        %add3A_454 = arith.addi %and3A_423, %add3A_453 : vector<16xi32>
        %gather3A_455 = tpu.vector_load_idx %arg5[%add3A_430, %add3A_454] : memref<128x128xf32, #tpu.memory_space<vmem>>[vector<16xi32>, vector<16xi32>], vector<16xf32>,
        %add3A_456 = arith.constant 1536 : i32
        %add3A_457 = vector.broadcast %add3A_456 : i32 to vector<16xi32>
        %add3A_458 = arith.addi %add3A_427, %add3A_457 : vector<16xi32>
        tpu.vector_store_idx %arg6[%add3A_458], %gather3A_455 : memref<16384xf32, #tpu.memory_space<vmem>>[vector<16xi32>], vector<16xf32>,
        %add3A_459 = arith.constant 64 : i32
        %add3A_460 = vector.broadcast %add3A_459 : i32 to vector<16xi32>
        %add3A_461 = arith.addi %and3A_423, %add3A_460 : vector<16xi32>
        %gather3A_462 = tpu.vector_load_idx %arg5[%add3A_430, %add3A_461] : memref<128x128xf32, #tpu.memory_space<vmem>>[vector<16xi32>, vector<16xi32>], vector<16xf32>,
        %add3A_463 = arith.constant 2048 : i32
        %add3A_464 = vector.broadcast %add3A_463 : i32 to vector<16xi32>
        %add3A_465 = arith.addi %add3A_427, %add3A_464 : vector<16xi32>
        tpu.vector_store_idx %arg6[%add3A_465], %gather3A_462 : memref<16384xf32, #tpu.memory_space<vmem>>[vector<16xi32>], vector<16xf32>,
        %add3A_466 = arith.constant 80 : i32
        %add3A_467 = vector.broadcast %add3A_466 : i32 to vector<16xi32>
        %add3A_468 = arith.addi %and3A_423, %add3A_467 : vector<16xi32>
        %gather3A_469 = tpu.vector_load_idx %arg5[%add3A_430, %add3A_468] : memref<128x128xf32, #tpu.memory_space<vmem>>[vector<16xi32>, vector<16xi32>], vector<16xf32>,
        %add3A_470 = arith.constant 2560 : i32
        %add3A_471 = vector.broadcast %add3A_470 : i32 to vector<16xi32>
        %add3A_472 = arith.addi %add3A_427, %add3A_471 : vector<16xi32>
        tpu.vector_store_idx %arg6[%add3A_472], %gather3A_469 : memref<16384xf32, #tpu.memory_space<vmem>>[vector<16xi32>], vector<16xf32>,
        %add3A_473 = arith.constant 96 : i32
        %add3A_474 = vector.broadcast %add3A_473 : i32 to vector<16xi32>
        %add3A_475 = arith.addi %and3A_423, %add3A_474 : vector<16xi32>
        %gather3A_476 = tpu.vector_load_idx %arg5[%add3A_430, %add3A_475] : memref<128x128xf32, #tpu.memory_space<vmem>>[vector<16xi32>, vector<16xi32>], vector<16xf32>,
        %add3A_477 = arith.constant 3072 : i32
        %add3A_478 = vector.broadcast %add3A_477 : i32 to vector<16xi32>
        %add3A_479 = arith.addi %add3A_427, %add3A_478 : vector<16xi32>
        tpu.vector_store_idx %arg6[%add3A_479], %gather3A_476 : memref<16384xf32, #tpu.memory_space<vmem>>[vector<16xi32>], vector<16xf32>,
        %add3A_480 = arith.constant 112 : i32
        %add3A_481 = vector.broadcast %add3A_480 : i32 to vector<16xi32>
        %add3A_482 = arith.addi %and3A_423, %add3A_481 : vector<16xi32>
        %gather3A_483 = tpu.vector_load_idx %arg5[%add3A_430, %add3A_482] : memref<128x128xf32, #tpu.memory_space<vmem>>[vector<16xi32>, vector<16xi32>], vector<16xf32>,
        %add3A_484 = arith.constant 3584 : i32
        %add3A_485 = vector.broadcast %add3A_484 : i32 to vector<16xi32>
        %add3A_486 = arith.addi %add3A_427, %add3A_485 : vector<16xi32>
        tpu.vector_store_idx %arg6[%add3A_486], %gather3A_483 : memref<16384xf32, #tpu.memory_space<vmem>>[vector<16xi32>], vector<16xf32>,
        %add3A_487 = arith.constant 16 : i32
        %add3A_488 = vector.broadcast %add3A_487 : i32 to vector<16xi32>
        %add3A_489 = arith.addi %iota3A, %add3A_488 : vector<16xi32>
        %add3A_490 = arith.constant 0 : i32
        %add3A_491 = vector.broadcast %add3A_490 : i32 to vector<16xi32>
        %add3A_492 = arith.addi %and3A_423, %add3A_491 : vector<16xi32>
        %gather3A_493 = tpu.vector_load_idx %arg5[%add3A_489, %add3A_492] : memref<128x128xf32, #tpu.memory_space<vmem>>[vector<16xi32>, vector<16xi32>], vector<16xf32>,
        %add3A_494 = arith.constant 16 : i32
        %add3A_495 = vector.broadcast %add3A_494 : i32 to vector<16xi32>
        %add3A_496 = arith.addi %add3A_427, %add3A_495 : vector<16xi32>
        tpu.vector_store_idx %arg6[%add3A_496], %gather3A_493 : memref<16384xf32, #tpu.memory_space<vmem>>[vector<16xi32>], vector<16xf32>,
        %add3A_497 = arith.constant 16 : i32
        %add3A_498 = vector.broadcast %add3A_497 : i32 to vector<16xi32>
        %add3A_499 = arith.addi %and3A_423, %add3A_498 : vector<16xi32>
        %gather3A_500 = tpu.vector_load_idx %arg5[%add3A_489, %add3A_499] : memref<128x128xf32, #tpu.memory_space<vmem>>[vector<16xi32>, vector<16xi32>], vector<16xf32>,
        %add3A_501 = arith.constant 528 : i32
        %add3A_502 = vector.broadcast %add3A_501 : i32 to vector<16xi32>
        %add3A_503 = arith.addi %add3A_427, %add3A_502 : vector<16xi32>
        tpu.vector_store_idx %arg6[%add3A_503], %gather3A_500 : memref<16384xf32, #tpu.memory_space<vmem>>[vector<16xi32>], vector<16xf32>,
        %add3A_504 = arith.constant 32 : i32
        %add3A_505 = vector.broadcast %add3A_504 : i32 to vector<16xi32>
        %add3A_506 = arith.addi %and3A_423, %add3A_505 : vector<16xi32>
        %gather3A_507 = tpu.vector_load_idx %arg5[%add3A_489, %add3A_506] : memref<128x128xf32, #tpu.memory_space<vmem>>[vector<16xi32>, vector<16xi32>], vector<16xf32>,
        %add3A_508 = arith.constant 1040 : i32
        %add3A_509 = vector.broadcast %add3A_508 : i32 to vector<16xi32>
        %add3A_510 = arith.addi %add3A_427, %add3A_509 : vector<16xi32>
        tpu.vector_store_idx %arg6[%add3A_510], %gather3A_507 : memref<16384xf32, #tpu.memory_space<vmem>>[vector<16xi32>], vector<16xf32>,
        %add3A_511 = arith.constant 48 : i32
        %add3A_512 = vector.broadcast %add3A_511 : i32 to vector<16xi32>
        %add3A_513 = arith.addi %and3A_423, %add3A_512 : vector<16xi32>
        %gather3A_514 = tpu.vector_load_idx %arg5[%add3A_489, %add3A_513] : memref<128x128xf32, #tpu.memory_space<vmem>>[vector<16xi32>, vector<16xi32>], vector<16xf32>,
        %add3A_515 = arith.constant 1552 : i32
        %add3A_516 = vector.broadcast %add3A_515 : i32 to vector<16xi32>
        %add3A_517 = arith.addi %add3A_427, %add3A_516 : vector<16xi32>
        tpu.vector_store_idx %arg6[%add3A_517], %gather3A_514 : memref<16384xf32, #tpu.memory_space<vmem>>[vector<16xi32>], vector<16xf32>,
        %add3A_518 = arith.constant 64 : i32
        %add3A_519 = vector.broadcast %add3A_518 : i32 to vector<16xi32>
        %add3A_520 = arith.addi %and3A_423, %add3A_519 : vector<16xi32>
        %gather3A_521 = tpu.vector_load_idx %arg5[%add3A_489, %add3A_520] : memref<128x128xf32, #tpu.memory_space<vmem>>[vector<16xi32>, vector<16xi32>], vector<16xf32>,
        %add3A_522 = arith.constant 2064 : i32
        %add3A_523 = vector.broadcast %add3A_522 : i32 to vector<16xi32>
        %add3A_524 = arith.addi %add3A_427, %add3A_523 : vector<16xi32>
        tpu.vector_store_idx %arg6[%add3A_524], %gather3A_521 : memref<16384xf32, #tpu.memory_space<vmem>>[vector<16xi32>], vector<16xf32>,
        %add3A_525 = arith.constant 80 : i32
        %add3A_526 = vector.broadcast %add3A_525 : i32 to vector<16xi32>
        %add3A_527 = arith.addi %and3A_423, %add3A_526 : vector<16xi32>
        %gather3A_528 = tpu.vector_load_idx %arg5[%add3A_489, %add3A_527] : memref<128x128xf32, #tpu.memory_space<vmem>>[vector<16xi32>, vector<16xi32>], vector<16xf32>,
        %add3A_529 = arith.constant 2576 : i32
        %add3A_530 = vector.broadcast %add3A_529 : i32 to vector<16xi32>
        %add3A_531 = arith.addi %add3A_427, %add3A_530 : vector<16xi32>
        tpu.vector_store_idx %arg6[%add3A_531], %gather3A_528 : memref<16384xf32, #tpu.memory_space<vmem>>[vector<16xi32>], vector<16xf32>,
        %add3A_532 = arith.constant 96 : i32
        %add3A_533 = vector.broadcast %add3A_532 : i32 to vector<16xi32>
        %add3A_534 = arith.addi %and3A_423, %add3A_533 : vector<16xi32>
        %gather3A_535 = tpu.vector_load_idx %arg5[%add3A_489, %add3A_534] : memref<128x128xf32, #tpu.memory_space<vmem>>[vector<16xi32>, vector<16xi32>], vector<16xf32>,
        %add3A_536 = arith.constant 3088 : i32
        %add3A_537 = vector.broadcast %add3A_536 : i32 to vector<16xi32>
        %add3A_538 = arith.addi %add3A_427, %add3A_537 : vector<16xi32>
        tpu.vector_store_idx %arg6[%add3A_538], %gather3A_535 : memref<16384xf32, #tpu.memory_space<vmem>>[vector<16xi32>], vector<16xf32>,
        %add3A_539 = arith.constant 112 : i32
        %add3A_540 = vector.broadcast %add3A_539 : i32 to vector<16xi32>
        %add3A_541 = arith.addi %and3A_423, %add3A_540 : vector<16xi32>
        %gather3A_542 = tpu.vector_load_idx %arg5[%add3A_489, %add3A_541] : memref<128x128xf32, #tpu.memory_space<vmem>>[vector<16xi32>, vector<16xi32>], vector<16xf32>,
        %add3A_543 = arith.constant 3600 : i32
        %add3A_544 = vector.broadcast %add3A_543 : i32 to vector<16xi32>
        %add3A_545 = arith.addi %add3A_427, %add3A_544 : vector<16xi32>
        tpu.vector_store_idx %arg6[%add3A_545], %gather3A_542 : memref<16384xf32, #tpu.memory_space<vmem>>[vector<16xi32>], vector<16xf32>,
      }
      %scan3A_130 = arith.constant 8 : i32
      %mul3A_131 = arith.constant 128 : i32
      %mul3A_132 = arith.muli %add3A_108, %mul3A_131 : i32
      %min3A_133 = arith.constant 999808 : i32
      %min3A_134 = arith.minsi %mul3A_132, %min3A_133 : i32
      %mul3A_135 = arith.constant 32 : i32
      %mul3A_136 = arith.muli %min3A_134, %mul3A_135 : i32
      %dma_start3A_137 = arith.constant 0 : i32
      %dma_start3A_138 = tpu.memref_slice %arg6[%dma_start3A_137] : memref<16384xf32, #tpu.memory_space<vmem>> -> memref<4096xf32, #tpu.memory_space<vmem>>
      %dma_start3A_139 = tpu.memref_slice %arg4[%mul3A_136] : memref<32000032xf32, #tpu.memory_space<hbm>> -> memref<4096xf32, #tpu.memory_space<hbm>>
      %dma_start3A_140 = tpu.memref_slice %arg4[%mul3A_136] : memref<32000032xf32, #tpu.memory_space<hbm>> -> memref<4096xf32, #tpu.memory_space<hbm>>
      %dma_start3A_141 = arith.constant 0 : i32
      %dma_start3A_142 = tpu.memref_slice %arg6[%dma_start3A_141] : memref<16384xf32, #tpu.memory_space<vmem>> -> memref<4096xf32, #tpu.memory_space<vmem>>
      tpu.enqueue_dma source(%dma_start3A_142 : memref<4096xf32, #tpu.memory_space<vmem>>) target(%dma_start3A_140 : memref<4096xf32, #tpu.memory_space<hbm>>) target_semaphore(%arg11 : memref<!tpu.dma_semaphore, #tpu.memory_space<semaphore_mem>>)
      %lt3A = arith.constant 61 : i32
      %lt3A_143 = arith.cmpi slt, %scan3A_103, %lt3A : i32
      %convert_element_type3A_144 = arith.extui %lt3A_143 : i1 to i32
      %cond3A_145 = arith.constant 0 : i32
      %cond3A_146 = arith.cmpi ne, %convert_element_type3A_144, %cond3A_145 : i32
      scf.if %cond3A_146 {
        %add3A_285 = arith.constant 4 : i32
        %add3A_286 = arith.addi %add3A_108, %add3A_285 : i32
        %mul3A_287 = arith.constant 128 : i32
        %mul3A_288 = arith.muli %add3A_286, %mul3A_287 : i32
        %min3A_289 = arith.constant 999808 : i32
        %min3A_290 = arith.minsi %mul3A_288, %min3A_289 : i32
        %dma_start3A_291 = arith.constant 0 : i32
        %dma_start3A_292 = arith.constant 0 : i32
        %dma_start3A_293 = tpu.memref_slice %arg5[%dma_start3A_291, %dma_start3A_292] : memref<128x128xf32, #tpu.memory_space<vmem>> -> memref<32x128xf32, #tpu.memory_space<vmem>>
        %dma_start3A_294 = arith.constant 0 : i32
        %dma_start3A_295 = tpu.memref_slice %arg2[%dma_start3A_294, %min3A_290] : memref<32x1000001xf32, #tpu.memory_space<hbm>> -> memref<32x128xf32, #tpu.memory_space<hbm>>
        %dma_start3A_296 = arith.constant 0 : i32
        %dma_start3A_297 = arith.constant 0 : i32
        %dma_start3A_298 = tpu.memref_slice %arg5[%dma_start3A_296, %dma_start3A_297] : memref<128x128xf32, #tpu.memory_space<vmem>> -> memref<32x128xf32, #tpu.memory_space<vmem>>
        %dma_start3A_299 = arith.constant 0 : i32
        %dma_start3A_300 = tpu.memref_slice %arg2[%dma_start3A_299, %min3A_290] : memref<32x1000001xf32, #tpu.memory_space<hbm>> -> memref<32x128xf32, #tpu.memory_space<hbm>>
        tpu.enqueue_dma source(%dma_start3A_300 : memref<32x128xf32, #tpu.memory_space<hbm>>) target(%dma_start3A_298 : memref<32x128xf32, #tpu.memory_space<vmem>>) target_semaphore(%arg7 : memref<!tpu.dma_semaphore, #tpu.memory_space<semaphore_mem>>)
      } else {
      }
      %mul3A_147 = arith.constant 4 : i32
      %mul3A_148 = arith.muli %mul3A_147, %scan3A_103 : i32
      %add3A_149 = arith.addi %mul3A_2, %mul3A_148 : i32
      %add3A_150 = arith.constant 1 : i32
      %add3A_151 = arith.addi %add3A_149, %add3A_150 : i32
      %dma_wait3A_152 = arith.constant 32 : i32
      %dma_wait3A_153 = arith.constant 0 : i32
      %dma_wait3A_154 = tpu.memref_slice %arg5[%dma_wait3A_152, %dma_wait3A_153] : memref<128x128xf32, #tpu.memory_space<vmem>> -> memref<32x128xf32, #tpu.memory_space<vmem>>
      %dma_wait3A_155 = arith.constant 0 : i32
      %dma_wait3A_156 = arith.constant 0 : i32
      %dma_wait3A_157 = tpu.memref_slice %arg2[%dma_wait3A_155, %dma_wait3A_156] : memref<32x1000001xf32, #tpu.memory_space<hbm>> -> memref<32x128xf32, #tpu.memory_space<hbm>>
      %dma_wait3A_158 = arith.constant 32 : i32
      %dma_wait3A_159 = arith.constant 0 : i32
      %dma_wait3A_160 = tpu.memref_slice %arg5[%dma_wait3A_158, %dma_wait3A_159] : memref<128x128xf32, #tpu.memory_space<vmem>> -> memref<32x128xf32, #tpu.memory_space<vmem>>
      %dma_wait3A_161 = arith.constant 0 : i32
      %dma_wait3A_162 = arith.constant 0 : i32
      %dma_wait3A_163 = tpu.memref_slice %arg2[%dma_wait3A_161, %dma_wait3A_162] : memref<32x1000001xf32, #tpu.memory_space<hbm>> -> memref<32x128xf32, #tpu.memory_space<hbm>>
      tpu.wait_dma2 semaphore(%arg8 : memref<!tpu.dma_semaphore, #tpu.memory_space<semaphore_mem>>) src(%dma_wait3A_163 : memref<32x128xf32, #tpu.memory_space<hbm>>) dst(%dma_wait3A_160 : memref<32x128xf32, #tpu.memory_space<vmem>>)
      %ge3A_164 = arith.constant 1 : i32
      %ge3A_165 = arith.cmpi sge, %scan3A_103, %ge3A_164 : i32
      %convert_element_type3A_166 = arith.extui %ge3A_165 : i1 to i32
      %cond3A_167 = arith.constant 0 : i32
      %cond3A_168 = arith.cmpi ne, %convert_element_type3A_166, %cond3A_167 : i32
      scf.if %cond3A_168 {
        %dma_wait3A_285 = arith.constant 4096 : i32
        %dma_wait3A_286 = tpu.memref_slice %arg6[%dma_wait3A_285] : memref<16384xf32, #tpu.memory_space<vmem>> -> memref<4096xf32, #tpu.memory_space<vmem>>
        %dma_wait3A_287 = arith.constant 0 : i32
        %dma_wait3A_288 = tpu.memref_slice %arg4[%dma_wait3A_287] : memref<32000032xf32, #tpu.memory_space<hbm>> -> memref<4096xf32, #tpu.memory_space<hbm>>
        %dma_wait3A_289 = arith.constant 4096 : i32
        %dma_wait3A_290 = tpu.memref_slice %arg6[%dma_wait3A_289] : memref<16384xf32, #tpu.memory_space<vmem>> -> memref<4096xf32, #tpu.memory_space<vmem>>
        %dma_wait3A_291 = arith.constant 0 : i32
        %dma_wait3A_292 = tpu.memref_slice %arg4[%dma_wait3A_291] : memref<32000032xf32, #tpu.memory_space<hbm>> -> memref<4096xf32, #tpu.memory_space<hbm>>
        tpu.wait_dma2 semaphore(%arg12 : memref<!tpu.dma_semaphore, #tpu.memory_space<semaphore_mem>>) src(%dma_wait3A_292 : memref<4096xf32, #tpu.memory_space<hbm>>) dst(%dma_wait3A_290 : memref<4096xf32, #tpu.memory_space<vmem>>)
      } else {
      }
      %iota3A_169 = tpu.iota {dimensions = array<i32: 0>} : vector<16xi32>
      %scan3A_170 = arith.constant 0 : i32
      %scan3A_171 = arith.constant 0 : i32
      %scan3A_172 = arith.constant 8 : i32
      %scan3A_173 = arith.addi %scan3A_171, %scan3A_172 : i32
      %scan3A_174 = arith.constant 1 : i32
      scf.for %scan3A_285 = %scan3A_171 to %scan3A_173 step %scan3A_174  : i32 {
        %mul3A_286 = arith.constant 2 : i32
        %mul3A_287 = arith.muli %scan3A_285, %mul3A_286 : i32
        %add3A_288 = arith.constant 0 : i32
        %add3A_289 = arith.addi %mul3A_287, %add3A_288 : i32
        %add3A_290 = vector.broadcast %add3A_289 : i32 to vector<16xi32>
        %add3A_291 = arith.addi %iota3A_169, %add3A_290 : vector<16xi32>
        %and3A = arith.constant 15 : i32
        %and3A_292 = vector.broadcast %and3A : i32 to vector<16xi32>
        %and3A_293 = arith.andi %add3A_291, %and3A_292 : vector<16xi32>
        %mul3A_294 = arith.constant 32 : i32
        %mul3A_295 = vector.broadcast %mul3A_294 : i32 to vector<16xi32>
        %mul3A_296 = arith.muli %and3A_293, %mul3A_295 : vector<16xi32>
        %add3A_297 = arith.addi %mul3A_296, %iota3A_169 : vector<16xi32>
        %add3A_298 = arith.constant 32 : i32
        %add3A_299 = vector.broadcast %add3A_298 : i32 to vector<16xi32>
        %add3A_300 = arith.addi %iota3A_169, %add3A_299 : vector<16xi32>
        %add3A_301 = arith.constant 0 : i32
        %add3A_302 = vector.broadcast %add3A_301 : i32 to vector<16xi32>
        %add3A_303 = arith.addi %and3A_293, %add3A_302 : vector<16xi32>
        %gather3A = tpu.vector_load_idx %arg5[%add3A_300, %add3A_303] : memref<128x128xf32, #tpu.memory_space<vmem>>[vector<16xi32>, vector<16xi32>], vector<16xf32>,
        %add3A_304 = arith.constant 4096 : i32
        %add3A_305 = vector.broadcast %add3A_304 : i32 to vector<16xi32>
        %add3A_306 = arith.addi %add3A_297, %add3A_305 : vector<16xi32>
        tpu.vector_store_idx %arg6[%add3A_306], %gather3A : memref<16384xf32, #tpu.memory_space<vmem>>[vector<16xi32>], vector<16xf32>,
        %add3A_307 = arith.constant 16 : i32
        %add3A_308 = vector.broadcast %add3A_307 : i32 to vector<16xi32>
        %add3A_309 = arith.addi %and3A_293, %add3A_308 : vector<16xi32>
        %gather3A_310 = tpu.vector_load_idx %arg5[%add3A_300, %add3A_309] : memref<128x128xf32, #tpu.memory_space<vmem>>[vector<16xi32>, vector<16xi32>], vector<16xf32>,
        %add3A_311 = arith.constant 4608 : i32
        %add3A_312 = vector.broadcast %add3A_311 : i32 to vector<16xi32>
        %add3A_313 = arith.addi %add3A_297, %add3A_312 : vector<16xi32>
        tpu.vector_store_idx %arg6[%add3A_313], %gather3A_310 : memref<16384xf32, #tpu.memory_space<vmem>>[vector<16xi32>], vector<16xf32>,
        %add3A_314 = arith.constant 32 : i32
        %add3A_315 = vector.broadcast %add3A_314 : i32 to vector<16xi32>
        %add3A_316 = arith.addi %and3A_293, %add3A_315 : vector<16xi32>
        %gather3A_317 = tpu.vector_load_idx %arg5[%add3A_300, %add3A_316] : memref<128x128xf32, #tpu.memory_space<vmem>>[vector<16xi32>, vector<16xi32>], vector<16xf32>,
        %add3A_318 = arith.constant 5120 : i32
        %add3A_319 = vector.broadcast %add3A_318 : i32 to vector<16xi32>
        %add3A_320 = arith.addi %add3A_297, %add3A_319 : vector<16xi32>
        tpu.vector_store_idx %arg6[%add3A_320], %gather3A_317 : memref<16384xf32, #tpu.memory_space<vmem>>[vector<16xi32>], vector<16xf32>,
        %add3A_321 = arith.constant 48 : i32
        %add3A_322 = vector.broadcast %add3A_321 : i32 to vector<16xi32>
        %add3A_323 = arith.addi %and3A_293, %add3A_322 : vector<16xi32>
        %gather3A_324 = tpu.vector_load_idx %arg5[%add3A_300, %add3A_323] : memref<128x128xf32, #tpu.memory_space<vmem>>[vector<16xi32>, vector<16xi32>], vector<16xf32>,
        %add3A_325 = arith.constant 5632 : i32
        %add3A_326 = vector.broadcast %add3A_325 : i32 to vector<16xi32>
        %add3A_327 = arith.addi %add3A_297, %add3A_326 : vector<16xi32>
        tpu.vector_store_idx %arg6[%add3A_327], %gather3A_324 : memref<16384xf32, #tpu.memory_space<vmem>>[vector<16xi32>], vector<16xf32>,
        %add3A_328 = arith.constant 64 : i32
        %add3A_329 = vector.broadcast %add3A_328 : i32 to vector<16xi32>
        %add3A_330 = arith.addi %and3A_293, %add3A_329 : vector<16xi32>
        %gather3A_331 = tpu.vector_load_idx %arg5[%add3A_300, %add3A_330] : memref<128x128xf32, #tpu.memory_space<vmem>>[vector<16xi32>, vector<16xi32>], vector<16xf32>,
        %add3A_332 = arith.constant 6144 : i32
        %add3A_333 = vector.broadcast %add3A_332 : i32 to vector<16xi32>
        %add3A_334 = arith.addi %add3A_297, %add3A_333 : vector<16xi32>
        tpu.vector_store_idx %arg6[%add3A_334], %gather3A_331 : memref<16384xf32, #tpu.memory_space<vmem>>[vector<16xi32>], vector<16xf32>,
        %add3A_335 = arith.constant 80 : i32
        %add3A_336 = vector.broadcast %add3A_335 : i32 to vector<16xi32>
        %add3A_337 = arith.addi %and3A_293, %add3A_336 : vector<16xi32>
        %gather3A_338 = tpu.vector_load_idx %arg5[%add3A_300, %add3A_337] : memref<128x128xf32, #tpu.memory_space<vmem>>[vector<16xi32>, vector<16xi32>], vector<16xf32>,
        %add3A_339 = arith.constant 6656 : i32
        %add3A_340 = vector.broadcast %add3A_339 : i32 to vector<16xi32>
        %add3A_341 = arith.addi %add3A_297, %add3A_340 : vector<16xi32>
        tpu.vector_store_idx %arg6[%add3A_341], %gather3A_338 : memref<16384xf32, #tpu.memory_space<vmem>>[vector<16xi32>], vector<16xf32>,
        %add3A_342 = arith.constant 96 : i32
        %add3A_343 = vector.broadcast %add3A_342 : i32 to vector<16xi32>
        %add3A_344 = arith.addi %and3A_293, %add3A_343 : vector<16xi32>
        %gather3A_345 = tpu.vector_load_idx %arg5[%add3A_300, %add3A_344] : memref<128x128xf32, #tpu.memory_space<vmem>>[vector<16xi32>, vector<16xi32>], vector<16xf32>,
        %add3A_346 = arith.constant 7168 : i32
        %add3A_347 = vector.broadcast %add3A_346 : i32 to vector<16xi32>
        %add3A_348 = arith.addi %add3A_297, %add3A_347 : vector<16xi32>
        tpu.vector_store_idx %arg6[%add3A_348], %gather3A_345 : memref<16384xf32, #tpu.memory_space<vmem>>[vector<16xi32>], vector<16xf32>,
        %add3A_349 = arith.constant 112 : i32
        %add3A_350 = vector.broadcast %add3A_349 : i32 to vector<16xi32>
        %add3A_351 = arith.addi %and3A_293, %add3A_350 : vector<16xi32>
        %gather3A_352 = tpu.vector_load_idx %arg5[%add3A_300, %add3A_351] : memref<128x128xf32, #tpu.memory_space<vmem>>[vector<16xi32>, vector<16xi32>], vector<16xf32>,
        %add3A_353 = arith.constant 7680 : i32
        %add3A_354 = vector.broadcast %add3A_353 : i32 to vector<16xi32>
        %add3A_355 = arith.addi %add3A_297, %add3A_354 : vector<16xi32>
        tpu.vector_store_idx %arg6[%add3A_355], %gather3A_352 : memref<16384xf32, #tpu.memory_space<vmem>>[vector<16xi32>], vector<16xf32>,
        %add3A_356 = arith.constant 48 : i32
        %add3A_357 = vector.broadcast %add3A_356 : i32 to vector<16xi32>
        %add3A_358 = arith.addi %iota3A_169, %add3A_357 : vector<16xi32>
        %add3A_359 = arith.constant 0 : i32
        %add3A_360 = vector.broadcast %add3A_359 : i32 to vector<16xi32>
        %add3A_361 = arith.addi %and3A_293, %add3A_360 : vector<16xi32>
        %gather3A_362 = tpu.vector_load_idx %arg5[%add3A_358, %add3A_361] : memref<128x128xf32, #tpu.memory_space<vmem>>[vector<16xi32>, vector<16xi32>], vector<16xf32>,
        %add3A_363 = arith.constant 4112 : i32
        %add3A_364 = vector.broadcast %add3A_363 : i32 to vector<16xi32>
        %add3A_365 = arith.addi %add3A_297, %add3A_364 : vector<16xi32>
        tpu.vector_store_idx %arg6[%add3A_365], %gather3A_362 : memref<16384xf32, #tpu.memory_space<vmem>>[vector<16xi32>], vector<16xf32>,
        %add3A_366 = arith.constant 16 : i32
        %add3A_367 = vector.broadcast %add3A_366 : i32 to vector<16xi32>
        %add3A_368 = arith.addi %and3A_293, %add3A_367 : vector<16xi32>
        %gather3A_369 = tpu.vector_load_idx %arg5[%add3A_358, %add3A_368] : memref<128x128xf32, #tpu.memory_space<vmem>>[vector<16xi32>, vector<16xi32>], vector<16xf32>,
        %add3A_370 = arith.constant 4624 : i32
        %add3A_371 = vector.broadcast %add3A_370 : i32 to vector<16xi32>
        %add3A_372 = arith.addi %add3A_297, %add3A_371 : vector<16xi32>
        tpu.vector_store_idx %arg6[%add3A_372], %gather3A_369 : memref<16384xf32, #tpu.memory_space<vmem>>[vector<16xi32>], vector<16xf32>,
        %add3A_373 = arith.constant 32 : i32
        %add3A_374 = vector.broadcast %add3A_373 : i32 to vector<16xi32>
        %add3A_375 = arith.addi %and3A_293, %add3A_374 : vector<16xi32>
        %gather3A_376 = tpu.vector_load_idx %arg5[%add3A_358, %add3A_375] : memref<128x128xf32, #tpu.memory_space<vmem>>[vector<16xi32>, vector<16xi32>], vector<16xf32>,
        %add3A_377 = arith.constant 5136 : i32
        %add3A_378 = vector.broadcast %add3A_377 : i32 to vector<16xi32>
        %add3A_379 = arith.addi %add3A_297, %add3A_378 : vector<16xi32>
        tpu.vector_store_idx %arg6[%add3A_379], %gather3A_376 : memref<16384xf32, #tpu.memory_space<vmem>>[vector<16xi32>], vector<16xf32>,
        %add3A_380 = arith.constant 48 : i32
        %add3A_381 = vector.broadcast %add3A_380 : i32 to vector<16xi32>
        %add3A_382 = arith.addi %and3A_293, %add3A_381 : vector<16xi32>
        %gather3A_383 = tpu.vector_load_idx %arg5[%add3A_358, %add3A_382] : memref<128x128xf32, #tpu.memory_space<vmem>>[vector<16xi32>, vector<16xi32>], vector<16xf32>,
        %add3A_384 = arith.constant 5648 : i32
        %add3A_385 = vector.broadcast %add3A_384 : i32 to vector<16xi32>
        %add3A_386 = arith.addi %add3A_297, %add3A_385 : vector<16xi32>
        tpu.vector_store_idx %arg6[%add3A_386], %gather3A_383 : memref<16384xf32, #tpu.memory_space<vmem>>[vector<16xi32>], vector<16xf32>,
        %add3A_387 = arith.constant 64 : i32
        %add3A_388 = vector.broadcast %add3A_387 : i32 to vector<16xi32>
        %add3A_389 = arith.addi %and3A_293, %add3A_388 : vector<16xi32>
        %gather3A_390 = tpu.vector_load_idx %arg5[%add3A_358, %add3A_389] : memref<128x128xf32, #tpu.memory_space<vmem>>[vector<16xi32>, vector<16xi32>], vector<16xf32>,
        %add3A_391 = arith.constant 6160 : i32
        %add3A_392 = vector.broadcast %add3A_391 : i32 to vector<16xi32>
        %add3A_393 = arith.addi %add3A_297, %add3A_392 : vector<16xi32>
        tpu.vector_store_idx %arg6[%add3A_393], %gather3A_390 : memref<16384xf32, #tpu.memory_space<vmem>>[vector<16xi32>], vector<16xf32>,
        %add3A_394 = arith.constant 80 : i32
        %add3A_395 = vector.broadcast %add3A_394 : i32 to vector<16xi32>
        %add3A_396 = arith.addi %and3A_293, %add3A_395 : vector<16xi32>
        %gather3A_397 = tpu.vector_load_idx %arg5[%add3A_358, %add3A_396] : memref<128x128xf32, #tpu.memory_space<vmem>>[vector<16xi32>, vector<16xi32>], vector<16xf32>,
        %add3A_398 = arith.constant 6672 : i32
        %add3A_399 = vector.broadcast %add3A_398 : i32 to vector<16xi32>
        %add3A_400 = arith.addi %add3A_297, %add3A_399 : vector<16xi32>
        tpu.vector_store_idx %arg6[%add3A_400], %gather3A_397 : memref<16384xf32, #tpu.memory_space<vmem>>[vector<16xi32>], vector<16xf32>,
        %add3A_401 = arith.constant 96 : i32
        %add3A_402 = vector.broadcast %add3A_401 : i32 to vector<16xi32>
        %add3A_403 = arith.addi %and3A_293, %add3A_402 : vector<16xi32>
        %gather3A_404 = tpu.vector_load_idx %arg5[%add3A_358, %add3A_403] : memref<128x128xf32, #tpu.memory_space<vmem>>[vector<16xi32>, vector<16xi32>], vector<16xf32>,
        %add3A_405 = arith.constant 7184 : i32
        %add3A_406 = vector.broadcast %add3A_405 : i32 to vector<16xi32>
        %add3A_407 = arith.addi %add3A_297, %add3A_406 : vector<16xi32>
        tpu.vector_store_idx %arg6[%add3A_407], %gather3A_404 : memref<16384xf32, #tpu.memory_space<vmem>>[vector<16xi32>], vector<16xf32>,
        %add3A_408 = arith.constant 112 : i32
        %add3A_409 = vector.broadcast %add3A_408 : i32 to vector<16xi32>
        %add3A_410 = arith.addi %and3A_293, %add3A_409 : vector<16xi32>
        %gather3A_411 = tpu.vector_load_idx %arg5[%add3A_358, %add3A_410] : memref<128x128xf32, #tpu.memory_space<vmem>>[vector<16xi32>, vector<16xi32>], vector<16xf32>,
        %add3A_412 = arith.constant 7696 : i32
        %add3A_413 = vector.broadcast %add3A_412 : i32 to vector<16xi32>
        %add3A_414 = arith.addi %add3A_297, %add3A_413 : vector<16xi32>
        tpu.vector_store_idx %arg6[%add3A_414], %gather3A_411 : memref<16384xf32, #tpu.memory_space<vmem>>[vector<16xi32>], vector<16xf32>,
        %mul3A_415 = arith.constant 2 : i32
        %mul3A_416 = arith.muli %scan3A_285, %mul3A_415 : i32
        %add3A_417 = arith.constant 1 : i32
        %add3A_418 = arith.addi %mul3A_416, %add3A_417 : i32
        %add3A_419 = vector.broadcast %add3A_418 : i32 to vector<16xi32>
        %add3A_420 = arith.addi %iota3A_169, %add3A_419 : vector<16xi32>
        %and3A_421 = arith.constant 15 : i32
        %and3A_422 = vector.broadcast %and3A_421 : i32 to vector<16xi32>
        %and3A_423 = arith.andi %add3A_420, %and3A_422 : vector<16xi32>
        %mul3A_424 = arith.constant 32 : i32
        %mul3A_425 = vector.broadcast %mul3A_424 : i32 to vector<16xi32>
        %mul3A_426 = arith.muli %and3A_423, %mul3A_425 : vector<16xi32>
        %add3A_427 = arith.addi %mul3A_426, %iota3A_169 : vector<16xi32>
        %add3A_428 = arith.constant 32 : i32
        %add3A_429 = vector.broadcast %add3A_428 : i32 to vector<16xi32>
        %add3A_430 = arith.addi %iota3A_169, %add3A_429 : vector<16xi32>
        %add3A_431 = arith.constant 0 : i32
        %add3A_432 = vector.broadcast %add3A_431 : i32 to vector<16xi32>
        %add3A_433 = arith.addi %and3A_423, %add3A_432 : vector<16xi32>
        %gather3A_434 = tpu.vector_load_idx %arg5[%add3A_430, %add3A_433] : memref<128x128xf32, #tpu.memory_space<vmem>>[vector<16xi32>, vector<16xi32>], vector<16xf32>,
        %add3A_435 = arith.constant 4096 : i32
        %add3A_436 = vector.broadcast %add3A_435 : i32 to vector<16xi32>
        %add3A_437 = arith.addi %add3A_427, %add3A_436 : vector<16xi32>
        tpu.vector_store_idx %arg6[%add3A_437], %gather3A_434 : memref<16384xf32, #tpu.memory_space<vmem>>[vector<16xi32>], vector<16xf32>,
        %add3A_438 = arith.constant 16 : i32
        %add3A_439 = vector.broadcast %add3A_438 : i32 to vector<16xi32>
        %add3A_440 = arith.addi %and3A_423, %add3A_439 : vector<16xi32>
        %gather3A_441 = tpu.vector_load_idx %arg5[%add3A_430, %add3A_440] : memref<128x128xf32, #tpu.memory_space<vmem>>[vector<16xi32>, vector<16xi32>], vector<16xf32>,
        %add3A_442 = arith.constant 4608 : i32
        %add3A_443 = vector.broadcast %add3A_442 : i32 to vector<16xi32>
        %add3A_444 = arith.addi %add3A_427, %add3A_443 : vector<16xi32>
        tpu.vector_store_idx %arg6[%add3A_444], %gather3A_441 : memref<16384xf32, #tpu.memory_space<vmem>>[vector<16xi32>], vector<16xf32>,
        %add3A_445 = arith.constant 32 : i32
        %add3A_446 = vector.broadcast %add3A_445 : i32 to vector<16xi32>
        %add3A_447 = arith.addi %and3A_423, %add3A_446 : vector<16xi32>
        %gather3A_448 = tpu.vector_load_idx %arg5[%add3A_430, %add3A_447] : memref<128x128xf32, #tpu.memory_space<vmem>>[vector<16xi32>, vector<16xi32>], vector<16xf32>,
        %add3A_449 = arith.constant 5120 : i32
        %add3A_450 = vector.broadcast %add3A_449 : i32 to vector<16xi32>
        %add3A_451 = arith.addi %add3A_427, %add3A_450 : vector<16xi32>
        tpu.vector_store_idx %arg6[%add3A_451], %gather3A_448 : memref<16384xf32, #tpu.memory_space<vmem>>[vector<16xi32>], vector<16xf32>,
        %add3A_452 = arith.constant 48 : i32
        %add3A_453 = vector.broadcast %add3A_452 : i32 to vector<16xi32>
        %add3A_454 = arith.addi %and3A_423, %add3A_453 : vector<16xi32>
        %gather3A_455 = tpu.vector_load_idx %arg5[%add3A_430, %add3A_454] : memref<128x128xf32, #tpu.memory_space<vmem>>[vector<16xi32>, vector<16xi32>], vector<16xf32>,
        %add3A_456 = arith.constant 5632 : i32
        %add3A_457 = vector.broadcast %add3A_456 : i32 to vector<16xi32>
        %add3A_458 = arith.addi %add3A_427, %add3A_457 : vector<16xi32>
        tpu.vector_store_idx %arg6[%add3A_458], %gather3A_455 : memref<16384xf32, #tpu.memory_space<vmem>>[vector<16xi32>], vector<16xf32>,
        %add3A_459 = arith.constant 64 : i32
        %add3A_460 = vector.broadcast %add3A_459 : i32 to vector<16xi32>
        %add3A_461 = arith.addi %and3A_423, %add3A_460 : vector<16xi32>
        %gather3A_462 = tpu.vector_load_idx %arg5[%add3A_430, %add3A_461] : memref<128x128xf32, #tpu.memory_space<vmem>>[vector<16xi32>, vector<16xi32>], vector<16xf32>,
        %add3A_463 = arith.constant 6144 : i32
        %add3A_464 = vector.broadcast %add3A_463 : i32 to vector<16xi32>
        %add3A_465 = arith.addi %add3A_427, %add3A_464 : vector<16xi32>
        tpu.vector_store_idx %arg6[%add3A_465], %gather3A_462 : memref<16384xf32, #tpu.memory_space<vmem>>[vector<16xi32>], vector<16xf32>,
        %add3A_466 = arith.constant 80 : i32
        %add3A_467 = vector.broadcast %add3A_466 : i32 to vector<16xi32>
        %add3A_468 = arith.addi %and3A_423, %add3A_467 : vector<16xi32>
        %gather3A_469 = tpu.vector_load_idx %arg5[%add3A_430, %add3A_468] : memref<128x128xf32, #tpu.memory_space<vmem>>[vector<16xi32>, vector<16xi32>], vector<16xf32>,
        %add3A_470 = arith.constant 6656 : i32
        %add3A_471 = vector.broadcast %add3A_470 : i32 to vector<16xi32>
        %add3A_472 = arith.addi %add3A_427, %add3A_471 : vector<16xi32>
        tpu.vector_store_idx %arg6[%add3A_472], %gather3A_469 : memref<16384xf32, #tpu.memory_space<vmem>>[vector<16xi32>], vector<16xf32>,
        %add3A_473 = arith.constant 96 : i32
        %add3A_474 = vector.broadcast %add3A_473 : i32 to vector<16xi32>
        %add3A_475 = arith.addi %and3A_423, %add3A_474 : vector<16xi32>
        %gather3A_476 = tpu.vector_load_idx %arg5[%add3A_430, %add3A_475] : memref<128x128xf32, #tpu.memory_space<vmem>>[vector<16xi32>, vector<16xi32>], vector<16xf32>,
        %add3A_477 = arith.constant 7168 : i32
        %add3A_478 = vector.broadcast %add3A_477 : i32 to vector<16xi32>
        %add3A_479 = arith.addi %add3A_427, %add3A_478 : vector<16xi32>
        tpu.vector_store_idx %arg6[%add3A_479], %gather3A_476 : memref<16384xf32, #tpu.memory_space<vmem>>[vector<16xi32>], vector<16xf32>,
        %add3A_480 = arith.constant 112 : i32
        %add3A_481 = vector.broadcast %add3A_480 : i32 to vector<16xi32>
        %add3A_482 = arith.addi %and3A_423, %add3A_481 : vector<16xi32>
        %gather3A_483 = tpu.vector_load_idx %arg5[%add3A_430, %add3A_482] : memref<128x128xf32, #tpu.memory_space<vmem>>[vector<16xi32>, vector<16xi32>], vector<16xf32>,
        %add3A_484 = arith.constant 7680 : i32
        %add3A_485 = vector.broadcast %add3A_484 : i32 to vector<16xi32>
        %add3A_486 = arith.addi %add3A_427, %add3A_485 : vector<16xi32>
        tpu.vector_store_idx %arg6[%add3A_486], %gather3A_483 : memref<16384xf32, #tpu.memory_space<vmem>>[vector<16xi32>], vector<16xf32>,
        %add3A_487 = arith.constant 48 : i32
        %add3A_488 = vector.broadcast %add3A_487 : i32 to vector<16xi32>
        %add3A_489 = arith.addi %iota3A_169, %add3A_488 : vector<16xi32>
        %add3A_490 = arith.constant 0 : i32
        %add3A_491 = vector.broadcast %add3A_490 : i32 to vector<16xi32>
        %add3A_492 = arith.addi %and3A_423, %add3A_491 : vector<16xi32>
        %gather3A_493 = tpu.vector_load_idx %arg5[%add3A_489, %add3A_492] : memref<128x128xf32, #tpu.memory_space<vmem>>[vector<16xi32>, vector<16xi32>], vector<16xf32>,
        %add3A_494 = arith.constant 4112 : i32
        %add3A_495 = vector.broadcast %add3A_494 : i32 to vector<16xi32>
        %add3A_496 = arith.addi %add3A_427, %add3A_495 : vector<16xi32>
        tpu.vector_store_idx %arg6[%add3A_496], %gather3A_493 : memref<16384xf32, #tpu.memory_space<vmem>>[vector<16xi32>], vector<16xf32>,
        %add3A_497 = arith.constant 16 : i32
        %add3A_498 = vector.broadcast %add3A_497 : i32 to vector<16xi32>
        %add3A_499 = arith.addi %and3A_423, %add3A_498 : vector<16xi32>
        %gather3A_500 = tpu.vector_load_idx %arg5[%add3A_489, %add3A_499] : memref<128x128xf32, #tpu.memory_space<vmem>>[vector<16xi32>, vector<16xi32>], vector<16xf32>,
        %add3A_501 = arith.constant 4624 : i32
        %add3A_502 = vector.broadcast %add3A_501 : i32 to vector<16xi32>
        %add3A_503 = arith.addi %add3A_427, %add3A_502 : vector<16xi32>
        tpu.vector_store_idx %arg6[%add3A_503], %gather3A_500 : memref<16384xf32, #tpu.memory_space<vmem>>[vector<16xi32>], vector<16xf32>,
        %add3A_504 = arith.constant 32 : i32
        %add3A_505 = vector.broadcast %add3A_504 : i32 to vector<16xi32>
        %add3A_506 = arith.addi %and3A_423, %add3A_505 : vector<16xi32>
        %gather3A_507 = tpu.vector_load_idx %arg5[%add3A_489, %add3A_506] : memref<128x128xf32, #tpu.memory_space<vmem>>[vector<16xi32>, vector<16xi32>], vector<16xf32>,
        %add3A_508 = arith.constant 5136 : i32
        %add3A_509 = vector.broadcast %add3A_508 : i32 to vector<16xi32>
        %add3A_510 = arith.addi %add3A_427, %add3A_509 : vector<16xi32>
        tpu.vector_store_idx %arg6[%add3A_510], %gather3A_507 : memref<16384xf32, #tpu.memory_space<vmem>>[vector<16xi32>], vector<16xf32>,
        %add3A_511 = arith.constant 48 : i32
        %add3A_512 = vector.broadcast %add3A_511 : i32 to vector<16xi32>
        %add3A_513 = arith.addi %and3A_423, %add3A_512 : vector<16xi32>
        %gather3A_514 = tpu.vector_load_idx %arg5[%add3A_489, %add3A_513] : memref<128x128xf32, #tpu.memory_space<vmem>>[vector<16xi32>, vector<16xi32>], vector<16xf32>,
        %add3A_515 = arith.constant 5648 : i32
        %add3A_516 = vector.broadcast %add3A_515 : i32 to vector<16xi32>
        %add3A_517 = arith.addi %add3A_427, %add3A_516 : vector<16xi32>
        tpu.vector_store_idx %arg6[%add3A_517], %gather3A_514 : memref<16384xf32, #tpu.memory_space<vmem>>[vector<16xi32>], vector<16xf32>,
        %add3A_518 = arith.constant 64 : i32
        %add3A_519 = vector.broadcast %add3A_518 : i32 to vector<16xi32>
        %add3A_520 = arith.addi %and3A_423, %add3A_519 : vector<16xi32>
        %gather3A_521 = tpu.vector_load_idx %arg5[%add3A_489, %add3A_520] : memref<128x128xf32, #tpu.memory_space<vmem>>[vector<16xi32>, vector<16xi32>], vector<16xf32>,
        %add3A_522 = arith.constant 6160 : i32
        %add3A_523 = vector.broadcast %add3A_522 : i32 to vector<16xi32>
        %add3A_524 = arith.addi %add3A_427, %add3A_523 : vector<16xi32>
        tpu.vector_store_idx %arg6[%add3A_524], %gather3A_521 : memref<16384xf32, #tpu.memory_space<vmem>>[vector<16xi32>], vector<16xf32>,
        %add3A_525 = arith.constant 80 : i32
        %add3A_526 = vector.broadcast %add3A_525 : i32 to vector<16xi32>
        %add3A_527 = arith.addi %and3A_423, %add3A_526 : vector<16xi32>
        %gather3A_528 = tpu.vector_load_idx %arg5[%add3A_489, %add3A_527] : memref<128x128xf32, #tpu.memory_space<vmem>>[vector<16xi32>, vector<16xi32>], vector<16xf32>,
        %add3A_529 = arith.constant 6672 : i32
        %add3A_530 = vector.broadcast %add3A_529 : i32 to vector<16xi32>
        %add3A_531 = arith.addi %add3A_427, %add3A_530 : vector<16xi32>
        tpu.vector_store_idx %arg6[%add3A_531], %gather3A_528 : memref<16384xf32, #tpu.memory_space<vmem>>[vector<16xi32>], vector<16xf32>,
        %add3A_532 = arith.constant 96 : i32
        %add3A_533 = vector.broadcast %add3A_532 : i32 to vector<16xi32>
        %add3A_534 = arith.addi %and3A_423, %add3A_533 : vector<16xi32>
        %gather3A_535 = tpu.vector_load_idx %arg5[%add3A_489, %add3A_534] : memref<128x128xf32, #tpu.memory_space<vmem>>[vector<16xi32>, vector<16xi32>], vector<16xf32>,
        %add3A_536 = arith.constant 7184 : i32
        %add3A_537 = vector.broadcast %add3A_536 : i32 to vector<16xi32>
        %add3A_538 = arith.addi %add3A_427, %add3A_537 : vector<16xi32>
        tpu.vector_store_idx %arg6[%add3A_538], %gather3A_535 : memref<16384xf32, #tpu.memory_space<vmem>>[vector<16xi32>], vector<16xf32>,
        %add3A_539 = arith.constant 112 : i32
        %add3A_540 = vector.broadcast %add3A_539 : i32 to vector<16xi32>
        %add3A_541 = arith.addi %and3A_423, %add3A_540 : vector<16xi32>
        %gather3A_542 = tpu.vector_load_idx %arg5[%add3A_489, %add3A_541] : memref<128x128xf32, #tpu.memory_space<vmem>>[vector<16xi32>, vector<16xi32>], vector<16xf32>,
        %add3A_543 = arith.constant 7696 : i32
        %add3A_544 = vector.broadcast %add3A_543 : i32 to vector<16xi32>
        %add3A_545 = arith.addi %add3A_427, %add3A_544 : vector<16xi32>
        tpu.vector_store_idx %arg6[%add3A_545], %gather3A_542 : memref<16384xf32, #tpu.memory_space<vmem>>[vector<16xi32>], vector<16xf32>,
      }
      %scan3A_175 = arith.constant 8 : i32
      %mul3A_176 = arith.constant 128 : i32
      %mul3A_177 = arith.muli %add3A_151, %mul3A_176 : i32
      %min3A_178 = arith.constant 999808 : i32
      %min3A_179 = arith.minsi %mul3A_177, %min3A_178 : i32
      %mul3A_180 = arith.constant 32 : i32
      %mul3A_181 = arith.muli %min3A_179, %mul3A_180 : i32
      %dma_start3A_182 = arith.constant 4096 : i32
      %dma_start3A_183 = tpu.memref_slice %arg6[%dma_start3A_182] : memref<16384xf32, #tpu.memory_space<vmem>> -> memref<4096xf32, #tpu.memory_space<vmem>>
      %dma_start3A_184 = tpu.memref_slice %arg4[%mul3A_181] : memref<32000032xf32, #tpu.memory_space<hbm>> -> memref<4096xf32, #tpu.memory_space<hbm>>
      %dma_start3A_185 = tpu.memref_slice %arg4[%mul3A_181] : memref<32000032xf32, #tpu.memory_space<hbm>> -> memref<4096xf32, #tpu.memory_space<hbm>>
      %dma_start3A_186 = arith.constant 4096 : i32
      %dma_start3A_187 = tpu.memref_slice %arg6[%dma_start3A_186] : memref<16384xf32, #tpu.memory_space<vmem>> -> memref<4096xf32, #tpu.memory_space<vmem>>
      tpu.enqueue_dma source(%dma_start3A_187 : memref<4096xf32, #tpu.memory_space<vmem>>) target(%dma_start3A_185 : memref<4096xf32, #tpu.memory_space<hbm>>) target_semaphore(%arg12 : memref<!tpu.dma_semaphore, #tpu.memory_space<semaphore_mem>>)
      %lt3A_188 = arith.constant 61 : i32
      %lt3A_189 = arith.cmpi slt, %scan3A_103, %lt3A_188 : i32
      %convert_element_type3A_190 = arith.extui %lt3A_189 : i1 to i32
      %cond3A_191 = arith.constant 0 : i32
      %cond3A_192 = arith.cmpi ne, %convert_element_type3A_190, %cond3A_191 : i32
      scf.if %cond3A_192 {
        %add3A_285 = arith.constant 4 : i32
        %add3A_286 = arith.addi %add3A_151, %add3A_285 : i32
        %mul3A_287 = arith.constant 128 : i32
        %mul3A_288 = arith.muli %add3A_286, %mul3A_287 : i32
        %min3A_289 = arith.constant 999808 : i32
        %min3A_290 = arith.minsi %mul3A_288, %min3A_289 : i32
        %dma_start3A_291 = arith.constant 32 : i32
        %dma_start3A_292 = arith.constant 0 : i32
        %dma_start3A_293 = tpu.memref_slice %arg5[%dma_start3A_291, %dma_start3A_292] : memref<128x128xf32, #tpu.memory_space<vmem>> -> memref<32x128xf32, #tpu.memory_space<vmem>>
        %dma_start3A_294 = arith.constant 0 : i32
        %dma_start3A_295 = tpu.memref_slice %arg2[%dma_start3A_294, %min3A_290] : memref<32x1000001xf32, #tpu.memory_space<hbm>> -> memref<32x128xf32, #tpu.memory_space<hbm>>
        %dma_start3A_296 = arith.constant 32 : i32
        %dma_start3A_297 = arith.constant 0 : i32
        %dma_start3A_298 = tpu.memref_slice %arg5[%dma_start3A_296, %dma_start3A_297] : memref<128x128xf32, #tpu.memory_space<vmem>> -> memref<32x128xf32, #tpu.memory_space<vmem>>
        %dma_start3A_299 = arith.constant 0 : i32
        %dma_start3A_300 = tpu.memref_slice %arg2[%dma_start3A_299, %min3A_290] : memref<32x1000001xf32, #tpu.memory_space<hbm>> -> memref<32x128xf32, #tpu.memory_space<hbm>>
        tpu.enqueue_dma source(%dma_start3A_300 : memref<32x128xf32, #tpu.memory_space<hbm>>) target(%dma_start3A_298 : memref<32x128xf32, #tpu.memory_space<vmem>>) target_semaphore(%arg8 : memref<!tpu.dma_semaphore, #tpu.memory_space<semaphore_mem>>)
      } else {
      }
      %mul3A_193 = arith.constant 4 : i32
      %mul3A_194 = arith.muli %mul3A_193, %scan3A_103 : i32
      %add3A_195 = arith.addi %mul3A_2, %mul3A_194 : i32
      %add3A_196 = arith.constant 2 : i32
      %add3A_197 = arith.addi %add3A_195, %add3A_196 : i32
      %dma_wait3A_198 = arith.constant 64 : i32
      %dma_wait3A_199 = arith.constant 0 : i32
      %dma_wait3A_200 = tpu.memref_slice %arg5[%dma_wait3A_198, %dma_wait3A_199] : memref<128x128xf32, #tpu.memory_space<vmem>> -> memref<32x128xf32, #tpu.memory_space<vmem>>
      %dma_wait3A_201 = arith.constant 0 : i32
      %dma_wait3A_202 = arith.constant 0 : i32
      %dma_wait3A_203 = tpu.memref_slice %arg2[%dma_wait3A_201, %dma_wait3A_202] : memref<32x1000001xf32, #tpu.memory_space<hbm>> -> memref<32x128xf32, #tpu.memory_space<hbm>>
      %dma_wait3A_204 = arith.constant 64 : i32
      %dma_wait3A_205 = arith.constant 0 : i32
      %dma_wait3A_206 = tpu.memref_slice %arg5[%dma_wait3A_204, %dma_wait3A_205] : memref<128x128xf32, #tpu.memory_space<vmem>> -> memref<32x128xf32, #tpu.memory_space<vmem>>
      %dma_wait3A_207 = arith.constant 0 : i32
      %dma_wait3A_208 = arith.constant 0 : i32
      %dma_wait3A_209 = tpu.memref_slice %arg2[%dma_wait3A_207, %dma_wait3A_208] : memref<32x1000001xf32, #tpu.memory_space<hbm>> -> memref<32x128xf32, #tpu.memory_space<hbm>>
      tpu.wait_dma2 semaphore(%arg9 : memref<!tpu.dma_semaphore, #tpu.memory_space<semaphore_mem>>) src(%dma_wait3A_209 : memref<32x128xf32, #tpu.memory_space<hbm>>) dst(%dma_wait3A_206 : memref<32x128xf32, #tpu.memory_space<vmem>>)
      %ge3A_210 = arith.constant 1 : i32
      %ge3A_211 = arith.cmpi sge, %scan3A_103, %ge3A_210 : i32
      %convert_element_type3A_212 = arith.extui %ge3A_211 : i1 to i32
      %cond3A_213 = arith.constant 0 : i32
      %cond3A_214 = arith.cmpi ne, %convert_element_type3A_212, %cond3A_213 : i32
      scf.if %cond3A_214 {
        %dma_wait3A_285 = arith.constant 8192 : i32
        %dma_wait3A_286 = tpu.memref_slice %arg6[%dma_wait3A_285] : memref<16384xf32, #tpu.memory_space<vmem>> -> memref<4096xf32, #tpu.memory_space<vmem>>
        %dma_wait3A_287 = arith.constant 0 : i32
        %dma_wait3A_288 = tpu.memref_slice %arg4[%dma_wait3A_287] : memref<32000032xf32, #tpu.memory_space<hbm>> -> memref<4096xf32, #tpu.memory_space<hbm>>
        %dma_wait3A_289 = arith.constant 8192 : i32
        %dma_wait3A_290 = tpu.memref_slice %arg6[%dma_wait3A_289] : memref<16384xf32, #tpu.memory_space<vmem>> -> memref<4096xf32, #tpu.memory_space<vmem>>
        %dma_wait3A_291 = arith.constant 0 : i32
        %dma_wait3A_292 = tpu.memref_slice %arg4[%dma_wait3A_291] : memref<32000032xf32, #tpu.memory_space<hbm>> -> memref<4096xf32, #tpu.memory_space<hbm>>
        tpu.wait_dma2 semaphore(%arg13 : memref<!tpu.dma_semaphore, #tpu.memory_space<semaphore_mem>>) src(%dma_wait3A_292 : memref<4096xf32, #tpu.memory_space<hbm>>) dst(%dma_wait3A_290 : memref<4096xf32, #tpu.memory_space<vmem>>)
      } else {
      }
      %iota3A_215 = tpu.iota {dimensions = array<i32: 0>} : vector<16xi32>
      %scan3A_216 = arith.constant 0 : i32
      %scan3A_217 = arith.constant 0 : i32
      %scan3A_218 = arith.constant 8 : i32
      %scan3A_219 = arith.addi %scan3A_217, %scan3A_218 : i32
      %scan3A_220 = arith.constant 1 : i32
      scf.for %scan3A_285 = %scan3A_217 to %scan3A_219 step %scan3A_220  : i32 {
        %mul3A_286 = arith.constant 2 : i32
        %mul3A_287 = arith.muli %scan3A_285, %mul3A_286 : i32
        %add3A_288 = arith.constant 0 : i32
        %add3A_289 = arith.addi %mul3A_287, %add3A_288 : i32
        %add3A_290 = vector.broadcast %add3A_289 : i32 to vector<16xi32>
        %add3A_291 = arith.addi %iota3A_215, %add3A_290 : vector<16xi32>
        %and3A = arith.constant 15 : i32
        %and3A_292 = vector.broadcast %and3A : i32 to vector<16xi32>
        %and3A_293 = arith.andi %add3A_291, %and3A_292 : vector<16xi32>
        %mul3A_294 = arith.constant 32 : i32
        %mul3A_295 = vector.broadcast %mul3A_294 : i32 to vector<16xi32>
        %mul3A_296 = arith.muli %and3A_293, %mul3A_295 : vector<16xi32>
        %add3A_297 = arith.addi %mul3A_296, %iota3A_215 : vector<16xi32>
        %add3A_298 = arith.constant 64 : i32
        %add3A_299 = vector.broadcast %add3A_298 : i32 to vector<16xi32>
        %add3A_300 = arith.addi %iota3A_215, %add3A_299 : vector<16xi32>
        %add3A_301 = arith.constant 0 : i32
        %add3A_302 = vector.broadcast %add3A_301 : i32 to vector<16xi32>
        %add3A_303 = arith.addi %and3A_293, %add3A_302 : vector<16xi32>
        %gather3A = tpu.vector_load_idx %arg5[%add3A_300, %add3A_303] : memref<128x128xf32, #tpu.memory_space<vmem>>[vector<16xi32>, vector<16xi32>], vector<16xf32>,
        %add3A_304 = arith.constant 8192 : i32
        %add3A_305 = vector.broadcast %add3A_304 : i32 to vector<16xi32>
        %add3A_306 = arith.addi %add3A_297, %add3A_305 : vector<16xi32>
        tpu.vector_store_idx %arg6[%add3A_306], %gather3A : memref<16384xf32, #tpu.memory_space<vmem>>[vector<16xi32>], vector<16xf32>,
        %add3A_307 = arith.constant 16 : i32
        %add3A_308 = vector.broadcast %add3A_307 : i32 to vector<16xi32>
        %add3A_309 = arith.addi %and3A_293, %add3A_308 : vector<16xi32>
        %gather3A_310 = tpu.vector_load_idx %arg5[%add3A_300, %add3A_309] : memref<128x128xf32, #tpu.memory_space<vmem>>[vector<16xi32>, vector<16xi32>], vector<16xf32>,
        %add3A_311 = arith.constant 8704 : i32
        %add3A_312 = vector.broadcast %add3A_311 : i32 to vector<16xi32>
        %add3A_313 = arith.addi %add3A_297, %add3A_312 : vector<16xi32>
        tpu.vector_store_idx %arg6[%add3A_313], %gather3A_310 : memref<16384xf32, #tpu.memory_space<vmem>>[vector<16xi32>], vector<16xf32>,
        %add3A_314 = arith.constant 32 : i32
        %add3A_315 = vector.broadcast %add3A_314 : i32 to vector<16xi32>
        %add3A_316 = arith.addi %and3A_293, %add3A_315 : vector<16xi32>
        %gather3A_317 = tpu.vector_load_idx %arg5[%add3A_300, %add3A_316] : memref<128x128xf32, #tpu.memory_space<vmem>>[vector<16xi32>, vector<16xi32>], vector<16xf32>,
        %add3A_318 = arith.constant 9216 : i32
        %add3A_319 = vector.broadcast %add3A_318 : i32 to vector<16xi32>
        %add3A_320 = arith.addi %add3A_297, %add3A_319 : vector<16xi32>
        tpu.vector_store_idx %arg6[%add3A_320], %gather3A_317 : memref<16384xf32, #tpu.memory_space<vmem>>[vector<16xi32>], vector<16xf32>,
        %add3A_321 = arith.constant 48 : i32
        %add3A_322 = vector.broadcast %add3A_321 : i32 to vector<16xi32>
        %add3A_323 = arith.addi %and3A_293, %add3A_322 : vector<16xi32>
        %gather3A_324 = tpu.vector_load_idx %arg5[%add3A_300, %add3A_323] : memref<128x128xf32, #tpu.memory_space<vmem>>[vector<16xi32>, vector<16xi32>], vector<16xf32>,
        %add3A_325 = arith.constant 9728 : i32
        %add3A_326 = vector.broadcast %add3A_325 : i32 to vector<16xi32>
        %add3A_327 = arith.addi %add3A_297, %add3A_326 : vector<16xi32>
        tpu.vector_store_idx %arg6[%add3A_327], %gather3A_324 : memref<16384xf32, #tpu.memory_space<vmem>>[vector<16xi32>], vector<16xf32>,
        %add3A_328 = arith.constant 64 : i32
        %add3A_329 = vector.broadcast %add3A_328 : i32 to vector<16xi32>
        %add3A_330 = arith.addi %and3A_293, %add3A_329 : vector<16xi32>
        %gather3A_331 = tpu.vector_load_idx %arg5[%add3A_300, %add3A_330] : memref<128x128xf32, #tpu.memory_space<vmem>>[vector<16xi32>, vector<16xi32>], vector<16xf32>,
        %add3A_332 = arith.constant 10240 : i32
        %add3A_333 = vector.broadcast %add3A_332 : i32 to vector<16xi32>
        %add3A_334 = arith.addi %add3A_297, %add3A_333 : vector<16xi32>
        tpu.vector_store_idx %arg6[%add3A_334], %gather3A_331 : memref<16384xf32, #tpu.memory_space<vmem>>[vector<16xi32>], vector<16xf32>,
        %add3A_335 = arith.constant 80 : i32
        %add3A_336 = vector.broadcast %add3A_335 : i32 to vector<16xi32>
        %add3A_337 = arith.addi %and3A_293, %add3A_336 : vector<16xi32>
        %gather3A_338 = tpu.vector_load_idx %arg5[%add3A_300, %add3A_337] : memref<128x128xf32, #tpu.memory_space<vmem>>[vector<16xi32>, vector<16xi32>], vector<16xf32>,
        %add3A_339 = arith.constant 10752 : i32
        %add3A_340 = vector.broadcast %add3A_339 : i32 to vector<16xi32>
        %add3A_341 = arith.addi %add3A_297, %add3A_340 : vector<16xi32>
        tpu.vector_store_idx %arg6[%add3A_341], %gather3A_338 : memref<16384xf32, #tpu.memory_space<vmem>>[vector<16xi32>], vector<16xf32>,
        %add3A_342 = arith.constant 96 : i32
        %add3A_343 = vector.broadcast %add3A_342 : i32 to vector<16xi32>
        %add3A_344 = arith.addi %and3A_293, %add3A_343 : vector<16xi32>
        %gather3A_345 = tpu.vector_load_idx %arg5[%add3A_300, %add3A_344] : memref<128x128xf32, #tpu.memory_space<vmem>>[vector<16xi32>, vector<16xi32>], vector<16xf32>,
        %add3A_346 = arith.constant 11264 : i32
        %add3A_347 = vector.broadcast %add3A_346 : i32 to vector<16xi32>
        %add3A_348 = arith.addi %add3A_297, %add3A_347 : vector<16xi32>
        tpu.vector_store_idx %arg6[%add3A_348], %gather3A_345 : memref<16384xf32, #tpu.memory_space<vmem>>[vector<16xi32>], vector<16xf32>,
        %add3A_349 = arith.constant 112 : i32
        %add3A_350 = vector.broadcast %add3A_349 : i32 to vector<16xi32>
        %add3A_351 = arith.addi %and3A_293, %add3A_350 : vector<16xi32>
        %gather3A_352 = tpu.vector_load_idx %arg5[%add3A_300, %add3A_351] : memref<128x128xf32, #tpu.memory_space<vmem>>[vector<16xi32>, vector<16xi32>], vector<16xf32>,
        %add3A_353 = arith.constant 11776 : i32
        %add3A_354 = vector.broadcast %add3A_353 : i32 to vector<16xi32>
        %add3A_355 = arith.addi %add3A_297, %add3A_354 : vector<16xi32>
        tpu.vector_store_idx %arg6[%add3A_355], %gather3A_352 : memref<16384xf32, #tpu.memory_space<vmem>>[vector<16xi32>], vector<16xf32>,
        %add3A_356 = arith.constant 80 : i32
        %add3A_357 = vector.broadcast %add3A_356 : i32 to vector<16xi32>
        %add3A_358 = arith.addi %iota3A_215, %add3A_357 : vector<16xi32>
        %add3A_359 = arith.constant 0 : i32
        %add3A_360 = vector.broadcast %add3A_359 : i32 to vector<16xi32>
        %add3A_361 = arith.addi %and3A_293, %add3A_360 : vector<16xi32>
        %gather3A_362 = tpu.vector_load_idx %arg5[%add3A_358, %add3A_361] : memref<128x128xf32, #tpu.memory_space<vmem>>[vector<16xi32>, vector<16xi32>], vector<16xf32>,
        %add3A_363 = arith.constant 8208 : i32
        %add3A_364 = vector.broadcast %add3A_363 : i32 to vector<16xi32>
        %add3A_365 = arith.addi %add3A_297, %add3A_364 : vector<16xi32>
        tpu.vector_store_idx %arg6[%add3A_365], %gather3A_362 : memref<16384xf32, #tpu.memory_space<vmem>>[vector<16xi32>], vector<16xf32>,
        %add3A_366 = arith.constant 16 : i32
        %add3A_367 = vector.broadcast %add3A_366 : i32 to vector<16xi32>
        %add3A_368 = arith.addi %and3A_293, %add3A_367 : vector<16xi32>
        %gather3A_369 = tpu.vector_load_idx %arg5[%add3A_358, %add3A_368] : memref<128x128xf32, #tpu.memory_space<vmem>>[vector<16xi32>, vector<16xi32>], vector<16xf32>,
        %add3A_370 = arith.constant 8720 : i32
        %add3A_371 = vector.broadcast %add3A_370 : i32 to vector<16xi32>
        %add3A_372 = arith.addi %add3A_297, %add3A_371 : vector<16xi32>
        tpu.vector_store_idx %arg6[%add3A_372], %gather3A_369 : memref<16384xf32, #tpu.memory_space<vmem>>[vector<16xi32>], vector<16xf32>,
        %add3A_373 = arith.constant 32 : i32
        %add3A_374 = vector.broadcast %add3A_373 : i32 to vector<16xi32>
        %add3A_375 = arith.addi %and3A_293, %add3A_374 : vector<16xi32>
        %gather3A_376 = tpu.vector_load_idx %arg5[%add3A_358, %add3A_375] : memref<128x128xf32, #tpu.memory_space<vmem>>[vector<16xi32>, vector<16xi32>], vector<16xf32>,
        %add3A_377 = arith.constant 9232 : i32
        %add3A_378 = vector.broadcast %add3A_377 : i32 to vector<16xi32>
        %add3A_379 = arith.addi %add3A_297, %add3A_378 : vector<16xi32>
        tpu.vector_store_idx %arg6[%add3A_379], %gather3A_376 : memref<16384xf32, #tpu.memory_space<vmem>>[vector<16xi32>], vector<16xf32>,
        %add3A_380 = arith.constant 48 : i32
        %add3A_381 = vector.broadcast %add3A_380 : i32 to vector<16xi32>
        %add3A_382 = arith.addi %and3A_293, %add3A_381 : vector<16xi32>
        %gather3A_383 = tpu.vector_load_idx %arg5[%add3A_358, %add3A_382] : memref<128x128xf32, #tpu.memory_space<vmem>>[vector<16xi32>, vector<16xi32>], vector<16xf32>,
        %add3A_384 = arith.constant 9744 : i32
        %add3A_385 = vector.broadcast %add3A_384 : i32 to vector<16xi32>
        %add3A_386 = arith.addi %add3A_297, %add3A_385 : vector<16xi32>
        tpu.vector_store_idx %arg6[%add3A_386], %gather3A_383 : memref<16384xf32, #tpu.memory_space<vmem>>[vector<16xi32>], vector<16xf32>,
        %add3A_387 = arith.constant 64 : i32
        %add3A_388 = vector.broadcast %add3A_387 : i32 to vector<16xi32>
        %add3A_389 = arith.addi %and3A_293, %add3A_388 : vector<16xi32>
        %gather3A_390 = tpu.vector_load_idx %arg5[%add3A_358, %add3A_389] : memref<128x128xf32, #tpu.memory_space<vmem>>[vector<16xi32>, vector<16xi32>], vector<16xf32>,
        %add3A_391 = arith.constant 10256 : i32
        %add3A_392 = vector.broadcast %add3A_391 : i32 to vector<16xi32>
        %add3A_393 = arith.addi %add3A_297, %add3A_392 : vector<16xi32>
        tpu.vector_store_idx %arg6[%add3A_393], %gather3A_390 : memref<16384xf32, #tpu.memory_space<vmem>>[vector<16xi32>], vector<16xf32>,
        %add3A_394 = arith.constant 80 : i32
        %add3A_395 = vector.broadcast %add3A_394 : i32 to vector<16xi32>
        %add3A_396 = arith.addi %and3A_293, %add3A_395 : vector<16xi32>
        %gather3A_397 = tpu.vector_load_idx %arg5[%add3A_358, %add3A_396] : memref<128x128xf32, #tpu.memory_space<vmem>>[vector<16xi32>, vector<16xi32>], vector<16xf32>,
        %add3A_398 = arith.constant 10768 : i32
        %add3A_399 = vector.broadcast %add3A_398 : i32 to vector<16xi32>
        %add3A_400 = arith.addi %add3A_297, %add3A_399 : vector<16xi32>
        tpu.vector_store_idx %arg6[%add3A_400], %gather3A_397 : memref<16384xf32, #tpu.memory_space<vmem>>[vector<16xi32>], vector<16xf32>,
        %add3A_401 = arith.constant 96 : i32
        %add3A_402 = vector.broadcast %add3A_401 : i32 to vector<16xi32>
        %add3A_403 = arith.addi %and3A_293, %add3A_402 : vector<16xi32>
        %gather3A_404 = tpu.vector_load_idx %arg5[%add3A_358, %add3A_403] : memref<128x128xf32, #tpu.memory_space<vmem>>[vector<16xi32>, vector<16xi32>], vector<16xf32>,
        %add3A_405 = arith.constant 11280 : i32
        %add3A_406 = vector.broadcast %add3A_405 : i32 to vector<16xi32>
        %add3A_407 = arith.addi %add3A_297, %add3A_406 : vector<16xi32>
        tpu.vector_store_idx %arg6[%add3A_407], %gather3A_404 : memref<16384xf32, #tpu.memory_space<vmem>>[vector<16xi32>], vector<16xf32>,
        %add3A_408 = arith.constant 112 : i32
        %add3A_409 = vector.broadcast %add3A_408 : i32 to vector<16xi32>
        %add3A_410 = arith.addi %and3A_293, %add3A_409 : vector<16xi32>
        %gather3A_411 = tpu.vector_load_idx %arg5[%add3A_358, %add3A_410] : memref<128x128xf32, #tpu.memory_space<vmem>>[vector<16xi32>, vector<16xi32>], vector<16xf32>,
        %add3A_412 = arith.constant 11792 : i32
        %add3A_413 = vector.broadcast %add3A_412 : i32 to vector<16xi32>
        %add3A_414 = arith.addi %add3A_297, %add3A_413 : vector<16xi32>
        tpu.vector_store_idx %arg6[%add3A_414], %gather3A_411 : memref<16384xf32, #tpu.memory_space<vmem>>[vector<16xi32>], vector<16xf32>,
        %mul3A_415 = arith.constant 2 : i32
        %mul3A_416 = arith.muli %scan3A_285, %mul3A_415 : i32
        %add3A_417 = arith.constant 1 : i32
        %add3A_418 = arith.addi %mul3A_416, %add3A_417 : i32
        %add3A_419 = vector.broadcast %add3A_418 : i32 to vector<16xi32>
        %add3A_420 = arith.addi %iota3A_215, %add3A_419 : vector<16xi32>
        %and3A_421 = arith.constant 15 : i32
        %and3A_422 = vector.broadcast %and3A_421 : i32 to vector<16xi32>
        %and3A_423 = arith.andi %add3A_420, %and3A_422 : vector<16xi32>
        %mul3A_424 = arith.constant 32 : i32
        %mul3A_425 = vector.broadcast %mul3A_424 : i32 to vector<16xi32>
        %mul3A_426 = arith.muli %and3A_423, %mul3A_425 : vector<16xi32>
        %add3A_427 = arith.addi %mul3A_426, %iota3A_215 : vector<16xi32>
        %add3A_428 = arith.constant 64 : i32
        %add3A_429 = vector.broadcast %add3A_428 : i32 to vector<16xi32>
        %add3A_430 = arith.addi %iota3A_215, %add3A_429 : vector<16xi32>
        %add3A_431 = arith.constant 0 : i32
        %add3A_432 = vector.broadcast %add3A_431 : i32 to vector<16xi32>
        %add3A_433 = arith.addi %and3A_423, %add3A_432 : vector<16xi32>
        %gather3A_434 = tpu.vector_load_idx %arg5[%add3A_430, %add3A_433] : memref<128x128xf32, #tpu.memory_space<vmem>>[vector<16xi32>, vector<16xi32>], vector<16xf32>,
        %add3A_435 = arith.constant 8192 : i32
        %add3A_436 = vector.broadcast %add3A_435 : i32 to vector<16xi32>
        %add3A_437 = arith.addi %add3A_427, %add3A_436 : vector<16xi32>
        tpu.vector_store_idx %arg6[%add3A_437], %gather3A_434 : memref<16384xf32, #tpu.memory_space<vmem>>[vector<16xi32>], vector<16xf32>,
        %add3A_438 = arith.constant 16 : i32
        %add3A_439 = vector.broadcast %add3A_438 : i32 to vector<16xi32>
        %add3A_440 = arith.addi %and3A_423, %add3A_439 : vector<16xi32>
        %gather3A_441 = tpu.vector_load_idx %arg5[%add3A_430, %add3A_440] : memref<128x128xf32, #tpu.memory_space<vmem>>[vector<16xi32>, vector<16xi32>], vector<16xf32>,
        %add3A_442 = arith.constant 8704 : i32
        %add3A_443 = vector.broadcast %add3A_442 : i32 to vector<16xi32>
        %add3A_444 = arith.addi %add3A_427, %add3A_443 : vector<16xi32>
        tpu.vector_store_idx %arg6[%add3A_444], %gather3A_441 : memref<16384xf32, #tpu.memory_space<vmem>>[vector<16xi32>], vector<16xf32>,
        %add3A_445 = arith.constant 32 : i32
        %add3A_446 = vector.broadcast %add3A_445 : i32 to vector<16xi32>
        %add3A_447 = arith.addi %and3A_423, %add3A_446 : vector<16xi32>
        %gather3A_448 = tpu.vector_load_idx %arg5[%add3A_430, %add3A_447] : memref<128x128xf32, #tpu.memory_space<vmem>>[vector<16xi32>, vector<16xi32>], vector<16xf32>,
        %add3A_449 = arith.constant 9216 : i32
        %add3A_450 = vector.broadcast %add3A_449 : i32 to vector<16xi32>
        %add3A_451 = arith.addi %add3A_427, %add3A_450 : vector<16xi32>
        tpu.vector_store_idx %arg6[%add3A_451], %gather3A_448 : memref<16384xf32, #tpu.memory_space<vmem>>[vector<16xi32>], vector<16xf32>,
        %add3A_452 = arith.constant 48 : i32
        %add3A_453 = vector.broadcast %add3A_452 : i32 to vector<16xi32>
        %add3A_454 = arith.addi %and3A_423, %add3A_453 : vector<16xi32>
        %gather3A_455 = tpu.vector_load_idx %arg5[%add3A_430, %add3A_454] : memref<128x128xf32, #tpu.memory_space<vmem>>[vector<16xi32>, vector<16xi32>], vector<16xf32>,
        %add3A_456 = arith.constant 9728 : i32
        %add3A_457 = vector.broadcast %add3A_456 : i32 to vector<16xi32>
        %add3A_458 = arith.addi %add3A_427, %add3A_457 : vector<16xi32>
        tpu.vector_store_idx %arg6[%add3A_458], %gather3A_455 : memref<16384xf32, #tpu.memory_space<vmem>>[vector<16xi32>], vector<16xf32>,
        %add3A_459 = arith.constant 64 : i32
        %add3A_460 = vector.broadcast %add3A_459 : i32 to vector<16xi32>
        %add3A_461 = arith.addi %and3A_423, %add3A_460 : vector<16xi32>
        %gather3A_462 = tpu.vector_load_idx %arg5[%add3A_430, %add3A_461] : memref<128x128xf32, #tpu.memory_space<vmem>>[vector<16xi32>, vector<16xi32>], vector<16xf32>,
        %add3A_463 = arith.constant 10240 : i32
        %add3A_464 = vector.broadcast %add3A_463 : i32 to vector<16xi32>
        %add3A_465 = arith.addi %add3A_427, %add3A_464 : vector<16xi32>
        tpu.vector_store_idx %arg6[%add3A_465], %gather3A_462 : memref<16384xf32, #tpu.memory_space<vmem>>[vector<16xi32>], vector<16xf32>,
        %add3A_466 = arith.constant 80 : i32
        %add3A_467 = vector.broadcast %add3A_466 : i32 to vector<16xi32>
        %add3A_468 = arith.addi %and3A_423, %add3A_467 : vector<16xi32>
        %gather3A_469 = tpu.vector_load_idx %arg5[%add3A_430, %add3A_468] : memref<128x128xf32, #tpu.memory_space<vmem>>[vector<16xi32>, vector<16xi32>], vector<16xf32>,
        %add3A_470 = arith.constant 10752 : i32
        %add3A_471 = vector.broadcast %add3A_470 : i32 to vector<16xi32>
        %add3A_472 = arith.addi %add3A_427, %add3A_471 : vector<16xi32>
        tpu.vector_store_idx %arg6[%add3A_472], %gather3A_469 : memref<16384xf32, #tpu.memory_space<vmem>>[vector<16xi32>], vector<16xf32>,
        %add3A_473 = arith.constant 96 : i32
        %add3A_474 = vector.broadcast %add3A_473 : i32 to vector<16xi32>
        %add3A_475 = arith.addi %and3A_423, %add3A_474 : vector<16xi32>
        %gather3A_476 = tpu.vector_load_idx %arg5[%add3A_430, %add3A_475] : memref<128x128xf32, #tpu.memory_space<vmem>>[vector<16xi32>, vector<16xi32>], vector<16xf32>,
        %add3A_477 = arith.constant 11264 : i32
        %add3A_478 = vector.broadcast %add3A_477 : i32 to vector<16xi32>
        %add3A_479 = arith.addi %add3A_427, %add3A_478 : vector<16xi32>
        tpu.vector_store_idx %arg6[%add3A_479], %gather3A_476 : memref<16384xf32, #tpu.memory_space<vmem>>[vector<16xi32>], vector<16xf32>,
        %add3A_480 = arith.constant 112 : i32
        %add3A_481 = vector.broadcast %add3A_480 : i32 to vector<16xi32>
        %add3A_482 = arith.addi %and3A_423, %add3A_481 : vector<16xi32>
        %gather3A_483 = tpu.vector_load_idx %arg5[%add3A_430, %add3A_482] : memref<128x128xf32, #tpu.memory_space<vmem>>[vector<16xi32>, vector<16xi32>], vector<16xf32>,
        %add3A_484 = arith.constant 11776 : i32
        %add3A_485 = vector.broadcast %add3A_484 : i32 to vector<16xi32>
        %add3A_486 = arith.addi %add3A_427, %add3A_485 : vector<16xi32>
        tpu.vector_store_idx %arg6[%add3A_486], %gather3A_483 : memref<16384xf32, #tpu.memory_space<vmem>>[vector<16xi32>], vector<16xf32>,
        %add3A_487 = arith.constant 80 : i32
        %add3A_488 = vector.broadcast %add3A_487 : i32 to vector<16xi32>
        %add3A_489 = arith.addi %iota3A_215, %add3A_488 : vector<16xi32>
        %add3A_490 = arith.constant 0 : i32
        %add3A_491 = vector.broadcast %add3A_490 : i32 to vector<16xi32>
        %add3A_492 = arith.addi %and3A_423, %add3A_491 : vector<16xi32>
        %gather3A_493 = tpu.vector_load_idx %arg5[%add3A_489, %add3A_492] : memref<128x128xf32, #tpu.memory_space<vmem>>[vector<16xi32>, vector<16xi32>], vector<16xf32>,
        %add3A_494 = arith.constant 8208 : i32
        %add3A_495 = vector.broadcast %add3A_494 : i32 to vector<16xi32>
        %add3A_496 = arith.addi %add3A_427, %add3A_495 : vector<16xi32>
        tpu.vector_store_idx %arg6[%add3A_496], %gather3A_493 : memref<16384xf32, #tpu.memory_space<vmem>>[vector<16xi32>], vector<16xf32>,
        %add3A_497 = arith.constant 16 : i32
        %add3A_498 = vector.broadcast %add3A_497 : i32 to vector<16xi32>
        %add3A_499 = arith.addi %and3A_423, %add3A_498 : vector<16xi32>
        %gather3A_500 = tpu.vector_load_idx %arg5[%add3A_489, %add3A_499] : memref<128x128xf32, #tpu.memory_space<vmem>>[vector<16xi32>, vector<16xi32>], vector<16xf32>,
        %add3A_501 = arith.constant 8720 : i32
        %add3A_502 = vector.broadcast %add3A_501 : i32 to vector<16xi32>
        %add3A_503 = arith.addi %add3A_427, %add3A_502 : vector<16xi32>
        tpu.vector_store_idx %arg6[%add3A_503], %gather3A_500 : memref<16384xf32, #tpu.memory_space<vmem>>[vector<16xi32>], vector<16xf32>,
        %add3A_504 = arith.constant 32 : i32
        %add3A_505 = vector.broadcast %add3A_504 : i32 to vector<16xi32>
        %add3A_506 = arith.addi %and3A_423, %add3A_505 : vector<16xi32>
        %gather3A_507 = tpu.vector_load_idx %arg5[%add3A_489, %add3A_506] : memref<128x128xf32, #tpu.memory_space<vmem>>[vector<16xi32>, vector<16xi32>], vector<16xf32>,
        %add3A_508 = arith.constant 9232 : i32
        %add3A_509 = vector.broadcast %add3A_508 : i32 to vector<16xi32>
        %add3A_510 = arith.addi %add3A_427, %add3A_509 : vector<16xi32>
        tpu.vector_store_idx %arg6[%add3A_510], %gather3A_507 : memref<16384xf32, #tpu.memory_space<vmem>>[vector<16xi32>], vector<16xf32>,
        %add3A_511 = arith.constant 48 : i32
        %add3A_512 = vector.broadcast %add3A_511 : i32 to vector<16xi32>
        %add3A_513 = arith.addi %and3A_423, %add3A_512 : vector<16xi32>
        %gather3A_514 = tpu.vector_load_idx %arg5[%add3A_489, %add3A_513] : memref<128x128xf32, #tpu.memory_space<vmem>>[vector<16xi32>, vector<16xi32>], vector<16xf32>,
        %add3A_515 = arith.constant 9744 : i32
        %add3A_516 = vector.broadcast %add3A_515 : i32 to vector<16xi32>
        %add3A_517 = arith.addi %add3A_427, %add3A_516 : vector<16xi32>
        tpu.vector_store_idx %arg6[%add3A_517], %gather3A_514 : memref<16384xf32, #tpu.memory_space<vmem>>[vector<16xi32>], vector<16xf32>,
        %add3A_518 = arith.constant 64 : i32
        %add3A_519 = vector.broadcast %add3A_518 : i32 to vector<16xi32>
        %add3A_520 = arith.addi %and3A_423, %add3A_519 : vector<16xi32>
        %gather3A_521 = tpu.vector_load_idx %arg5[%add3A_489, %add3A_520] : memref<128x128xf32, #tpu.memory_space<vmem>>[vector<16xi32>, vector<16xi32>], vector<16xf32>,
        %add3A_522 = arith.constant 10256 : i32
        %add3A_523 = vector.broadcast %add3A_522 : i32 to vector<16xi32>
        %add3A_524 = arith.addi %add3A_427, %add3A_523 : vector<16xi32>
        tpu.vector_store_idx %arg6[%add3A_524], %gather3A_521 : memref<16384xf32, #tpu.memory_space<vmem>>[vector<16xi32>], vector<16xf32>,
        %add3A_525 = arith.constant 80 : i32
        %add3A_526 = vector.broadcast %add3A_525 : i32 to vector<16xi32>
        %add3A_527 = arith.addi %and3A_423, %add3A_526 : vector<16xi32>
        %gather3A_528 = tpu.vector_load_idx %arg5[%add3A_489, %add3A_527] : memref<128x128xf32, #tpu.memory_space<vmem>>[vector<16xi32>, vector<16xi32>], vector<16xf32>,
        %add3A_529 = arith.constant 10768 : i32
        %add3A_530 = vector.broadcast %add3A_529 : i32 to vector<16xi32>
        %add3A_531 = arith.addi %add3A_427, %add3A_530 : vector<16xi32>
        tpu.vector_store_idx %arg6[%add3A_531], %gather3A_528 : memref<16384xf32, #tpu.memory_space<vmem>>[vector<16xi32>], vector<16xf32>,
        %add3A_532 = arith.constant 96 : i32
        %add3A_533 = vector.broadcast %add3A_532 : i32 to vector<16xi32>
        %add3A_534 = arith.addi %and3A_423, %add3A_533 : vector<16xi32>
        %gather3A_535 = tpu.vector_load_idx %arg5[%add3A_489, %add3A_534] : memref<128x128xf32, #tpu.memory_space<vmem>>[vector<16xi32>, vector<16xi32>], vector<16xf32>,
        %add3A_536 = arith.constant 11280 : i32
        %add3A_537 = vector.broadcast %add3A_536 : i32 to vector<16xi32>
        %add3A_538 = arith.addi %add3A_427, %add3A_537 : vector<16xi32>
        tpu.vector_store_idx %arg6[%add3A_538], %gather3A_535 : memref<16384xf32, #tpu.memory_space<vmem>>[vector<16xi32>], vector<16xf32>,
        %add3A_539 = arith.constant 112 : i32
        %add3A_540 = vector.broadcast %add3A_539 : i32 to vector<16xi32>
        %add3A_541 = arith.addi %and3A_423, %add3A_540 : vector<16xi32>
        %gather3A_542 = tpu.vector_load_idx %arg5[%add3A_489, %add3A_541] : memref<128x128xf32, #tpu.memory_space<vmem>>[vector<16xi32>, vector<16xi32>], vector<16xf32>,
        %add3A_543 = arith.constant 11792 : i32
        %add3A_544 = vector.broadcast %add3A_543 : i32 to vector<16xi32>
        %add3A_545 = arith.addi %add3A_427, %add3A_544 : vector<16xi32>
        tpu.vector_store_idx %arg6[%add3A_545], %gather3A_542 : memref<16384xf32, #tpu.memory_space<vmem>>[vector<16xi32>], vector<16xf32>,
      }
      %scan3A_221 = arith.constant 8 : i32
      %mul3A_222 = arith.constant 128 : i32
      %mul3A_223 = arith.muli %add3A_197, %mul3A_222 : i32
      %min3A_224 = arith.constant 999808 : i32
      %min3A_225 = arith.minsi %mul3A_223, %min3A_224 : i32
      %mul3A_226 = arith.constant 32 : i32
      %mul3A_227 = arith.muli %min3A_225, %mul3A_226 : i32
      %dma_start3A_228 = arith.constant 8192 : i32
      %dma_start3A_229 = tpu.memref_slice %arg6[%dma_start3A_228] : memref<16384xf32, #tpu.memory_space<vmem>> -> memref<4096xf32, #tpu.memory_space<vmem>>
      %dma_start3A_230 = tpu.memref_slice %arg4[%mul3A_227] : memref<32000032xf32, #tpu.memory_space<hbm>> -> memref<4096xf32, #tpu.memory_space<hbm>>
      %dma_start3A_231 = tpu.memref_slice %arg4[%mul3A_227] : memref<32000032xf32, #tpu.memory_space<hbm>> -> memref<4096xf32, #tpu.memory_space<hbm>>
      %dma_start3A_232 = arith.constant 8192 : i32
      %dma_start3A_233 = tpu.memref_slice %arg6[%dma_start3A_232] : memref<16384xf32, #tpu.memory_space<vmem>> -> memref<4096xf32, #tpu.memory_space<vmem>>
      tpu.enqueue_dma source(%dma_start3A_233 : memref<4096xf32, #tpu.memory_space<vmem>>) target(%dma_start3A_231 : memref<4096xf32, #tpu.memory_space<hbm>>) target_semaphore(%arg13 : memref<!tpu.dma_semaphore, #tpu.memory_space<semaphore_mem>>)
      %lt3A_234 = arith.constant 61 : i32
      %lt3A_235 = arith.cmpi slt, %scan3A_103, %lt3A_234 : i32
      %convert_element_type3A_236 = arith.extui %lt3A_235 : i1 to i32
      %cond3A_237 = arith.constant 0 : i32
      %cond3A_238 = arith.cmpi ne, %convert_element_type3A_236, %cond3A_237 : i32
      scf.if %cond3A_238 {
        %add3A_285 = arith.constant 4 : i32
        %add3A_286 = arith.addi %add3A_197, %add3A_285 : i32
        %mul3A_287 = arith.constant 128 : i32
        %mul3A_288 = arith.muli %add3A_286, %mul3A_287 : i32
        %min3A_289 = arith.constant 999808 : i32
        %min3A_290 = arith.minsi %mul3A_288, %min3A_289 : i32
        %dma_start3A_291 = arith.constant 64 : i32
        %dma_start3A_292 = arith.constant 0 : i32
        %dma_start3A_293 = tpu.memref_slice %arg5[%dma_start3A_291, %dma_start3A_292] : memref<128x128xf32, #tpu.memory_space<vmem>> -> memref<32x128xf32, #tpu.memory_space<vmem>>
        %dma_start3A_294 = arith.constant 0 : i32
        %dma_start3A_295 = tpu.memref_slice %arg2[%dma_start3A_294, %min3A_290] : memref<32x1000001xf32, #tpu.memory_space<hbm>> -> memref<32x128xf32, #tpu.memory_space<hbm>>
        %dma_start3A_296 = arith.constant 64 : i32
        %dma_start3A_297 = arith.constant 0 : i32
        %dma_start3A_298 = tpu.memref_slice %arg5[%dma_start3A_296, %dma_start3A_297] : memref<128x128xf32, #tpu.memory_space<vmem>> -> memref<32x128xf32, #tpu.memory_space<vmem>>
        %dma_start3A_299 = arith.constant 0 : i32
        %dma_start3A_300 = tpu.memref_slice %arg2[%dma_start3A_299, %min3A_290] : memref<32x1000001xf32, #tpu.memory_space<hbm>> -> memref<32x128xf32, #tpu.memory_space<hbm>>
        tpu.enqueue_dma source(%dma_start3A_300 : memref<32x128xf32, #tpu.memory_space<hbm>>) target(%dma_start3A_298 : memref<32x128xf32, #tpu.memory_space<vmem>>) target_semaphore(%arg9 : memref<!tpu.dma_semaphore, #tpu.memory_space<semaphore_mem>>)
      } else {
      }
      %mul3A_239 = arith.constant 4 : i32
      %mul3A_240 = arith.muli %mul3A_239, %scan3A_103 : i32
      %add3A_241 = arith.addi %mul3A_2, %mul3A_240 : i32
      %add3A_242 = arith.constant 3 : i32
      %add3A_243 = arith.addi %add3A_241, %add3A_242 : i32
      %dma_wait3A_244 = arith.constant 96 : i32
      %dma_wait3A_245 = arith.constant 0 : i32
      %dma_wait3A_246 = tpu.memref_slice %arg5[%dma_wait3A_244, %dma_wait3A_245] : memref<128x128xf32, #tpu.memory_space<vmem>> -> memref<32x128xf32, #tpu.memory_space<vmem>>
      %dma_wait3A_247 = arith.constant 0 : i32
      %dma_wait3A_248 = arith.constant 0 : i32
      %dma_wait3A_249 = tpu.memref_slice %arg2[%dma_wait3A_247, %dma_wait3A_248] : memref<32x1000001xf32, #tpu.memory_space<hbm>> -> memref<32x128xf32, #tpu.memory_space<hbm>>
      %dma_wait3A_250 = arith.constant 96 : i32
      %dma_wait3A_251 = arith.constant 0 : i32
      %dma_wait3A_252 = tpu.memref_slice %arg5[%dma_wait3A_250, %dma_wait3A_251] : memref<128x128xf32, #tpu.memory_space<vmem>> -> memref<32x128xf32, #tpu.memory_space<vmem>>
      %dma_wait3A_253 = arith.constant 0 : i32
      %dma_wait3A_254 = arith.constant 0 : i32
      %dma_wait3A_255 = tpu.memref_slice %arg2[%dma_wait3A_253, %dma_wait3A_254] : memref<32x1000001xf32, #tpu.memory_space<hbm>> -> memref<32x128xf32, #tpu.memory_space<hbm>>
      tpu.wait_dma2 semaphore(%arg10 : memref<!tpu.dma_semaphore, #tpu.memory_space<semaphore_mem>>) src(%dma_wait3A_255 : memref<32x128xf32, #tpu.memory_space<hbm>>) dst(%dma_wait3A_252 : memref<32x128xf32, #tpu.memory_space<vmem>>)
      %ge3A_256 = arith.constant 1 : i32
      %ge3A_257 = arith.cmpi sge, %scan3A_103, %ge3A_256 : i32
      %convert_element_type3A_258 = arith.extui %ge3A_257 : i1 to i32
      %cond3A_259 = arith.constant 0 : i32
      %cond3A_260 = arith.cmpi ne, %convert_element_type3A_258, %cond3A_259 : i32
      scf.if %cond3A_260 {
        %dma_wait3A_285 = arith.constant 12288 : i32
        %dma_wait3A_286 = tpu.memref_slice %arg6[%dma_wait3A_285] : memref<16384xf32, #tpu.memory_space<vmem>> -> memref<4096xf32, #tpu.memory_space<vmem>>
        %dma_wait3A_287 = arith.constant 0 : i32
        %dma_wait3A_288 = tpu.memref_slice %arg4[%dma_wait3A_287] : memref<32000032xf32, #tpu.memory_space<hbm>> -> memref<4096xf32, #tpu.memory_space<hbm>>
        %dma_wait3A_289 = arith.constant 12288 : i32
        %dma_wait3A_290 = tpu.memref_slice %arg6[%dma_wait3A_289] : memref<16384xf32, #tpu.memory_space<vmem>> -> memref<4096xf32, #tpu.memory_space<vmem>>
        %dma_wait3A_291 = arith.constant 0 : i32
        %dma_wait3A_292 = tpu.memref_slice %arg4[%dma_wait3A_291] : memref<32000032xf32, #tpu.memory_space<hbm>> -> memref<4096xf32, #tpu.memory_space<hbm>>
        tpu.wait_dma2 semaphore(%arg14 : memref<!tpu.dma_semaphore, #tpu.memory_space<semaphore_mem>>) src(%dma_wait3A_292 : memref<4096xf32, #tpu.memory_space<hbm>>) dst(%dma_wait3A_290 : memref<4096xf32, #tpu.memory_space<vmem>>)
      } else {
      }
      %iota3A_261 = tpu.iota {dimensions = array<i32: 0>} : vector<16xi32>
      %scan3A_262 = arith.constant 0 : i32
      %scan3A_263 = arith.constant 0 : i32
      %scan3A_264 = arith.constant 8 : i32
      %scan3A_265 = arith.addi %scan3A_263, %scan3A_264 : i32
      %scan3A_266 = arith.constant 1 : i32
      scf.for %scan3A_285 = %scan3A_263 to %scan3A_265 step %scan3A_266  : i32 {
        %mul3A_286 = arith.constant 2 : i32
        %mul3A_287 = arith.muli %scan3A_285, %mul3A_286 : i32
        %add3A_288 = arith.constant 0 : i32
        %add3A_289 = arith.addi %mul3A_287, %add3A_288 : i32
        %add3A_290 = vector.broadcast %add3A_289 : i32 to vector<16xi32>
        %add3A_291 = arith.addi %iota3A_261, %add3A_290 : vector<16xi32>
        %and3A = arith.constant 15 : i32
        %and3A_292 = vector.broadcast %and3A : i32 to vector<16xi32>
        %and3A_293 = arith.andi %add3A_291, %and3A_292 : vector<16xi32>
        %mul3A_294 = arith.constant 32 : i32
        %mul3A_295 = vector.broadcast %mul3A_294 : i32 to vector<16xi32>
        %mul3A_296 = arith.muli %and3A_293, %mul3A_295 : vector<16xi32>
        %add3A_297 = arith.addi %mul3A_296, %iota3A_261 : vector<16xi32>
        %add3A_298 = arith.constant 96 : i32
        %add3A_299 = vector.broadcast %add3A_298 : i32 to vector<16xi32>
        %add3A_300 = arith.addi %iota3A_261, %add3A_299 : vector<16xi32>
        %add3A_301 = arith.constant 0 : i32
        %add3A_302 = vector.broadcast %add3A_301 : i32 to vector<16xi32>
        %add3A_303 = arith.addi %and3A_293, %add3A_302 : vector<16xi32>
        %gather3A = tpu.vector_load_idx %arg5[%add3A_300, %add3A_303] : memref<128x128xf32, #tpu.memory_space<vmem>>[vector<16xi32>, vector<16xi32>], vector<16xf32>,
        %add3A_304 = arith.constant 12288 : i32
        %add3A_305 = vector.broadcast %add3A_304 : i32 to vector<16xi32>
        %add3A_306 = arith.addi %add3A_297, %add3A_305 : vector<16xi32>
        tpu.vector_store_idx %arg6[%add3A_306], %gather3A : memref<16384xf32, #tpu.memory_space<vmem>>[vector<16xi32>], vector<16xf32>,
        %add3A_307 = arith.constant 16 : i32
        %add3A_308 = vector.broadcast %add3A_307 : i32 to vector<16xi32>
        %add3A_309 = arith.addi %and3A_293, %add3A_308 : vector<16xi32>
        %gather3A_310 = tpu.vector_load_idx %arg5[%add3A_300, %add3A_309] : memref<128x128xf32, #tpu.memory_space<vmem>>[vector<16xi32>, vector<16xi32>], vector<16xf32>,
        %add3A_311 = arith.constant 12800 : i32
        %add3A_312 = vector.broadcast %add3A_311 : i32 to vector<16xi32>
        %add3A_313 = arith.addi %add3A_297, %add3A_312 : vector<16xi32>
        tpu.vector_store_idx %arg6[%add3A_313], %gather3A_310 : memref<16384xf32, #tpu.memory_space<vmem>>[vector<16xi32>], vector<16xf32>,
        %add3A_314 = arith.constant 32 : i32
        %add3A_315 = vector.broadcast %add3A_314 : i32 to vector<16xi32>
        %add3A_316 = arith.addi %and3A_293, %add3A_315 : vector<16xi32>
        %gather3A_317 = tpu.vector_load_idx %arg5[%add3A_300, %add3A_316] : memref<128x128xf32, #tpu.memory_space<vmem>>[vector<16xi32>, vector<16xi32>], vector<16xf32>,
        %add3A_318 = arith.constant 13312 : i32
        %add3A_319 = vector.broadcast %add3A_318 : i32 to vector<16xi32>
        %add3A_320 = arith.addi %add3A_297, %add3A_319 : vector<16xi32>
        tpu.vector_store_idx %arg6[%add3A_320], %gather3A_317 : memref<16384xf32, #tpu.memory_space<vmem>>[vector<16xi32>], vector<16xf32>,
        %add3A_321 = arith.constant 48 : i32
        %add3A_322 = vector.broadcast %add3A_321 : i32 to vector<16xi32>
        %add3A_323 = arith.addi %and3A_293, %add3A_322 : vector<16xi32>
        %gather3A_324 = tpu.vector_load_idx %arg5[%add3A_300, %add3A_323] : memref<128x128xf32, #tpu.memory_space<vmem>>[vector<16xi32>, vector<16xi32>], vector<16xf32>,
        %add3A_325 = arith.constant 13824 : i32
        %add3A_326 = vector.broadcast %add3A_325 : i32 to vector<16xi32>
        %add3A_327 = arith.addi %add3A_297, %add3A_326 : vector<16xi32>
        tpu.vector_store_idx %arg6[%add3A_327], %gather3A_324 : memref<16384xf32, #tpu.memory_space<vmem>>[vector<16xi32>], vector<16xf32>,
        %add3A_328 = arith.constant 64 : i32
        %add3A_329 = vector.broadcast %add3A_328 : i32 to vector<16xi32>
        %add3A_330 = arith.addi %and3A_293, %add3A_329 : vector<16xi32>
        %gather3A_331 = tpu.vector_load_idx %arg5[%add3A_300, %add3A_330] : memref<128x128xf32, #tpu.memory_space<vmem>>[vector<16xi32>, vector<16xi32>], vector<16xf32>,
        %add3A_332 = arith.constant 14336 : i32
        %add3A_333 = vector.broadcast %add3A_332 : i32 to vector<16xi32>
        %add3A_334 = arith.addi %add3A_297, %add3A_333 : vector<16xi32>
        tpu.vector_store_idx %arg6[%add3A_334], %gather3A_331 : memref<16384xf32, #tpu.memory_space<vmem>>[vector<16xi32>], vector<16xf32>,
        %add3A_335 = arith.constant 80 : i32
        %add3A_336 = vector.broadcast %add3A_335 : i32 to vector<16xi32>
        %add3A_337 = arith.addi %and3A_293, %add3A_336 : vector<16xi32>
        %gather3A_338 = tpu.vector_load_idx %arg5[%add3A_300, %add3A_337] : memref<128x128xf32, #tpu.memory_space<vmem>>[vector<16xi32>, vector<16xi32>], vector<16xf32>,
        %add3A_339 = arith.constant 14848 : i32
        %add3A_340 = vector.broadcast %add3A_339 : i32 to vector<16xi32>
        %add3A_341 = arith.addi %add3A_297, %add3A_340 : vector<16xi32>
        tpu.vector_store_idx %arg6[%add3A_341], %gather3A_338 : memref<16384xf32, #tpu.memory_space<vmem>>[vector<16xi32>], vector<16xf32>,
        %add3A_342 = arith.constant 96 : i32
        %add3A_343 = vector.broadcast %add3A_342 : i32 to vector<16xi32>
        %add3A_344 = arith.addi %and3A_293, %add3A_343 : vector<16xi32>
        %gather3A_345 = tpu.vector_load_idx %arg5[%add3A_300, %add3A_344] : memref<128x128xf32, #tpu.memory_space<vmem>>[vector<16xi32>, vector<16xi32>], vector<16xf32>,
        %add3A_346 = arith.constant 15360 : i32
        %add3A_347 = vector.broadcast %add3A_346 : i32 to vector<16xi32>
        %add3A_348 = arith.addi %add3A_297, %add3A_347 : vector<16xi32>
        tpu.vector_store_idx %arg6[%add3A_348], %gather3A_345 : memref<16384xf32, #tpu.memory_space<vmem>>[vector<16xi32>], vector<16xf32>,
        %add3A_349 = arith.constant 112 : i32
        %add3A_350 = vector.broadcast %add3A_349 : i32 to vector<16xi32>
        %add3A_351 = arith.addi %and3A_293, %add3A_350 : vector<16xi32>
        %gather3A_352 = tpu.vector_load_idx %arg5[%add3A_300, %add3A_351] : memref<128x128xf32, #tpu.memory_space<vmem>>[vector<16xi32>, vector<16xi32>], vector<16xf32>,
        %add3A_353 = arith.constant 15872 : i32
        %add3A_354 = vector.broadcast %add3A_353 : i32 to vector<16xi32>
        %add3A_355 = arith.addi %add3A_297, %add3A_354 : vector<16xi32>
        tpu.vector_store_idx %arg6[%add3A_355], %gather3A_352 : memref<16384xf32, #tpu.memory_space<vmem>>[vector<16xi32>], vector<16xf32>,
        %add3A_356 = arith.constant 112 : i32
        %add3A_357 = vector.broadcast %add3A_356 : i32 to vector<16xi32>
        %add3A_358 = arith.addi %iota3A_261, %add3A_357 : vector<16xi32>
        %add3A_359 = arith.constant 0 : i32
        %add3A_360 = vector.broadcast %add3A_359 : i32 to vector<16xi32>
        %add3A_361 = arith.addi %and3A_293, %add3A_360 : vector<16xi32>
        %gather3A_362 = tpu.vector_load_idx %arg5[%add3A_358, %add3A_361] : memref<128x128xf32, #tpu.memory_space<vmem>>[vector<16xi32>, vector<16xi32>], vector<16xf32>,
        %add3A_363 = arith.constant 12304 : i32
        %add3A_364 = vector.broadcast %add3A_363 : i32 to vector<16xi32>
        %add3A_365 = arith.addi %add3A_297, %add3A_364 : vector<16xi32>
        tpu.vector_store_idx %arg6[%add3A_365], %gather3A_362 : memref<16384xf32, #tpu.memory_space<vmem>>[vector<16xi32>], vector<16xf32>,
        %add3A_366 = arith.constant 16 : i32
        %add3A_367 = vector.broadcast %add3A_366 : i32 to vector<16xi32>
        %add3A_368 = arith.addi %and3A_293, %add3A_367 : vector<16xi32>
        %gather3A_369 = tpu.vector_load_idx %arg5[%add3A_358, %add3A_368] : memref<128x128xf32, #tpu.memory_space<vmem>>[vector<16xi32>, vector<16xi32>], vector<16xf32>,
        %add3A_370 = arith.constant 12816 : i32
        %add3A_371 = vector.broadcast %add3A_370 : i32 to vector<16xi32>
        %add3A_372 = arith.addi %add3A_297, %add3A_371 : vector<16xi32>
        tpu.vector_store_idx %arg6[%add3A_372], %gather3A_369 : memref<16384xf32, #tpu.memory_space<vmem>>[vector<16xi32>], vector<16xf32>,
        %add3A_373 = arith.constant 32 : i32
        %add3A_374 = vector.broadcast %add3A_373 : i32 to vector<16xi32>
        %add3A_375 = arith.addi %and3A_293, %add3A_374 : vector<16xi32>
        %gather3A_376 = tpu.vector_load_idx %arg5[%add3A_358, %add3A_375] : memref<128x128xf32, #tpu.memory_space<vmem>>[vector<16xi32>, vector<16xi32>], vector<16xf32>,
        %add3A_377 = arith.constant 13328 : i32
        %add3A_378 = vector.broadcast %add3A_377 : i32 to vector<16xi32>
        %add3A_379 = arith.addi %add3A_297, %add3A_378 : vector<16xi32>
        tpu.vector_store_idx %arg6[%add3A_379], %gather3A_376 : memref<16384xf32, #tpu.memory_space<vmem>>[vector<16xi32>], vector<16xf32>,
        %add3A_380 = arith.constant 48 : i32
        %add3A_381 = vector.broadcast %add3A_380 : i32 to vector<16xi32>
        %add3A_382 = arith.addi %and3A_293, %add3A_381 : vector<16xi32>
        %gather3A_383 = tpu.vector_load_idx %arg5[%add3A_358, %add3A_382] : memref<128x128xf32, #tpu.memory_space<vmem>>[vector<16xi32>, vector<16xi32>], vector<16xf32>,
        %add3A_384 = arith.constant 13840 : i32
        %add3A_385 = vector.broadcast %add3A_384 : i32 to vector<16xi32>
        %add3A_386 = arith.addi %add3A_297, %add3A_385 : vector<16xi32>
        tpu.vector_store_idx %arg6[%add3A_386], %gather3A_383 : memref<16384xf32, #tpu.memory_space<vmem>>[vector<16xi32>], vector<16xf32>,
        %add3A_387 = arith.constant 64 : i32
        %add3A_388 = vector.broadcast %add3A_387 : i32 to vector<16xi32>
        %add3A_389 = arith.addi %and3A_293, %add3A_388 : vector<16xi32>
        %gather3A_390 = tpu.vector_load_idx %arg5[%add3A_358, %add3A_389] : memref<128x128xf32, #tpu.memory_space<vmem>>[vector<16xi32>, vector<16xi32>], vector<16xf32>,
        %add3A_391 = arith.constant 14352 : i32
        %add3A_392 = vector.broadcast %add3A_391 : i32 to vector<16xi32>
        %add3A_393 = arith.addi %add3A_297, %add3A_392 : vector<16xi32>
        tpu.vector_store_idx %arg6[%add3A_393], %gather3A_390 : memref<16384xf32, #tpu.memory_space<vmem>>[vector<16xi32>], vector<16xf32>,
        %add3A_394 = arith.constant 80 : i32
        %add3A_395 = vector.broadcast %add3A_394 : i32 to vector<16xi32>
        %add3A_396 = arith.addi %and3A_293, %add3A_395 : vector<16xi32>
        %gather3A_397 = tpu.vector_load_idx %arg5[%add3A_358, %add3A_396] : memref<128x128xf32, #tpu.memory_space<vmem>>[vector<16xi32>, vector<16xi32>], vector<16xf32>,
        %add3A_398 = arith.constant 14864 : i32
        %add3A_399 = vector.broadcast %add3A_398 : i32 to vector<16xi32>
        %add3A_400 = arith.addi %add3A_297, %add3A_399 : vector<16xi32>
        tpu.vector_store_idx %arg6[%add3A_400], %gather3A_397 : memref<16384xf32, #tpu.memory_space<vmem>>[vector<16xi32>], vector<16xf32>,
        %add3A_401 = arith.constant 96 : i32
        %add3A_402 = vector.broadcast %add3A_401 : i32 to vector<16xi32>
        %add3A_403 = arith.addi %and3A_293, %add3A_402 : vector<16xi32>
        %gather3A_404 = tpu.vector_load_idx %arg5[%add3A_358, %add3A_403] : memref<128x128xf32, #tpu.memory_space<vmem>>[vector<16xi32>, vector<16xi32>], vector<16xf32>,
        %add3A_405 = arith.constant 15376 : i32
        %add3A_406 = vector.broadcast %add3A_405 : i32 to vector<16xi32>
        %add3A_407 = arith.addi %add3A_297, %add3A_406 : vector<16xi32>
        tpu.vector_store_idx %arg6[%add3A_407], %gather3A_404 : memref<16384xf32, #tpu.memory_space<vmem>>[vector<16xi32>], vector<16xf32>,
        %add3A_408 = arith.constant 112 : i32
        %add3A_409 = vector.broadcast %add3A_408 : i32 to vector<16xi32>
        %add3A_410 = arith.addi %and3A_293, %add3A_409 : vector<16xi32>
        %gather3A_411 = tpu.vector_load_idx %arg5[%add3A_358, %add3A_410] : memref<128x128xf32, #tpu.memory_space<vmem>>[vector<16xi32>, vector<16xi32>], vector<16xf32>,
        %add3A_412 = arith.constant 15888 : i32
        %add3A_413 = vector.broadcast %add3A_412 : i32 to vector<16xi32>
        %add3A_414 = arith.addi %add3A_297, %add3A_413 : vector<16xi32>
        tpu.vector_store_idx %arg6[%add3A_414], %gather3A_411 : memref<16384xf32, #tpu.memory_space<vmem>>[vector<16xi32>], vector<16xf32>,
        %mul3A_415 = arith.constant 2 : i32
        %mul3A_416 = arith.muli %scan3A_285, %mul3A_415 : i32
        %add3A_417 = arith.constant 1 : i32
        %add3A_418 = arith.addi %mul3A_416, %add3A_417 : i32
        %add3A_419 = vector.broadcast %add3A_418 : i32 to vector<16xi32>
        %add3A_420 = arith.addi %iota3A_261, %add3A_419 : vector<16xi32>
        %and3A_421 = arith.constant 15 : i32
        %and3A_422 = vector.broadcast %and3A_421 : i32 to vector<16xi32>
        %and3A_423 = arith.andi %add3A_420, %and3A_422 : vector<16xi32>
        %mul3A_424 = arith.constant 32 : i32
        %mul3A_425 = vector.broadcast %mul3A_424 : i32 to vector<16xi32>
        %mul3A_426 = arith.muli %and3A_423, %mul3A_425 : vector<16xi32>
        %add3A_427 = arith.addi %mul3A_426, %iota3A_261 : vector<16xi32>
        %add3A_428 = arith.constant 96 : i32
        %add3A_429 = vector.broadcast %add3A_428 : i32 to vector<16xi32>
        %add3A_430 = arith.addi %iota3A_261, %add3A_429 : vector<16xi32>
        %add3A_431 = arith.constant 0 : i32
        %add3A_432 = vector.broadcast %add3A_431 : i32 to vector<16xi32>
        %add3A_433 = arith.addi %and3A_423, %add3A_432 : vector<16xi32>
        %gather3A_434 = tpu.vector_load_idx %arg5[%add3A_430, %add3A_433] : memref<128x128xf32, #tpu.memory_space<vmem>>[vector<16xi32>, vector<16xi32>], vector<16xf32>,
        %add3A_435 = arith.constant 12288 : i32
        %add3A_436 = vector.broadcast %add3A_435 : i32 to vector<16xi32>
        %add3A_437 = arith.addi %add3A_427, %add3A_436 : vector<16xi32>
        tpu.vector_store_idx %arg6[%add3A_437], %gather3A_434 : memref<16384xf32, #tpu.memory_space<vmem>>[vector<16xi32>], vector<16xf32>,
        %add3A_438 = arith.constant 16 : i32
        %add3A_439 = vector.broadcast %add3A_438 : i32 to vector<16xi32>
        %add3A_440 = arith.addi %and3A_423, %add3A_439 : vector<16xi32>
        %gather3A_441 = tpu.vector_load_idx %arg5[%add3A_430, %add3A_440] : memref<128x128xf32, #tpu.memory_space<vmem>>[vector<16xi32>, vector<16xi32>], vector<16xf32>,
        %add3A_442 = arith.constant 12800 : i32
        %add3A_443 = vector.broadcast %add3A_442 : i32 to vector<16xi32>
        %add3A_444 = arith.addi %add3A_427, %add3A_443 : vector<16xi32>
        tpu.vector_store_idx %arg6[%add3A_444], %gather3A_441 : memref<16384xf32, #tpu.memory_space<vmem>>[vector<16xi32>], vector<16xf32>,
        %add3A_445 = arith.constant 32 : i32
        %add3A_446 = vector.broadcast %add3A_445 : i32 to vector<16xi32>
        %add3A_447 = arith.addi %and3A_423, %add3A_446 : vector<16xi32>
        %gather3A_448 = tpu.vector_load_idx %arg5[%add3A_430, %add3A_447] : memref<128x128xf32, #tpu.memory_space<vmem>>[vector<16xi32>, vector<16xi32>], vector<16xf32>,
        %add3A_449 = arith.constant 13312 : i32
        %add3A_450 = vector.broadcast %add3A_449 : i32 to vector<16xi32>
        %add3A_451 = arith.addi %add3A_427, %add3A_450 : vector<16xi32>
        tpu.vector_store_idx %arg6[%add3A_451], %gather3A_448 : memref<16384xf32, #tpu.memory_space<vmem>>[vector<16xi32>], vector<16xf32>,
        %add3A_452 = arith.constant 48 : i32
        %add3A_453 = vector.broadcast %add3A_452 : i32 to vector<16xi32>
        %add3A_454 = arith.addi %and3A_423, %add3A_453 : vector<16xi32>
        %gather3A_455 = tpu.vector_load_idx %arg5[%add3A_430, %add3A_454] : memref<128x128xf32, #tpu.memory_space<vmem>>[vector<16xi32>, vector<16xi32>], vector<16xf32>,
        %add3A_456 = arith.constant 13824 : i32
        %add3A_457 = vector.broadcast %add3A_456 : i32 to vector<16xi32>
        %add3A_458 = arith.addi %add3A_427, %add3A_457 : vector<16xi32>
        tpu.vector_store_idx %arg6[%add3A_458], %gather3A_455 : memref<16384xf32, #tpu.memory_space<vmem>>[vector<16xi32>], vector<16xf32>,
        %add3A_459 = arith.constant 64 : i32
        %add3A_460 = vector.broadcast %add3A_459 : i32 to vector<16xi32>
        %add3A_461 = arith.addi %and3A_423, %add3A_460 : vector<16xi32>
        %gather3A_462 = tpu.vector_load_idx %arg5[%add3A_430, %add3A_461] : memref<128x128xf32, #tpu.memory_space<vmem>>[vector<16xi32>, vector<16xi32>], vector<16xf32>,
        %add3A_463 = arith.constant 14336 : i32
        %add3A_464 = vector.broadcast %add3A_463 : i32 to vector<16xi32>
        %add3A_465 = arith.addi %add3A_427, %add3A_464 : vector<16xi32>
        tpu.vector_store_idx %arg6[%add3A_465], %gather3A_462 : memref<16384xf32, #tpu.memory_space<vmem>>[vector<16xi32>], vector<16xf32>,
        %add3A_466 = arith.constant 80 : i32
        %add3A_467 = vector.broadcast %add3A_466 : i32 to vector<16xi32>
        %add3A_468 = arith.addi %and3A_423, %add3A_467 : vector<16xi32>
        %gather3A_469 = tpu.vector_load_idx %arg5[%add3A_430, %add3A_468] : memref<128x128xf32, #tpu.memory_space<vmem>>[vector<16xi32>, vector<16xi32>], vector<16xf32>,
        %add3A_470 = arith.constant 14848 : i32
        %add3A_471 = vector.broadcast %add3A_470 : i32 to vector<16xi32>
        %add3A_472 = arith.addi %add3A_427, %add3A_471 : vector<16xi32>
        tpu.vector_store_idx %arg6[%add3A_472], %gather3A_469 : memref<16384xf32, #tpu.memory_space<vmem>>[vector<16xi32>], vector<16xf32>,
        %add3A_473 = arith.constant 96 : i32
        %add3A_474 = vector.broadcast %add3A_473 : i32 to vector<16xi32>
        %add3A_475 = arith.addi %and3A_423, %add3A_474 : vector<16xi32>
        %gather3A_476 = tpu.vector_load_idx %arg5[%add3A_430, %add3A_475] : memref<128x128xf32, #tpu.memory_space<vmem>>[vector<16xi32>, vector<16xi32>], vector<16xf32>,
        %add3A_477 = arith.constant 15360 : i32
        %add3A_478 = vector.broadcast %add3A_477 : i32 to vector<16xi32>
        %add3A_479 = arith.addi %add3A_427, %add3A_478 : vector<16xi32>
        tpu.vector_store_idx %arg6[%add3A_479], %gather3A_476 : memref<16384xf32, #tpu.memory_space<vmem>>[vector<16xi32>], vector<16xf32>,
        %add3A_480 = arith.constant 112 : i32
        %add3A_481 = vector.broadcast %add3A_480 : i32 to vector<16xi32>
        %add3A_482 = arith.addi %and3A_423, %add3A_481 : vector<16xi32>
        %gather3A_483 = tpu.vector_load_idx %arg5[%add3A_430, %add3A_482] : memref<128x128xf32, #tpu.memory_space<vmem>>[vector<16xi32>, vector<16xi32>], vector<16xf32>,
        %add3A_484 = arith.constant 15872 : i32
        %add3A_485 = vector.broadcast %add3A_484 : i32 to vector<16xi32>
        %add3A_486 = arith.addi %add3A_427, %add3A_485 : vector<16xi32>
        tpu.vector_store_idx %arg6[%add3A_486], %gather3A_483 : memref<16384xf32, #tpu.memory_space<vmem>>[vector<16xi32>], vector<16xf32>,
        %add3A_487 = arith.constant 112 : i32
        %add3A_488 = vector.broadcast %add3A_487 : i32 to vector<16xi32>
        %add3A_489 = arith.addi %iota3A_261, %add3A_488 : vector<16xi32>
        %add3A_490 = arith.constant 0 : i32
        %add3A_491 = vector.broadcast %add3A_490 : i32 to vector<16xi32>
        %add3A_492 = arith.addi %and3A_423, %add3A_491 : vector<16xi32>
        %gather3A_493 = tpu.vector_load_idx %arg5[%add3A_489, %add3A_492] : memref<128x128xf32, #tpu.memory_space<vmem>>[vector<16xi32>, vector<16xi32>], vector<16xf32>,
        %add3A_494 = arith.constant 12304 : i32
        %add3A_495 = vector.broadcast %add3A_494 : i32 to vector<16xi32>
        %add3A_496 = arith.addi %add3A_427, %add3A_495 : vector<16xi32>
        tpu.vector_store_idx %arg6[%add3A_496], %gather3A_493 : memref<16384xf32, #tpu.memory_space<vmem>>[vector<16xi32>], vector<16xf32>,
        %add3A_497 = arith.constant 16 : i32
        %add3A_498 = vector.broadcast %add3A_497 : i32 to vector<16xi32>
        %add3A_499 = arith.addi %and3A_423, %add3A_498 : vector<16xi32>
        %gather3A_500 = tpu.vector_load_idx %arg5[%add3A_489, %add3A_499] : memref<128x128xf32, #tpu.memory_space<vmem>>[vector<16xi32>, vector<16xi32>], vector<16xf32>,
        %add3A_501 = arith.constant 12816 : i32
        %add3A_502 = vector.broadcast %add3A_501 : i32 to vector<16xi32>
        %add3A_503 = arith.addi %add3A_427, %add3A_502 : vector<16xi32>
        tpu.vector_store_idx %arg6[%add3A_503], %gather3A_500 : memref<16384xf32, #tpu.memory_space<vmem>>[vector<16xi32>], vector<16xf32>,
        %add3A_504 = arith.constant 32 : i32
        %add3A_505 = vector.broadcast %add3A_504 : i32 to vector<16xi32>
        %add3A_506 = arith.addi %and3A_423, %add3A_505 : vector<16xi32>
        %gather3A_507 = tpu.vector_load_idx %arg5[%add3A_489, %add3A_506] : memref<128x128xf32, #tpu.memory_space<vmem>>[vector<16xi32>, vector<16xi32>], vector<16xf32>,
        %add3A_508 = arith.constant 13328 : i32
        %add3A_509 = vector.broadcast %add3A_508 : i32 to vector<16xi32>
        %add3A_510 = arith.addi %add3A_427, %add3A_509 : vector<16xi32>
        tpu.vector_store_idx %arg6[%add3A_510], %gather3A_507 : memref<16384xf32, #tpu.memory_space<vmem>>[vector<16xi32>], vector<16xf32>,
        %add3A_511 = arith.constant 48 : i32
        %add3A_512 = vector.broadcast %add3A_511 : i32 to vector<16xi32>
        %add3A_513 = arith.addi %and3A_423, %add3A_512 : vector<16xi32>
        %gather3A_514 = tpu.vector_load_idx %arg5[%add3A_489, %add3A_513] : memref<128x128xf32, #tpu.memory_space<vmem>>[vector<16xi32>, vector<16xi32>], vector<16xf32>,
        %add3A_515 = arith.constant 13840 : i32
        %add3A_516 = vector.broadcast %add3A_515 : i32 to vector<16xi32>
        %add3A_517 = arith.addi %add3A_427, %add3A_516 : vector<16xi32>
        tpu.vector_store_idx %arg6[%add3A_517], %gather3A_514 : memref<16384xf32, #tpu.memory_space<vmem>>[vector<16xi32>], vector<16xf32>,
        %add3A_518 = arith.constant 64 : i32
        %add3A_519 = vector.broadcast %add3A_518 : i32 to vector<16xi32>
        %add3A_520 = arith.addi %and3A_423, %add3A_519 : vector<16xi32>
        %gather3A_521 = tpu.vector_load_idx %arg5[%add3A_489, %add3A_520] : memref<128x128xf32, #tpu.memory_space<vmem>>[vector<16xi32>, vector<16xi32>], vector<16xf32>,
        %add3A_522 = arith.constant 14352 : i32
        %add3A_523 = vector.broadcast %add3A_522 : i32 to vector<16xi32>
        %add3A_524 = arith.addi %add3A_427, %add3A_523 : vector<16xi32>
        tpu.vector_store_idx %arg6[%add3A_524], %gather3A_521 : memref<16384xf32, #tpu.memory_space<vmem>>[vector<16xi32>], vector<16xf32>,
        %add3A_525 = arith.constant 80 : i32
        %add3A_526 = vector.broadcast %add3A_525 : i32 to vector<16xi32>
        %add3A_527 = arith.addi %and3A_423, %add3A_526 : vector<16xi32>
        %gather3A_528 = tpu.vector_load_idx %arg5[%add3A_489, %add3A_527] : memref<128x128xf32, #tpu.memory_space<vmem>>[vector<16xi32>, vector<16xi32>], vector<16xf32>,
        %add3A_529 = arith.constant 14864 : i32
        %add3A_530 = vector.broadcast %add3A_529 : i32 to vector<16xi32>
        %add3A_531 = arith.addi %add3A_427, %add3A_530 : vector<16xi32>
        tpu.vector_store_idx %arg6[%add3A_531], %gather3A_528 : memref<16384xf32, #tpu.memory_space<vmem>>[vector<16xi32>], vector<16xf32>,
        %add3A_532 = arith.constant 96 : i32
        %add3A_533 = vector.broadcast %add3A_532 : i32 to vector<16xi32>
        %add3A_534 = arith.addi %and3A_423, %add3A_533 : vector<16xi32>
        %gather3A_535 = tpu.vector_load_idx %arg5[%add3A_489, %add3A_534] : memref<128x128xf32, #tpu.memory_space<vmem>>[vector<16xi32>, vector<16xi32>], vector<16xf32>,
        %add3A_536 = arith.constant 15376 : i32
        %add3A_537 = vector.broadcast %add3A_536 : i32 to vector<16xi32>
        %add3A_538 = arith.addi %add3A_427, %add3A_537 : vector<16xi32>
        tpu.vector_store_idx %arg6[%add3A_538], %gather3A_535 : memref<16384xf32, #tpu.memory_space<vmem>>[vector<16xi32>], vector<16xf32>,
        %add3A_539 = arith.constant 112 : i32
        %add3A_540 = vector.broadcast %add3A_539 : i32 to vector<16xi32>
        %add3A_541 = arith.addi %and3A_423, %add3A_540 : vector<16xi32>
        %gather3A_542 = tpu.vector_load_idx %arg5[%add3A_489, %add3A_541] : memref<128x128xf32, #tpu.memory_space<vmem>>[vector<16xi32>, vector<16xi32>], vector<16xf32>,
        %add3A_543 = arith.constant 15888 : i32
        %add3A_544 = vector.broadcast %add3A_543 : i32 to vector<16xi32>
        %add3A_545 = arith.addi %add3A_427, %add3A_544 : vector<16xi32>
        tpu.vector_store_idx %arg6[%add3A_545], %gather3A_542 : memref<16384xf32, #tpu.memory_space<vmem>>[vector<16xi32>], vector<16xf32>,
      }
      %scan3A_267 = arith.constant 8 : i32
      %mul3A_268 = arith.constant 128 : i32
      %mul3A_269 = arith.muli %add3A_243, %mul3A_268 : i32
      %min3A_270 = arith.constant 999808 : i32
      %min3A_271 = arith.minsi %mul3A_269, %min3A_270 : i32
      %mul3A_272 = arith.constant 32 : i32
      %mul3A_273 = arith.muli %min3A_271, %mul3A_272 : i32
      %dma_start3A_274 = arith.constant 12288 : i32
      %dma_start3A_275 = tpu.memref_slice %arg6[%dma_start3A_274] : memref<16384xf32, #tpu.memory_space<vmem>> -> memref<4096xf32, #tpu.memory_space<vmem>>
      %dma_start3A_276 = tpu.memref_slice %arg4[%mul3A_273] : memref<32000032xf32, #tpu.memory_space<hbm>> -> memref<4096xf32, #tpu.memory_space<hbm>>
      %dma_start3A_277 = tpu.memref_slice %arg4[%mul3A_273] : memref<32000032xf32, #tpu.memory_space<hbm>> -> memref<4096xf32, #tpu.memory_space<hbm>>
      %dma_start3A_278 = arith.constant 12288 : i32
      %dma_start3A_279 = tpu.memref_slice %arg6[%dma_start3A_278] : memref<16384xf32, #tpu.memory_space<vmem>> -> memref<4096xf32, #tpu.memory_space<vmem>>
      tpu.enqueue_dma source(%dma_start3A_279 : memref<4096xf32, #tpu.memory_space<vmem>>) target(%dma_start3A_277 : memref<4096xf32, #tpu.memory_space<hbm>>) target_semaphore(%arg14 : memref<!tpu.dma_semaphore, #tpu.memory_space<semaphore_mem>>)
      %lt3A_280 = arith.constant 61 : i32
      %lt3A_281 = arith.cmpi slt, %scan3A_103, %lt3A_280 : i32
      %convert_element_type3A_282 = arith.extui %lt3A_281 : i1 to i32
      %cond3A_283 = arith.constant 0 : i32
      %cond3A_284 = arith.cmpi ne, %convert_element_type3A_282, %cond3A_283 : i32
      scf.if %cond3A_284 {
        %add3A_285 = arith.constant 4 : i32
        %add3A_286 = arith.addi %add3A_243, %add3A_285 : i32
        %mul3A_287 = arith.constant 128 : i32
        %mul3A_288 = arith.muli %add3A_286, %mul3A_287 : i32
        %min3A_289 = arith.constant 999808 : i32
        %min3A_290 = arith.minsi %mul3A_288, %min3A_289 : i32
        %dma_start3A_291 = arith.constant 96 : i32
        %dma_start3A_292 = arith.constant 0 : i32
        %dma_start3A_293 = tpu.memref_slice %arg5[%dma_start3A_291, %dma_start3A_292] : memref<128x128xf32, #tpu.memory_space<vmem>> -> memref<32x128xf32, #tpu.memory_space<vmem>>
        %dma_start3A_294 = arith.constant 0 : i32
        %dma_start3A_295 = tpu.memref_slice %arg2[%dma_start3A_294, %min3A_290] : memref<32x1000001xf32, #tpu.memory_space<hbm>> -> memref<32x128xf32, #tpu.memory_space<hbm>>
        %dma_start3A_296 = arith.constant 96 : i32
        %dma_start3A_297 = arith.constant 0 : i32
        %dma_start3A_298 = tpu.memref_slice %arg5[%dma_start3A_296, %dma_start3A_297] : memref<128x128xf32, #tpu.memory_space<vmem>> -> memref<32x128xf32, #tpu.memory_space<vmem>>
        %dma_start3A_299 = arith.constant 0 : i32
        %dma_start3A_300 = tpu.memref_slice %arg2[%dma_start3A_299, %min3A_290] : memref<32x1000001xf32, #tpu.memory_space<hbm>> -> memref<32x128xf32, #tpu.memory_space<hbm>>
        tpu.enqueue_dma source(%dma_start3A_300 : memref<32x128xf32, #tpu.memory_space<hbm>>) target(%dma_start3A_298 : memref<32x128xf32, #tpu.memory_space<vmem>>) target_semaphore(%arg10 : memref<!tpu.dma_semaphore, #tpu.memory_space<semaphore_mem>>)
      } else {
      }
    }
    %scan3A_69 = arith.constant 62 : i32
    %dma_wait3A = arith.constant 0 : i32
    %dma_wait3A_70 = tpu.memref_slice %arg6[%dma_wait3A] : memref<16384xf32, #tpu.memory_space<vmem>> -> memref<4096xf32, #tpu.memory_space<vmem>>
    %dma_wait3A_71 = arith.constant 0 : i32
    %dma_wait3A_72 = tpu.memref_slice %arg4[%dma_wait3A_71] : memref<32000032xf32, #tpu.memory_space<hbm>> -> memref<4096xf32, #tpu.memory_space<hbm>>
    %dma_wait3A_73 = arith.constant 0 : i32
    %dma_wait3A_74 = tpu.memref_slice %arg6[%dma_wait3A_73] : memref<16384xf32, #tpu.memory_space<vmem>> -> memref<4096xf32, #tpu.memory_space<vmem>>
    %dma_wait3A_75 = arith.constant 0 : i32
    %dma_wait3A_76 = tpu.memref_slice %arg4[%dma_wait3A_75] : memref<32000032xf32, #tpu.memory_space<hbm>> -> memref<4096xf32, #tpu.memory_space<hbm>>
    tpu.wait_dma2 semaphore(%arg11 : memref<!tpu.dma_semaphore, #tpu.memory_space<semaphore_mem>>) src(%dma_wait3A_76 : memref<4096xf32, #tpu.memory_space<hbm>>) dst(%dma_wait3A_74 : memref<4096xf32, #tpu.memory_space<vmem>>)
    %dma_wait3A_77 = arith.constant 4096 : i32
    %dma_wait3A_78 = tpu.memref_slice %arg6[%dma_wait3A_77] : memref<16384xf32, #tpu.memory_space<vmem>> -> memref<4096xf32, #tpu.memory_space<vmem>>
    %dma_wait3A_79 = arith.constant 0 : i32
    %dma_wait3A_80 = tpu.memref_slice %arg4[%dma_wait3A_79] : memref<32000032xf32, #tpu.memory_space<hbm>> -> memref<4096xf32, #tpu.memory_space<hbm>>
    %dma_wait3A_81 = arith.constant 4096 : i32
    %dma_wait3A_82 = tpu.memref_slice %arg6[%dma_wait3A_81] : memref<16384xf32, #tpu.memory_space<vmem>> -> memref<4096xf32, #tpu.memory_space<vmem>>
    %dma_wait3A_83 = arith.constant 0 : i32
    %dma_wait3A_84 = tpu.memref_slice %arg4[%dma_wait3A_83] : memref<32000032xf32, #tpu.memory_space<hbm>> -> memref<4096xf32, #tpu.memory_space<hbm>>
    tpu.wait_dma2 semaphore(%arg12 : memref<!tpu.dma_semaphore, #tpu.memory_space<semaphore_mem>>) src(%dma_wait3A_84 : memref<4096xf32, #tpu.memory_space<hbm>>) dst(%dma_wait3A_82 : memref<4096xf32, #tpu.memory_space<vmem>>)
    %dma_wait3A_85 = arith.constant 8192 : i32
    %dma_wait3A_86 = tpu.memref_slice %arg6[%dma_wait3A_85] : memref<16384xf32, #tpu.memory_space<vmem>> -> memref<4096xf32, #tpu.memory_space<vmem>>
    %dma_wait3A_87 = arith.constant 0 : i32
    %dma_wait3A_88 = tpu.memref_slice %arg4[%dma_wait3A_87] : memref<32000032xf32, #tpu.memory_space<hbm>> -> memref<4096xf32, #tpu.memory_space<hbm>>
    %dma_wait3A_89 = arith.constant 8192 : i32
    %dma_wait3A_90 = tpu.memref_slice %arg6[%dma_wait3A_89] : memref<16384xf32, #tpu.memory_space<vmem>> -> memref<4096xf32, #tpu.memory_space<vmem>>
    %dma_wait3A_91 = arith.constant 0 : i32
    %dma_wait3A_92 = tpu.memref_slice %arg4[%dma_wait3A_91] : memref<32000032xf32, #tpu.memory_space<hbm>> -> memref<4096xf32, #tpu.memory_space<hbm>>
    tpu.wait_dma2 semaphore(%arg13 : memref<!tpu.dma_semaphore, #tpu.memory_space<semaphore_mem>>) src(%dma_wait3A_92 : memref<4096xf32, #tpu.memory_space<hbm>>) dst(%dma_wait3A_90 : memref<4096xf32, #tpu.memory_space<vmem>>)
    %dma_wait3A_93 = arith.constant 12288 : i32
    %dma_wait3A_94 = tpu.memref_slice %arg6[%dma_wait3A_93] : memref<16384xf32, #tpu.memory_space<vmem>> -> memref<4096xf32, #tpu.memory_space<vmem>>
    %dma_wait3A_95 = arith.constant 0 : i32
    %dma_wait3A_96 = tpu.memref_slice %arg4[%dma_wait3A_95] : memref<32000032xf32, #tpu.memory_space<hbm>> -> memref<4096xf32, #tpu.memory_space<hbm>>
    %dma_wait3A_97 = arith.constant 12288 : i32
    %dma_wait3A_98 = tpu.memref_slice %arg6[%dma_wait3A_97] : memref<16384xf32, #tpu.memory_space<vmem>> -> memref<4096xf32, #tpu.memory_space<vmem>>
    %dma_wait3A_99 = arith.constant 0 : i32
    %dma_wait3A_100 = tpu.memref_slice %arg4[%dma_wait3A_99] : memref<32000032xf32, #tpu.memory_space<hbm>> -> memref<4096xf32, #tpu.memory_space<hbm>>
    tpu.wait_dma2 semaphore(%arg14 : memref<!tpu.dma_semaphore, #tpu.memory_space<semaphore_mem>>) src(%dma_wait3A_100 : memref<4096xf32, #tpu.memory_space<hbm>>) dst(%dma_wait3A_98 : memref<4096xf32, #tpu.memory_space<vmem>>)
    %eq3A = arith.constant 0 : i32
    %eq3A_101 = arith.cmpi eq, %add3A, %eq3A : i32
    %convert_element_type3A = arith.extui %eq3A_101 : i1 to i32
    %cond3A = arith.constant 0 : i32
    %cond3A_102 = arith.cmpi ne, %convert_element_type3A, %cond3A : i32
    scf.if %cond3A_102 {
      "tpu.region"() ({
        %run_scoped3A = tpu.sem_alloc : memref<!tpu.dma_semaphore, #tpu.memory_space<semaphore_mem>>
        %dma_start3A_103 = arith.constant 0 : i32
        %dma_start3A_104 = tpu.memref_slice %arg6[%dma_start3A_103] : memref<16384xf32, #tpu.memory_space<vmem>> -> memref<2080xf32, #tpu.memory_space<vmem>>
        %dma_start3A_105 = arith.constant 0 : i32
        %dma_start3A_106 = tpu.memref_slice %arg6[%dma_start3A_105] : memref<16384xf32, #tpu.memory_space<vmem>> -> memref<2080xf32, #tpu.memory_space<vmem>>
        tpu.enqueue_dma source(%arg3 : memref<2080xf32, #tpu.memory_space<hbm>>) target(%dma_start3A_106 : memref<2080xf32, #tpu.memory_space<vmem>>) target_semaphore(%run_scoped3A : memref<!tpu.dma_semaphore, #tpu.memory_space<semaphore_mem>>)
        %dma_wait3A_107 = arith.constant 0 : i32
        %dma_wait3A_108 = tpu.memref_slice %arg6[%dma_wait3A_107] : memref<16384xf32, #tpu.memory_space<vmem>> -> memref<2080xf32, #tpu.memory_space<vmem>>
        %dma_wait3A_109 = arith.constant 0 : i32
        %dma_wait3A_110 = tpu.memref_slice %arg6[%dma_wait3A_109] : memref<16384xf32, #tpu.memory_space<vmem>> -> memref<2080xf32, #tpu.memory_space<vmem>>
        tpu.wait_dma2 semaphore(%run_scoped3A : memref<!tpu.dma_semaphore, #tpu.memory_space<semaphore_mem>>) src(%arg3 : memref<2080xf32, #tpu.memory_space<hbm>>) dst(%dma_wait3A_110 : memref<2080xf32, #tpu.memory_space<vmem>>)
        tpu.yield
      }) : () -> ()
      "tpu.region"() ({
        %run_scoped3A = tpu.sem_alloc : memref<!tpu.dma_semaphore, #tpu.memory_space<semaphore_mem>>
        %dma_start3A_103 = arith.constant 0 : i32
        %dma_start3A_104 = tpu.memref_slice %arg6[%dma_start3A_103] : memref<16384xf32, #tpu.memory_space<vmem>> -> memref<2080xf32, #tpu.memory_space<vmem>>
        %dma_start3A_105 = arith.constant 31997952 : i32
        %dma_start3A_106 = tpu.memref_slice %arg4[%dma_start3A_105] : memref<32000032xf32, #tpu.memory_space<hbm>> -> memref<2080xf32, #tpu.memory_space<hbm>>
        %dma_start3A_107 = arith.constant 31997952 : i32
        %dma_start3A_108 = tpu.memref_slice %arg4[%dma_start3A_107] : memref<32000032xf32, #tpu.memory_space<hbm>> -> memref<2080xf32, #tpu.memory_space<hbm>>
        %dma_start3A_109 = arith.constant 0 : i32
        %dma_start3A_110 = tpu.memref_slice %arg6[%dma_start3A_109] : memref<16384xf32, #tpu.memory_space<vmem>> -> memref<2080xf32, #tpu.memory_space<vmem>>
        tpu.enqueue_dma source(%dma_start3A_110 : memref<2080xf32, #tpu.memory_space<vmem>>) target(%dma_start3A_108 : memref<2080xf32, #tpu.memory_space<hbm>>) target_semaphore(%run_scoped3A : memref<!tpu.dma_semaphore, #tpu.memory_space<semaphore_mem>>)
        %dma_wait3A_111 = arith.constant 0 : i32
        %dma_wait3A_112 = tpu.memref_slice %arg6[%dma_wait3A_111] : memref<16384xf32, #tpu.memory_space<vmem>> -> memref<2080xf32, #tpu.memory_space<vmem>>
        %dma_wait3A_113 = arith.constant 31997952 : i32
        %dma_wait3A_114 = tpu.memref_slice %arg4[%dma_wait3A_113] : memref<32000032xf32, #tpu.memory_space<hbm>> -> memref<2080xf32, #tpu.memory_space<hbm>>
        %dma_wait3A_115 = arith.constant 31997952 : i32
        %dma_wait3A_116 = tpu.memref_slice %arg4[%dma_wait3A_115] : memref<32000032xf32, #tpu.memory_space<hbm>> -> memref<2080xf32, #tpu.memory_space<hbm>>
        %dma_wait3A_117 = arith.constant 0 : i32
        %dma_wait3A_118 = tpu.memref_slice %arg6[%dma_wait3A_117] : memref<16384xf32, #tpu.memory_space<vmem>> -> memref<2080xf32, #tpu.memory_space<vmem>>
        tpu.wait_dma2 semaphore(%run_scoped3A : memref<!tpu.dma_semaphore, #tpu.memory_space<semaphore_mem>>) src(%dma_wait3A_118 : memref<2080xf32, #tpu.memory_space<vmem>>) dst(%dma_wait3A_116 : memref<2080xf32, #tpu.memory_space<hbm>>)
        tpu.yield
      }) : () -> ()
    } else {
    }
    return
  }
}

#map = affine_map<(d0, d1) -> (0, 0)>
#map1 = affine_map<(d0, d1) -> (0)>
module attributes {stable_mosaic.version = 14 : i64} {
  func.func @_gather_body(%arg0: i32, %arg1: i32, %arg2: memref<50x4096xi32, #tpu.memory_space<hbm>>, %arg3: memref<1000001x32xf32, #tpu.memory_space<hbm>>, %arg4: memref<6553600xf32, #tpu.memory_space<hbm>>, %arg5: memref<50x128xi32, #tpu.memory_space<vmem>>, %arg6: memref<2x128x32xf32, #tpu.memory_space<vmem>>, %arg7: memref<8192xf32, #tpu.memory_space<vmem>>, %arg8: memref<!tpu.dma_semaphore, #tpu.memory_space<semaphore_mem>>, %arg9: memref<!tpu.dma_semaphore, #tpu.memory_space<semaphore_mem>>, %arg10: memref<!tpu.dma_semaphore, #tpu.memory_space<semaphore_mem>>, %arg11: memref<!tpu.dma_semaphore, #tpu.memory_space<semaphore_mem>>) attributes {dimension_semantics = [#tpu.dimension_semantics<core_parallel>, #tpu.dimension_semantics<subcore_parallel>], iteration_bounds = array<i64: 2, 16>, scalar_prefetch = 0 : i64, scratch_operands = 7 : i64, tpu.core_type = #tpu.core_type<sc_vector_subcore>, window_params = [{transform_indices = #map}, {transform_indices = #map}, {transform_indices = #map1}]} {
    %mul3A = arith.constant 2 : i32
    %mul3A_0 = arith.muli %arg1, %mul3A : i32
    %add3A = arith.addi %mul3A_0, %arg0 : i32
    %mul3A_1 = arith.constant 128 : i32
    %mul3A_2 = arith.muli %add3A, %mul3A_1 : i32
    "tpu.region"() ({
      %run_scoped3A = tpu.sem_alloc : memref<!tpu.dma_semaphore, #tpu.memory_space<semaphore_mem>>
      %dma_start3A_46 = arith.constant 0 : i32
      %dma_start3A_47 = tpu.memref_slice %arg2[%dma_start3A_46, %mul3A_2] : memref<50x4096xi32, #tpu.memory_space<hbm>> -> memref<50x128xi32, #tpu.memory_space<hbm>>
      %dma_start3A_48 = arith.constant 0 : i32
      %dma_start3A_49 = tpu.memref_slice %arg2[%dma_start3A_48, %mul3A_2] : memref<50x4096xi32, #tpu.memory_space<hbm>> -> memref<50x128xi32, #tpu.memory_space<hbm>>
      tpu.enqueue_dma source(%dma_start3A_49 : memref<50x128xi32, #tpu.memory_space<hbm>>) target(%arg5 : memref<50x128xi32, #tpu.memory_space<vmem>>) target_semaphore(%run_scoped3A : memref<!tpu.dma_semaphore, #tpu.memory_space<semaphore_mem>>)
      %dma_wait3A_50 = arith.constant 0 : i32
      %dma_wait3A_51 = tpu.memref_slice %arg2[%dma_wait3A_50, %mul3A_2] : memref<50x4096xi32, #tpu.memory_space<hbm>> -> memref<50x128xi32, #tpu.memory_space<hbm>>
      %dma_wait3A_52 = arith.constant 0 : i32
      %dma_wait3A_53 = tpu.memref_slice %arg2[%dma_wait3A_52, %mul3A_2] : memref<50x4096xi32, #tpu.memory_space<hbm>> -> memref<50x128xi32, #tpu.memory_space<hbm>>
      tpu.wait_dma2 semaphore(%run_scoped3A : memref<!tpu.dma_semaphore, #tpu.memory_space<semaphore_mem>>) src(%dma_wait3A_53 : memref<50x128xi32, #tpu.memory_space<hbm>>) dst(%arg5 : memref<50x128xi32, #tpu.memory_space<vmem>>)
      tpu.yield
    }) : () -> ()
    %dma_start3A = arith.constant 0 : i32
    %dma_start3A_3 = arith.constant 0 : i32
    %dma_start3A_4 = arith.constant 0 : i32
    %dma_start3A_5 = arith.constant 0 : i32
    %dma_start3A_6 = tpu.memref_slice %arg6[%dma_start3A_3, %dma_start3A_4, %dma_start3A_5] : memref<2x128x32xf32, #tpu.memory_space<vmem>> -> memref<1x128x32xf32, #tpu.memory_space<vmem>>
    %dma_start3A_7 = tpu.memref_squeeze %dma_start3A_6 : memref<1x128x32xf32, #tpu.memory_space<vmem>> -> memref<128x32xf32, #tpu.memory_space<vmem>>
    %dma_start3A_8 = arith.constant 0 : i32
    %dma_start3A_9 = tpu.memref_slice %arg5[%dma_start3A, %dma_start3A_8] : memref<50x128xi32, #tpu.memory_space<vmem>> -> memref<1x128xi32, #tpu.memory_space<vmem>>
    %dma_start3A_10 = tpu.memref_squeeze %dma_start3A_9 : memref<1x128xi32, #tpu.memory_space<vmem>> -> memref<128xi32, #tpu.memory_space<vmem>>
    %dma_start3A_11 = arith.constant 0 : i32
    %dma_start3A_12 = arith.constant 0 : i32
    %dma_start3A_13 = tpu.memref_slice %arg3[%dma_start3A_11, %dma_start3A_12] : memref<1000001x32xf32, #tpu.memory_space<hbm>> -> memref<1000001x32xf32, #tpu.memory_space<hbm>>
    tpu.enqueue_indirect_dma source(%dma_start3A_13 : memref<1000001x32xf32, #tpu.memory_space<hbm>>) target(%dma_start3A_7 : memref<128x32xf32, #tpu.memory_space<vmem>>) offsets(%dma_start3A_10 : memref<128xi32, #tpu.memory_space<vmem>>) semaphore(%arg8 : memref<!tpu.dma_semaphore, #tpu.memory_space<semaphore_mem>>)
    %dma_start3A_14 = arith.constant 1 : i32
    %dma_start3A_15 = arith.constant 1 : i32
    %dma_start3A_16 = arith.constant 0 : i32
    %dma_start3A_17 = arith.constant 0 : i32
    %dma_start3A_18 = tpu.memref_slice %arg6[%dma_start3A_15, %dma_start3A_16, %dma_start3A_17] : memref<2x128x32xf32, #tpu.memory_space<vmem>> -> memref<1x128x32xf32, #tpu.memory_space<vmem>>
    %dma_start3A_19 = tpu.memref_squeeze %dma_start3A_18 : memref<1x128x32xf32, #tpu.memory_space<vmem>> -> memref<128x32xf32, #tpu.memory_space<vmem>>
    %dma_start3A_20 = arith.constant 0 : i32
    %dma_start3A_21 = tpu.memref_slice %arg5[%dma_start3A_14, %dma_start3A_20] : memref<50x128xi32, #tpu.memory_space<vmem>> -> memref<1x128xi32, #tpu.memory_space<vmem>>
    %dma_start3A_22 = tpu.memref_squeeze %dma_start3A_21 : memref<1x128xi32, #tpu.memory_space<vmem>> -> memref<128xi32, #tpu.memory_space<vmem>>
    %dma_start3A_23 = arith.constant 0 : i32
    %dma_start3A_24 = arith.constant 0 : i32
    %dma_start3A_25 = tpu.memref_slice %arg3[%dma_start3A_23, %dma_start3A_24] : memref<1000001x32xf32, #tpu.memory_space<hbm>> -> memref<1000001x32xf32, #tpu.memory_space<hbm>>
    tpu.enqueue_indirect_dma source(%dma_start3A_25 : memref<1000001x32xf32, #tpu.memory_space<hbm>>) target(%dma_start3A_19 : memref<128x32xf32, #tpu.memory_space<vmem>>) offsets(%dma_start3A_22 : memref<128xi32, #tpu.memory_space<vmem>>) semaphore(%arg9 : memref<!tpu.dma_semaphore, #tpu.memory_space<semaphore_mem>>)
    %scan3A = arith.constant 0 : i32
    %scan3A_26 = arith.constant 0 : i32
    %scan3A_27 = arith.constant 25 : i32
    %scan3A_28 = arith.addi %scan3A_26, %scan3A_27 : i32
    %scan3A_29 = arith.constant 1 : i32
    scf.for %scan3A_46 = %scan3A_26 to %scan3A_28 step %scan3A_29  : i32 {
      %mul3A_47 = arith.constant 2 : i32
      %mul3A_48 = arith.muli %mul3A_47, %scan3A_46 : i32
      %add3A_49 = arith.constant 0 : i32
      %add3A_50 = arith.addi %mul3A_48, %add3A_49 : i32
      %dma_wait3A_51 = arith.constant 0 : i32
      %dma_wait3A_52 = arith.constant 0 : i32
      %dma_wait3A_53 = arith.constant 0 : i32
      %dma_wait3A_54 = tpu.memref_slice %arg6[%dma_wait3A_51, %dma_wait3A_52, %dma_wait3A_53] : memref<2x128x32xf32, #tpu.memory_space<vmem>> -> memref<1x128x32xf32, #tpu.memory_space<vmem>>
      %dma_wait3A_55 = tpu.memref_squeeze %dma_wait3A_54 : memref<1x128x32xf32, #tpu.memory_space<vmem>> -> memref<128x32xf32, #tpu.memory_space<vmem>>
      %dma_wait3A_56 = arith.constant 0 : i32
      %dma_wait3A_57 = arith.constant 0 : i32
      %dma_wait3A_58 = tpu.memref_slice %arg3[%dma_wait3A_56, %dma_wait3A_57] : memref<1000001x32xf32, #tpu.memory_space<hbm>> -> memref<128x32xf32, #tpu.memory_space<hbm>>
      %dma_wait3A_59 = arith.constant 0 : i32
      %dma_wait3A_60 = arith.constant 0 : i32
      %dma_wait3A_61 = tpu.memref_slice %arg6[%dma_wait3A_51, %dma_wait3A_59, %dma_wait3A_60] : memref<2x128x32xf32, #tpu.memory_space<vmem>> -> memref<1x128x32xf32, #tpu.memory_space<vmem>>
      %dma_wait3A_62 = tpu.memref_squeeze %dma_wait3A_61 : memref<1x128x32xf32, #tpu.memory_space<vmem>> -> memref<128x32xf32, #tpu.memory_space<vmem>>
      %dma_wait3A_63 = arith.constant 0 : i32
      %dma_wait3A_64 = arith.constant 0 : i32
      %dma_wait3A_65 = tpu.memref_slice %arg3[%dma_wait3A_63, %dma_wait3A_64] : memref<1000001x32xf32, #tpu.memory_space<hbm>> -> memref<128x32xf32, #tpu.memory_space<hbm>>
      tpu.wait_dma2 semaphore(%arg8 : memref<!tpu.dma_semaphore, #tpu.memory_space<semaphore_mem>>) src(%dma_wait3A_65 : memref<128x32xf32, #tpu.memory_space<hbm>>) dst(%dma_wait3A_62 : memref<128x32xf32, #tpu.memory_space<vmem>>)
      %ge3A = arith.constant 1 : i32
      %ge3A_66 = arith.cmpi sge, %scan3A_46, %ge3A : i32
      %convert_element_type3A = arith.extui %ge3A_66 : i1 to i32
      %cond3A = arith.constant 0 : i32
      %cond3A_67 = arith.cmpi ne, %convert_element_type3A, %cond3A : i32
      scf.if %cond3A_67 {
        %dma_wait3A_234 = arith.constant 0 : i32
        %dma_wait3A_235 = tpu.memref_slice %arg7[%dma_wait3A_234] : memref<8192xf32, #tpu.memory_space<vmem>> -> memref<4096xf32, #tpu.memory_space<vmem>>
        %dma_wait3A_236 = arith.constant 0 : i32
        %dma_wait3A_237 = tpu.memref_slice %arg4[%dma_wait3A_236] : memref<6553600xf32, #tpu.memory_space<hbm>> -> memref<4096xf32, #tpu.memory_space<hbm>>
        %dma_wait3A_238 = arith.constant 0 : i32
        %dma_wait3A_239 = tpu.memref_slice %arg7[%dma_wait3A_238] : memref<8192xf32, #tpu.memory_space<vmem>> -> memref<4096xf32, #tpu.memory_space<vmem>>
        %dma_wait3A_240 = arith.constant 0 : i32
        %dma_wait3A_241 = tpu.memref_slice %arg4[%dma_wait3A_240] : memref<6553600xf32, #tpu.memory_space<hbm>> -> memref<4096xf32, #tpu.memory_space<hbm>>
        tpu.wait_dma2 semaphore(%arg10 : memref<!tpu.dma_semaphore, #tpu.memory_space<semaphore_mem>>) src(%dma_wait3A_241 : memref<4096xf32, #tpu.memory_space<hbm>>) dst(%dma_wait3A_239 : memref<4096xf32, #tpu.memory_space<vmem>>)
      } else {
      }
      %iota3A = tpu.iota {dimensions = array<i32: 0>} : vector<16xi32>
      %scan3A_68 = arith.constant 0 : i32
      %scan3A_69 = arith.constant 0 : i32
      %scan3A_70 = arith.constant 8 : i32
      %scan3A_71 = arith.addi %scan3A_69, %scan3A_70 : i32
      %scan3A_72 = arith.constant 1 : i32
      scf.for %scan3A_234 = %scan3A_69 to %scan3A_71 step %scan3A_72  : i32 {
        %mul3A_235 = arith.constant 2 : i32
        %mul3A_236 = arith.muli %scan3A_234, %mul3A_235 : i32
        %add3A_237 = arith.constant 0 : i32
        %add3A_238 = arith.addi %mul3A_236, %add3A_237 : i32
        %add3A_239 = vector.broadcast %add3A_238 : i32 to vector<16xi32>
        %add3A_240 = arith.addi %iota3A, %add3A_239 : vector<16xi32>
        %and3A = arith.constant 15 : i32
        %and3A_241 = vector.broadcast %and3A : i32 to vector<16xi32>
        %and3A_242 = arith.andi %add3A_240, %and3A_241 : vector<16xi32>
        %add3A_243 = arith.constant 0 : i32
        %add3A_244 = vector.broadcast %add3A_243 : i32 to vector<16xi32>
        %add3A_245 = arith.addi %iota3A, %add3A_244 : vector<16xi32>
        %mul3A_246 = arith.constant 128 : i32
        %mul3A_247 = vector.broadcast %mul3A_246 : i32 to vector<16xi32>
        %mul3A_248 = arith.muli %add3A_245, %mul3A_247 : vector<16xi32>
        %add3A_249 = arith.addi %mul3A_248, %and3A_242 : vector<16xi32>
        %add3A_250 = arith.constant 0 : i32
        %add3A_251 = vector.broadcast %add3A_250 : i32 to vector<16xi32>
        %add3A_252 = arith.addi %and3A_242, %add3A_251 : vector<16xi32>
        %add3A_253 = arith.constant 0 : i32
        %add3A_254 = vector.broadcast %add3A_253 : i32 to vector<16xi32>
        %add3A_255 = arith.addi %iota3A, %add3A_254 : vector<16xi32>
        %gather3A = arith.constant 0 : i32
        %gather3A_256 = arith.constant 0 : i32
        %gather3A_257 = arith.constant 0 : i32
        %gather3A_258 = tpu.memref_slice %arg6[%gather3A, %gather3A_256, %gather3A_257] : memref<2x128x32xf32, #tpu.memory_space<vmem>> -> memref<1x128x32xf32, #tpu.memory_space<vmem>>
        %gather3A_259 = tpu.memref_squeeze %gather3A_258 : memref<1x128x32xf32, #tpu.memory_space<vmem>> -> memref<128x32xf32, #tpu.memory_space<vmem>>
        %gather3A_260 = tpu.vector_load_idx %gather3A_259[%add3A_252, %add3A_255] : memref<128x32xf32, #tpu.memory_space<vmem>>[vector<16xi32>, vector<16xi32>], vector<16xf32>,
        %add3A_261 = arith.constant 0 : i32
        %add3A_262 = vector.broadcast %add3A_261 : i32 to vector<16xi32>
        %add3A_263 = arith.addi %add3A_249, %add3A_262 : vector<16xi32>
        tpu.vector_store_idx %arg7[%add3A_263], %gather3A_260 : memref<8192xf32, #tpu.memory_space<vmem>>[vector<16xi32>], vector<16xf32>,
        %add3A_264 = arith.constant 16 : i32
        %add3A_265 = vector.broadcast %add3A_264 : i32 to vector<16xi32>
        %add3A_266 = arith.addi %and3A_242, %add3A_265 : vector<16xi32>
        %add3A_267 = arith.constant 0 : i32
        %add3A_268 = vector.broadcast %add3A_267 : i32 to vector<16xi32>
        %add3A_269 = arith.addi %iota3A, %add3A_268 : vector<16xi32>
        %gather3A_270 = arith.constant 0 : i32
        %gather3A_271 = arith.constant 0 : i32
        %gather3A_272 = arith.constant 0 : i32
        %gather3A_273 = tpu.memref_slice %arg6[%gather3A_270, %gather3A_271, %gather3A_272] : memref<2x128x32xf32, #tpu.memory_space<vmem>> -> memref<1x128x32xf32, #tpu.memory_space<vmem>>
        %gather3A_274 = tpu.memref_squeeze %gather3A_273 : memref<1x128x32xf32, #tpu.memory_space<vmem>> -> memref<128x32xf32, #tpu.memory_space<vmem>>
        %gather3A_275 = tpu.vector_load_idx %gather3A_274[%add3A_266, %add3A_269] : memref<128x32xf32, #tpu.memory_space<vmem>>[vector<16xi32>, vector<16xi32>], vector<16xf32>,
        %add3A_276 = arith.constant 16 : i32
        %add3A_277 = vector.broadcast %add3A_276 : i32 to vector<16xi32>
        %add3A_278 = arith.addi %add3A_249, %add3A_277 : vector<16xi32>
        tpu.vector_store_idx %arg7[%add3A_278], %gather3A_275 : memref<8192xf32, #tpu.memory_space<vmem>>[vector<16xi32>], vector<16xf32>,
        %add3A_279 = arith.constant 32 : i32
        %add3A_280 = vector.broadcast %add3A_279 : i32 to vector<16xi32>
        %add3A_281 = arith.addi %and3A_242, %add3A_280 : vector<16xi32>
        %add3A_282 = arith.constant 0 : i32
        %add3A_283 = vector.broadcast %add3A_282 : i32 to vector<16xi32>
        %add3A_284 = arith.addi %iota3A, %add3A_283 : vector<16xi32>
        %gather3A_285 = arith.constant 0 : i32
        %gather3A_286 = arith.constant 0 : i32
        %gather3A_287 = arith.constant 0 : i32
        %gather3A_288 = tpu.memref_slice %arg6[%gather3A_285, %gather3A_286, %gather3A_287] : memref<2x128x32xf32, #tpu.memory_space<vmem>> -> memref<1x128x32xf32, #tpu.memory_space<vmem>>
        %gather3A_289 = tpu.memref_squeeze %gather3A_288 : memref<1x128x32xf32, #tpu.memory_space<vmem>> -> memref<128x32xf32, #tpu.memory_space<vmem>>
        %gather3A_290 = tpu.vector_load_idx %gather3A_289[%add3A_281, %add3A_284] : memref<128x32xf32, #tpu.memory_space<vmem>>[vector<16xi32>, vector<16xi32>], vector<16xf32>,
        %add3A_291 = arith.constant 32 : i32
        %add3A_292 = vector.broadcast %add3A_291 : i32 to vector<16xi32>
        %add3A_293 = arith.addi %add3A_249, %add3A_292 : vector<16xi32>
        tpu.vector_store_idx %arg7[%add3A_293], %gather3A_290 : memref<8192xf32, #tpu.memory_space<vmem>>[vector<16xi32>], vector<16xf32>,
        %add3A_294 = arith.constant 48 : i32
        %add3A_295 = vector.broadcast %add3A_294 : i32 to vector<16xi32>
        %add3A_296 = arith.addi %and3A_242, %add3A_295 : vector<16xi32>
        %add3A_297 = arith.constant 0 : i32
        %add3A_298 = vector.broadcast %add3A_297 : i32 to vector<16xi32>
        %add3A_299 = arith.addi %iota3A, %add3A_298 : vector<16xi32>
        %gather3A_300 = arith.constant 0 : i32
        %gather3A_301 = arith.constant 0 : i32
        %gather3A_302 = arith.constant 0 : i32
        %gather3A_303 = tpu.memref_slice %arg6[%gather3A_300, %gather3A_301, %gather3A_302] : memref<2x128x32xf32, #tpu.memory_space<vmem>> -> memref<1x128x32xf32, #tpu.memory_space<vmem>>
        %gather3A_304 = tpu.memref_squeeze %gather3A_303 : memref<1x128x32xf32, #tpu.memory_space<vmem>> -> memref<128x32xf32, #tpu.memory_space<vmem>>
        %gather3A_305 = tpu.vector_load_idx %gather3A_304[%add3A_296, %add3A_299] : memref<128x32xf32, #tpu.memory_space<vmem>>[vector<16xi32>, vector<16xi32>], vector<16xf32>,
        %add3A_306 = arith.constant 48 : i32
        %add3A_307 = vector.broadcast %add3A_306 : i32 to vector<16xi32>
        %add3A_308 = arith.addi %add3A_249, %add3A_307 : vector<16xi32>
        tpu.vector_store_idx %arg7[%add3A_308], %gather3A_305 : memref<8192xf32, #tpu.memory_space<vmem>>[vector<16xi32>], vector<16xf32>,
        %add3A_309 = arith.constant 64 : i32
        %add3A_310 = vector.broadcast %add3A_309 : i32 to vector<16xi32>
        %add3A_311 = arith.addi %and3A_242, %add3A_310 : vector<16xi32>
        %add3A_312 = arith.constant 0 : i32
        %add3A_313 = vector.broadcast %add3A_312 : i32 to vector<16xi32>
        %add3A_314 = arith.addi %iota3A, %add3A_313 : vector<16xi32>
        %gather3A_315 = arith.constant 0 : i32
        %gather3A_316 = arith.constant 0 : i32
        %gather3A_317 = arith.constant 0 : i32
        %gather3A_318 = tpu.memref_slice %arg6[%gather3A_315, %gather3A_316, %gather3A_317] : memref<2x128x32xf32, #tpu.memory_space<vmem>> -> memref<1x128x32xf32, #tpu.memory_space<vmem>>
        %gather3A_319 = tpu.memref_squeeze %gather3A_318 : memref<1x128x32xf32, #tpu.memory_space<vmem>> -> memref<128x32xf32, #tpu.memory_space<vmem>>
        %gather3A_320 = tpu.vector_load_idx %gather3A_319[%add3A_311, %add3A_314] : memref<128x32xf32, #tpu.memory_space<vmem>>[vector<16xi32>, vector<16xi32>], vector<16xf32>,
        %add3A_321 = arith.constant 64 : i32
        %add3A_322 = vector.broadcast %add3A_321 : i32 to vector<16xi32>
        %add3A_323 = arith.addi %add3A_249, %add3A_322 : vector<16xi32>
        tpu.vector_store_idx %arg7[%add3A_323], %gather3A_320 : memref<8192xf32, #tpu.memory_space<vmem>>[vector<16xi32>], vector<16xf32>,
        %add3A_324 = arith.constant 80 : i32
        %add3A_325 = vector.broadcast %add3A_324 : i32 to vector<16xi32>
        %add3A_326 = arith.addi %and3A_242, %add3A_325 : vector<16xi32>
        %add3A_327 = arith.constant 0 : i32
        %add3A_328 = vector.broadcast %add3A_327 : i32 to vector<16xi32>
        %add3A_329 = arith.addi %iota3A, %add3A_328 : vector<16xi32>
        %gather3A_330 = arith.constant 0 : i32
        %gather3A_331 = arith.constant 0 : i32
        %gather3A_332 = arith.constant 0 : i32
        %gather3A_333 = tpu.memref_slice %arg6[%gather3A_330, %gather3A_331, %gather3A_332] : memref<2x128x32xf32, #tpu.memory_space<vmem>> -> memref<1x128x32xf32, #tpu.memory_space<vmem>>
        %gather3A_334 = tpu.memref_squeeze %gather3A_333 : memref<1x128x32xf32, #tpu.memory_space<vmem>> -> memref<128x32xf32, #tpu.memory_space<vmem>>
        %gather3A_335 = tpu.vector_load_idx %gather3A_334[%add3A_326, %add3A_329] : memref<128x32xf32, #tpu.memory_space<vmem>>[vector<16xi32>, vector<16xi32>], vector<16xf32>,
        %add3A_336 = arith.constant 80 : i32
        %add3A_337 = vector.broadcast %add3A_336 : i32 to vector<16xi32>
        %add3A_338 = arith.addi %add3A_249, %add3A_337 : vector<16xi32>
        tpu.vector_store_idx %arg7[%add3A_338], %gather3A_335 : memref<8192xf32, #tpu.memory_space<vmem>>[vector<16xi32>], vector<16xf32>,
        %add3A_339 = arith.constant 96 : i32
        %add3A_340 = vector.broadcast %add3A_339 : i32 to vector<16xi32>
        %add3A_341 = arith.addi %and3A_242, %add3A_340 : vector<16xi32>
        %add3A_342 = arith.constant 0 : i32
        %add3A_343 = vector.broadcast %add3A_342 : i32 to vector<16xi32>
        %add3A_344 = arith.addi %iota3A, %add3A_343 : vector<16xi32>
        %gather3A_345 = arith.constant 0 : i32
        %gather3A_346 = arith.constant 0 : i32
        %gather3A_347 = arith.constant 0 : i32
        %gather3A_348 = tpu.memref_slice %arg6[%gather3A_345, %gather3A_346, %gather3A_347] : memref<2x128x32xf32, #tpu.memory_space<vmem>> -> memref<1x128x32xf32, #tpu.memory_space<vmem>>
        %gather3A_349 = tpu.memref_squeeze %gather3A_348 : memref<1x128x32xf32, #tpu.memory_space<vmem>> -> memref<128x32xf32, #tpu.memory_space<vmem>>
        %gather3A_350 = tpu.vector_load_idx %gather3A_349[%add3A_341, %add3A_344] : memref<128x32xf32, #tpu.memory_space<vmem>>[vector<16xi32>, vector<16xi32>], vector<16xf32>,
        %add3A_351 = arith.constant 96 : i32
        %add3A_352 = vector.broadcast %add3A_351 : i32 to vector<16xi32>
        %add3A_353 = arith.addi %add3A_249, %add3A_352 : vector<16xi32>
        tpu.vector_store_idx %arg7[%add3A_353], %gather3A_350 : memref<8192xf32, #tpu.memory_space<vmem>>[vector<16xi32>], vector<16xf32>,
        %add3A_354 = arith.constant 112 : i32
        %add3A_355 = vector.broadcast %add3A_354 : i32 to vector<16xi32>
        %add3A_356 = arith.addi %and3A_242, %add3A_355 : vector<16xi32>
        %add3A_357 = arith.constant 0 : i32
        %add3A_358 = vector.broadcast %add3A_357 : i32 to vector<16xi32>
        %add3A_359 = arith.addi %iota3A, %add3A_358 : vector<16xi32>
        %gather3A_360 = arith.constant 0 : i32
        %gather3A_361 = arith.constant 0 : i32
        %gather3A_362 = arith.constant 0 : i32
        %gather3A_363 = tpu.memref_slice %arg6[%gather3A_360, %gather3A_361, %gather3A_362] : memref<2x128x32xf32, #tpu.memory_space<vmem>> -> memref<1x128x32xf32, #tpu.memory_space<vmem>>
        %gather3A_364 = tpu.memref_squeeze %gather3A_363 : memref<1x128x32xf32, #tpu.memory_space<vmem>> -> memref<128x32xf32, #tpu.memory_space<vmem>>
        %gather3A_365 = tpu.vector_load_idx %gather3A_364[%add3A_356, %add3A_359] : memref<128x32xf32, #tpu.memory_space<vmem>>[vector<16xi32>, vector<16xi32>], vector<16xf32>,
        %add3A_366 = arith.constant 112 : i32
        %add3A_367 = vector.broadcast %add3A_366 : i32 to vector<16xi32>
        %add3A_368 = arith.addi %add3A_249, %add3A_367 : vector<16xi32>
        tpu.vector_store_idx %arg7[%add3A_368], %gather3A_365 : memref<8192xf32, #tpu.memory_space<vmem>>[vector<16xi32>], vector<16xf32>,
        %add3A_369 = arith.constant 16 : i32
        %add3A_370 = vector.broadcast %add3A_369 : i32 to vector<16xi32>
        %add3A_371 = arith.addi %iota3A, %add3A_370 : vector<16xi32>
        %mul3A_372 = arith.constant 128 : i32
        %mul3A_373 = vector.broadcast %mul3A_372 : i32 to vector<16xi32>
        %mul3A_374 = arith.muli %add3A_371, %mul3A_373 : vector<16xi32>
        %add3A_375 = arith.addi %mul3A_374, %and3A_242 : vector<16xi32>
        %add3A_376 = arith.constant 0 : i32
        %add3A_377 = vector.broadcast %add3A_376 : i32 to vector<16xi32>
        %add3A_378 = arith.addi %and3A_242, %add3A_377 : vector<16xi32>
        %add3A_379 = arith.constant 16 : i32
        %add3A_380 = vector.broadcast %add3A_379 : i32 to vector<16xi32>
        %add3A_381 = arith.addi %iota3A, %add3A_380 : vector<16xi32>
        %gather3A_382 = arith.constant 0 : i32
        %gather3A_383 = arith.constant 0 : i32
        %gather3A_384 = arith.constant 0 : i32
        %gather3A_385 = tpu.memref_slice %arg6[%gather3A_382, %gather3A_383, %gather3A_384] : memref<2x128x32xf32, #tpu.memory_space<vmem>> -> memref<1x128x32xf32, #tpu.memory_space<vmem>>
        %gather3A_386 = tpu.memref_squeeze %gather3A_385 : memref<1x128x32xf32, #tpu.memory_space<vmem>> -> memref<128x32xf32, #tpu.memory_space<vmem>>
        %gather3A_387 = tpu.vector_load_idx %gather3A_386[%add3A_378, %add3A_381] : memref<128x32xf32, #tpu.memory_space<vmem>>[vector<16xi32>, vector<16xi32>], vector<16xf32>,
        %add3A_388 = arith.constant 0 : i32
        %add3A_389 = vector.broadcast %add3A_388 : i32 to vector<16xi32>
        %add3A_390 = arith.addi %add3A_375, %add3A_389 : vector<16xi32>
        tpu.vector_store_idx %arg7[%add3A_390], %gather3A_387 : memref<8192xf32, #tpu.memory_space<vmem>>[vector<16xi32>], vector<16xf32>,
        %add3A_391 = arith.constant 16 : i32
        %add3A_392 = vector.broadcast %add3A_391 : i32 to vector<16xi32>
        %add3A_393 = arith.addi %and3A_242, %add3A_392 : vector<16xi32>
        %add3A_394 = arith.constant 16 : i32
        %add3A_395 = vector.broadcast %add3A_394 : i32 to vector<16xi32>
        %add3A_396 = arith.addi %iota3A, %add3A_395 : vector<16xi32>
        %gather3A_397 = arith.constant 0 : i32
        %gather3A_398 = arith.constant 0 : i32
        %gather3A_399 = arith.constant 0 : i32
        %gather3A_400 = tpu.memref_slice %arg6[%gather3A_397, %gather3A_398, %gather3A_399] : memref<2x128x32xf32, #tpu.memory_space<vmem>> -> memref<1x128x32xf32, #tpu.memory_space<vmem>>
        %gather3A_401 = tpu.memref_squeeze %gather3A_400 : memref<1x128x32xf32, #tpu.memory_space<vmem>> -> memref<128x32xf32, #tpu.memory_space<vmem>>
        %gather3A_402 = tpu.vector_load_idx %gather3A_401[%add3A_393, %add3A_396] : memref<128x32xf32, #tpu.memory_space<vmem>>[vector<16xi32>, vector<16xi32>], vector<16xf32>,
        %add3A_403 = arith.constant 16 : i32
        %add3A_404 = vector.broadcast %add3A_403 : i32 to vector<16xi32>
        %add3A_405 = arith.addi %add3A_375, %add3A_404 : vector<16xi32>
        tpu.vector_store_idx %arg7[%add3A_405], %gather3A_402 : memref<8192xf32, #tpu.memory_space<vmem>>[vector<16xi32>], vector<16xf32>,
        %add3A_406 = arith.constant 32 : i32
        %add3A_407 = vector.broadcast %add3A_406 : i32 to vector<16xi32>
        %add3A_408 = arith.addi %and3A_242, %add3A_407 : vector<16xi32>
        %add3A_409 = arith.constant 16 : i32
        %add3A_410 = vector.broadcast %add3A_409 : i32 to vector<16xi32>
        %add3A_411 = arith.addi %iota3A, %add3A_410 : vector<16xi32>
        %gather3A_412 = arith.constant 0 : i32
        %gather3A_413 = arith.constant 0 : i32
        %gather3A_414 = arith.constant 0 : i32
        %gather3A_415 = tpu.memref_slice %arg6[%gather3A_412, %gather3A_413, %gather3A_414] : memref<2x128x32xf32, #tpu.memory_space<vmem>> -> memref<1x128x32xf32, #tpu.memory_space<vmem>>
        %gather3A_416 = tpu.memref_squeeze %gather3A_415 : memref<1x128x32xf32, #tpu.memory_space<vmem>> -> memref<128x32xf32, #tpu.memory_space<vmem>>
        %gather3A_417 = tpu.vector_load_idx %gather3A_416[%add3A_408, %add3A_411] : memref<128x32xf32, #tpu.memory_space<vmem>>[vector<16xi32>, vector<16xi32>], vector<16xf32>,
        %add3A_418 = arith.constant 32 : i32
        %add3A_419 = vector.broadcast %add3A_418 : i32 to vector<16xi32>
        %add3A_420 = arith.addi %add3A_375, %add3A_419 : vector<16xi32>
        tpu.vector_store_idx %arg7[%add3A_420], %gather3A_417 : memref<8192xf32, #tpu.memory_space<vmem>>[vector<16xi32>], vector<16xf32>,
        %add3A_421 = arith.constant 48 : i32
        %add3A_422 = vector.broadcast %add3A_421 : i32 to vector<16xi32>
        %add3A_423 = arith.addi %and3A_242, %add3A_422 : vector<16xi32>
        %add3A_424 = arith.constant 16 : i32
        %add3A_425 = vector.broadcast %add3A_424 : i32 to vector<16xi32>
        %add3A_426 = arith.addi %iota3A, %add3A_425 : vector<16xi32>
        %gather3A_427 = arith.constant 0 : i32
        %gather3A_428 = arith.constant 0 : i32
        %gather3A_429 = arith.constant 0 : i32
        %gather3A_430 = tpu.memref_slice %arg6[%gather3A_427, %gather3A_428, %gather3A_429] : memref<2x128x32xf32, #tpu.memory_space<vmem>> -> memref<1x128x32xf32, #tpu.memory_space<vmem>>
        %gather3A_431 = tpu.memref_squeeze %gather3A_430 : memref<1x128x32xf32, #tpu.memory_space<vmem>> -> memref<128x32xf32, #tpu.memory_space<vmem>>
        %gather3A_432 = tpu.vector_load_idx %gather3A_431[%add3A_423, %add3A_426] : memref<128x32xf32, #tpu.memory_space<vmem>>[vector<16xi32>, vector<16xi32>], vector<16xf32>,
        %add3A_433 = arith.constant 48 : i32
        %add3A_434 = vector.broadcast %add3A_433 : i32 to vector<16xi32>
        %add3A_435 = arith.addi %add3A_375, %add3A_434 : vector<16xi32>
        tpu.vector_store_idx %arg7[%add3A_435], %gather3A_432 : memref<8192xf32, #tpu.memory_space<vmem>>[vector<16xi32>], vector<16xf32>,
        %add3A_436 = arith.constant 64 : i32
        %add3A_437 = vector.broadcast %add3A_436 : i32 to vector<16xi32>
        %add3A_438 = arith.addi %and3A_242, %add3A_437 : vector<16xi32>
        %add3A_439 = arith.constant 16 : i32
        %add3A_440 = vector.broadcast %add3A_439 : i32 to vector<16xi32>
        %add3A_441 = arith.addi %iota3A, %add3A_440 : vector<16xi32>
        %gather3A_442 = arith.constant 0 : i32
        %gather3A_443 = arith.constant 0 : i32
        %gather3A_444 = arith.constant 0 : i32
        %gather3A_445 = tpu.memref_slice %arg6[%gather3A_442, %gather3A_443, %gather3A_444] : memref<2x128x32xf32, #tpu.memory_space<vmem>> -> memref<1x128x32xf32, #tpu.memory_space<vmem>>
        %gather3A_446 = tpu.memref_squeeze %gather3A_445 : memref<1x128x32xf32, #tpu.memory_space<vmem>> -> memref<128x32xf32, #tpu.memory_space<vmem>>
        %gather3A_447 = tpu.vector_load_idx %gather3A_446[%add3A_438, %add3A_441] : memref<128x32xf32, #tpu.memory_space<vmem>>[vector<16xi32>, vector<16xi32>], vector<16xf32>,
        %add3A_448 = arith.constant 64 : i32
        %add3A_449 = vector.broadcast %add3A_448 : i32 to vector<16xi32>
        %add3A_450 = arith.addi %add3A_375, %add3A_449 : vector<16xi32>
        tpu.vector_store_idx %arg7[%add3A_450], %gather3A_447 : memref<8192xf32, #tpu.memory_space<vmem>>[vector<16xi32>], vector<16xf32>,
        %add3A_451 = arith.constant 80 : i32
        %add3A_452 = vector.broadcast %add3A_451 : i32 to vector<16xi32>
        %add3A_453 = arith.addi %and3A_242, %add3A_452 : vector<16xi32>
        %add3A_454 = arith.constant 16 : i32
        %add3A_455 = vector.broadcast %add3A_454 : i32 to vector<16xi32>
        %add3A_456 = arith.addi %iota3A, %add3A_455 : vector<16xi32>
        %gather3A_457 = arith.constant 0 : i32
        %gather3A_458 = arith.constant 0 : i32
        %gather3A_459 = arith.constant 0 : i32
        %gather3A_460 = tpu.memref_slice %arg6[%gather3A_457, %gather3A_458, %gather3A_459] : memref<2x128x32xf32, #tpu.memory_space<vmem>> -> memref<1x128x32xf32, #tpu.memory_space<vmem>>
        %gather3A_461 = tpu.memref_squeeze %gather3A_460 : memref<1x128x32xf32, #tpu.memory_space<vmem>> -> memref<128x32xf32, #tpu.memory_space<vmem>>
        %gather3A_462 = tpu.vector_load_idx %gather3A_461[%add3A_453, %add3A_456] : memref<128x32xf32, #tpu.memory_space<vmem>>[vector<16xi32>, vector<16xi32>], vector<16xf32>,
        %add3A_463 = arith.constant 80 : i32
        %add3A_464 = vector.broadcast %add3A_463 : i32 to vector<16xi32>
        %add3A_465 = arith.addi %add3A_375, %add3A_464 : vector<16xi32>
        tpu.vector_store_idx %arg7[%add3A_465], %gather3A_462 : memref<8192xf32, #tpu.memory_space<vmem>>[vector<16xi32>], vector<16xf32>,
        %add3A_466 = arith.constant 96 : i32
        %add3A_467 = vector.broadcast %add3A_466 : i32 to vector<16xi32>
        %add3A_468 = arith.addi %and3A_242, %add3A_467 : vector<16xi32>
        %add3A_469 = arith.constant 16 : i32
        %add3A_470 = vector.broadcast %add3A_469 : i32 to vector<16xi32>
        %add3A_471 = arith.addi %iota3A, %add3A_470 : vector<16xi32>
        %gather3A_472 = arith.constant 0 : i32
        %gather3A_473 = arith.constant 0 : i32
        %gather3A_474 = arith.constant 0 : i32
        %gather3A_475 = tpu.memref_slice %arg6[%gather3A_472, %gather3A_473, %gather3A_474] : memref<2x128x32xf32, #tpu.memory_space<vmem>> -> memref<1x128x32xf32, #tpu.memory_space<vmem>>
        %gather3A_476 = tpu.memref_squeeze %gather3A_475 : memref<1x128x32xf32, #tpu.memory_space<vmem>> -> memref<128x32xf32, #tpu.memory_space<vmem>>
        %gather3A_477 = tpu.vector_load_idx %gather3A_476[%add3A_468, %add3A_471] : memref<128x32xf32, #tpu.memory_space<vmem>>[vector<16xi32>, vector<16xi32>], vector<16xf32>,
        %add3A_478 = arith.constant 96 : i32
        %add3A_479 = vector.broadcast %add3A_478 : i32 to vector<16xi32>
        %add3A_480 = arith.addi %add3A_375, %add3A_479 : vector<16xi32>
        tpu.vector_store_idx %arg7[%add3A_480], %gather3A_477 : memref<8192xf32, #tpu.memory_space<vmem>>[vector<16xi32>], vector<16xf32>,
        %add3A_481 = arith.constant 112 : i32
        %add3A_482 = vector.broadcast %add3A_481 : i32 to vector<16xi32>
        %add3A_483 = arith.addi %and3A_242, %add3A_482 : vector<16xi32>
        %add3A_484 = arith.constant 16 : i32
        %add3A_485 = vector.broadcast %add3A_484 : i32 to vector<16xi32>
        %add3A_486 = arith.addi %iota3A, %add3A_485 : vector<16xi32>
        %gather3A_487 = arith.constant 0 : i32
        %gather3A_488 = arith.constant 0 : i32
        %gather3A_489 = arith.constant 0 : i32
        %gather3A_490 = tpu.memref_slice %arg6[%gather3A_487, %gather3A_488, %gather3A_489] : memref<2x128x32xf32, #tpu.memory_space<vmem>> -> memref<1x128x32xf32, #tpu.memory_space<vmem>>
        %gather3A_491 = tpu.memref_squeeze %gather3A_490 : memref<1x128x32xf32, #tpu.memory_space<vmem>> -> memref<128x32xf32, #tpu.memory_space<vmem>>
        %gather3A_492 = tpu.vector_load_idx %gather3A_491[%add3A_483, %add3A_486] : memref<128x32xf32, #tpu.memory_space<vmem>>[vector<16xi32>, vector<16xi32>], vector<16xf32>,
        %add3A_493 = arith.constant 112 : i32
        %add3A_494 = vector.broadcast %add3A_493 : i32 to vector<16xi32>
        %add3A_495 = arith.addi %add3A_375, %add3A_494 : vector<16xi32>
        tpu.vector_store_idx %arg7[%add3A_495], %gather3A_492 : memref<8192xf32, #tpu.memory_space<vmem>>[vector<16xi32>], vector<16xf32>,
        %mul3A_496 = arith.constant 2 : i32
        %mul3A_497 = arith.muli %scan3A_234, %mul3A_496 : i32
        %add3A_498 = arith.constant 1 : i32
        %add3A_499 = arith.addi %mul3A_497, %add3A_498 : i32
        %add3A_500 = vector.broadcast %add3A_499 : i32 to vector<16xi32>
        %add3A_501 = arith.addi %iota3A, %add3A_500 : vector<16xi32>
        %and3A_502 = arith.constant 15 : i32
        %and3A_503 = vector.broadcast %and3A_502 : i32 to vector<16xi32>
        %and3A_504 = arith.andi %add3A_501, %and3A_503 : vector<16xi32>
        %add3A_505 = arith.constant 0 : i32
        %add3A_506 = vector.broadcast %add3A_505 : i32 to vector<16xi32>
        %add3A_507 = arith.addi %iota3A, %add3A_506 : vector<16xi32>
        %mul3A_508 = arith.constant 128 : i32
        %mul3A_509 = vector.broadcast %mul3A_508 : i32 to vector<16xi32>
        %mul3A_510 = arith.muli %add3A_507, %mul3A_509 : vector<16xi32>
        %add3A_511 = arith.addi %mul3A_510, %and3A_504 : vector<16xi32>
        %add3A_512 = arith.constant 0 : i32
        %add3A_513 = vector.broadcast %add3A_512 : i32 to vector<16xi32>
        %add3A_514 = arith.addi %and3A_504, %add3A_513 : vector<16xi32>
        %add3A_515 = arith.constant 0 : i32
        %add3A_516 = vector.broadcast %add3A_515 : i32 to vector<16xi32>
        %add3A_517 = arith.addi %iota3A, %add3A_516 : vector<16xi32>
        %gather3A_518 = arith.constant 0 : i32
        %gather3A_519 = arith.constant 0 : i32
        %gather3A_520 = arith.constant 0 : i32
        %gather3A_521 = tpu.memref_slice %arg6[%gather3A_518, %gather3A_519, %gather3A_520] : memref<2x128x32xf32, #tpu.memory_space<vmem>> -> memref<1x128x32xf32, #tpu.memory_space<vmem>>
        %gather3A_522 = tpu.memref_squeeze %gather3A_521 : memref<1x128x32xf32, #tpu.memory_space<vmem>> -> memref<128x32xf32, #tpu.memory_space<vmem>>
        %gather3A_523 = tpu.vector_load_idx %gather3A_522[%add3A_514, %add3A_517] : memref<128x32xf32, #tpu.memory_space<vmem>>[vector<16xi32>, vector<16xi32>], vector<16xf32>,
        %add3A_524 = arith.constant 0 : i32
        %add3A_525 = vector.broadcast %add3A_524 : i32 to vector<16xi32>
        %add3A_526 = arith.addi %add3A_511, %add3A_525 : vector<16xi32>
        tpu.vector_store_idx %arg7[%add3A_526], %gather3A_523 : memref<8192xf32, #tpu.memory_space<vmem>>[vector<16xi32>], vector<16xf32>,
        %add3A_527 = arith.constant 16 : i32
        %add3A_528 = vector.broadcast %add3A_527 : i32 to vector<16xi32>
        %add3A_529 = arith.addi %and3A_504, %add3A_528 : vector<16xi32>
        %add3A_530 = arith.constant 0 : i32
        %add3A_531 = vector.broadcast %add3A_530 : i32 to vector<16xi32>
        %add3A_532 = arith.addi %iota3A, %add3A_531 : vector<16xi32>
        %gather3A_533 = arith.constant 0 : i32
        %gather3A_534 = arith.constant 0 : i32
        %gather3A_535 = arith.constant 0 : i32
        %gather3A_536 = tpu.memref_slice %arg6[%gather3A_533, %gather3A_534, %gather3A_535] : memref<2x128x32xf32, #tpu.memory_space<vmem>> -> memref<1x128x32xf32, #tpu.memory_space<vmem>>
        %gather3A_537 = tpu.memref_squeeze %gather3A_536 : memref<1x128x32xf32, #tpu.memory_space<vmem>> -> memref<128x32xf32, #tpu.memory_space<vmem>>
        %gather3A_538 = tpu.vector_load_idx %gather3A_537[%add3A_529, %add3A_532] : memref<128x32xf32, #tpu.memory_space<vmem>>[vector<16xi32>, vector<16xi32>], vector<16xf32>,
        %add3A_539 = arith.constant 16 : i32
        %add3A_540 = vector.broadcast %add3A_539 : i32 to vector<16xi32>
        %add3A_541 = arith.addi %add3A_511, %add3A_540 : vector<16xi32>
        tpu.vector_store_idx %arg7[%add3A_541], %gather3A_538 : memref<8192xf32, #tpu.memory_space<vmem>>[vector<16xi32>], vector<16xf32>,
        %add3A_542 = arith.constant 32 : i32
        %add3A_543 = vector.broadcast %add3A_542 : i32 to vector<16xi32>
        %add3A_544 = arith.addi %and3A_504, %add3A_543 : vector<16xi32>
        %add3A_545 = arith.constant 0 : i32
        %add3A_546 = vector.broadcast %add3A_545 : i32 to vector<16xi32>
        %add3A_547 = arith.addi %iota3A, %add3A_546 : vector<16xi32>
        %gather3A_548 = arith.constant 0 : i32
        %gather3A_549 = arith.constant 0 : i32
        %gather3A_550 = arith.constant 0 : i32
        %gather3A_551 = tpu.memref_slice %arg6[%gather3A_548, %gather3A_549, %gather3A_550] : memref<2x128x32xf32, #tpu.memory_space<vmem>> -> memref<1x128x32xf32, #tpu.memory_space<vmem>>
        %gather3A_552 = tpu.memref_squeeze %gather3A_551 : memref<1x128x32xf32, #tpu.memory_space<vmem>> -> memref<128x32xf32, #tpu.memory_space<vmem>>
        %gather3A_553 = tpu.vector_load_idx %gather3A_552[%add3A_544, %add3A_547] : memref<128x32xf32, #tpu.memory_space<vmem>>[vector<16xi32>, vector<16xi32>], vector<16xf32>,
        %add3A_554 = arith.constant 32 : i32
        %add3A_555 = vector.broadcast %add3A_554 : i32 to vector<16xi32>
        %add3A_556 = arith.addi %add3A_511, %add3A_555 : vector<16xi32>
        tpu.vector_store_idx %arg7[%add3A_556], %gather3A_553 : memref<8192xf32, #tpu.memory_space<vmem>>[vector<16xi32>], vector<16xf32>,
        %add3A_557 = arith.constant 48 : i32
        %add3A_558 = vector.broadcast %add3A_557 : i32 to vector<16xi32>
        %add3A_559 = arith.addi %and3A_504, %add3A_558 : vector<16xi32>
        %add3A_560 = arith.constant 0 : i32
        %add3A_561 = vector.broadcast %add3A_560 : i32 to vector<16xi32>
        %add3A_562 = arith.addi %iota3A, %add3A_561 : vector<16xi32>
        %gather3A_563 = arith.constant 0 : i32
        %gather3A_564 = arith.constant 0 : i32
        %gather3A_565 = arith.constant 0 : i32
        %gather3A_566 = tpu.memref_slice %arg6[%gather3A_563, %gather3A_564, %gather3A_565] : memref<2x128x32xf32, #tpu.memory_space<vmem>> -> memref<1x128x32xf32, #tpu.memory_space<vmem>>
        %gather3A_567 = tpu.memref_squeeze %gather3A_566 : memref<1x128x32xf32, #tpu.memory_space<vmem>> -> memref<128x32xf32, #tpu.memory_space<vmem>>
        %gather3A_568 = tpu.vector_load_idx %gather3A_567[%add3A_559, %add3A_562] : memref<128x32xf32, #tpu.memory_space<vmem>>[vector<16xi32>, vector<16xi32>], vector<16xf32>,
        %add3A_569 = arith.constant 48 : i32
        %add3A_570 = vector.broadcast %add3A_569 : i32 to vector<16xi32>
        %add3A_571 = arith.addi %add3A_511, %add3A_570 : vector<16xi32>
        tpu.vector_store_idx %arg7[%add3A_571], %gather3A_568 : memref<8192xf32, #tpu.memory_space<vmem>>[vector<16xi32>], vector<16xf32>,
        %add3A_572 = arith.constant 64 : i32
        %add3A_573 = vector.broadcast %add3A_572 : i32 to vector<16xi32>
        %add3A_574 = arith.addi %and3A_504, %add3A_573 : vector<16xi32>
        %add3A_575 = arith.constant 0 : i32
        %add3A_576 = vector.broadcast %add3A_575 : i32 to vector<16xi32>
        %add3A_577 = arith.addi %iota3A, %add3A_576 : vector<16xi32>
        %gather3A_578 = arith.constant 0 : i32
        %gather3A_579 = arith.constant 0 : i32
        %gather3A_580 = arith.constant 0 : i32
        %gather3A_581 = tpu.memref_slice %arg6[%gather3A_578, %gather3A_579, %gather3A_580] : memref<2x128x32xf32, #tpu.memory_space<vmem>> -> memref<1x128x32xf32, #tpu.memory_space<vmem>>
        %gather3A_582 = tpu.memref_squeeze %gather3A_581 : memref<1x128x32xf32, #tpu.memory_space<vmem>> -> memref<128x32xf32, #tpu.memory_space<vmem>>
        %gather3A_583 = tpu.vector_load_idx %gather3A_582[%add3A_574, %add3A_577] : memref<128x32xf32, #tpu.memory_space<vmem>>[vector<16xi32>, vector<16xi32>], vector<16xf32>,
        %add3A_584 = arith.constant 64 : i32
        %add3A_585 = vector.broadcast %add3A_584 : i32 to vector<16xi32>
        %add3A_586 = arith.addi %add3A_511, %add3A_585 : vector<16xi32>
        tpu.vector_store_idx %arg7[%add3A_586], %gather3A_583 : memref<8192xf32, #tpu.memory_space<vmem>>[vector<16xi32>], vector<16xf32>,
        %add3A_587 = arith.constant 80 : i32
        %add3A_588 = vector.broadcast %add3A_587 : i32 to vector<16xi32>
        %add3A_589 = arith.addi %and3A_504, %add3A_588 : vector<16xi32>
        %add3A_590 = arith.constant 0 : i32
        %add3A_591 = vector.broadcast %add3A_590 : i32 to vector<16xi32>
        %add3A_592 = arith.addi %iota3A, %add3A_591 : vector<16xi32>
        %gather3A_593 = arith.constant 0 : i32
        %gather3A_594 = arith.constant 0 : i32
        %gather3A_595 = arith.constant 0 : i32
        %gather3A_596 = tpu.memref_slice %arg6[%gather3A_593, %gather3A_594, %gather3A_595] : memref<2x128x32xf32, #tpu.memory_space<vmem>> -> memref<1x128x32xf32, #tpu.memory_space<vmem>>
        %gather3A_597 = tpu.memref_squeeze %gather3A_596 : memref<1x128x32xf32, #tpu.memory_space<vmem>> -> memref<128x32xf32, #tpu.memory_space<vmem>>
        %gather3A_598 = tpu.vector_load_idx %gather3A_597[%add3A_589, %add3A_592] : memref<128x32xf32, #tpu.memory_space<vmem>>[vector<16xi32>, vector<16xi32>], vector<16xf32>,
        %add3A_599 = arith.constant 80 : i32
        %add3A_600 = vector.broadcast %add3A_599 : i32 to vector<16xi32>
        %add3A_601 = arith.addi %add3A_511, %add3A_600 : vector<16xi32>
        tpu.vector_store_idx %arg7[%add3A_601], %gather3A_598 : memref<8192xf32, #tpu.memory_space<vmem>>[vector<16xi32>], vector<16xf32>,
        %add3A_602 = arith.constant 96 : i32
        %add3A_603 = vector.broadcast %add3A_602 : i32 to vector<16xi32>
        %add3A_604 = arith.addi %and3A_504, %add3A_603 : vector<16xi32>
        %add3A_605 = arith.constant 0 : i32
        %add3A_606 = vector.broadcast %add3A_605 : i32 to vector<16xi32>
        %add3A_607 = arith.addi %iota3A, %add3A_606 : vector<16xi32>
        %gather3A_608 = arith.constant 0 : i32
        %gather3A_609 = arith.constant 0 : i32
        %gather3A_610 = arith.constant 0 : i32
        %gather3A_611 = tpu.memref_slice %arg6[%gather3A_608, %gather3A_609, %gather3A_610] : memref<2x128x32xf32, #tpu.memory_space<vmem>> -> memref<1x128x32xf32, #tpu.memory_space<vmem>>
        %gather3A_612 = tpu.memref_squeeze %gather3A_611 : memref<1x128x32xf32, #tpu.memory_space<vmem>> -> memref<128x32xf32, #tpu.memory_space<vmem>>
        %gather3A_613 = tpu.vector_load_idx %gather3A_612[%add3A_604, %add3A_607] : memref<128x32xf32, #tpu.memory_space<vmem>>[vector<16xi32>, vector<16xi32>], vector<16xf32>,
        %add3A_614 = arith.constant 96 : i32
        %add3A_615 = vector.broadcast %add3A_614 : i32 to vector<16xi32>
        %add3A_616 = arith.addi %add3A_511, %add3A_615 : vector<16xi32>
        tpu.vector_store_idx %arg7[%add3A_616], %gather3A_613 : memref<8192xf32, #tpu.memory_space<vmem>>[vector<16xi32>], vector<16xf32>,
        %add3A_617 = arith.constant 112 : i32
        %add3A_618 = vector.broadcast %add3A_617 : i32 to vector<16xi32>
        %add3A_619 = arith.addi %and3A_504, %add3A_618 : vector<16xi32>
        %add3A_620 = arith.constant 0 : i32
        %add3A_621 = vector.broadcast %add3A_620 : i32 to vector<16xi32>
        %add3A_622 = arith.addi %iota3A, %add3A_621 : vector<16xi32>
        %gather3A_623 = arith.constant 0 : i32
        %gather3A_624 = arith.constant 0 : i32
        %gather3A_625 = arith.constant 0 : i32
        %gather3A_626 = tpu.memref_slice %arg6[%gather3A_623, %gather3A_624, %gather3A_625] : memref<2x128x32xf32, #tpu.memory_space<vmem>> -> memref<1x128x32xf32, #tpu.memory_space<vmem>>
        %gather3A_627 = tpu.memref_squeeze %gather3A_626 : memref<1x128x32xf32, #tpu.memory_space<vmem>> -> memref<128x32xf32, #tpu.memory_space<vmem>>
        %gather3A_628 = tpu.vector_load_idx %gather3A_627[%add3A_619, %add3A_622] : memref<128x32xf32, #tpu.memory_space<vmem>>[vector<16xi32>, vector<16xi32>], vector<16xf32>,
        %add3A_629 = arith.constant 112 : i32
        %add3A_630 = vector.broadcast %add3A_629 : i32 to vector<16xi32>
        %add3A_631 = arith.addi %add3A_511, %add3A_630 : vector<16xi32>
        tpu.vector_store_idx %arg7[%add3A_631], %gather3A_628 : memref<8192xf32, #tpu.memory_space<vmem>>[vector<16xi32>], vector<16xf32>,
        %add3A_632 = arith.constant 16 : i32
        %add3A_633 = vector.broadcast %add3A_632 : i32 to vector<16xi32>
        %add3A_634 = arith.addi %iota3A, %add3A_633 : vector<16xi32>
        %mul3A_635 = arith.constant 128 : i32
        %mul3A_636 = vector.broadcast %mul3A_635 : i32 to vector<16xi32>
        %mul3A_637 = arith.muli %add3A_634, %mul3A_636 : vector<16xi32>
        %add3A_638 = arith.addi %mul3A_637, %and3A_504 : vector<16xi32>
        %add3A_639 = arith.constant 0 : i32
        %add3A_640 = vector.broadcast %add3A_639 : i32 to vector<16xi32>
        %add3A_641 = arith.addi %and3A_504, %add3A_640 : vector<16xi32>
        %add3A_642 = arith.constant 16 : i32
        %add3A_643 = vector.broadcast %add3A_642 : i32 to vector<16xi32>
        %add3A_644 = arith.addi %iota3A, %add3A_643 : vector<16xi32>
        %gather3A_645 = arith.constant 0 : i32
        %gather3A_646 = arith.constant 0 : i32
        %gather3A_647 = arith.constant 0 : i32
        %gather3A_648 = tpu.memref_slice %arg6[%gather3A_645, %gather3A_646, %gather3A_647] : memref<2x128x32xf32, #tpu.memory_space<vmem>> -> memref<1x128x32xf32, #tpu.memory_space<vmem>>
        %gather3A_649 = tpu.memref_squeeze %gather3A_648 : memref<1x128x32xf32, #tpu.memory_space<vmem>> -> memref<128x32xf32, #tpu.memory_space<vmem>>
        %gather3A_650 = tpu.vector_load_idx %gather3A_649[%add3A_641, %add3A_644] : memref<128x32xf32, #tpu.memory_space<vmem>>[vector<16xi32>, vector<16xi32>], vector<16xf32>,
        %add3A_651 = arith.constant 0 : i32
        %add3A_652 = vector.broadcast %add3A_651 : i32 to vector<16xi32>
        %add3A_653 = arith.addi %add3A_638, %add3A_652 : vector<16xi32>
        tpu.vector_store_idx %arg7[%add3A_653], %gather3A_650 : memref<8192xf32, #tpu.memory_space<vmem>>[vector<16xi32>], vector<16xf32>,
        %add3A_654 = arith.constant 16 : i32
        %add3A_655 = vector.broadcast %add3A_654 : i32 to vector<16xi32>
        %add3A_656 = arith.addi %and3A_504, %add3A_655 : vector<16xi32>
        %add3A_657 = arith.constant 16 : i32
        %add3A_658 = vector.broadcast %add3A_657 : i32 to vector<16xi32>
        %add3A_659 = arith.addi %iota3A, %add3A_658 : vector<16xi32>
        %gather3A_660 = arith.constant 0 : i32
        %gather3A_661 = arith.constant 0 : i32
        %gather3A_662 = arith.constant 0 : i32
        %gather3A_663 = tpu.memref_slice %arg6[%gather3A_660, %gather3A_661, %gather3A_662] : memref<2x128x32xf32, #tpu.memory_space<vmem>> -> memref<1x128x32xf32, #tpu.memory_space<vmem>>
        %gather3A_664 = tpu.memref_squeeze %gather3A_663 : memref<1x128x32xf32, #tpu.memory_space<vmem>> -> memref<128x32xf32, #tpu.memory_space<vmem>>
        %gather3A_665 = tpu.vector_load_idx %gather3A_664[%add3A_656, %add3A_659] : memref<128x32xf32, #tpu.memory_space<vmem>>[vector<16xi32>, vector<16xi32>], vector<16xf32>,
        %add3A_666 = arith.constant 16 : i32
        %add3A_667 = vector.broadcast %add3A_666 : i32 to vector<16xi32>
        %add3A_668 = arith.addi %add3A_638, %add3A_667 : vector<16xi32>
        tpu.vector_store_idx %arg7[%add3A_668], %gather3A_665 : memref<8192xf32, #tpu.memory_space<vmem>>[vector<16xi32>], vector<16xf32>,
        %add3A_669 = arith.constant 32 : i32
        %add3A_670 = vector.broadcast %add3A_669 : i32 to vector<16xi32>
        %add3A_671 = arith.addi %and3A_504, %add3A_670 : vector<16xi32>
        %add3A_672 = arith.constant 16 : i32
        %add3A_673 = vector.broadcast %add3A_672 : i32 to vector<16xi32>
        %add3A_674 = arith.addi %iota3A, %add3A_673 : vector<16xi32>
        %gather3A_675 = arith.constant 0 : i32
        %gather3A_676 = arith.constant 0 : i32
        %gather3A_677 = arith.constant 0 : i32
        %gather3A_678 = tpu.memref_slice %arg6[%gather3A_675, %gather3A_676, %gather3A_677] : memref<2x128x32xf32, #tpu.memory_space<vmem>> -> memref<1x128x32xf32, #tpu.memory_space<vmem>>
        %gather3A_679 = tpu.memref_squeeze %gather3A_678 : memref<1x128x32xf32, #tpu.memory_space<vmem>> -> memref<128x32xf32, #tpu.memory_space<vmem>>
        %gather3A_680 = tpu.vector_load_idx %gather3A_679[%add3A_671, %add3A_674] : memref<128x32xf32, #tpu.memory_space<vmem>>[vector<16xi32>, vector<16xi32>], vector<16xf32>,
        %add3A_681 = arith.constant 32 : i32
        %add3A_682 = vector.broadcast %add3A_681 : i32 to vector<16xi32>
        %add3A_683 = arith.addi %add3A_638, %add3A_682 : vector<16xi32>
        tpu.vector_store_idx %arg7[%add3A_683], %gather3A_680 : memref<8192xf32, #tpu.memory_space<vmem>>[vector<16xi32>], vector<16xf32>,
        %add3A_684 = arith.constant 48 : i32
        %add3A_685 = vector.broadcast %add3A_684 : i32 to vector<16xi32>
        %add3A_686 = arith.addi %and3A_504, %add3A_685 : vector<16xi32>
        %add3A_687 = arith.constant 16 : i32
        %add3A_688 = vector.broadcast %add3A_687 : i32 to vector<16xi32>
        %add3A_689 = arith.addi %iota3A, %add3A_688 : vector<16xi32>
        %gather3A_690 = arith.constant 0 : i32
        %gather3A_691 = arith.constant 0 : i32
        %gather3A_692 = arith.constant 0 : i32
        %gather3A_693 = tpu.memref_slice %arg6[%gather3A_690, %gather3A_691, %gather3A_692] : memref<2x128x32xf32, #tpu.memory_space<vmem>> -> memref<1x128x32xf32, #tpu.memory_space<vmem>>
        %gather3A_694 = tpu.memref_squeeze %gather3A_693 : memref<1x128x32xf32, #tpu.memory_space<vmem>> -> memref<128x32xf32, #tpu.memory_space<vmem>>
        %gather3A_695 = tpu.vector_load_idx %gather3A_694[%add3A_686, %add3A_689] : memref<128x32xf32, #tpu.memory_space<vmem>>[vector<16xi32>, vector<16xi32>], vector<16xf32>,
        %add3A_696 = arith.constant 48 : i32
        %add3A_697 = vector.broadcast %add3A_696 : i32 to vector<16xi32>
        %add3A_698 = arith.addi %add3A_638, %add3A_697 : vector<16xi32>
        tpu.vector_store_idx %arg7[%add3A_698], %gather3A_695 : memref<8192xf32, #tpu.memory_space<vmem>>[vector<16xi32>], vector<16xf32>,
        %add3A_699 = arith.constant 64 : i32
        %add3A_700 = vector.broadcast %add3A_699 : i32 to vector<16xi32>
        %add3A_701 = arith.addi %and3A_504, %add3A_700 : vector<16xi32>
        %add3A_702 = arith.constant 16 : i32
        %add3A_703 = vector.broadcast %add3A_702 : i32 to vector<16xi32>
        %add3A_704 = arith.addi %iota3A, %add3A_703 : vector<16xi32>
        %gather3A_705 = arith.constant 0 : i32
        %gather3A_706 = arith.constant 0 : i32
        %gather3A_707 = arith.constant 0 : i32
        %gather3A_708 = tpu.memref_slice %arg6[%gather3A_705, %gather3A_706, %gather3A_707] : memref<2x128x32xf32, #tpu.memory_space<vmem>> -> memref<1x128x32xf32, #tpu.memory_space<vmem>>
        %gather3A_709 = tpu.memref_squeeze %gather3A_708 : memref<1x128x32xf32, #tpu.memory_space<vmem>> -> memref<128x32xf32, #tpu.memory_space<vmem>>
        %gather3A_710 = tpu.vector_load_idx %gather3A_709[%add3A_701, %add3A_704] : memref<128x32xf32, #tpu.memory_space<vmem>>[vector<16xi32>, vector<16xi32>], vector<16xf32>,
        %add3A_711 = arith.constant 64 : i32
        %add3A_712 = vector.broadcast %add3A_711 : i32 to vector<16xi32>
        %add3A_713 = arith.addi %add3A_638, %add3A_712 : vector<16xi32>
        tpu.vector_store_idx %arg7[%add3A_713], %gather3A_710 : memref<8192xf32, #tpu.memory_space<vmem>>[vector<16xi32>], vector<16xf32>,
        %add3A_714 = arith.constant 80 : i32
        %add3A_715 = vector.broadcast %add3A_714 : i32 to vector<16xi32>
        %add3A_716 = arith.addi %and3A_504, %add3A_715 : vector<16xi32>
        %add3A_717 = arith.constant 16 : i32
        %add3A_718 = vector.broadcast %add3A_717 : i32 to vector<16xi32>
        %add3A_719 = arith.addi %iota3A, %add3A_718 : vector<16xi32>
        %gather3A_720 = arith.constant 0 : i32
        %gather3A_721 = arith.constant 0 : i32
        %gather3A_722 = arith.constant 0 : i32
        %gather3A_723 = tpu.memref_slice %arg6[%gather3A_720, %gather3A_721, %gather3A_722] : memref<2x128x32xf32, #tpu.memory_space<vmem>> -> memref<1x128x32xf32, #tpu.memory_space<vmem>>
        %gather3A_724 = tpu.memref_squeeze %gather3A_723 : memref<1x128x32xf32, #tpu.memory_space<vmem>> -> memref<128x32xf32, #tpu.memory_space<vmem>>
        %gather3A_725 = tpu.vector_load_idx %gather3A_724[%add3A_716, %add3A_719] : memref<128x32xf32, #tpu.memory_space<vmem>>[vector<16xi32>, vector<16xi32>], vector<16xf32>,
        %add3A_726 = arith.constant 80 : i32
        %add3A_727 = vector.broadcast %add3A_726 : i32 to vector<16xi32>
        %add3A_728 = arith.addi %add3A_638, %add3A_727 : vector<16xi32>
        tpu.vector_store_idx %arg7[%add3A_728], %gather3A_725 : memref<8192xf32, #tpu.memory_space<vmem>>[vector<16xi32>], vector<16xf32>,
        %add3A_729 = arith.constant 96 : i32
        %add3A_730 = vector.broadcast %add3A_729 : i32 to vector<16xi32>
        %add3A_731 = arith.addi %and3A_504, %add3A_730 : vector<16xi32>
        %add3A_732 = arith.constant 16 : i32
        %add3A_733 = vector.broadcast %add3A_732 : i32 to vector<16xi32>
        %add3A_734 = arith.addi %iota3A, %add3A_733 : vector<16xi32>
        %gather3A_735 = arith.constant 0 : i32
        %gather3A_736 = arith.constant 0 : i32
        %gather3A_737 = arith.constant 0 : i32
        %gather3A_738 = tpu.memref_slice %arg6[%gather3A_735, %gather3A_736, %gather3A_737] : memref<2x128x32xf32, #tpu.memory_space<vmem>> -> memref<1x128x32xf32, #tpu.memory_space<vmem>>
        %gather3A_739 = tpu.memref_squeeze %gather3A_738 : memref<1x128x32xf32, #tpu.memory_space<vmem>> -> memref<128x32xf32, #tpu.memory_space<vmem>>
        %gather3A_740 = tpu.vector_load_idx %gather3A_739[%add3A_731, %add3A_734] : memref<128x32xf32, #tpu.memory_space<vmem>>[vector<16xi32>, vector<16xi32>], vector<16xf32>,
        %add3A_741 = arith.constant 96 : i32
        %add3A_742 = vector.broadcast %add3A_741 : i32 to vector<16xi32>
        %add3A_743 = arith.addi %add3A_638, %add3A_742 : vector<16xi32>
        tpu.vector_store_idx %arg7[%add3A_743], %gather3A_740 : memref<8192xf32, #tpu.memory_space<vmem>>[vector<16xi32>], vector<16xf32>,
        %add3A_744 = arith.constant 112 : i32
        %add3A_745 = vector.broadcast %add3A_744 : i32 to vector<16xi32>
        %add3A_746 = arith.addi %and3A_504, %add3A_745 : vector<16xi32>
        %add3A_747 = arith.constant 16 : i32
        %add3A_748 = vector.broadcast %add3A_747 : i32 to vector<16xi32>
        %add3A_749 = arith.addi %iota3A, %add3A_748 : vector<16xi32>
        %gather3A_750 = arith.constant 0 : i32
        %gather3A_751 = arith.constant 0 : i32
        %gather3A_752 = arith.constant 0 : i32
        %gather3A_753 = tpu.memref_slice %arg6[%gather3A_750, %gather3A_751, %gather3A_752] : memref<2x128x32xf32, #tpu.memory_space<vmem>> -> memref<1x128x32xf32, #tpu.memory_space<vmem>>
        %gather3A_754 = tpu.memref_squeeze %gather3A_753 : memref<1x128x32xf32, #tpu.memory_space<vmem>> -> memref<128x32xf32, #tpu.memory_space<vmem>>
        %gather3A_755 = tpu.vector_load_idx %gather3A_754[%add3A_746, %add3A_749] : memref<128x32xf32, #tpu.memory_space<vmem>>[vector<16xi32>, vector<16xi32>], vector<16xf32>,
        %add3A_756 = arith.constant 112 : i32
        %add3A_757 = vector.broadcast %add3A_756 : i32 to vector<16xi32>
        %add3A_758 = arith.addi %add3A_638, %add3A_757 : vector<16xi32>
        tpu.vector_store_idx %arg7[%add3A_758], %gather3A_755 : memref<8192xf32, #tpu.memory_space<vmem>>[vector<16xi32>], vector<16xf32>,
      }
      %scan3A_73 = arith.constant 8 : i32
      %mul3A_74 = arith.constant 4 : i32
      %mul3A_75 = arith.muli %add3A_50, %mul3A_74 : i32
      %add3A_76 = arith.constant 0 : i32
      %add3A_77 = arith.addi %mul3A_75, %add3A_76 : i32
      %mul3A_78 = arith.constant 32 : i32
      %mul3A_79 = arith.muli %add3A_77, %mul3A_78 : i32
      %add3A_80 = arith.addi %mul3A_79, %add3A : i32
      %mul3A_81 = arith.constant 1024 : i32
      %mul3A_82 = arith.muli %add3A_80, %mul3A_81 : i32
      %dma_start3A_83 = arith.constant 0 : i32
      %dma_start3A_84 = tpu.memref_slice %arg7[%dma_start3A_83] : memref<8192xf32, #tpu.memory_space<vmem>> -> memref<1024xf32, #tpu.memory_space<vmem>>
      %dma_start3A_85 = tpu.memref_slice %arg4[%mul3A_82] : memref<6553600xf32, #tpu.memory_space<hbm>> -> memref<1024xf32, #tpu.memory_space<hbm>>
      %dma_start3A_86 = tpu.memref_slice %arg4[%mul3A_82] : memref<6553600xf32, #tpu.memory_space<hbm>> -> memref<1024xf32, #tpu.memory_space<hbm>>
      %dma_start3A_87 = arith.constant 0 : i32
      %dma_start3A_88 = tpu.memref_slice %arg7[%dma_start3A_87] : memref<8192xf32, #tpu.memory_space<vmem>> -> memref<1024xf32, #tpu.memory_space<vmem>>
      tpu.enqueue_dma source(%dma_start3A_88 : memref<1024xf32, #tpu.memory_space<vmem>>) target(%dma_start3A_86 : memref<1024xf32, #tpu.memory_space<hbm>>) target_semaphore(%arg10 : memref<!tpu.dma_semaphore, #tpu.memory_space<semaphore_mem>>)
      %mul3A_89 = arith.constant 4 : i32
      %mul3A_90 = arith.muli %add3A_50, %mul3A_89 : i32
      %add3A_91 = arith.constant 1 : i32
      %add3A_92 = arith.addi %mul3A_90, %add3A_91 : i32
      %mul3A_93 = arith.constant 32 : i32
      %mul3A_94 = arith.muli %add3A_92, %mul3A_93 : i32
      %add3A_95 = arith.addi %mul3A_94, %add3A : i32
      %mul3A_96 = arith.constant 1024 : i32
      %mul3A_97 = arith.muli %add3A_95, %mul3A_96 : i32
      %dma_start3A_98 = arith.constant 1024 : i32
      %dma_start3A_99 = tpu.memref_slice %arg7[%dma_start3A_98] : memref<8192xf32, #tpu.memory_space<vmem>> -> memref<1024xf32, #tpu.memory_space<vmem>>
      %dma_start3A_100 = tpu.memref_slice %arg4[%mul3A_97] : memref<6553600xf32, #tpu.memory_space<hbm>> -> memref<1024xf32, #tpu.memory_space<hbm>>
      %dma_start3A_101 = tpu.memref_slice %arg4[%mul3A_97] : memref<6553600xf32, #tpu.memory_space<hbm>> -> memref<1024xf32, #tpu.memory_space<hbm>>
      %dma_start3A_102 = arith.constant 1024 : i32
      %dma_start3A_103 = tpu.memref_slice %arg7[%dma_start3A_102] : memref<8192xf32, #tpu.memory_space<vmem>> -> memref<1024xf32, #tpu.memory_space<vmem>>
      tpu.enqueue_dma source(%dma_start3A_103 : memref<1024xf32, #tpu.memory_space<vmem>>) target(%dma_start3A_101 : memref<1024xf32, #tpu.memory_space<hbm>>) target_semaphore(%arg10 : memref<!tpu.dma_semaphore, #tpu.memory_space<semaphore_mem>>)
      %mul3A_104 = arith.constant 4 : i32
      %mul3A_105 = arith.muli %add3A_50, %mul3A_104 : i32
      %add3A_106 = arith.constant 2 : i32
      %add3A_107 = arith.addi %mul3A_105, %add3A_106 : i32
      %mul3A_108 = arith.constant 32 : i32
      %mul3A_109 = arith.muli %add3A_107, %mul3A_108 : i32
      %add3A_110 = arith.addi %mul3A_109, %add3A : i32
      %mul3A_111 = arith.constant 1024 : i32
      %mul3A_112 = arith.muli %add3A_110, %mul3A_111 : i32
      %dma_start3A_113 = arith.constant 2048 : i32
      %dma_start3A_114 = tpu.memref_slice %arg7[%dma_start3A_113] : memref<8192xf32, #tpu.memory_space<vmem>> -> memref<1024xf32, #tpu.memory_space<vmem>>
      %dma_start3A_115 = tpu.memref_slice %arg4[%mul3A_112] : memref<6553600xf32, #tpu.memory_space<hbm>> -> memref<1024xf32, #tpu.memory_space<hbm>>
      %dma_start3A_116 = tpu.memref_slice %arg4[%mul3A_112] : memref<6553600xf32, #tpu.memory_space<hbm>> -> memref<1024xf32, #tpu.memory_space<hbm>>
      %dma_start3A_117 = arith.constant 2048 : i32
      %dma_start3A_118 = tpu.memref_slice %arg7[%dma_start3A_117] : memref<8192xf32, #tpu.memory_space<vmem>> -> memref<1024xf32, #tpu.memory_space<vmem>>
      tpu.enqueue_dma source(%dma_start3A_118 : memref<1024xf32, #tpu.memory_space<vmem>>) target(%dma_start3A_116 : memref<1024xf32, #tpu.memory_space<hbm>>) target_semaphore(%arg10 : memref<!tpu.dma_semaphore, #tpu.memory_space<semaphore_mem>>)
      %mul3A_119 = arith.constant 4 : i32
      %mul3A_120 = arith.muli %add3A_50, %mul3A_119 : i32
      %add3A_121 = arith.constant 3 : i32
      %add3A_122 = arith.addi %mul3A_120, %add3A_121 : i32
      %mul3A_123 = arith.constant 32 : i32
      %mul3A_124 = arith.muli %add3A_122, %mul3A_123 : i32
      %add3A_125 = arith.addi %mul3A_124, %add3A : i32
      %mul3A_126 = arith.constant 1024 : i32
      %mul3A_127 = arith.muli %add3A_125, %mul3A_126 : i32
      %dma_start3A_128 = arith.constant 3072 : i32
      %dma_start3A_129 = tpu.memref_slice %arg7[%dma_start3A_128] : memref<8192xf32, #tpu.memory_space<vmem>> -> memref<1024xf32, #tpu.memory_space<vmem>>
      %dma_start3A_130 = tpu.memref_slice %arg4[%mul3A_127] : memref<6553600xf32, #tpu.memory_space<hbm>> -> memref<1024xf32, #tpu.memory_space<hbm>>
      %dma_start3A_131 = tpu.memref_slice %arg4[%mul3A_127] : memref<6553600xf32, #tpu.memory_space<hbm>> -> memref<1024xf32, #tpu.memory_space<hbm>>
      %dma_start3A_132 = arith.constant 3072 : i32
      %dma_start3A_133 = tpu.memref_slice %arg7[%dma_start3A_132] : memref<8192xf32, #tpu.memory_space<vmem>> -> memref<1024xf32, #tpu.memory_space<vmem>>
      tpu.enqueue_dma source(%dma_start3A_133 : memref<1024xf32, #tpu.memory_space<vmem>>) target(%dma_start3A_131 : memref<1024xf32, #tpu.memory_space<hbm>>) target_semaphore(%arg10 : memref<!tpu.dma_semaphore, #tpu.memory_space<semaphore_mem>>)
      %lt3A = arith.constant 24 : i32
      %lt3A_134 = arith.cmpi slt, %scan3A_46, %lt3A : i32
      %convert_element_type3A_135 = arith.extui %lt3A_134 : i1 to i32
      %cond3A_136 = arith.constant 0 : i32
      %cond3A_137 = arith.cmpi ne, %convert_element_type3A_135, %cond3A_136 : i32
      scf.if %cond3A_137 {
        %add3A_234 = arith.constant 2 : i32
        %add3A_235 = arith.addi %add3A_50, %add3A_234 : i32
        %dma_start3A_236 = arith.constant 0 : i32
        %dma_start3A_237 = arith.constant 0 : i32
        %dma_start3A_238 = arith.constant 0 : i32
        %dma_start3A_239 = tpu.memref_slice %arg6[%dma_start3A_236, %dma_start3A_237, %dma_start3A_238] : memref<2x128x32xf32, #tpu.memory_space<vmem>> -> memref<1x128x32xf32, #tpu.memory_space<vmem>>
        %dma_start3A_240 = tpu.memref_squeeze %dma_start3A_239 : memref<1x128x32xf32, #tpu.memory_space<vmem>> -> memref<128x32xf32, #tpu.memory_space<vmem>>
        %dma_start3A_241 = arith.constant 0 : i32
        %dma_start3A_242 = tpu.memref_slice %arg5[%add3A_235, %dma_start3A_241] : memref<50x128xi32, #tpu.memory_space<vmem>> -> memref<1x128xi32, #tpu.memory_space<vmem>>
        %dma_start3A_243 = tpu.memref_squeeze %dma_start3A_242 : memref<1x128xi32, #tpu.memory_space<vmem>> -> memref<128xi32, #tpu.memory_space<vmem>>
        %dma_start3A_244 = arith.constant 0 : i32
        %dma_start3A_245 = arith.constant 0 : i32
        %dma_start3A_246 = tpu.memref_slice %arg3[%dma_start3A_244, %dma_start3A_245] : memref<1000001x32xf32, #tpu.memory_space<hbm>> -> memref<1000001x32xf32, #tpu.memory_space<hbm>>
        tpu.enqueue_indirect_dma source(%dma_start3A_246 : memref<1000001x32xf32, #tpu.memory_space<hbm>>) target(%dma_start3A_240 : memref<128x32xf32, #tpu.memory_space<vmem>>) offsets(%dma_start3A_243 : memref<128xi32, #tpu.memory_space<vmem>>) semaphore(%arg8 : memref<!tpu.dma_semaphore, #tpu.memory_space<semaphore_mem>>)
      } else {
      }
      %mul3A_138 = arith.constant 2 : i32
      %mul3A_139 = arith.muli %mul3A_138, %scan3A_46 : i32
      %add3A_140 = arith.constant 1 : i32
      %add3A_141 = arith.addi %mul3A_139, %add3A_140 : i32
      %dma_wait3A_142 = arith.constant 1 : i32
      %dma_wait3A_143 = arith.constant 0 : i32
      %dma_wait3A_144 = arith.constant 0 : i32
      %dma_wait3A_145 = tpu.memref_slice %arg6[%dma_wait3A_142, %dma_wait3A_143, %dma_wait3A_144] : memref<2x128x32xf32, #tpu.memory_space<vmem>> -> memref<1x128x32xf32, #tpu.memory_space<vmem>>
      %dma_wait3A_146 = tpu.memref_squeeze %dma_wait3A_145 : memref<1x128x32xf32, #tpu.memory_space<vmem>> -> memref<128x32xf32, #tpu.memory_space<vmem>>
      %dma_wait3A_147 = arith.constant 0 : i32
      %dma_wait3A_148 = arith.constant 0 : i32
      %dma_wait3A_149 = tpu.memref_slice %arg3[%dma_wait3A_147, %dma_wait3A_148] : memref<1000001x32xf32, #tpu.memory_space<hbm>> -> memref<128x32xf32, #tpu.memory_space<hbm>>
      %dma_wait3A_150 = arith.constant 0 : i32
      %dma_wait3A_151 = arith.constant 0 : i32
      %dma_wait3A_152 = tpu.memref_slice %arg6[%dma_wait3A_142, %dma_wait3A_150, %dma_wait3A_151] : memref<2x128x32xf32, #tpu.memory_space<vmem>> -> memref<1x128x32xf32, #tpu.memory_space<vmem>>
      %dma_wait3A_153 = tpu.memref_squeeze %dma_wait3A_152 : memref<1x128x32xf32, #tpu.memory_space<vmem>> -> memref<128x32xf32, #tpu.memory_space<vmem>>
      %dma_wait3A_154 = arith.constant 0 : i32
      %dma_wait3A_155 = arith.constant 0 : i32
      %dma_wait3A_156 = tpu.memref_slice %arg3[%dma_wait3A_154, %dma_wait3A_155] : memref<1000001x32xf32, #tpu.memory_space<hbm>> -> memref<128x32xf32, #tpu.memory_space<hbm>>
      tpu.wait_dma2 semaphore(%arg9 : memref<!tpu.dma_semaphore, #tpu.memory_space<semaphore_mem>>) src(%dma_wait3A_156 : memref<128x32xf32, #tpu.memory_space<hbm>>) dst(%dma_wait3A_153 : memref<128x32xf32, #tpu.memory_space<vmem>>)
      %ge3A_157 = arith.constant 1 : i32
      %ge3A_158 = arith.cmpi sge, %scan3A_46, %ge3A_157 : i32
      %convert_element_type3A_159 = arith.extui %ge3A_158 : i1 to i32
      %cond3A_160 = arith.constant 0 : i32
      %cond3A_161 = arith.cmpi ne, %convert_element_type3A_159, %cond3A_160 : i32
      scf.if %cond3A_161 {
        %dma_wait3A_234 = arith.constant 4096 : i32
        %dma_wait3A_235 = tpu.memref_slice %arg7[%dma_wait3A_234] : memref<8192xf32, #tpu.memory_space<vmem>> -> memref<4096xf32, #tpu.memory_space<vmem>>
        %dma_wait3A_236 = arith.constant 0 : i32
        %dma_wait3A_237 = tpu.memref_slice %arg4[%dma_wait3A_236] : memref<6553600xf32, #tpu.memory_space<hbm>> -> memref<4096xf32, #tpu.memory_space<hbm>>
        %dma_wait3A_238 = arith.constant 4096 : i32
        %dma_wait3A_239 = tpu.memref_slice %arg7[%dma_wait3A_238] : memref<8192xf32, #tpu.memory_space<vmem>> -> memref<4096xf32, #tpu.memory_space<vmem>>
        %dma_wait3A_240 = arith.constant 0 : i32
        %dma_wait3A_241 = tpu.memref_slice %arg4[%dma_wait3A_240] : memref<6553600xf32, #tpu.memory_space<hbm>> -> memref<4096xf32, #tpu.memory_space<hbm>>
        tpu.wait_dma2 semaphore(%arg11 : memref<!tpu.dma_semaphore, #tpu.memory_space<semaphore_mem>>) src(%dma_wait3A_241 : memref<4096xf32, #tpu.memory_space<hbm>>) dst(%dma_wait3A_239 : memref<4096xf32, #tpu.memory_space<vmem>>)
      } else {
      }
      %iota3A_162 = tpu.iota {dimensions = array<i32: 0>} : vector<16xi32>
      %scan3A_163 = arith.constant 0 : i32
      %scan3A_164 = arith.constant 0 : i32
      %scan3A_165 = arith.constant 8 : i32
      %scan3A_166 = arith.addi %scan3A_164, %scan3A_165 : i32
      %scan3A_167 = arith.constant 1 : i32
      scf.for %scan3A_234 = %scan3A_164 to %scan3A_166 step %scan3A_167  : i32 {
        %mul3A_235 = arith.constant 2 : i32
        %mul3A_236 = arith.muli %scan3A_234, %mul3A_235 : i32
        %add3A_237 = arith.constant 0 : i32
        %add3A_238 = arith.addi %mul3A_236, %add3A_237 : i32
        %add3A_239 = vector.broadcast %add3A_238 : i32 to vector<16xi32>
        %add3A_240 = arith.addi %iota3A_162, %add3A_239 : vector<16xi32>
        %and3A = arith.constant 15 : i32
        %and3A_241 = vector.broadcast %and3A : i32 to vector<16xi32>
        %and3A_242 = arith.andi %add3A_240, %and3A_241 : vector<16xi32>
        %add3A_243 = arith.constant 0 : i32
        %add3A_244 = vector.broadcast %add3A_243 : i32 to vector<16xi32>
        %add3A_245 = arith.addi %iota3A_162, %add3A_244 : vector<16xi32>
        %mul3A_246 = arith.constant 128 : i32
        %mul3A_247 = vector.broadcast %mul3A_246 : i32 to vector<16xi32>
        %mul3A_248 = arith.muli %add3A_245, %mul3A_247 : vector<16xi32>
        %add3A_249 = arith.addi %mul3A_248, %and3A_242 : vector<16xi32>
        %add3A_250 = arith.constant 0 : i32
        %add3A_251 = vector.broadcast %add3A_250 : i32 to vector<16xi32>
        %add3A_252 = arith.addi %and3A_242, %add3A_251 : vector<16xi32>
        %add3A_253 = arith.constant 0 : i32
        %add3A_254 = vector.broadcast %add3A_253 : i32 to vector<16xi32>
        %add3A_255 = arith.addi %iota3A_162, %add3A_254 : vector<16xi32>
        %gather3A = arith.constant 1 : i32
        %gather3A_256 = arith.constant 0 : i32
        %gather3A_257 = arith.constant 0 : i32
        %gather3A_258 = tpu.memref_slice %arg6[%gather3A, %gather3A_256, %gather3A_257] : memref<2x128x32xf32, #tpu.memory_space<vmem>> -> memref<1x128x32xf32, #tpu.memory_space<vmem>>
        %gather3A_259 = tpu.memref_squeeze %gather3A_258 : memref<1x128x32xf32, #tpu.memory_space<vmem>> -> memref<128x32xf32, #tpu.memory_space<vmem>>
        %gather3A_260 = tpu.vector_load_idx %gather3A_259[%add3A_252, %add3A_255] : memref<128x32xf32, #tpu.memory_space<vmem>>[vector<16xi32>, vector<16xi32>], vector<16xf32>,
        %add3A_261 = arith.constant 4096 : i32
        %add3A_262 = vector.broadcast %add3A_261 : i32 to vector<16xi32>
        %add3A_263 = arith.addi %add3A_249, %add3A_262 : vector<16xi32>
        tpu.vector_store_idx %arg7[%add3A_263], %gather3A_260 : memref<8192xf32, #tpu.memory_space<vmem>>[vector<16xi32>], vector<16xf32>,
        %add3A_264 = arith.constant 16 : i32
        %add3A_265 = vector.broadcast %add3A_264 : i32 to vector<16xi32>
        %add3A_266 = arith.addi %and3A_242, %add3A_265 : vector<16xi32>
        %add3A_267 = arith.constant 0 : i32
        %add3A_268 = vector.broadcast %add3A_267 : i32 to vector<16xi32>
        %add3A_269 = arith.addi %iota3A_162, %add3A_268 : vector<16xi32>
        %gather3A_270 = arith.constant 1 : i32
        %gather3A_271 = arith.constant 0 : i32
        %gather3A_272 = arith.constant 0 : i32
        %gather3A_273 = tpu.memref_slice %arg6[%gather3A_270, %gather3A_271, %gather3A_272] : memref<2x128x32xf32, #tpu.memory_space<vmem>> -> memref<1x128x32xf32, #tpu.memory_space<vmem>>
        %gather3A_274 = tpu.memref_squeeze %gather3A_273 : memref<1x128x32xf32, #tpu.memory_space<vmem>> -> memref<128x32xf32, #tpu.memory_space<vmem>>
        %gather3A_275 = tpu.vector_load_idx %gather3A_274[%add3A_266, %add3A_269] : memref<128x32xf32, #tpu.memory_space<vmem>>[vector<16xi32>, vector<16xi32>], vector<16xf32>,
        %add3A_276 = arith.constant 4112 : i32
        %add3A_277 = vector.broadcast %add3A_276 : i32 to vector<16xi32>
        %add3A_278 = arith.addi %add3A_249, %add3A_277 : vector<16xi32>
        tpu.vector_store_idx %arg7[%add3A_278], %gather3A_275 : memref<8192xf32, #tpu.memory_space<vmem>>[vector<16xi32>], vector<16xf32>,
        %add3A_279 = arith.constant 32 : i32
        %add3A_280 = vector.broadcast %add3A_279 : i32 to vector<16xi32>
        %add3A_281 = arith.addi %and3A_242, %add3A_280 : vector<16xi32>
        %add3A_282 = arith.constant 0 : i32
        %add3A_283 = vector.broadcast %add3A_282 : i32 to vector<16xi32>
        %add3A_284 = arith.addi %iota3A_162, %add3A_283 : vector<16xi32>
        %gather3A_285 = arith.constant 1 : i32
        %gather3A_286 = arith.constant 0 : i32
        %gather3A_287 = arith.constant 0 : i32
        %gather3A_288 = tpu.memref_slice %arg6[%gather3A_285, %gather3A_286, %gather3A_287] : memref<2x128x32xf32, #tpu.memory_space<vmem>> -> memref<1x128x32xf32, #tpu.memory_space<vmem>>
        %gather3A_289 = tpu.memref_squeeze %gather3A_288 : memref<1x128x32xf32, #tpu.memory_space<vmem>> -> memref<128x32xf32, #tpu.memory_space<vmem>>
        %gather3A_290 = tpu.vector_load_idx %gather3A_289[%add3A_281, %add3A_284] : memref<128x32xf32, #tpu.memory_space<vmem>>[vector<16xi32>, vector<16xi32>], vector<16xf32>,
        %add3A_291 = arith.constant 4128 : i32
        %add3A_292 = vector.broadcast %add3A_291 : i32 to vector<16xi32>
        %add3A_293 = arith.addi %add3A_249, %add3A_292 : vector<16xi32>
        tpu.vector_store_idx %arg7[%add3A_293], %gather3A_290 : memref<8192xf32, #tpu.memory_space<vmem>>[vector<16xi32>], vector<16xf32>,
        %add3A_294 = arith.constant 48 : i32
        %add3A_295 = vector.broadcast %add3A_294 : i32 to vector<16xi32>
        %add3A_296 = arith.addi %and3A_242, %add3A_295 : vector<16xi32>
        %add3A_297 = arith.constant 0 : i32
        %add3A_298 = vector.broadcast %add3A_297 : i32 to vector<16xi32>
        %add3A_299 = arith.addi %iota3A_162, %add3A_298 : vector<16xi32>
        %gather3A_300 = arith.constant 1 : i32
        %gather3A_301 = arith.constant 0 : i32
        %gather3A_302 = arith.constant 0 : i32
        %gather3A_303 = tpu.memref_slice %arg6[%gather3A_300, %gather3A_301, %gather3A_302] : memref<2x128x32xf32, #tpu.memory_space<vmem>> -> memref<1x128x32xf32, #tpu.memory_space<vmem>>
        %gather3A_304 = tpu.memref_squeeze %gather3A_303 : memref<1x128x32xf32, #tpu.memory_space<vmem>> -> memref<128x32xf32, #tpu.memory_space<vmem>>
        %gather3A_305 = tpu.vector_load_idx %gather3A_304[%add3A_296, %add3A_299] : memref<128x32xf32, #tpu.memory_space<vmem>>[vector<16xi32>, vector<16xi32>], vector<16xf32>,
        %add3A_306 = arith.constant 4144 : i32
        %add3A_307 = vector.broadcast %add3A_306 : i32 to vector<16xi32>
        %add3A_308 = arith.addi %add3A_249, %add3A_307 : vector<16xi32>
        tpu.vector_store_idx %arg7[%add3A_308], %gather3A_305 : memref<8192xf32, #tpu.memory_space<vmem>>[vector<16xi32>], vector<16xf32>,
        %add3A_309 = arith.constant 64 : i32
        %add3A_310 = vector.broadcast %add3A_309 : i32 to vector<16xi32>
        %add3A_311 = arith.addi %and3A_242, %add3A_310 : vector<16xi32>
        %add3A_312 = arith.constant 0 : i32
        %add3A_313 = vector.broadcast %add3A_312 : i32 to vector<16xi32>
        %add3A_314 = arith.addi %iota3A_162, %add3A_313 : vector<16xi32>
        %gather3A_315 = arith.constant 1 : i32
        %gather3A_316 = arith.constant 0 : i32
        %gather3A_317 = arith.constant 0 : i32
        %gather3A_318 = tpu.memref_slice %arg6[%gather3A_315, %gather3A_316, %gather3A_317] : memref<2x128x32xf32, #tpu.memory_space<vmem>> -> memref<1x128x32xf32, #tpu.memory_space<vmem>>
        %gather3A_319 = tpu.memref_squeeze %gather3A_318 : memref<1x128x32xf32, #tpu.memory_space<vmem>> -> memref<128x32xf32, #tpu.memory_space<vmem>>
        %gather3A_320 = tpu.vector_load_idx %gather3A_319[%add3A_311, %add3A_314] : memref<128x32xf32, #tpu.memory_space<vmem>>[vector<16xi32>, vector<16xi32>], vector<16xf32>,
        %add3A_321 = arith.constant 4160 : i32
        %add3A_322 = vector.broadcast %add3A_321 : i32 to vector<16xi32>
        %add3A_323 = arith.addi %add3A_249, %add3A_322 : vector<16xi32>
        tpu.vector_store_idx %arg7[%add3A_323], %gather3A_320 : memref<8192xf32, #tpu.memory_space<vmem>>[vector<16xi32>], vector<16xf32>,
        %add3A_324 = arith.constant 80 : i32
        %add3A_325 = vector.broadcast %add3A_324 : i32 to vector<16xi32>
        %add3A_326 = arith.addi %and3A_242, %add3A_325 : vector<16xi32>
        %add3A_327 = arith.constant 0 : i32
        %add3A_328 = vector.broadcast %add3A_327 : i32 to vector<16xi32>
        %add3A_329 = arith.addi %iota3A_162, %add3A_328 : vector<16xi32>
        %gather3A_330 = arith.constant 1 : i32
        %gather3A_331 = arith.constant 0 : i32
        %gather3A_332 = arith.constant 0 : i32
        %gather3A_333 = tpu.memref_slice %arg6[%gather3A_330, %gather3A_331, %gather3A_332] : memref<2x128x32xf32, #tpu.memory_space<vmem>> -> memref<1x128x32xf32, #tpu.memory_space<vmem>>
        %gather3A_334 = tpu.memref_squeeze %gather3A_333 : memref<1x128x32xf32, #tpu.memory_space<vmem>> -> memref<128x32xf32, #tpu.memory_space<vmem>>
        %gather3A_335 = tpu.vector_load_idx %gather3A_334[%add3A_326, %add3A_329] : memref<128x32xf32, #tpu.memory_space<vmem>>[vector<16xi32>, vector<16xi32>], vector<16xf32>,
        %add3A_336 = arith.constant 4176 : i32
        %add3A_337 = vector.broadcast %add3A_336 : i32 to vector<16xi32>
        %add3A_338 = arith.addi %add3A_249, %add3A_337 : vector<16xi32>
        tpu.vector_store_idx %arg7[%add3A_338], %gather3A_335 : memref<8192xf32, #tpu.memory_space<vmem>>[vector<16xi32>], vector<16xf32>,
        %add3A_339 = arith.constant 96 : i32
        %add3A_340 = vector.broadcast %add3A_339 : i32 to vector<16xi32>
        %add3A_341 = arith.addi %and3A_242, %add3A_340 : vector<16xi32>
        %add3A_342 = arith.constant 0 : i32
        %add3A_343 = vector.broadcast %add3A_342 : i32 to vector<16xi32>
        %add3A_344 = arith.addi %iota3A_162, %add3A_343 : vector<16xi32>
        %gather3A_345 = arith.constant 1 : i32
        %gather3A_346 = arith.constant 0 : i32
        %gather3A_347 = arith.constant 0 : i32
        %gather3A_348 = tpu.memref_slice %arg6[%gather3A_345, %gather3A_346, %gather3A_347] : memref<2x128x32xf32, #tpu.memory_space<vmem>> -> memref<1x128x32xf32, #tpu.memory_space<vmem>>
        %gather3A_349 = tpu.memref_squeeze %gather3A_348 : memref<1x128x32xf32, #tpu.memory_space<vmem>> -> memref<128x32xf32, #tpu.memory_space<vmem>>
        %gather3A_350 = tpu.vector_load_idx %gather3A_349[%add3A_341, %add3A_344] : memref<128x32xf32, #tpu.memory_space<vmem>>[vector<16xi32>, vector<16xi32>], vector<16xf32>,
        %add3A_351 = arith.constant 4192 : i32
        %add3A_352 = vector.broadcast %add3A_351 : i32 to vector<16xi32>
        %add3A_353 = arith.addi %add3A_249, %add3A_352 : vector<16xi32>
        tpu.vector_store_idx %arg7[%add3A_353], %gather3A_350 : memref<8192xf32, #tpu.memory_space<vmem>>[vector<16xi32>], vector<16xf32>,
        %add3A_354 = arith.constant 112 : i32
        %add3A_355 = vector.broadcast %add3A_354 : i32 to vector<16xi32>
        %add3A_356 = arith.addi %and3A_242, %add3A_355 : vector<16xi32>
        %add3A_357 = arith.constant 0 : i32
        %add3A_358 = vector.broadcast %add3A_357 : i32 to vector<16xi32>
        %add3A_359 = arith.addi %iota3A_162, %add3A_358 : vector<16xi32>
        %gather3A_360 = arith.constant 1 : i32
        %gather3A_361 = arith.constant 0 : i32
        %gather3A_362 = arith.constant 0 : i32
        %gather3A_363 = tpu.memref_slice %arg6[%gather3A_360, %gather3A_361, %gather3A_362] : memref<2x128x32xf32, #tpu.memory_space<vmem>> -> memref<1x128x32xf32, #tpu.memory_space<vmem>>
        %gather3A_364 = tpu.memref_squeeze %gather3A_363 : memref<1x128x32xf32, #tpu.memory_space<vmem>> -> memref<128x32xf32, #tpu.memory_space<vmem>>
        %gather3A_365 = tpu.vector_load_idx %gather3A_364[%add3A_356, %add3A_359] : memref<128x32xf32, #tpu.memory_space<vmem>>[vector<16xi32>, vector<16xi32>], vector<16xf32>,
        %add3A_366 = arith.constant 4208 : i32
        %add3A_367 = vector.broadcast %add3A_366 : i32 to vector<16xi32>
        %add3A_368 = arith.addi %add3A_249, %add3A_367 : vector<16xi32>
        tpu.vector_store_idx %arg7[%add3A_368], %gather3A_365 : memref<8192xf32, #tpu.memory_space<vmem>>[vector<16xi32>], vector<16xf32>,
        %add3A_369 = arith.constant 16 : i32
        %add3A_370 = vector.broadcast %add3A_369 : i32 to vector<16xi32>
        %add3A_371 = arith.addi %iota3A_162, %add3A_370 : vector<16xi32>
        %mul3A_372 = arith.constant 128 : i32
        %mul3A_373 = vector.broadcast %mul3A_372 : i32 to vector<16xi32>
        %mul3A_374 = arith.muli %add3A_371, %mul3A_373 : vector<16xi32>
        %add3A_375 = arith.addi %mul3A_374, %and3A_242 : vector<16xi32>
        %add3A_376 = arith.constant 0 : i32
        %add3A_377 = vector.broadcast %add3A_376 : i32 to vector<16xi32>
        %add3A_378 = arith.addi %and3A_242, %add3A_377 : vector<16xi32>
        %add3A_379 = arith.constant 16 : i32
        %add3A_380 = vector.broadcast %add3A_379 : i32 to vector<16xi32>
        %add3A_381 = arith.addi %iota3A_162, %add3A_380 : vector<16xi32>
        %gather3A_382 = arith.constant 1 : i32
        %gather3A_383 = arith.constant 0 : i32
        %gather3A_384 = arith.constant 0 : i32
        %gather3A_385 = tpu.memref_slice %arg6[%gather3A_382, %gather3A_383, %gather3A_384] : memref<2x128x32xf32, #tpu.memory_space<vmem>> -> memref<1x128x32xf32, #tpu.memory_space<vmem>>
        %gather3A_386 = tpu.memref_squeeze %gather3A_385 : memref<1x128x32xf32, #tpu.memory_space<vmem>> -> memref<128x32xf32, #tpu.memory_space<vmem>>
        %gather3A_387 = tpu.vector_load_idx %gather3A_386[%add3A_378, %add3A_381] : memref<128x32xf32, #tpu.memory_space<vmem>>[vector<16xi32>, vector<16xi32>], vector<16xf32>,
        %add3A_388 = arith.constant 4096 : i32
        %add3A_389 = vector.broadcast %add3A_388 : i32 to vector<16xi32>
        %add3A_390 = arith.addi %add3A_375, %add3A_389 : vector<16xi32>
        tpu.vector_store_idx %arg7[%add3A_390], %gather3A_387 : memref<8192xf32, #tpu.memory_space<vmem>>[vector<16xi32>], vector<16xf32>,
        %add3A_391 = arith.constant 16 : i32
        %add3A_392 = vector.broadcast %add3A_391 : i32 to vector<16xi32>
        %add3A_393 = arith.addi %and3A_242, %add3A_392 : vector<16xi32>
        %add3A_394 = arith.constant 16 : i32
        %add3A_395 = vector.broadcast %add3A_394 : i32 to vector<16xi32>
        %add3A_396 = arith.addi %iota3A_162, %add3A_395 : vector<16xi32>
        %gather3A_397 = arith.constant 1 : i32
        %gather3A_398 = arith.constant 0 : i32
        %gather3A_399 = arith.constant 0 : i32
        %gather3A_400 = tpu.memref_slice %arg6[%gather3A_397, %gather3A_398, %gather3A_399] : memref<2x128x32xf32, #tpu.memory_space<vmem>> -> memref<1x128x32xf32, #tpu.memory_space<vmem>>
        %gather3A_401 = tpu.memref_squeeze %gather3A_400 : memref<1x128x32xf32, #tpu.memory_space<vmem>> -> memref<128x32xf32, #tpu.memory_space<vmem>>
        %gather3A_402 = tpu.vector_load_idx %gather3A_401[%add3A_393, %add3A_396] : memref<128x32xf32, #tpu.memory_space<vmem>>[vector<16xi32>, vector<16xi32>], vector<16xf32>,
        %add3A_403 = arith.constant 4112 : i32
        %add3A_404 = vector.broadcast %add3A_403 : i32 to vector<16xi32>
        %add3A_405 = arith.addi %add3A_375, %add3A_404 : vector<16xi32>
        tpu.vector_store_idx %arg7[%add3A_405], %gather3A_402 : memref<8192xf32, #tpu.memory_space<vmem>>[vector<16xi32>], vector<16xf32>,
        %add3A_406 = arith.constant 32 : i32
        %add3A_407 = vector.broadcast %add3A_406 : i32 to vector<16xi32>
        %add3A_408 = arith.addi %and3A_242, %add3A_407 : vector<16xi32>
        %add3A_409 = arith.constant 16 : i32
        %add3A_410 = vector.broadcast %add3A_409 : i32 to vector<16xi32>
        %add3A_411 = arith.addi %iota3A_162, %add3A_410 : vector<16xi32>
        %gather3A_412 = arith.constant 1 : i32
        %gather3A_413 = arith.constant 0 : i32
        %gather3A_414 = arith.constant 0 : i32
        %gather3A_415 = tpu.memref_slice %arg6[%gather3A_412, %gather3A_413, %gather3A_414] : memref<2x128x32xf32, #tpu.memory_space<vmem>> -> memref<1x128x32xf32, #tpu.memory_space<vmem>>
        %gather3A_416 = tpu.memref_squeeze %gather3A_415 : memref<1x128x32xf32, #tpu.memory_space<vmem>> -> memref<128x32xf32, #tpu.memory_space<vmem>>
        %gather3A_417 = tpu.vector_load_idx %gather3A_416[%add3A_408, %add3A_411] : memref<128x32xf32, #tpu.memory_space<vmem>>[vector<16xi32>, vector<16xi32>], vector<16xf32>,
        %add3A_418 = arith.constant 4128 : i32
        %add3A_419 = vector.broadcast %add3A_418 : i32 to vector<16xi32>
        %add3A_420 = arith.addi %add3A_375, %add3A_419 : vector<16xi32>
        tpu.vector_store_idx %arg7[%add3A_420], %gather3A_417 : memref<8192xf32, #tpu.memory_space<vmem>>[vector<16xi32>], vector<16xf32>,
        %add3A_421 = arith.constant 48 : i32
        %add3A_422 = vector.broadcast %add3A_421 : i32 to vector<16xi32>
        %add3A_423 = arith.addi %and3A_242, %add3A_422 : vector<16xi32>
        %add3A_424 = arith.constant 16 : i32
        %add3A_425 = vector.broadcast %add3A_424 : i32 to vector<16xi32>
        %add3A_426 = arith.addi %iota3A_162, %add3A_425 : vector<16xi32>
        %gather3A_427 = arith.constant 1 : i32
        %gather3A_428 = arith.constant 0 : i32
        %gather3A_429 = arith.constant 0 : i32
        %gather3A_430 = tpu.memref_slice %arg6[%gather3A_427, %gather3A_428, %gather3A_429] : memref<2x128x32xf32, #tpu.memory_space<vmem>> -> memref<1x128x32xf32, #tpu.memory_space<vmem>>
        %gather3A_431 = tpu.memref_squeeze %gather3A_430 : memref<1x128x32xf32, #tpu.memory_space<vmem>> -> memref<128x32xf32, #tpu.memory_space<vmem>>
        %gather3A_432 = tpu.vector_load_idx %gather3A_431[%add3A_423, %add3A_426] : memref<128x32xf32, #tpu.memory_space<vmem>>[vector<16xi32>, vector<16xi32>], vector<16xf32>,
        %add3A_433 = arith.constant 4144 : i32
        %add3A_434 = vector.broadcast %add3A_433 : i32 to vector<16xi32>
        %add3A_435 = arith.addi %add3A_375, %add3A_434 : vector<16xi32>
        tpu.vector_store_idx %arg7[%add3A_435], %gather3A_432 : memref<8192xf32, #tpu.memory_space<vmem>>[vector<16xi32>], vector<16xf32>,
        %add3A_436 = arith.constant 64 : i32
        %add3A_437 = vector.broadcast %add3A_436 : i32 to vector<16xi32>
        %add3A_438 = arith.addi %and3A_242, %add3A_437 : vector<16xi32>
        %add3A_439 = arith.constant 16 : i32
        %add3A_440 = vector.broadcast %add3A_439 : i32 to vector<16xi32>
        %add3A_441 = arith.addi %iota3A_162, %add3A_440 : vector<16xi32>
        %gather3A_442 = arith.constant 1 : i32
        %gather3A_443 = arith.constant 0 : i32
        %gather3A_444 = arith.constant 0 : i32
        %gather3A_445 = tpu.memref_slice %arg6[%gather3A_442, %gather3A_443, %gather3A_444] : memref<2x128x32xf32, #tpu.memory_space<vmem>> -> memref<1x128x32xf32, #tpu.memory_space<vmem>>
        %gather3A_446 = tpu.memref_squeeze %gather3A_445 : memref<1x128x32xf32, #tpu.memory_space<vmem>> -> memref<128x32xf32, #tpu.memory_space<vmem>>
        %gather3A_447 = tpu.vector_load_idx %gather3A_446[%add3A_438, %add3A_441] : memref<128x32xf32, #tpu.memory_space<vmem>>[vector<16xi32>, vector<16xi32>], vector<16xf32>,
        %add3A_448 = arith.constant 4160 : i32
        %add3A_449 = vector.broadcast %add3A_448 : i32 to vector<16xi32>
        %add3A_450 = arith.addi %add3A_375, %add3A_449 : vector<16xi32>
        tpu.vector_store_idx %arg7[%add3A_450], %gather3A_447 : memref<8192xf32, #tpu.memory_space<vmem>>[vector<16xi32>], vector<16xf32>,
        %add3A_451 = arith.constant 80 : i32
        %add3A_452 = vector.broadcast %add3A_451 : i32 to vector<16xi32>
        %add3A_453 = arith.addi %and3A_242, %add3A_452 : vector<16xi32>
        %add3A_454 = arith.constant 16 : i32
        %add3A_455 = vector.broadcast %add3A_454 : i32 to vector<16xi32>
        %add3A_456 = arith.addi %iota3A_162, %add3A_455 : vector<16xi32>
        %gather3A_457 = arith.constant 1 : i32
        %gather3A_458 = arith.constant 0 : i32
        %gather3A_459 = arith.constant 0 : i32
        %gather3A_460 = tpu.memref_slice %arg6[%gather3A_457, %gather3A_458, %gather3A_459] : memref<2x128x32xf32, #tpu.memory_space<vmem>> -> memref<1x128x32xf32, #tpu.memory_space<vmem>>
        %gather3A_461 = tpu.memref_squeeze %gather3A_460 : memref<1x128x32xf32, #tpu.memory_space<vmem>> -> memref<128x32xf32, #tpu.memory_space<vmem>>
        %gather3A_462 = tpu.vector_load_idx %gather3A_461[%add3A_453, %add3A_456] : memref<128x32xf32, #tpu.memory_space<vmem>>[vector<16xi32>, vector<16xi32>], vector<16xf32>,
        %add3A_463 = arith.constant 4176 : i32
        %add3A_464 = vector.broadcast %add3A_463 : i32 to vector<16xi32>
        %add3A_465 = arith.addi %add3A_375, %add3A_464 : vector<16xi32>
        tpu.vector_store_idx %arg7[%add3A_465], %gather3A_462 : memref<8192xf32, #tpu.memory_space<vmem>>[vector<16xi32>], vector<16xf32>,
        %add3A_466 = arith.constant 96 : i32
        %add3A_467 = vector.broadcast %add3A_466 : i32 to vector<16xi32>
        %add3A_468 = arith.addi %and3A_242, %add3A_467 : vector<16xi32>
        %add3A_469 = arith.constant 16 : i32
        %add3A_470 = vector.broadcast %add3A_469 : i32 to vector<16xi32>
        %add3A_471 = arith.addi %iota3A_162, %add3A_470 : vector<16xi32>
        %gather3A_472 = arith.constant 1 : i32
        %gather3A_473 = arith.constant 0 : i32
        %gather3A_474 = arith.constant 0 : i32
        %gather3A_475 = tpu.memref_slice %arg6[%gather3A_472, %gather3A_473, %gather3A_474] : memref<2x128x32xf32, #tpu.memory_space<vmem>> -> memref<1x128x32xf32, #tpu.memory_space<vmem>>
        %gather3A_476 = tpu.memref_squeeze %gather3A_475 : memref<1x128x32xf32, #tpu.memory_space<vmem>> -> memref<128x32xf32, #tpu.memory_space<vmem>>
        %gather3A_477 = tpu.vector_load_idx %gather3A_476[%add3A_468, %add3A_471] : memref<128x32xf32, #tpu.memory_space<vmem>>[vector<16xi32>, vector<16xi32>], vector<16xf32>,
        %add3A_478 = arith.constant 4192 : i32
        %add3A_479 = vector.broadcast %add3A_478 : i32 to vector<16xi32>
        %add3A_480 = arith.addi %add3A_375, %add3A_479 : vector<16xi32>
        tpu.vector_store_idx %arg7[%add3A_480], %gather3A_477 : memref<8192xf32, #tpu.memory_space<vmem>>[vector<16xi32>], vector<16xf32>,
        %add3A_481 = arith.constant 112 : i32
        %add3A_482 = vector.broadcast %add3A_481 : i32 to vector<16xi32>
        %add3A_483 = arith.addi %and3A_242, %add3A_482 : vector<16xi32>
        %add3A_484 = arith.constant 16 : i32
        %add3A_485 = vector.broadcast %add3A_484 : i32 to vector<16xi32>
        %add3A_486 = arith.addi %iota3A_162, %add3A_485 : vector<16xi32>
        %gather3A_487 = arith.constant 1 : i32
        %gather3A_488 = arith.constant 0 : i32
        %gather3A_489 = arith.constant 0 : i32
        %gather3A_490 = tpu.memref_slice %arg6[%gather3A_487, %gather3A_488, %gather3A_489] : memref<2x128x32xf32, #tpu.memory_space<vmem>> -> memref<1x128x32xf32, #tpu.memory_space<vmem>>
        %gather3A_491 = tpu.memref_squeeze %gather3A_490 : memref<1x128x32xf32, #tpu.memory_space<vmem>> -> memref<128x32xf32, #tpu.memory_space<vmem>>
        %gather3A_492 = tpu.vector_load_idx %gather3A_491[%add3A_483, %add3A_486] : memref<128x32xf32, #tpu.memory_space<vmem>>[vector<16xi32>, vector<16xi32>], vector<16xf32>,
        %add3A_493 = arith.constant 4208 : i32
        %add3A_494 = vector.broadcast %add3A_493 : i32 to vector<16xi32>
        %add3A_495 = arith.addi %add3A_375, %add3A_494 : vector<16xi32>
        tpu.vector_store_idx %arg7[%add3A_495], %gather3A_492 : memref<8192xf32, #tpu.memory_space<vmem>>[vector<16xi32>], vector<16xf32>,
        %mul3A_496 = arith.constant 2 : i32
        %mul3A_497 = arith.muli %scan3A_234, %mul3A_496 : i32
        %add3A_498 = arith.constant 1 : i32
        %add3A_499 = arith.addi %mul3A_497, %add3A_498 : i32
        %add3A_500 = vector.broadcast %add3A_499 : i32 to vector<16xi32>
        %add3A_501 = arith.addi %iota3A_162, %add3A_500 : vector<16xi32>
        %and3A_502 = arith.constant 15 : i32
        %and3A_503 = vector.broadcast %and3A_502 : i32 to vector<16xi32>
        %and3A_504 = arith.andi %add3A_501, %and3A_503 : vector<16xi32>
        %add3A_505 = arith.constant 0 : i32
        %add3A_506 = vector.broadcast %add3A_505 : i32 to vector<16xi32>
        %add3A_507 = arith.addi %iota3A_162, %add3A_506 : vector<16xi32>
        %mul3A_508 = arith.constant 128 : i32
        %mul3A_509 = vector.broadcast %mul3A_508 : i32 to vector<16xi32>
        %mul3A_510 = arith.muli %add3A_507, %mul3A_509 : vector<16xi32>
        %add3A_511 = arith.addi %mul3A_510, %and3A_504 : vector<16xi32>
        %add3A_512 = arith.constant 0 : i32
        %add3A_513 = vector.broadcast %add3A_512 : i32 to vector<16xi32>
        %add3A_514 = arith.addi %and3A_504, %add3A_513 : vector<16xi32>
        %add3A_515 = arith.constant 0 : i32
        %add3A_516 = vector.broadcast %add3A_515 : i32 to vector<16xi32>
        %add3A_517 = arith.addi %iota3A_162, %add3A_516 : vector<16xi32>
        %gather3A_518 = arith.constant 1 : i32
        %gather3A_519 = arith.constant 0 : i32
        %gather3A_520 = arith.constant 0 : i32
        %gather3A_521 = tpu.memref_slice %arg6[%gather3A_518, %gather3A_519, %gather3A_520] : memref<2x128x32xf32, #tpu.memory_space<vmem>> -> memref<1x128x32xf32, #tpu.memory_space<vmem>>
        %gather3A_522 = tpu.memref_squeeze %gather3A_521 : memref<1x128x32xf32, #tpu.memory_space<vmem>> -> memref<128x32xf32, #tpu.memory_space<vmem>>
        %gather3A_523 = tpu.vector_load_idx %gather3A_522[%add3A_514, %add3A_517] : memref<128x32xf32, #tpu.memory_space<vmem>>[vector<16xi32>, vector<16xi32>], vector<16xf32>,
        %add3A_524 = arith.constant 4096 : i32
        %add3A_525 = vector.broadcast %add3A_524 : i32 to vector<16xi32>
        %add3A_526 = arith.addi %add3A_511, %add3A_525 : vector<16xi32>
        tpu.vector_store_idx %arg7[%add3A_526], %gather3A_523 : memref<8192xf32, #tpu.memory_space<vmem>>[vector<16xi32>], vector<16xf32>,
        %add3A_527 = arith.constant 16 : i32
        %add3A_528 = vector.broadcast %add3A_527 : i32 to vector<16xi32>
        %add3A_529 = arith.addi %and3A_504, %add3A_528 : vector<16xi32>
        %add3A_530 = arith.constant 0 : i32
        %add3A_531 = vector.broadcast %add3A_530 : i32 to vector<16xi32>
        %add3A_532 = arith.addi %iota3A_162, %add3A_531 : vector<16xi32>
        %gather3A_533 = arith.constant 1 : i32
        %gather3A_534 = arith.constant 0 : i32
        %gather3A_535 = arith.constant 0 : i32
        %gather3A_536 = tpu.memref_slice %arg6[%gather3A_533, %gather3A_534, %gather3A_535] : memref<2x128x32xf32, #tpu.memory_space<vmem>> -> memref<1x128x32xf32, #tpu.memory_space<vmem>>
        %gather3A_537 = tpu.memref_squeeze %gather3A_536 : memref<1x128x32xf32, #tpu.memory_space<vmem>> -> memref<128x32xf32, #tpu.memory_space<vmem>>
        %gather3A_538 = tpu.vector_load_idx %gather3A_537[%add3A_529, %add3A_532] : memref<128x32xf32, #tpu.memory_space<vmem>>[vector<16xi32>, vector<16xi32>], vector<16xf32>,
        %add3A_539 = arith.constant 4112 : i32
        %add3A_540 = vector.broadcast %add3A_539 : i32 to vector<16xi32>
        %add3A_541 = arith.addi %add3A_511, %add3A_540 : vector<16xi32>
        tpu.vector_store_idx %arg7[%add3A_541], %gather3A_538 : memref<8192xf32, #tpu.memory_space<vmem>>[vector<16xi32>], vector<16xf32>,
        %add3A_542 = arith.constant 32 : i32
        %add3A_543 = vector.broadcast %add3A_542 : i32 to vector<16xi32>
        %add3A_544 = arith.addi %and3A_504, %add3A_543 : vector<16xi32>
        %add3A_545 = arith.constant 0 : i32
        %add3A_546 = vector.broadcast %add3A_545 : i32 to vector<16xi32>
        %add3A_547 = arith.addi %iota3A_162, %add3A_546 : vector<16xi32>
        %gather3A_548 = arith.constant 1 : i32
        %gather3A_549 = arith.constant 0 : i32
        %gather3A_550 = arith.constant 0 : i32
        %gather3A_551 = tpu.memref_slice %arg6[%gather3A_548, %gather3A_549, %gather3A_550] : memref<2x128x32xf32, #tpu.memory_space<vmem>> -> memref<1x128x32xf32, #tpu.memory_space<vmem>>
        %gather3A_552 = tpu.memref_squeeze %gather3A_551 : memref<1x128x32xf32, #tpu.memory_space<vmem>> -> memref<128x32xf32, #tpu.memory_space<vmem>>
        %gather3A_553 = tpu.vector_load_idx %gather3A_552[%add3A_544, %add3A_547] : memref<128x32xf32, #tpu.memory_space<vmem>>[vector<16xi32>, vector<16xi32>], vector<16xf32>,
        %add3A_554 = arith.constant 4128 : i32
        %add3A_555 = vector.broadcast %add3A_554 : i32 to vector<16xi32>
        %add3A_556 = arith.addi %add3A_511, %add3A_555 : vector<16xi32>
        tpu.vector_store_idx %arg7[%add3A_556], %gather3A_553 : memref<8192xf32, #tpu.memory_space<vmem>>[vector<16xi32>], vector<16xf32>,
        %add3A_557 = arith.constant 48 : i32
        %add3A_558 = vector.broadcast %add3A_557 : i32 to vector<16xi32>
        %add3A_559 = arith.addi %and3A_504, %add3A_558 : vector<16xi32>
        %add3A_560 = arith.constant 0 : i32
        %add3A_561 = vector.broadcast %add3A_560 : i32 to vector<16xi32>
        %add3A_562 = arith.addi %iota3A_162, %add3A_561 : vector<16xi32>
        %gather3A_563 = arith.constant 1 : i32
        %gather3A_564 = arith.constant 0 : i32
        %gather3A_565 = arith.constant 0 : i32
        %gather3A_566 = tpu.memref_slice %arg6[%gather3A_563, %gather3A_564, %gather3A_565] : memref<2x128x32xf32, #tpu.memory_space<vmem>> -> memref<1x128x32xf32, #tpu.memory_space<vmem>>
        %gather3A_567 = tpu.memref_squeeze %gather3A_566 : memref<1x128x32xf32, #tpu.memory_space<vmem>> -> memref<128x32xf32, #tpu.memory_space<vmem>>
        %gather3A_568 = tpu.vector_load_idx %gather3A_567[%add3A_559, %add3A_562] : memref<128x32xf32, #tpu.memory_space<vmem>>[vector<16xi32>, vector<16xi32>], vector<16xf32>,
        %add3A_569 = arith.constant 4144 : i32
        %add3A_570 = vector.broadcast %add3A_569 : i32 to vector<16xi32>
        %add3A_571 = arith.addi %add3A_511, %add3A_570 : vector<16xi32>
        tpu.vector_store_idx %arg7[%add3A_571], %gather3A_568 : memref<8192xf32, #tpu.memory_space<vmem>>[vector<16xi32>], vector<16xf32>,
        %add3A_572 = arith.constant 64 : i32
        %add3A_573 = vector.broadcast %add3A_572 : i32 to vector<16xi32>
        %add3A_574 = arith.addi %and3A_504, %add3A_573 : vector<16xi32>
        %add3A_575 = arith.constant 0 : i32
        %add3A_576 = vector.broadcast %add3A_575 : i32 to vector<16xi32>
        %add3A_577 = arith.addi %iota3A_162, %add3A_576 : vector<16xi32>
        %gather3A_578 = arith.constant 1 : i32
        %gather3A_579 = arith.constant 0 : i32
        %gather3A_580 = arith.constant 0 : i32
        %gather3A_581 = tpu.memref_slice %arg6[%gather3A_578, %gather3A_579, %gather3A_580] : memref<2x128x32xf32, #tpu.memory_space<vmem>> -> memref<1x128x32xf32, #tpu.memory_space<vmem>>
        %gather3A_582 = tpu.memref_squeeze %gather3A_581 : memref<1x128x32xf32, #tpu.memory_space<vmem>> -> memref<128x32xf32, #tpu.memory_space<vmem>>
        %gather3A_583 = tpu.vector_load_idx %gather3A_582[%add3A_574, %add3A_577] : memref<128x32xf32, #tpu.memory_space<vmem>>[vector<16xi32>, vector<16xi32>], vector<16xf32>,
        %add3A_584 = arith.constant 4160 : i32
        %add3A_585 = vector.broadcast %add3A_584 : i32 to vector<16xi32>
        %add3A_586 = arith.addi %add3A_511, %add3A_585 : vector<16xi32>
        tpu.vector_store_idx %arg7[%add3A_586], %gather3A_583 : memref<8192xf32, #tpu.memory_space<vmem>>[vector<16xi32>], vector<16xf32>,
        %add3A_587 = arith.constant 80 : i32
        %add3A_588 = vector.broadcast %add3A_587 : i32 to vector<16xi32>
        %add3A_589 = arith.addi %and3A_504, %add3A_588 : vector<16xi32>
        %add3A_590 = arith.constant 0 : i32
        %add3A_591 = vector.broadcast %add3A_590 : i32 to vector<16xi32>
        %add3A_592 = arith.addi %iota3A_162, %add3A_591 : vector<16xi32>
        %gather3A_593 = arith.constant 1 : i32
        %gather3A_594 = arith.constant 0 : i32
        %gather3A_595 = arith.constant 0 : i32
        %gather3A_596 = tpu.memref_slice %arg6[%gather3A_593, %gather3A_594, %gather3A_595] : memref<2x128x32xf32, #tpu.memory_space<vmem>> -> memref<1x128x32xf32, #tpu.memory_space<vmem>>
        %gather3A_597 = tpu.memref_squeeze %gather3A_596 : memref<1x128x32xf32, #tpu.memory_space<vmem>> -> memref<128x32xf32, #tpu.memory_space<vmem>>
        %gather3A_598 = tpu.vector_load_idx %gather3A_597[%add3A_589, %add3A_592] : memref<128x32xf32, #tpu.memory_space<vmem>>[vector<16xi32>, vector<16xi32>], vector<16xf32>,
        %add3A_599 = arith.constant 4176 : i32
        %add3A_600 = vector.broadcast %add3A_599 : i32 to vector<16xi32>
        %add3A_601 = arith.addi %add3A_511, %add3A_600 : vector<16xi32>
        tpu.vector_store_idx %arg7[%add3A_601], %gather3A_598 : memref<8192xf32, #tpu.memory_space<vmem>>[vector<16xi32>], vector<16xf32>,
        %add3A_602 = arith.constant 96 : i32
        %add3A_603 = vector.broadcast %add3A_602 : i32 to vector<16xi32>
        %add3A_604 = arith.addi %and3A_504, %add3A_603 : vector<16xi32>
        %add3A_605 = arith.constant 0 : i32
        %add3A_606 = vector.broadcast %add3A_605 : i32 to vector<16xi32>
        %add3A_607 = arith.addi %iota3A_162, %add3A_606 : vector<16xi32>
        %gather3A_608 = arith.constant 1 : i32
        %gather3A_609 = arith.constant 0 : i32
        %gather3A_610 = arith.constant 0 : i32
        %gather3A_611 = tpu.memref_slice %arg6[%gather3A_608, %gather3A_609, %gather3A_610] : memref<2x128x32xf32, #tpu.memory_space<vmem>> -> memref<1x128x32xf32, #tpu.memory_space<vmem>>
        %gather3A_612 = tpu.memref_squeeze %gather3A_611 : memref<1x128x32xf32, #tpu.memory_space<vmem>> -> memref<128x32xf32, #tpu.memory_space<vmem>>
        %gather3A_613 = tpu.vector_load_idx %gather3A_612[%add3A_604, %add3A_607] : memref<128x32xf32, #tpu.memory_space<vmem>>[vector<16xi32>, vector<16xi32>], vector<16xf32>,
        %add3A_614 = arith.constant 4192 : i32
        %add3A_615 = vector.broadcast %add3A_614 : i32 to vector<16xi32>
        %add3A_616 = arith.addi %add3A_511, %add3A_615 : vector<16xi32>
        tpu.vector_store_idx %arg7[%add3A_616], %gather3A_613 : memref<8192xf32, #tpu.memory_space<vmem>>[vector<16xi32>], vector<16xf32>,
        %add3A_617 = arith.constant 112 : i32
        %add3A_618 = vector.broadcast %add3A_617 : i32 to vector<16xi32>
        %add3A_619 = arith.addi %and3A_504, %add3A_618 : vector<16xi32>
        %add3A_620 = arith.constant 0 : i32
        %add3A_621 = vector.broadcast %add3A_620 : i32 to vector<16xi32>
        %add3A_622 = arith.addi %iota3A_162, %add3A_621 : vector<16xi32>
        %gather3A_623 = arith.constant 1 : i32
        %gather3A_624 = arith.constant 0 : i32
        %gather3A_625 = arith.constant 0 : i32
        %gather3A_626 = tpu.memref_slice %arg6[%gather3A_623, %gather3A_624, %gather3A_625] : memref<2x128x32xf32, #tpu.memory_space<vmem>> -> memref<1x128x32xf32, #tpu.memory_space<vmem>>
        %gather3A_627 = tpu.memref_squeeze %gather3A_626 : memref<1x128x32xf32, #tpu.memory_space<vmem>> -> memref<128x32xf32, #tpu.memory_space<vmem>>
        %gather3A_628 = tpu.vector_load_idx %gather3A_627[%add3A_619, %add3A_622] : memref<128x32xf32, #tpu.memory_space<vmem>>[vector<16xi32>, vector<16xi32>], vector<16xf32>,
        %add3A_629 = arith.constant 4208 : i32
        %add3A_630 = vector.broadcast %add3A_629 : i32 to vector<16xi32>
        %add3A_631 = arith.addi %add3A_511, %add3A_630 : vector<16xi32>
        tpu.vector_store_idx %arg7[%add3A_631], %gather3A_628 : memref<8192xf32, #tpu.memory_space<vmem>>[vector<16xi32>], vector<16xf32>,
        %add3A_632 = arith.constant 16 : i32
        %add3A_633 = vector.broadcast %add3A_632 : i32 to vector<16xi32>
        %add3A_634 = arith.addi %iota3A_162, %add3A_633 : vector<16xi32>
        %mul3A_635 = arith.constant 128 : i32
        %mul3A_636 = vector.broadcast %mul3A_635 : i32 to vector<16xi32>
        %mul3A_637 = arith.muli %add3A_634, %mul3A_636 : vector<16xi32>
        %add3A_638 = arith.addi %mul3A_637, %and3A_504 : vector<16xi32>
        %add3A_639 = arith.constant 0 : i32
        %add3A_640 = vector.broadcast %add3A_639 : i32 to vector<16xi32>
        %add3A_641 = arith.addi %and3A_504, %add3A_640 : vector<16xi32>
        %add3A_642 = arith.constant 16 : i32
        %add3A_643 = vector.broadcast %add3A_642 : i32 to vector<16xi32>
        %add3A_644 = arith.addi %iota3A_162, %add3A_643 : vector<16xi32>
        %gather3A_645 = arith.constant 1 : i32
        %gather3A_646 = arith.constant 0 : i32
        %gather3A_647 = arith.constant 0 : i32
        %gather3A_648 = tpu.memref_slice %arg6[%gather3A_645, %gather3A_646, %gather3A_647] : memref<2x128x32xf32, #tpu.memory_space<vmem>> -> memref<1x128x32xf32, #tpu.memory_space<vmem>>
        %gather3A_649 = tpu.memref_squeeze %gather3A_648 : memref<1x128x32xf32, #tpu.memory_space<vmem>> -> memref<128x32xf32, #tpu.memory_space<vmem>>
        %gather3A_650 = tpu.vector_load_idx %gather3A_649[%add3A_641, %add3A_644] : memref<128x32xf32, #tpu.memory_space<vmem>>[vector<16xi32>, vector<16xi32>], vector<16xf32>,
        %add3A_651 = arith.constant 4096 : i32
        %add3A_652 = vector.broadcast %add3A_651 : i32 to vector<16xi32>
        %add3A_653 = arith.addi %add3A_638, %add3A_652 : vector<16xi32>
        tpu.vector_store_idx %arg7[%add3A_653], %gather3A_650 : memref<8192xf32, #tpu.memory_space<vmem>>[vector<16xi32>], vector<16xf32>,
        %add3A_654 = arith.constant 16 : i32
        %add3A_655 = vector.broadcast %add3A_654 : i32 to vector<16xi32>
        %add3A_656 = arith.addi %and3A_504, %add3A_655 : vector<16xi32>
        %add3A_657 = arith.constant 16 : i32
        %add3A_658 = vector.broadcast %add3A_657 : i32 to vector<16xi32>
        %add3A_659 = arith.addi %iota3A_162, %add3A_658 : vector<16xi32>
        %gather3A_660 = arith.constant 1 : i32
        %gather3A_661 = arith.constant 0 : i32
        %gather3A_662 = arith.constant 0 : i32
        %gather3A_663 = tpu.memref_slice %arg6[%gather3A_660, %gather3A_661, %gather3A_662] : memref<2x128x32xf32, #tpu.memory_space<vmem>> -> memref<1x128x32xf32, #tpu.memory_space<vmem>>
        %gather3A_664 = tpu.memref_squeeze %gather3A_663 : memref<1x128x32xf32, #tpu.memory_space<vmem>> -> memref<128x32xf32, #tpu.memory_space<vmem>>
        %gather3A_665 = tpu.vector_load_idx %gather3A_664[%add3A_656, %add3A_659] : memref<128x32xf32, #tpu.memory_space<vmem>>[vector<16xi32>, vector<16xi32>], vector<16xf32>,
        %add3A_666 = arith.constant 4112 : i32
        %add3A_667 = vector.broadcast %add3A_666 : i32 to vector<16xi32>
        %add3A_668 = arith.addi %add3A_638, %add3A_667 : vector<16xi32>
        tpu.vector_store_idx %arg7[%add3A_668], %gather3A_665 : memref<8192xf32, #tpu.memory_space<vmem>>[vector<16xi32>], vector<16xf32>,
        %add3A_669 = arith.constant 32 : i32
        %add3A_670 = vector.broadcast %add3A_669 : i32 to vector<16xi32>
        %add3A_671 = arith.addi %and3A_504, %add3A_670 : vector<16xi32>
        %add3A_672 = arith.constant 16 : i32
        %add3A_673 = vector.broadcast %add3A_672 : i32 to vector<16xi32>
        %add3A_674 = arith.addi %iota3A_162, %add3A_673 : vector<16xi32>
        %gather3A_675 = arith.constant 1 : i32
        %gather3A_676 = arith.constant 0 : i32
        %gather3A_677 = arith.constant 0 : i32
        %gather3A_678 = tpu.memref_slice %arg6[%gather3A_675, %gather3A_676, %gather3A_677] : memref<2x128x32xf32, #tpu.memory_space<vmem>> -> memref<1x128x32xf32, #tpu.memory_space<vmem>>
        %gather3A_679 = tpu.memref_squeeze %gather3A_678 : memref<1x128x32xf32, #tpu.memory_space<vmem>> -> memref<128x32xf32, #tpu.memory_space<vmem>>
        %gather3A_680 = tpu.vector_load_idx %gather3A_679[%add3A_671, %add3A_674] : memref<128x32xf32, #tpu.memory_space<vmem>>[vector<16xi32>, vector<16xi32>], vector<16xf32>,
        %add3A_681 = arith.constant 4128 : i32
        %add3A_682 = vector.broadcast %add3A_681 : i32 to vector<16xi32>
        %add3A_683 = arith.addi %add3A_638, %add3A_682 : vector<16xi32>
        tpu.vector_store_idx %arg7[%add3A_683], %gather3A_680 : memref<8192xf32, #tpu.memory_space<vmem>>[vector<16xi32>], vector<16xf32>,
        %add3A_684 = arith.constant 48 : i32
        %add3A_685 = vector.broadcast %add3A_684 : i32 to vector<16xi32>
        %add3A_686 = arith.addi %and3A_504, %add3A_685 : vector<16xi32>
        %add3A_687 = arith.constant 16 : i32
        %add3A_688 = vector.broadcast %add3A_687 : i32 to vector<16xi32>
        %add3A_689 = arith.addi %iota3A_162, %add3A_688 : vector<16xi32>
        %gather3A_690 = arith.constant 1 : i32
        %gather3A_691 = arith.constant 0 : i32
        %gather3A_692 = arith.constant 0 : i32
        %gather3A_693 = tpu.memref_slice %arg6[%gather3A_690, %gather3A_691, %gather3A_692] : memref<2x128x32xf32, #tpu.memory_space<vmem>> -> memref<1x128x32xf32, #tpu.memory_space<vmem>>
        %gather3A_694 = tpu.memref_squeeze %gather3A_693 : memref<1x128x32xf32, #tpu.memory_space<vmem>> -> memref<128x32xf32, #tpu.memory_space<vmem>>
        %gather3A_695 = tpu.vector_load_idx %gather3A_694[%add3A_686, %add3A_689] : memref<128x32xf32, #tpu.memory_space<vmem>>[vector<16xi32>, vector<16xi32>], vector<16xf32>,
        %add3A_696 = arith.constant 4144 : i32
        %add3A_697 = vector.broadcast %add3A_696 : i32 to vector<16xi32>
        %add3A_698 = arith.addi %add3A_638, %add3A_697 : vector<16xi32>
        tpu.vector_store_idx %arg7[%add3A_698], %gather3A_695 : memref<8192xf32, #tpu.memory_space<vmem>>[vector<16xi32>], vector<16xf32>,
        %add3A_699 = arith.constant 64 : i32
        %add3A_700 = vector.broadcast %add3A_699 : i32 to vector<16xi32>
        %add3A_701 = arith.addi %and3A_504, %add3A_700 : vector<16xi32>
        %add3A_702 = arith.constant 16 : i32
        %add3A_703 = vector.broadcast %add3A_702 : i32 to vector<16xi32>
        %add3A_704 = arith.addi %iota3A_162, %add3A_703 : vector<16xi32>
        %gather3A_705 = arith.constant 1 : i32
        %gather3A_706 = arith.constant 0 : i32
        %gather3A_707 = arith.constant 0 : i32
        %gather3A_708 = tpu.memref_slice %arg6[%gather3A_705, %gather3A_706, %gather3A_707] : memref<2x128x32xf32, #tpu.memory_space<vmem>> -> memref<1x128x32xf32, #tpu.memory_space<vmem>>
        %gather3A_709 = tpu.memref_squeeze %gather3A_708 : memref<1x128x32xf32, #tpu.memory_space<vmem>> -> memref<128x32xf32, #tpu.memory_space<vmem>>
        %gather3A_710 = tpu.vector_load_idx %gather3A_709[%add3A_701, %add3A_704] : memref<128x32xf32, #tpu.memory_space<vmem>>[vector<16xi32>, vector<16xi32>], vector<16xf32>,
        %add3A_711 = arith.constant 4160 : i32
        %add3A_712 = vector.broadcast %add3A_711 : i32 to vector<16xi32>
        %add3A_713 = arith.addi %add3A_638, %add3A_712 : vector<16xi32>
        tpu.vector_store_idx %arg7[%add3A_713], %gather3A_710 : memref<8192xf32, #tpu.memory_space<vmem>>[vector<16xi32>], vector<16xf32>,
        %add3A_714 = arith.constant 80 : i32
        %add3A_715 = vector.broadcast %add3A_714 : i32 to vector<16xi32>
        %add3A_716 = arith.addi %and3A_504, %add3A_715 : vector<16xi32>
        %add3A_717 = arith.constant 16 : i32
        %add3A_718 = vector.broadcast %add3A_717 : i32 to vector<16xi32>
        %add3A_719 = arith.addi %iota3A_162, %add3A_718 : vector<16xi32>
        %gather3A_720 = arith.constant 1 : i32
        %gather3A_721 = arith.constant 0 : i32
        %gather3A_722 = arith.constant 0 : i32
        %gather3A_723 = tpu.memref_slice %arg6[%gather3A_720, %gather3A_721, %gather3A_722] : memref<2x128x32xf32, #tpu.memory_space<vmem>> -> memref<1x128x32xf32, #tpu.memory_space<vmem>>
        %gather3A_724 = tpu.memref_squeeze %gather3A_723 : memref<1x128x32xf32, #tpu.memory_space<vmem>> -> memref<128x32xf32, #tpu.memory_space<vmem>>
        %gather3A_725 = tpu.vector_load_idx %gather3A_724[%add3A_716, %add3A_719] : memref<128x32xf32, #tpu.memory_space<vmem>>[vector<16xi32>, vector<16xi32>], vector<16xf32>,
        %add3A_726 = arith.constant 4176 : i32
        %add3A_727 = vector.broadcast %add3A_726 : i32 to vector<16xi32>
        %add3A_728 = arith.addi %add3A_638, %add3A_727 : vector<16xi32>
        tpu.vector_store_idx %arg7[%add3A_728], %gather3A_725 : memref<8192xf32, #tpu.memory_space<vmem>>[vector<16xi32>], vector<16xf32>,
        %add3A_729 = arith.constant 96 : i32
        %add3A_730 = vector.broadcast %add3A_729 : i32 to vector<16xi32>
        %add3A_731 = arith.addi %and3A_504, %add3A_730 : vector<16xi32>
        %add3A_732 = arith.constant 16 : i32
        %add3A_733 = vector.broadcast %add3A_732 : i32 to vector<16xi32>
        %add3A_734 = arith.addi %iota3A_162, %add3A_733 : vector<16xi32>
        %gather3A_735 = arith.constant 1 : i32
        %gather3A_736 = arith.constant 0 : i32
        %gather3A_737 = arith.constant 0 : i32
        %gather3A_738 = tpu.memref_slice %arg6[%gather3A_735, %gather3A_736, %gather3A_737] : memref<2x128x32xf32, #tpu.memory_space<vmem>> -> memref<1x128x32xf32, #tpu.memory_space<vmem>>
        %gather3A_739 = tpu.memref_squeeze %gather3A_738 : memref<1x128x32xf32, #tpu.memory_space<vmem>> -> memref<128x32xf32, #tpu.memory_space<vmem>>
        %gather3A_740 = tpu.vector_load_idx %gather3A_739[%add3A_731, %add3A_734] : memref<128x32xf32, #tpu.memory_space<vmem>>[vector<16xi32>, vector<16xi32>], vector<16xf32>,
        %add3A_741 = arith.constant 4192 : i32
        %add3A_742 = vector.broadcast %add3A_741 : i32 to vector<16xi32>
        %add3A_743 = arith.addi %add3A_638, %add3A_742 : vector<16xi32>
        tpu.vector_store_idx %arg7[%add3A_743], %gather3A_740 : memref<8192xf32, #tpu.memory_space<vmem>>[vector<16xi32>], vector<16xf32>,
        %add3A_744 = arith.constant 112 : i32
        %add3A_745 = vector.broadcast %add3A_744 : i32 to vector<16xi32>
        %add3A_746 = arith.addi %and3A_504, %add3A_745 : vector<16xi32>
        %add3A_747 = arith.constant 16 : i32
        %add3A_748 = vector.broadcast %add3A_747 : i32 to vector<16xi32>
        %add3A_749 = arith.addi %iota3A_162, %add3A_748 : vector<16xi32>
        %gather3A_750 = arith.constant 1 : i32
        %gather3A_751 = arith.constant 0 : i32
        %gather3A_752 = arith.constant 0 : i32
        %gather3A_753 = tpu.memref_slice %arg6[%gather3A_750, %gather3A_751, %gather3A_752] : memref<2x128x32xf32, #tpu.memory_space<vmem>> -> memref<1x128x32xf32, #tpu.memory_space<vmem>>
        %gather3A_754 = tpu.memref_squeeze %gather3A_753 : memref<1x128x32xf32, #tpu.memory_space<vmem>> -> memref<128x32xf32, #tpu.memory_space<vmem>>
        %gather3A_755 = tpu.vector_load_idx %gather3A_754[%add3A_746, %add3A_749] : memref<128x32xf32, #tpu.memory_space<vmem>>[vector<16xi32>, vector<16xi32>], vector<16xf32>,
        %add3A_756 = arith.constant 4208 : i32
        %add3A_757 = vector.broadcast %add3A_756 : i32 to vector<16xi32>
        %add3A_758 = arith.addi %add3A_638, %add3A_757 : vector<16xi32>
        tpu.vector_store_idx %arg7[%add3A_758], %gather3A_755 : memref<8192xf32, #tpu.memory_space<vmem>>[vector<16xi32>], vector<16xf32>,
      }
      %scan3A_168 = arith.constant 8 : i32
      %mul3A_169 = arith.constant 4 : i32
      %mul3A_170 = arith.muli %add3A_141, %mul3A_169 : i32
      %add3A_171 = arith.constant 0 : i32
      %add3A_172 = arith.addi %mul3A_170, %add3A_171 : i32
      %mul3A_173 = arith.constant 32 : i32
      %mul3A_174 = arith.muli %add3A_172, %mul3A_173 : i32
      %add3A_175 = arith.addi %mul3A_174, %add3A : i32
      %mul3A_176 = arith.constant 1024 : i32
      %mul3A_177 = arith.muli %add3A_175, %mul3A_176 : i32
      %dma_start3A_178 = arith.constant 4096 : i32
      %dma_start3A_179 = tpu.memref_slice %arg7[%dma_start3A_178] : memref<8192xf32, #tpu.memory_space<vmem>> -> memref<1024xf32, #tpu.memory_space<vmem>>
      %dma_start3A_180 = tpu.memref_slice %arg4[%mul3A_177] : memref<6553600xf32, #tpu.memory_space<hbm>> -> memref<1024xf32, #tpu.memory_space<hbm>>
      %dma_start3A_181 = tpu.memref_slice %arg4[%mul3A_177] : memref<6553600xf32, #tpu.memory_space<hbm>> -> memref<1024xf32, #tpu.memory_space<hbm>>
      %dma_start3A_182 = arith.constant 4096 : i32
      %dma_start3A_183 = tpu.memref_slice %arg7[%dma_start3A_182] : memref<8192xf32, #tpu.memory_space<vmem>> -> memref<1024xf32, #tpu.memory_space<vmem>>
      tpu.enqueue_dma source(%dma_start3A_183 : memref<1024xf32, #tpu.memory_space<vmem>>) target(%dma_start3A_181 : memref<1024xf32, #tpu.memory_space<hbm>>) target_semaphore(%arg11 : memref<!tpu.dma_semaphore, #tpu.memory_space<semaphore_mem>>)
      %mul3A_184 = arith.constant 4 : i32
      %mul3A_185 = arith.muli %add3A_141, %mul3A_184 : i32
      %add3A_186 = arith.constant 1 : i32
      %add3A_187 = arith.addi %mul3A_185, %add3A_186 : i32
      %mul3A_188 = arith.constant 32 : i32
      %mul3A_189 = arith.muli %add3A_187, %mul3A_188 : i32
      %add3A_190 = arith.addi %mul3A_189, %add3A : i32
      %mul3A_191 = arith.constant 1024 : i32
      %mul3A_192 = arith.muli %add3A_190, %mul3A_191 : i32
      %dma_start3A_193 = arith.constant 5120 : i32
      %dma_start3A_194 = tpu.memref_slice %arg7[%dma_start3A_193] : memref<8192xf32, #tpu.memory_space<vmem>> -> memref<1024xf32, #tpu.memory_space<vmem>>
      %dma_start3A_195 = tpu.memref_slice %arg4[%mul3A_192] : memref<6553600xf32, #tpu.memory_space<hbm>> -> memref<1024xf32, #tpu.memory_space<hbm>>
      %dma_start3A_196 = tpu.memref_slice %arg4[%mul3A_192] : memref<6553600xf32, #tpu.memory_space<hbm>> -> memref<1024xf32, #tpu.memory_space<hbm>>
      %dma_start3A_197 = arith.constant 5120 : i32
      %dma_start3A_198 = tpu.memref_slice %arg7[%dma_start3A_197] : memref<8192xf32, #tpu.memory_space<vmem>> -> memref<1024xf32, #tpu.memory_space<vmem>>
      tpu.enqueue_dma source(%dma_start3A_198 : memref<1024xf32, #tpu.memory_space<vmem>>) target(%dma_start3A_196 : memref<1024xf32, #tpu.memory_space<hbm>>) target_semaphore(%arg11 : memref<!tpu.dma_semaphore, #tpu.memory_space<semaphore_mem>>)
      %mul3A_199 = arith.constant 4 : i32
      %mul3A_200 = arith.muli %add3A_141, %mul3A_199 : i32
      %add3A_201 = arith.constant 2 : i32
      %add3A_202 = arith.addi %mul3A_200, %add3A_201 : i32
      %mul3A_203 = arith.constant 32 : i32
      %mul3A_204 = arith.muli %add3A_202, %mul3A_203 : i32
      %add3A_205 = arith.addi %mul3A_204, %add3A : i32
      %mul3A_206 = arith.constant 1024 : i32
      %mul3A_207 = arith.muli %add3A_205, %mul3A_206 : i32
      %dma_start3A_208 = arith.constant 6144 : i32
      %dma_start3A_209 = tpu.memref_slice %arg7[%dma_start3A_208] : memref<8192xf32, #tpu.memory_space<vmem>> -> memref<1024xf32, #tpu.memory_space<vmem>>
      %dma_start3A_210 = tpu.memref_slice %arg4[%mul3A_207] : memref<6553600xf32, #tpu.memory_space<hbm>> -> memref<1024xf32, #tpu.memory_space<hbm>>
      %dma_start3A_211 = tpu.memref_slice %arg4[%mul3A_207] : memref<6553600xf32, #tpu.memory_space<hbm>> -> memref<1024xf32, #tpu.memory_space<hbm>>
      %dma_start3A_212 = arith.constant 6144 : i32
      %dma_start3A_213 = tpu.memref_slice %arg7[%dma_start3A_212] : memref<8192xf32, #tpu.memory_space<vmem>> -> memref<1024xf32, #tpu.memory_space<vmem>>
      tpu.enqueue_dma source(%dma_start3A_213 : memref<1024xf32, #tpu.memory_space<vmem>>) target(%dma_start3A_211 : memref<1024xf32, #tpu.memory_space<hbm>>) target_semaphore(%arg11 : memref<!tpu.dma_semaphore, #tpu.memory_space<semaphore_mem>>)
      %mul3A_214 = arith.constant 4 : i32
      %mul3A_215 = arith.muli %add3A_141, %mul3A_214 : i32
      %add3A_216 = arith.constant 3 : i32
      %add3A_217 = arith.addi %mul3A_215, %add3A_216 : i32
      %mul3A_218 = arith.constant 32 : i32
      %mul3A_219 = arith.muli %add3A_217, %mul3A_218 : i32
      %add3A_220 = arith.addi %mul3A_219, %add3A : i32
      %mul3A_221 = arith.constant 1024 : i32
      %mul3A_222 = arith.muli %add3A_220, %mul3A_221 : i32
      %dma_start3A_223 = arith.constant 7168 : i32
      %dma_start3A_224 = tpu.memref_slice %arg7[%dma_start3A_223] : memref<8192xf32, #tpu.memory_space<vmem>> -> memref<1024xf32, #tpu.memory_space<vmem>>
      %dma_start3A_225 = tpu.memref_slice %arg4[%mul3A_222] : memref<6553600xf32, #tpu.memory_space<hbm>> -> memref<1024xf32, #tpu.memory_space<hbm>>
      %dma_start3A_226 = tpu.memref_slice %arg4[%mul3A_222] : memref<6553600xf32, #tpu.memory_space<hbm>> -> memref<1024xf32, #tpu.memory_space<hbm>>
      %dma_start3A_227 = arith.constant 7168 : i32
      %dma_start3A_228 = tpu.memref_slice %arg7[%dma_start3A_227] : memref<8192xf32, #tpu.memory_space<vmem>> -> memref<1024xf32, #tpu.memory_space<vmem>>
      tpu.enqueue_dma source(%dma_start3A_228 : memref<1024xf32, #tpu.memory_space<vmem>>) target(%dma_start3A_226 : memref<1024xf32, #tpu.memory_space<hbm>>) target_semaphore(%arg11 : memref<!tpu.dma_semaphore, #tpu.memory_space<semaphore_mem>>)
      %lt3A_229 = arith.constant 24 : i32
      %lt3A_230 = arith.cmpi slt, %scan3A_46, %lt3A_229 : i32
      %convert_element_type3A_231 = arith.extui %lt3A_230 : i1 to i32
      %cond3A_232 = arith.constant 0 : i32
      %cond3A_233 = arith.cmpi ne, %convert_element_type3A_231, %cond3A_232 : i32
      scf.if %cond3A_233 {
        %add3A_234 = arith.constant 2 : i32
        %add3A_235 = arith.addi %add3A_141, %add3A_234 : i32
        %dma_start3A_236 = arith.constant 1 : i32
        %dma_start3A_237 = arith.constant 0 : i32
        %dma_start3A_238 = arith.constant 0 : i32
        %dma_start3A_239 = tpu.memref_slice %arg6[%dma_start3A_236, %dma_start3A_237, %dma_start3A_238] : memref<2x128x32xf32, #tpu.memory_space<vmem>> -> memref<1x128x32xf32, #tpu.memory_space<vmem>>
        %dma_start3A_240 = tpu.memref_squeeze %dma_start3A_239 : memref<1x128x32xf32, #tpu.memory_space<vmem>> -> memref<128x32xf32, #tpu.memory_space<vmem>>
        %dma_start3A_241 = arith.constant 0 : i32
        %dma_start3A_242 = tpu.memref_slice %arg5[%add3A_235, %dma_start3A_241] : memref<50x128xi32, #tpu.memory_space<vmem>> -> memref<1x128xi32, #tpu.memory_space<vmem>>
        %dma_start3A_243 = tpu.memref_squeeze %dma_start3A_242 : memref<1x128xi32, #tpu.memory_space<vmem>> -> memref<128xi32, #tpu.memory_space<vmem>>
        %dma_start3A_244 = arith.constant 0 : i32
        %dma_start3A_245 = arith.constant 0 : i32
        %dma_start3A_246 = tpu.memref_slice %arg3[%dma_start3A_244, %dma_start3A_245] : memref<1000001x32xf32, #tpu.memory_space<hbm>> -> memref<1000001x32xf32, #tpu.memory_space<hbm>>
        tpu.enqueue_indirect_dma source(%dma_start3A_246 : memref<1000001x32xf32, #tpu.memory_space<hbm>>) target(%dma_start3A_240 : memref<128x32xf32, #tpu.memory_space<vmem>>) offsets(%dma_start3A_243 : memref<128xi32, #tpu.memory_space<vmem>>) semaphore(%arg9 : memref<!tpu.dma_semaphore, #tpu.memory_space<semaphore_mem>>)
      } else {
      }
    }
    %scan3A_30 = arith.constant 25 : i32
    %dma_wait3A = arith.constant 0 : i32
    %dma_wait3A_31 = tpu.memref_slice %arg7[%dma_wait3A] : memref<8192xf32, #tpu.memory_space<vmem>> -> memref<4096xf32, #tpu.memory_space<vmem>>
    %dma_wait3A_32 = arith.constant 0 : i32
    %dma_wait3A_33 = tpu.memref_slice %arg4[%dma_wait3A_32] : memref<6553600xf32, #tpu.memory_space<hbm>> -> memref<4096xf32, #tpu.memory_space<hbm>>
    %dma_wait3A_34 = arith.constant 0 : i32
    %dma_wait3A_35 = tpu.memref_slice %arg7[%dma_wait3A_34] : memref<8192xf32, #tpu.memory_space<vmem>> -> memref<4096xf32, #tpu.memory_space<vmem>>
    %dma_wait3A_36 = arith.constant 0 : i32
    %dma_wait3A_37 = tpu.memref_slice %arg4[%dma_wait3A_36] : memref<6553600xf32, #tpu.memory_space<hbm>> -> memref<4096xf32, #tpu.memory_space<hbm>>
    tpu.wait_dma2 semaphore(%arg10 : memref<!tpu.dma_semaphore, #tpu.memory_space<semaphore_mem>>) src(%dma_wait3A_37 : memref<4096xf32, #tpu.memory_space<hbm>>) dst(%dma_wait3A_35 : memref<4096xf32, #tpu.memory_space<vmem>>)
    %dma_wait3A_38 = arith.constant 4096 : i32
    %dma_wait3A_39 = tpu.memref_slice %arg7[%dma_wait3A_38] : memref<8192xf32, #tpu.memory_space<vmem>> -> memref<4096xf32, #tpu.memory_space<vmem>>
    %dma_wait3A_40 = arith.constant 0 : i32
    %dma_wait3A_41 = tpu.memref_slice %arg4[%dma_wait3A_40] : memref<6553600xf32, #tpu.memory_space<hbm>> -> memref<4096xf32, #tpu.memory_space<hbm>>
    %dma_wait3A_42 = arith.constant 4096 : i32
    %dma_wait3A_43 = tpu.memref_slice %arg7[%dma_wait3A_42] : memref<8192xf32, #tpu.memory_space<vmem>> -> memref<4096xf32, #tpu.memory_space<vmem>>
    %dma_wait3A_44 = arith.constant 0 : i32
    %dma_wait3A_45 = tpu.memref_slice %arg4[%dma_wait3A_44] : memref<6553600xf32, #tpu.memory_space<hbm>> -> memref<4096xf32, #tpu.memory_space<hbm>>
    tpu.wait_dma2 semaphore(%arg11 : memref<!tpu.dma_semaphore, #tpu.memory_space<semaphore_mem>>) src(%dma_wait3A_45 : memref<4096xf32, #tpu.memory_space<hbm>>) dst(%dma_wait3A_43 : memref<4096xf32, #tpu.memory_space<vmem>>)
    return
  }
}

</mosaic_0001>

<sc_bundles>
// kernel: kernel.4.cloned.1.call-start
scs
__scs_entry_jumppad:
0x0: {  	(pc) =	sbr.rel $0x88, $3  }
0x1: {  	(tag) =	ssettag $0x0;
	lr =	simm.s32 $0x1  }
0x2: {  	[smem:$0x3F9F] =	sst lr;
	_ =	strace $0xD0000000  }
0x3: {  	_ = 	snop  }
0x4: {  	_ = 	snop  }
0x5: {  	_ = 	snop  }
0x6: {  	_ = 	snop  }
0x7: {  	_ = 	snop  }
__scs_overlays_trampoline_lowered:
0x8: {  	[smem:$0x3FAE] =	sst s0  }
0x9: {  	[smem:$0x3FAF] =	sst s1  }
0xa: {  	[smem:$0x3FB0] =	sst s2  }
0xb: {  	[smem:$0x3FB1] =	sst s3  }
0xc: {  	[smem:$0x3FB2] =	sst s4  }
0xd: {  	[smem:$0x3FB3] =	sst s5  }
0xe: {  	[smem:$0x3FB4] =	sst s6  }
0xf: {  	[smem:$0x3FB5] =	sst s7  }
0x10: {  	[smem:$0x3FB6] =	sst s8  }
0x11: {  	[smem:$0x3FB7] =	sst s9;
	s0 =	simm.s32 @!p0 $0x0  }
0x12: {  	s1 =	sld [smem:$0x3F9D];
	s0 =	simm.s32 @p0 $0x1  }
0x13: {  	[smem:$0x3FB8] =	sst s0;
	s0 =	simm.s32 @!p1 $0x0  }
0x14: {  	s2 =	sld [smem:$0x3F9C];
	s0 =	simm.s32 @p1 $0x1  }
0x15: {  	[smem:$0x3FB9] =	sst s0;
	s0 =	simm.s32 @!p2 $0x0  }
0x16: {  	s3 =	sld [smem:$0x3FDB];
	s0 =	simm.s32 @p2 $0x1  }
0x17: {  	s4 =	simm.s32 $0x1BF5;
	[smem:$0x3FBB] =	sst s0  }
0x18: {  	s0 =	sld [smem:$0x3F9E];
	_ =	swait.ge [sflag:s4], $0x0  }
0x19: {  	s7 =	sld [smem:$0x3F9F]  }
0x1a: {  	s8 =	sadd.s32 $0xFFFFE003, lr  }
0x1b: {  	s9 =	sadd.s32 $0xFFFFFEF7, lr;
	s5 =	simm.s32 $0xFFFFFFFF;
	p2 =	slt.u32 s8, $0xFFFFF086  }
0x1c: {  	p1 =	slt.u32 s9, $0xF7A;
	s5 =	simm.s32 @!p2 $0x0  }
0x1d: {  	s5 =	simm.s32 @p1 $0x1;
	p0 =	seq.s32 s7, s2  }
0x1e: {  	s7 =	smul.u32 @!p0 $0xF7A, s2;
	p2 =	seq.s32 @!p0 s5, $0x0  }
0x1f: {  	s9 =	smul.u32 $0xF7A, s1;
	s8 =	simm.s32 @!p0 $0x1BF5;
	p2 =	por !p2, p0  }
0x20: {  	[sflag:s8] =	ssyncset.s32 @!p0 $0xFFFFF086;
	s6 =	sadd.s32 @!p0 s3, s7;
	s7 =	simm.s32 @!p0 $0x108  }
0x21: {  	s3 =	sadd.s32 s3, s9;
	s6 =	sadd.s32 @!p0 $0x88, s6;
	s7 =	simm.s32 @p2 $0x1082  }
0x22: {  	[simem:s7], [sflag:s8] =	dma.local @!p0 [hbm:s6], $0xF7A  }
0x23: {  	s9 =	sor.u32 $0xD0000000, s2;
	s6 =	simm.s32 $0x108;
	_ =	swait.ge @!p0 [sflag:s8], $0x0  }
0x24: {  	s3 =	sadd.s32 $0x88, s3;
	s6 =	simm.s32 @!p1 $0x1082;
	[sflag:s4] =	ssyncset.s32 $0xFFFFF086  }
0x25: {  	[simem:s6], [sflag:s4] =	dma.local [hbm:s3], $0xF7A  }
0x26: {  	[smem:$0x3F9F] =	sst s1;
	(tag) =	ssettag s2;
	_ =	strace s9  }
0x27: {  	s1 =	sld [smem:$0x3FAF]  }
0x28: {  	s2 =	sld [smem:$0x3FB0]  }
0x29: {  	s4 =	sld [smem:$0x3FB2]  }
0x2a: {  	p0 =	seq.s32 s5, $0x0;
	s5 =	sld [smem:$0x3FB3]  }
0x2b: {  	s6 =	sld [smem:$0x3FB4]  }
0x2c: {  	s7 =	sld [smem:$0x3FB5]  }
0x2d: {  	s3 =	simm.s32 $0x108;
	s8 =	sld [smem:$0x3FB6]  }
0x2e: {  	s3 =	simm.s32 @!p0 $0x1082;
	s9 =	sld [smem:$0x3FB7]  }
0x2f: {  	lr =	sadd.s32 s0, s3;
	s0 =	sld [smem:$0x3FAE]  }
0x30: {  	s3 =	sld [smem:$0x3FB1]  }
0x31: {  	[smem:$0x3FBA] =	sst s10  }
0x32: {  	s10 =	sld [smem:$0x3FB8];
	_ =	sdelay $0x3  }
0x33: {  	p0 =	seq.s32 s10, $0x1;
	s10 =	sld [smem:$0x3FBA];
	_ =	sdelay $0x3  }
0x34: {  	[smem:$0x3FBA] =	sst s10  }
0x35: {  	s10 =	sld [smem:$0x3FB9];
	_ =	sdelay $0x3  }
0x36: {  	p1 =	seq.s32 s10, $0x1;
	s10 =	sld [smem:$0x3FBA];
	_ =	sdelay $0x3  }
0x37: {  	[smem:$0x3FBA] =	sst s10  }
0x38: {  	s10 =	sld [smem:$0x3FBB]  }
0x39: {  	_ = 	snop;
	(pc) =	sbr.ind lr, $3  }
0x3a: {  	_ = 	snop  }
0x3b: {  	_ = 	snop  }
0x3c: {  	p2 =	seq.s32 s10, $0x1;
	s10 =	sld [smem:$0x3FBA]  }
0x3d: {  	_ =	shalt  }
0x3e: {  	_ =	shalt  }
0x3f: {  	_ =	shalt  }
0x40: {  	_ =	shalt  }
0x41: {  	_ =	shalt  }
0x42: {  	_ =	shalt  }
0x43: {  	_ =	shalt  }
0x44: {  	_ =	shalt  }
0x45: {  	_ =	shalt  }
0x46: {  	_ =	shalt  }
0x47: {  	_ =	shalt  }
0x48: {  	_ =	shalt  }
0x49: {  	_ =	shalt  }
0x4a: {  	_ =	shalt  }
0x4b: {  	_ =	shalt  }
0x4c: {  	_ =	shalt  }
0x4d: {  	_ =	shalt  }
0x4e: {  	_ =	shalt  }
0x4f: {  	_ =	shalt  }
0x50: {  	_ =	shalt  }
0x51: {  	_ =	shalt  }
0x52: {  	_ =	shalt  }
0x53: {  	_ =	shalt  }
0x54: {  	_ =	shalt  }
0x55: {  	_ =	shalt  }
0x56: {  	_ =	shalt  }
0x57: {  	_ =	shalt  }
0x58: {  	_ =	shalt  }
0x59: {  	_ =	shalt  }
0x5a: {  	_ =	shalt  }
0x5b: {  	_ =	shalt  }
0x5c: {  	_ =	shalt  }
0x5d: {  	_ =	shalt  }
0x5e: {  	_ =	shalt  }
0x5f: {  	_ =	shalt  }
0x60: {  	_ =	shalt  }
0x61: {  	_ =	shalt  }
0x62: {  	_ =	shalt  }
0x63: {  	_ =	shalt  }
0x64: {  	_ =	shalt  }
0x65: {  	_ =	shalt  }
0x66: {  	_ =	shalt  }
0x67: {  	_ =	shalt  }
0x68: {  	_ =	shalt  }
0x69: {  	_ =	shalt  }
0x6a: {  	_ =	shalt  }
0x6b: {  	_ =	shalt  }
0x6c: {  	_ =	shalt  }
0x6d: {  	_ =	shalt  }
0x6e: {  	_ =	shalt  }
0x6f: {  	_ =	shalt  }
0x70: {  	_ =	shalt  }
0x71: {  	_ =	shalt  }
0x72: {  	_ =	shalt  }
0x73: {  	_ =	shalt  }
0x74: {  	_ =	shalt  }
0x75: {  	_ =	shalt  }
0x76: {  	_ =	shalt  }
0x77: {  	_ =	shalt  }
0x78: {  	_ =	shalt  }
0x79: {  	_ =	shalt  }
0x7a: {  	_ =	shalt  }
0x7b: {  	_ =	shalt  }
0x7c: {  	_ =	shalt  }
0x7d: {  	_ =	shalt  }
0x7e: {  	_ =	shalt  }
0x7f: {  	_ =	shalt  }
0x80: {  	_ =	shalt  }
0x81: {  	_ =	shalt  }
0x82: {  	_ =	shalt  }
0x83: {  	_ =	shalt  }
0x84: {  	_ =	shalt  }
0x85: {  	_ =	shalt  }
0x86: {  	_ =	shalt  }
0x87: {  	_ =	shalt  }
.Lfunc_end0:
.L_simem_size_0:
called_computation_lowered:
.L_overlay_start_0:
0x88: {  	s2 =	sld [smem:$0x3FD9]  }
0x89: {  	s3 =	sld [smem:$0x3FFE];
	_ =	sdelay $0x1  }
0x8a: {  	s1 =	srdreg.scid  }
0x8b: {  	s0 =	sand.u32 $0x1, s1  }
0x8c: {  	s17 =	sshll.u32 s0, $0xA;
	s2 =	sadd.s32 s3, s2  }
0x8d: {  	s2 =	sadd.s32 s2, s17  }
0x8e: {  	[smem:$0x3FC6] =	sst s2  }
0x8f: {  	_ = 	snop  }
0x90: {  	s2 =	sld [smem:$0x3FC8]  }
0x91: {  	s18 =	sld [smem:$0x3FD0];
	(tm) =	ssettm $0x1  }
0x92: {  	s4 =	sld [smem:$0x3FFB];
	_ =	sdelay $0x3  }
0x93: {  	_ =	strace s4  }
0x94: {  	s4 =	sld [smem:$0x3FFC];
	_ =	sdelay $0x3  }
0x95: {  	_ =	strace s4  }
0x96: {  	s4 =	sld [smem:$0x3FFD];
	_ =	sdelay $0x3  }
0x97: {  	_ =	strace s4  }
0x98: {  	_ =	strace $0x8FFFFFFF  }
0x99: {  	s19 =	sld [smem:$0x3FDB];
	_ =	sdelay $0x1  }
0x9a: {  	s5 =	simm.s32 $_scs_section_size  }
0x9b: {  	s6 =	simm.s32 $_size__tile_overlayer_lowered;
	s7 =	simm.s32 $_tile_overlayer_lowered  }
0x9c: {  	s22 =	simm.s32 $0x1BFF;
	s21 =	sshll.u32 s7, $0x1;
	s4 =	sadd.s32 s5, s19  }
0x9d: {  	s8 =	simm.s32 $0x0;
	s20 =	sshll.u32 s6, $0x1;
	s6 =	sadd.s32 s21, s4  }
0x9e: {  	[timem:s8], [sflag:s22] =	dma.local [hbm:s6], s20  }
0x9f: {  	_ =	swait.ge [sflag:s22], s20  }
0xa0: {  	s5 =	ssub.s32 $0x0, s20;
	[sflag:s22] =	ssyncset.done $0x0  }
0xa1: {  	[sflag:s22] =	ssyncadd.s32 s5;
	_ =	sdelay $0x1  }
0xa2: {  	s23 =	simm.s32 $0x1B8B  }
0xa3: {  	_ =	swait.ge [sflag:s23], $0x1  }
0xa4: {  	[sflag:s23] =	ssyncset.done $0x0  }
0xa5: {  	s25 =	simm.s32 $0x1B8E;
	s24 =	sld [smem:$0x3FFE];
	[sflag:s23] =	ssyncadd.s32 $0xFFFFFFFF  }
0xa6: {  	s26 =	simm.s32 $execute0_lowered;
	[smem:$0x3FD2] =	sst s25  }
0xa7: {  	s6 =	sshll.u32 s26, $0x1;
	_ =	strace $0x80000046;
	[dreg:$0x1] =	wrdreg $0xFFFFFFFF  }
0xa8: {  	s28 =	simm.s32 $_size_execute0_lowered;
	s4 =	sadd.s32 s4, s6;
	[dreg:$0x0] =	wrdreg $0x0  }
0xa9: {  	s6 =	sshll.u32 s28, $0x1;
	[dreg:$0x2] =	wrdreg s4  }
0xaa: {  	[dreg:$0x3] =	wrdreg s6  }
0xab: {  	[dreg:$0x4] =	wrdreg $0xC0  }
0xac: {  	_ =	task [dreg:s8], $0x5FFFF  }
0xad: {  	[dreg:$0x1] =	wrdreg $0xFFFFFFFF  }
0xae: {  	[dreg:$0x0] =	wrdreg $0x60  }
0xaf: {  	[dreg:$0x2] =	wrdreg s2  }
0xb0: {  	[dreg:$0x3] =	wrdreg s18  }
0xb1: {  	[dreg:$0x4] =	wrdreg s24  }
0xb2: {  	[dreg:$0x5] =	wrdreg $0x9  }
0xb3: {  	_ =	task.clear_ibuf [dreg:s8], $0x6FFFF;
	_ =	strace $0x90000046  }
0xb4: {  	s29 =	simm.s32 $0x9;
	_ =	strace $0x80000048  }
0xb5: {  	_ =	swait.ge [sflag:s29], $0x1  }
0xb6: {  	[sflag:s29] =	ssyncadd.s32 $0xFFFFFFFF  }
0xb7: {  	_ =	strace $0x90000048  }
0xb8: {  	_ =	sfence  }
0xb9: {  	s30 =	sld [smem:$0x0];
	_ =	sdelay $0x2  }
0xba: {  	s31 =	sshll.u32 s1, $0xD;
	s1 =	sshrl.u32 s1, $0x2  }
0xbb: {  	s3 =	sand.u32 $0x4000, s31;
	s1 =	sadd.s32 s1, s30  }
0xbc: {  	s0 =	sor.u32 s3, s0;
	s1 =	sshll.u32 s1, $0x11  }
0xbd: {  	s0 =	sor.u32 s1, s0  }
0xbe: {  	s0 =	sadd.s32 $0x8F2B, s0  }
0xbf: {  	[sflag:s0] =	ssyncadd.remote.s32 $0x1  }
0xc0: {  	_ =	sfence.sel $0xFFFF  }
0xc1: {  	[dreg:$0x0] =	wrdreg $0xFFFFFFFF;
	(pc) =	sbr.abs _section_cstart, $3  }
0xc2: {  	[dreg:$0x1] =	wrdreg $0xFFFFFFFF  }
0xc3: {  	_ =	task.clear_ibuf [dreg:s8], $0x2FFFF;
	_ =	strace $0x9FFFFFFF  }
0xc4: {  	(tm) =	ssettm $0x7FFFFFFF  }
0xc5: {  	_ =	shalt  }
tec
execute0_lowered:
.L_overlay_start_1:
0x0: {  	(tag) =	ssettag $0x1  }
0x1: {  	v0 =	vlaneseq.u32;
	s0 =	rddreg [dreg:$0x0];
	s3 =	simm.s32 $0x0  }
0x2: {  	[smem:$0x7FF] =	sst s3;
	v1 =	vor.u32 $0x1000, v0  }
0x3: {  	s7 =	rddreg [dreg:$0x2];
	v8 =	vor.u32 $0x200, v0;
	_ =	strace $0x80000047;
	[tilespmem:$0x1FDF0] =	vst v1  }
0x4: {  	v10 =	vor.u32 $0x400, v0;
	[tilespmem:$0x1FE10] =	vst v8  }
0x5: {  	v12 =	vor.u32 $0x600, v0;
	[tilespmem:$0x1FE30] =	vst v10  }
0x6: {  	v14 =	vor.u32 $0x800, v0;
	[tilespmem:$0x1FE50] =	vst v12  }
0x7: {  	v16 =	vor.u32 $0xA00, v0;
	[tilespmem:$0x1FE70] =	vst v14  }
0x8: {  	v18 =	vor.u32 $0xC00, v0;
	[tilespmem:$0x1FE90] =	vst v16  }
0x9: {  	v20 =	vor.u32 $0xE00, v0;
	[tilespmem:$0x1FEB0] =	vst v18  }
0xa: {  	v22 =	vor.u32 $0x10, v0;
	[tilespmem:$0x1FED0] =	vst v20  }
0xb: {  	v24 =	vor.u32 $0x210, v0;
	[tilespmem:$0x1FEF0] =	vst v22  }
0xc: {  	v26 =	vor.u32 $0x410, v0;
	[tilespmem:$0x1FF10] =	vst v24  }
0xd: {  	v28 =	vor.u32 $0x610, v0;
	[tilespmem:$0x1FF30] =	vst v26  }
0xe: {  	v30 =	vor.u32 $0x810, v0;
	[tilespmem:$0x1FF50] =	vst v28  }
0xf: {  	v33 =	vor.u32 $0xA10, v0;
	[tilespmem:$0x1FF70] =	vst v30  }
0x10: {  	v60 =	vor.u32 $0xC10, v0;
	[tilespmem:$0x1FF90] =	vst v33  }
0x11: {  	v31 =	vmul.u32 $0x80, v0;
	v62 =	vor.u32 $0xE10, v0;
	[tilespmem:$0x1FFB0] =	vst v60  }
0x12: {  	[tilespmem:$0x1FFD0] =	vst v62  }
0x13: {  	v7 =	vor.u32 $0x10, v31;
	[tilespmem:$0x1FFF0] =	vst v31  }
0x14: {  	v9 =	vor.u32 $0x20, v31;
	[tilespmem:$0x1FE00] =	vst v7  }
0x15: {  	s1 =	srdreg.scid;
	s2 =	stileid.u32;
	s16 =	simm.s32 $0x7A1400;
	v11 =	vor.u32 $0x30, v31;
	[tilespmem:$0x1FE20] =	vst v9  }
0x16: {  	s17 =	simm.s32 $0x400;
	s18 =	simm.s32 $0x1000;
	s19 =	simm.s32 $0x2000;
	v13 =	vor.u32 $0x40, v31;
	[tilespmem:$0x1FE40] =	vst v11  }
0x17: {  	s20 =	simm.s32 $0x3000;
	s21 =	simm.s32 $0x1;
	s22 =	simm.s32 $0x4000;
	v15 =	vor.u32 $0x50, v31;
	[tilespmem:$0x1FE60] =	vst v13  }
0x18: {  	s28 =	simm.s32 $0x7;
	s29 =	simm.s32 $0x6000;
	s30 =	simm.s32 $0x4;
	v35 =	vor.u32 $0x1200, v0;
	v37 =	vor.u32 $0x1400, v0;
	v17 =	vor.u32 $0x60, v31;
	[tilespmem:$0x1FE80] =	vst v15  }
0x19: {  	s31 =	simm.s32 $0x8;
	s1 =	sand.u32 $0x1, s1;
	s6 =	sadd.s32 $0xA00, s7;
	v39 =	vor.u32 $0x1600, v0;
	v41 =	vor.u32 $0x1800, v0;
	v19 =	vor.u32 $0x70, v31;
	[tilespmem:$0x1FEA0] =	vst v17  }
0x1a: {  	s2 =	sshll.u32 s2, $0x1;
	s10 =	sadd.s32 $0x200, s0;
	s11 =	sadd.s32 $0x280, s0;
	v43 =	vor.u32 $0x1A00, v0;
	v45 =	vor.u32 $0x1C00, v0;
	v21 =	vor.u32 $0x800, v31;
	[tilespmem:$0x1FEC0] =	vst v19  }
0x1b: {  	s7 =	sadd.s32 $0x3D1200, s7;
	v47 =	vor.u32 $0x1E00, v0;
	v49 =	vor.u32 $0x1010, v0;
	s2 =	sor.u32 s1, s2;
	s1 =	ssub.s32 $0x2, s1;
	v23 =	vor.u32 $0x810, v31;
	[tilespmem:$0x1FEE0] =	vst v21  }
0x1c: {  	s12 =	sadd.s32 $0x300, s0;
	v51 =	vor.u32 $0x1210, v0;
	v53 =	vor.u32 $0x1410, v0;
	s4 =	smul.u32 $0x7C00, s2;
	v25 =	vor.u32 $0x820, v31;
	s8 =	sshrl.u32 s1, $0x1;
	[tilespmem:$0x1FF00] =	vst v23  }
0x1d: {  	s14 =	sadd.s32 $0x380, s0;
	v55 =	vor.u32 $0x1610, v0;
	v57 =	vor.u32 $0x1810, v0;
	[dreg:$0x7] =	wrdreg s7;
	v27 =	vor.u32 $0x830, v31;
	s1 =	ssub.s32 s1, s8;
	[tilespmem:$0x1FF20] =	vst v25  }
0x1e: {  	v29 =	vor.u32 $0x840, v31;
	v32 =	vor.u32 $0x850, v31;
	v59 =	vor.u32 $0x860, v31;
	p0 =	sne.s32 s2, $0x0;
	[tilespmem:$0x1FF40] =	vst v27;
	s5 =	sadd.s32 s0, s4;
	s26 =	smax.u32 s1, $0x1  }
.Ltmp0:
0x1f: {  	v61 =	vor.u32 $0x870, v31;
	v63 =	vor.u32 $0x1000, v31;
	v34 =	vor.u32 $0x1010, v31;
	[tilespmem:$0x1FF60] =	vst v29;
	s23 =	sadd.s32 $0x80, s5;
	[dreg:$0x8] =	wrdreg s26;
	(pc) =	sbr.rel .LBB2_1-.Ltmp0, $4  }
0x20: {  	v36 =	vor.u32 $0x1020, v31;
	v38 =	vor.u32 $0x1030, v31;
	v40 =	vor.u32 $0x1040, v31;
	s2 =	simm.s32 $0x7000;
	[tilespmem:$0x1FF80] =	vst v32;
	s24 =	sadd.s32 $0x100, s5;
	[dreg:$0x4] =	wrdreg s23  }
0x21: {  	v42 =	vor.u32 $0x1050, v31;
	v44 =	vor.u32 $0x1060, v31;
	v46 =	vor.u32 $0x1070, v31;
	[tilespmem:$0x1FFA0] =	vst v59;
	s0 =	simm.s32 $0x5;
	s25 =	sadd.s32 $0x180, s5;
	[dreg:$0x5] =	wrdreg s24  }
0x22: {  	v48 =	vor.u32 $0x1800, v31;
	v50 =	vor.u32 $0x1810, v31;
	v52 =	vor.u32 $0x1820, v31;
	[tilespmem:$0x1FFC0] =	vst v61;
	s1 =	simm.s32 $0x0;
	s26 =	simm.s32 $0x3;
	[dreg:$0x6] =	wrdreg s25  }
0x23: {  	v54 =	vor.u32 $0x1830, v31;
	v56 =	vor.u32 $0x1840, v31;
	v58 =	vor.u32 $0x1850, v31;
	[tilespmem:$0x1FFE0] =	vst v63;
	s23 =	simm.s32 $0x2;
	s24 =	simm.s32 $0x6;
	s25 =	simm.s32 $0x5000  }
.LBB2_24:
0x24: {  	_ =	swait.ge [sflag:s0], $0x1000  }
0x25: {  	[sflag:s0] =	ssyncset.done $0x0  }
0x26: {  	[sflag:s0] =	ssyncadd.s32 $0xFFFFF000  }
0x27: {  	_ =	swait.ge [sflag:s24], $0x1000  }
0x28: {  	[sflag:s24] =	ssyncset.done $0x0  }
0x29: {  	[sflag:s24] =	ssyncadd.s32 $0xFFFFF000  }
0x2a: {  	_ =	swait.ge [sflag:s28], $0x1000  }
0x2b: {  	[sflag:s28] =	ssyncset.done $0x0  }
0x2c: {  	[sflag:s28] =	ssyncadd.s32 $0xFFFFF000  }
0x2d: {  	_ =	swait.ge [sflag:s31], $0x1000  }
0x2e: {  	[sflag:s31] =	ssyncset.done $0x0  }
0x2f: {  	[sflag:s31] =	ssyncadd.s32 $0xFFFFF000  }
0x30: {  	s7 =	simm.s32 @!p0 $0x0;
	s8 =	simm.s32 @!p0 $0x4000;
	s9 =	rddreg [dreg:$0x1]  }
0x31: {  	[tilespmem:s8], [sflag:$0x9] =	stream.linear.gather @!p0 [hbm4b:s9+s7], $0x820, $0x38;
	[tilespmem:$0x8000] =	vst v63  }
0x32: {  	s9 =	simm.s32 @!p0 $0x9  }
0x33: {  	_ =	swait.ge @!p0 [sflag:s9], $0x820  }
0x34: {  	[sflag:s9] =	ssyncset.done @!p0 $0x0  }
0x35: {  	s13 =	rddreg [dreg:$0x7];
	[sflag:s9] =	ssyncadd.s32 @!p0 $0xFFFFF7E0  }
0x36: {  	[hbm4b:s13+s7] =	stream.linear.scatter @!p0 [tilespmem:s8], [sflag:$0x9], $0x820, $0x38;
	[tilespmem:$0x8000] =	vst v63  }
0x37: {  	_ =	swait.ge @!p0 [sflag:s9], $0x820  }
0x38: {  	v31 =	vld [tilespmem:$0x1FFF0]  }
0x39: {  	v7 =	vld [tilespmem:$0x1FE00]  }
0x3a: {  	v8 =	vld [tilespmem:$0x1FE10]  }
0x3b: {  	v9 =	vld [tilespmem:$0x1FE20]  }
0x3c: {  	v10 =	vld [tilespmem:$0x1FE30]  }
0x3d: {  	v11 =	vld [tilespmem:$0x1FE40]  }
0x3e: {  	v12 =	vld [tilespmem:$0x1FE50]  }
0x3f: {  	v13 =	vld [tilespmem:$0x1FE60]  }
0x40: {  	v14 =	vld [tilespmem:$0x1FE70]  }
0x41: {  	v15 =	vld [tilespmem:$0x1FE80]  }
0x42: {  	v16 =	vld [tilespmem:$0x1FE90]  }
0x43: {  	v17 =	vld [tilespmem:$0x1FEA0]  }
0x44: {  	v18 =	vld [tilespmem:$0x1FEB0]  }
0x45: {  	v19 =	vld [tilespmem:$0x1FEC0]  }
0x46: {  	v20 =	vld [tilespmem:$0x1FED0]  }
0x47: {  	v21 =	vld [tilespmem:$0x1FEE0]  }
0x48: {  	v22 =	vld [tilespmem:$0x1FEF0]  }
0x49: {  	v23 =	vld [tilespmem:$0x1FF00]  }
0x4a: {  	v24 =	vld [tilespmem:$0x1FF10]  }
0x4b: {  	v25 =	vld [tilespmem:$0x1FF20]  }
0x4c: {  	v26 =	vld [tilespmem:$0x1FF30]  }
0x4d: {  	v27 =	vld [tilespmem:$0x1FF40]  }
0x4e: {  	v28 =	vld [tilespmem:$0x1FF50]  }
0x4f: {  	v29 =	vld [tilespmem:$0x1FF60]  }
0x50: {  	v30 =	vld [tilespmem:$0x1FF70]  }
0x51: {  	s1 =	sadd.s32 $0x1, s1;
	s15 =	rddreg [dreg:$0x8];
	v32 =	vld [tilespmem:$0x1FF80]  }
0x52: {  	v33 =	vld [tilespmem:$0x1FF90];
	p1 =	sne.s32 s1, s15  }
.Ltmp1:
0x53: {  	v62 =	vld [tilespmem:$0x1FFD0];
	(pc) =	sbr.rel @!p1 .LBB2_25-.Ltmp1, $4  }
0x54: {  	v63 =	vld [tilespmem:$0x1FFE0]  }
0x55: {  	v59 =	vld [tilespmem:$0x1FFA0]  }
0x56: {  	[sflag:s9] =	ssyncset.done @!p0 $0x0;
	v60 =	vld [tilespmem:$0x1FFB0]  }
0x57: {  	v61 =	vld [tilespmem:$0x1FFC0];
	[sflag:s9] =	ssyncadd.s32 @!p0 $0xFFFFF7E0  }
.LBB2_1:
0x58: {  	[tilespmem:s3], [sflag:$0x1] =	stream.strided.gather [hbm4b:s5+s17], $0x1000, s16, s17, $0x38;
	[tilespmem:$0x8000] =	vst v63  }
0x59: {  	s7 =	rddreg [dreg:$0x4]  }
0x5a: {  	[tilespmem:s18], [sflag:$0x2] =	stream.strided.gather [hbm4b:s7+s17], $0x1000, s16, s17, $0x38;
	[tilespmem:$0x8000] =	vst v63  }
0x5b: {  	s13 =	rddreg [dreg:$0x5]  }
0x5c: {  	[tilespmem:s19], [sflag:$0x3] =	stream.strided.gather [hbm4b:s13+s17], $0x1000, s16, s17, $0x38;
	[tilespmem:$0x8000] =	vst v63  }
0x5d: {  	s15 =	rddreg [dreg:$0x6];
	s7 =	simm.s32 $0x0  }
0x5e: {  	[tilespmem:s20], [sflag:$0x4] =	stream.strided.gather [hbm4b:s15+s17], $0x1000, s16, s17, $0x38;
	[tilespmem:$0x8000] =	vst v63  }
.LBB2_2:
0x5f: {  	s8 =	simm.s32 $0x0  }
0x60: {  	v1 =	vadd.s32 s8, v0  }
0x61: {  	_ =	swait.ge [sflag:s21], $0x1000;
	v2 =	vand.u32 $0xF, v1  }
0x62: {  	p1 =	seq.s32 s7, $0x0;
	[sflag:s21] =	ssyncset.done $0x0;
	v3 =	vor.u32 v31, v2  }
0x63: {  	s8 =	simm.s32 @!p1 $0x5;
	[sflag:s21] =	ssyncadd.s32 $0xFFFFF000  }
0x64: {  	_ =	swait.ge @!p1 [sflag:s8], $0x1000  }
0x65: {  	[sflag:s8] =	ssyncset.done @!p1 $0x0  }
0x66: {  	v4 =	vshll.u32 v2, $0x5;
	[sflag:s8] =	ssyncadd.s32 @!p1 $0xFFFFF000  }
0x67: {  	v5 =	vor.u32 v0, v4;
	v3 =	vld.idx.msk [tilespmem:v3+s3+$0x0], $0xffff  }
0x68: {  	v6 =	vor.u32 v7, v1;
	_ =	sdelay $0x3  }
0x69: {  	[tilespmem:v5+s22+$0x0] =	vst.idx.msk $0xffff, v3  }
0x6a: {  	v5 =	vor.u32 v8, v4;
	v3 =	vld.idx.msk [tilespmem:v6+s3+$0x0], $0xffff  }
0x6b: {  	v6 =	vor.u32 v9, v2;
	_ =	sdelay $0x3  }
0x6c: {  	[tilespmem:v5+s22+$0x0] =	vst.idx.msk $0xffff, v3  }
0x6d: {  	v5 =	vor.u32 v10, v4;
	v3 =	vld.idx.msk [tilespmem:v6+s3+$0x0], $0xffff  }
0x6e: {  	v6 =	vor.u32 v11, v1;
	_ =	sdelay $0x3  }
0x6f: {  	[tilespmem:v5+s22+$0x0] =	vst.idx.msk $0xffff, v3  }
0x70: {  	v5 =	vor.u32 v12, v4;
	v3 =	vld.idx.msk [tilespmem:v6+s3+$0x0], $0xffff  }
0x71: {  	v6 =	vor.u32 v13, v2;
	_ =	sdelay $0x3  }
0x72: {  	[tilespmem:v5+s22+$0x0] =	vst.idx.msk $0xffff, v3  }
0x73: {  	v5 =	vor.u32 v14, v4;
	v3 =	vld.idx.msk [tilespmem:v6+s3+$0x0], $0xffff  }
0x74: {  	v6 =	vor.u32 v15, v1;
	_ =	sdelay $0x3  }
0x75: {  	[tilespmem:v5+s22+$0x0] =	vst.idx.msk $0xffff, v3  }
0x76: {  	v5 =	vor.u32 v16, v4;
	v3 =	vld.idx.msk [tilespmem:v6+s3+$0x0], $0xffff  }
0x77: {  	v6 =	vor.u32 v17, v2;
	_ =	sdelay $0x3  }
0x78: {  	[tilespmem:v5+s22+$0x0] =	vst.idx.msk $0xffff, v3  }
0x79: {  	v5 =	vor.u32 v18, v4;
	v3 =	vld.idx.msk [tilespmem:v6+s3+$0x0], $0xffff  }
0x7a: {  	v6 =	vor.u32 v19, v1;
	_ =	sdelay $0x3  }
0x7b: {  	[tilespmem:v5+s22+$0x0] =	vst.idx.msk $0xffff, v3  }
0x7c: {  	v5 =	vor.u32 v20, v4;
	v3 =	vld.idx.msk [tilespmem:v6+s3+$0x0], $0xffff  }
0x7d: {  	v6 =	vor.u32 v21, v2;
	_ =	sdelay $0x3  }
0x7e: {  	[tilespmem:v5+s22+$0x0] =	vst.idx.msk $0xffff, v3  }
0x7f: {  	v5 =	vor.u32 v22, v4;
	v3 =	vld.idx.msk [tilespmem:v6+s3+$0x0], $0xffff  }
0x80: {  	v6 =	vor.u32 v23, v1;
	_ =	sdelay $0x3  }
0x81: {  	[tilespmem:v5+s22+$0x0] =	vst.idx.msk $0xffff, v3  }
0x82: {  	v5 =	vor.u32 v24, v4;
	v3 =	vld.idx.msk [tilespmem:v6+s3+$0x0], $0xffff  }
0x83: {  	v6 =	vor.u32 v25, v2;
	_ =	sdelay $0x3  }
0x84: {  	[tilespmem:v5+s22+$0x0] =	vst.idx.msk $0xffff, v3  }
0x85: {  	v5 =	vor.u32 v26, v4;
	v3 =	vld.idx.msk [tilespmem:v6+s3+$0x0], $0xffff  }
0x86: {  	v6 =	vor.u32 v27, v1;
	_ =	sdelay $0x3  }
0x87: {  	[tilespmem:v5+s22+$0x0] =	vst.idx.msk $0xffff, v3  }
0x88: {  	v5 =	vor.u32 v28, v4;
	v3 =	vld.idx.msk [tilespmem:v6+s3+$0x0], $0xffff  }
0x89: {  	v6 =	vor.u32 v29, v2;
	_ =	sdelay $0x3  }
0x8a: {  	[tilespmem:v5+s22+$0x0] =	vst.idx.msk $0xffff, v3  }
0x8b: {  	v5 =	vor.u32 v30, v4;
	v3 =	vld.idx.msk [tilespmem:v6+s3+$0x0], $0xffff  }
0x8c: {  	v6 =	vor.u32 v32, v1;
	_ =	sdelay $0x3  }
0x8d: {  	[tilespmem:v5+s22+$0x0] =	vst.idx.msk $0xffff, v3  }
0x8e: {  	v5 =	vor.u32 v33, v4;
	v3 =	vld.idx.msk [tilespmem:v6+s3+$0x0], $0xffff  }
0x8f: {  	v2 =	vor.u32 v59, v2;
	_ =	sdelay $0x3  }
0x90: {  	[tilespmem:v5+s22+$0x0] =	vst.idx.msk $0xffff, v3  }
0x91: {  	v3 =	vor.u32 v60, v4;
	v2 =	vld.idx.msk [tilespmem:v2+s3+$0x0], $0xffff  }
0x92: {  	v1 =	vor.u32 v61, v1;
	_ =	sdelay $0x2  }
0x93: {  	s15 =	simm.s32 $0x1  }
0x94: {  	[tilespmem:v3+s22+$0x0] =	vst.idx.msk $0xffff, v2;
	v2 =	vadd.s32 s15, v0  }
0x95: {  	v3 =	vor.u32 v62, v4;
	v1 =	vld.idx.msk [tilespmem:v1+s3+$0x0], $0xffff;
	v2 =	vand.u32 $0xF, v2  }
0x96: {  	v4 =	vor.u32 v31, v2;
	_ =	sdelay $0x3  }
0x97: {  	[tilespmem:v3+s22+$0x0] =	vst.idx.msk $0xffff, v1;
	v3 =	vshll.u32 v2, $0x5  }
0x98: {  	v1 =	vld.idx.msk [tilespmem:v4+s3+$0x0], $0xffff;
	v4 =	vor.u32 v0, v3  }
0x99: {  	v5 =	vor.u32 v7, v2;
	_ =	sdelay $0x3  }
0x9a: {  	[tilespmem:v4+s22+$0x0] =	vst.idx.msk $0xffff, v1  }
0x9b: {  	v4 =	vor.u32 v8, v3;
	v1 =	vld.idx.msk [tilespmem:v5+s3+$0x0], $0xffff  }
0x9c: {  	v5 =	vor.u32 v9, v2;
	_ =	sdelay $0x3  }
0x9d: {  	[tilespmem:v4+s22+$0x0] =	vst.idx.msk $0xffff, v1  }
0x9e: {  	v4 =	vor.u32 v10, v3;
	v1 =	vld.idx.msk [tilespmem:v5+s3+$0x0], $0xffff  }
0x9f: {  	v5 =	vor.u32 v11, v2;
	_ =	sdelay $0x3  }
0xa0: {  	[tilespmem:v4+s22+$0x0] =	vst.idx.msk $0xffff, v1  }
0xa1: {  	v4 =	vor.u32 v12, v3;
	v1 =	vld.idx.msk [tilespmem:v5+s3+$0x0], $0xffff  }
0xa2: {  	v5 =	vor.u32 v13, v2;
	_ =	sdelay $0x3  }
0xa3: {  	[tilespmem:v4+s22+$0x0] =	vst.idx.msk $0xffff, v1  }
0xa4: {  	v4 =	vor.u32 v14, v3;
	v1 =	vld.idx.msk [tilespmem:v5+s3+$0x0], $0xffff  }
0xa5: {  	v5 =	vor.u32 v15, v2;
	_ =	sdelay $0x3  }
0xa6: {  	[tilespmem:v4+s22+$0x0] =	vst.idx.msk $0xffff, v1  }
0xa7: {  	v4 =	vor.u32 v16, v3;
	v1 =	vld.idx.msk [tilespmem:v5+s3+$0x0], $0xffff  }
0xa8: {  	v5 =	vor.u32 v17, v2;
	_ =	sdelay $0x3  }
0xa9: {  	[tilespmem:v4+s22+$0x0] =	vst.idx.msk $0xffff, v1  }
0xaa: {  	v4 =	vor.u32 v18, v3;
	v1 =	vld.idx.msk [tilespmem:v5+s3+$0x0], $0xffff  }
0xab: {  	v5 =	vor.u32 v19, v2;
	_ =	sdelay $0x3  }
0xac: {  	[tilespmem:v4+s22+$0x0] =	vst.idx.msk $0xffff, v1  }
0xad: {  	v4 =	vor.u32 v20, v3;
	v1 =	vld.idx.msk [tilespmem:v5+s3+$0x0], $0xffff  }
0xae: {  	v5 =	vor.u32 v21, v2;
	_ =	sdelay $0x3  }
0xaf: {  	[tilespmem:v4+s22+$0x0] =	vst.idx.msk $0xffff, v1  }
0xb0: {  	v4 =	vor.u32 v22, v3;
	v1 =	vld.idx.msk [tilespmem:v5+s3+$0x0], $0xffff  }
0xb1: {  	v5 =	vor.u32 v23, v2;
	_ =	sdelay $0x3  }
0xb2: {  	[tilespmem:v4+s22+$0x0] =	vst.idx.msk $0xffff, v1  }
0xb3: {  	v4 =	vor.u32 v24, v3;
	v1 =	vld.idx.msk [tilespmem:v5+s3+$0x0], $0xffff  }
0xb4: {  	v5 =	vor.u32 v25, v2;
	_ =	sdelay $0x3  }
0xb5: {  	[tilespmem:v4+s22+$0x0] =	vst.idx.msk $0xffff, v1  }
0xb6: {  	v4 =	vor.u32 v26, v3;
	v1 =	vld.idx.msk [tilespmem:v5+s3+$0x0], $0xffff  }
0xb7: {  	v5 =	vor.u32 v27, v2;
	_ =	sdelay $0x3  }
0xb8: {  	[tilespmem:v4+s22+$0x0] =	vst.idx.msk $0xffff, v1  }
0xb9: {  	v4 =	vor.u32 v28, v3;
	v1 =	vld.idx.msk [tilespmem:v5+s3+$0x0], $0xffff  }
0xba: {  	v5 =	vor.u32 v29, v2;
	_ =	sdelay $0x3  }
0xbb: {  	[tilespmem:v4+s22+$0x0] =	vst.idx.msk $0xffff, v1  }
0xbc: {  	v4 =	vor.u32 v30, v3;
	v1 =	vld.idx.msk [tilespmem:v5+s3+$0x0], $0xffff  }
0xbd: {  	v5 =	vor.u32 v32, v2;
	_ =	sdelay $0x3  }
0xbe: {  	[tilespmem:v4+s22+$0x0] =	vst.idx.msk $0xffff, v1  }
0xbf: {  	v4 =	vor.u32 v33, v3;
	v1 =	vld.idx.msk [tilespmem:v5+s3+$0x0], $0xffff  }
0xc0: {  	v5 =	vor.u32 v59, v2;
	_ =	sdelay $0x3  }
0xc1: {  	[tilespmem:v4+s22+$0x0] =	vst.idx.msk $0xffff, v1  }
0xc2: {  	v4 =	vor.u32 v60, v3;
	v1 =	vld.idx.msk [tilespmem:v5+s3+$0x0], $0xffff  }
0xc3: {  	v5 =	vor.u32 v61, v2;
	_ =	sdelay $0x3  }
0xc4: {  	s8 =	simm.s32 $0x2;
	[tilespmem:v4+s22+$0x0] =	vst.idx.msk $0xffff, v1  }
0xc5: {  	s9 =	simm.s32 $0x4;
	v2 =	vadd.s32 s8, v0;
	v1 =	vld.idx.msk [tilespmem:v5+s3+$0x0], $0xffff  }
.LBB2_3:
0xc6: {  	p2 =	sne.s32 s9, $0xE;
	v4 =	vand.u32 $0xF, v2;
	v3 =	vor.u32 v62, v3  }
0xc7: {  	v5 =	vor.u32 v31, v4;
	_ =	sdelay $0x3  }
0xc8: {  	[tilespmem:v3+s22+$0x0] =	vst.idx.msk $0xffff, v1  }
0xc9: {  	v3 =	vshll.u32 v4, $0x5;
	v1 =	vld.idx.msk [tilespmem:v5+s3+$0x0], $0xffff  }
0xca: {  	v5 =	vor.u32 v0, v3  }
0xcb: {  	v6 =	vor.u32 v7, v2;
	_ =	sdelay $0x3  }
0xcc: {  	[tilespmem:v5+s22+$0x0] =	vst.idx.msk $0xffff, v1  }
0xcd: {  	v1 =	vld.idx.msk [tilespmem:v6+s3+$0x0], $0xffff  }
0xce: {  	v5 =	vor.u32 v8, v3  }
0xcf: {  	v6 =	vor.u32 v9, v4;
	_ =	sdelay $0x3  }
0xd0: {  	[tilespmem:v5+s22+$0x0] =	vst.idx.msk $0xffff, v1  }
0xd1: {  	v1 =	vld.idx.msk [tilespmem:v6+s3+$0x0], $0xffff  }
0xd2: {  	v5 =	vor.u32 v10, v3  }
0xd3: {  	v6 =	vor.u32 v11, v2;
	_ =	sdelay $0x3  }
0xd4: {  	[tilespmem:v5+s22+$0x0] =	vst.idx.msk $0xffff, v1  }
0xd5: {  	v1 =	vld.idx.msk [tilespmem:v6+s3+$0x0], $0xffff  }
0xd6: {  	v5 =	vor.u32 v12, v3  }
0xd7: {  	v6 =	vor.u32 v13, v4;
	_ =	sdelay $0x3  }
0xd8: {  	[tilespmem:v5+s22+$0x0] =	vst.idx.msk $0xffff, v1  }
0xd9: {  	v1 =	vld.idx.msk [tilespmem:v6+s3+$0x0], $0xffff  }
0xda: {  	v5 =	vor.u32 v14, v3  }
0xdb: {  	v6 =	vor.u32 v15, v2;
	_ =	sdelay $0x3  }
0xdc: {  	[tilespmem:v5+s22+$0x0] =	vst.idx.msk $0xffff, v1  }
0xdd: {  	v1 =	vld.idx.msk [tilespmem:v6+s3+$0x0], $0xffff  }
0xde: {  	v5 =	vor.u32 v16, v3  }
0xdf: {  	v6 =	vor.u32 v17, v4;
	_ =	sdelay $0x3  }
0xe0: {  	[tilespmem:v5+s22+$0x0] =	vst.idx.msk $0xffff, v1  }
0xe1: {  	v1 =	vld.idx.msk [tilespmem:v6+s3+$0x0], $0xffff  }
0xe2: {  	v5 =	vor.u32 v18, v3  }
0xe3: {  	v6 =	vor.u32 v19, v2;
	_ =	sdelay $0x3  }
0xe4: {  	[tilespmem:v5+s22+$0x0] =	vst.idx.msk $0xffff, v1  }
0xe5: {  	v1 =	vld.idx.msk [tilespmem:v6+s3+$0x0], $0xffff  }
0xe6: {  	v5 =	vor.u32 v20, v3  }
0xe7: {  	v6 =	vor.u32 v21, v4;
	_ =	sdelay $0x3  }
0xe8: {  	[tilespmem:v5+s22+$0x0] =	vst.idx.msk $0xffff, v1  }
0xe9: {  	v1 =	vld.idx.msk [tilespmem:v6+s3+$0x0], $0xffff  }
0xea: {  	v5 =	vor.u32 v22, v3  }
0xeb: {  	v6 =	vor.u32 v23, v2;
	_ =	sdelay $0x3  }
0xec: {  	[tilespmem:v5+s22+$0x0] =	vst.idx.msk $0xffff, v1  }
0xed: {  	v1 =	vld.idx.msk [tilespmem:v6+s3+$0x0], $0xffff  }
0xee: {  	v5 =	vor.u32 v24, v3  }
0xef: {  	v6 =	vor.u32 v25, v4;
	_ =	sdelay $0x3  }
0xf0: {  	[tilespmem:v5+s22+$0x0] =	vst.idx.msk $0xffff, v1  }
0xf1: {  	v1 =	vld.idx.msk [tilespmem:v6+s3+$0x0], $0xffff  }
0xf2: {  	v5 =	vor.u32 v26, v3  }
0xf3: {  	v6 =	vor.u32 v27, v2;
	_ =	sdelay $0x3  }
0xf4: {  	[tilespmem:v5+s22+$0x0] =	vst.idx.msk $0xffff, v1  }
0xf5: {  	v1 =	vld.idx.msk [tilespmem:v6+s3+$0x0], $0xffff  }
0xf6: {  	v5 =	vor.u32 v28, v3  }
0xf7: {  	v6 =	vor.u32 v29, v4;
	_ =	sdelay $0x3  }
0xf8: {  	[tilespmem:v5+s22+$0x0] =	vst.idx.msk $0xffff, v1  }
0xf9: {  	v1 =	vld.idx.msk [tilespmem:v6+s3+$0x0], $0xffff  }
0xfa: {  	v5 =	vor.u32 v30, v3  }
0xfb: {  	v6 =	vor.u32 v32, v2;
	_ =	sdelay $0x3  }
0xfc: {  	[tilespmem:v5+s22+$0x0] =	vst.idx.msk $0xffff, v1  }
0xfd: {  	v1 =	vld.idx.msk [tilespmem:v6+s3+$0x0], $0xffff  }
0xfe: {  	v5 =	vor.u32 v33, v3  }
0xff: {  	v4 =	vor.u32 v59, v4;
	_ =	sdelay $0x3  }
0x100: {  	[tilespmem:v5+s22+$0x0] =	vst.idx.msk $0xffff, v1  }
0x101: {  	v1 =	vld.idx.msk [tilespmem:v4+s3+$0x0], $0xffff  }
0x102: {  	v4 =	vor.u32 v60, v3  }
0x103: {  	v2 =	vor.u32 v61, v2;
	_ =	sdelay $0x3  }
0x104: {  	s13 =	sadd.s32 $0x1, s8;
	s8 =	smov.u32 s9;
	[tilespmem:v4+s22+$0x0] =	vst.idx.msk $0xffff, v1  }
0x105: {  	v1 =	vld.idx.msk [tilespmem:v2+s3+$0x0], $0xffff;
	v2 =	vadd.s32 s13, v0  }
0x106: {  	v3 =	vor.u32 v62, v3;
	v2 =	vand.u32 $0xF, v2  }
0x107: {  	v4 =	vor.u32 v31, v2;
	_ =	sdelay $0x3  }
0x108: {  	[tilespmem:v3+s22+$0x0] =	vst.idx.msk $0xffff, v1  }
0x109: {  	v3 =	vshll.u32 v2, $0x5;
	v1 =	vld.idx.msk [tilespmem:v4+s3+$0x0], $0xffff  }
0x10a: {  	v4 =	vor.u32 v0, v3  }
0x10b: {  	v5 =	vor.u32 v7, v2;
	_ =	sdelay $0x3  }
0x10c: {  	[tilespmem:v4+s22+$0x0] =	vst.idx.msk $0xffff, v1  }
0x10d: {  	v1 =	vld.idx.msk [tilespmem:v5+s3+$0x0], $0xffff  }
0x10e: {  	v4 =	vor.u32 v8, v3  }
0x10f: {  	v5 =	vor.u32 v9, v2;
	_ =	sdelay $0x3  }
0x110: {  	[tilespmem:v4+s22+$0x0] =	vst.idx.msk $0xffff, v1  }
0x111: {  	v1 =	vld.idx.msk [tilespmem:v5+s3+$0x0], $0xffff  }
0x112: {  	v4 =	vor.u32 v10, v3  }
0x113: {  	v5 =	vor.u32 v11, v2;
	_ =	sdelay $0x3  }
0x114: {  	[tilespmem:v4+s22+$0x0] =	vst.idx.msk $0xffff, v1  }
0x115: {  	v1 =	vld.idx.msk [tilespmem:v5+s3+$0x0], $0xffff  }
0x116: {  	v4 =	vor.u32 v12, v3  }
0x117: {  	v5 =	vor.u32 v13, v2;
	_ =	sdelay $0x3  }
0x118: {  	[tilespmem:v4+s22+$0x0] =	vst.idx.msk $0xffff, v1  }
0x119: {  	v1 =	vld.idx.msk [tilespmem:v5+s3+$0x0], $0xffff  }
0x11a: {  	v4 =	vor.u32 v14, v3  }
0x11b: {  	v5 =	vor.u32 v15, v2;
	_ =	sdelay $0x3  }
0x11c: {  	[tilespmem:v4+s22+$0x0] =	vst.idx.msk $0xffff, v1  }
0x11d: {  	v1 =	vld.idx.msk [tilespmem:v5+s3+$0x0], $0xffff  }
0x11e: {  	v4 =	vor.u32 v16, v3  }
0x11f: {  	v5 =	vor.u32 v17, v2;
	_ =	sdelay $0x3  }
0x120: {  	[tilespmem:v4+s22+$0x0] =	vst.idx.msk $0xffff, v1  }
0x121: {  	v1 =	vld.idx.msk [tilespmem:v5+s3+$0x0], $0xffff  }
0x122: {  	v4 =	vor.u32 v18, v3  }
0x123: {  	v5 =	vor.u32 v19, v2;
	_ =	sdelay $0x3  }
0x124: {  	[tilespmem:v4+s22+$0x0] =	vst.idx.msk $0xffff, v1  }
0x125: {  	v1 =	vld.idx.msk [tilespmem:v5+s3+$0x0], $0xffff  }
0x126: {  	v4 =	vor.u32 v20, v3  }
0x127: {  	v5 =	vor.u32 v21, v2;
	_ =	sdelay $0x3  }
0x128: {  	[tilespmem:v4+s22+$0x0] =	vst.idx.msk $0xffff, v1  }
0x129: {  	v1 =	vld.idx.msk [tilespmem:v5+s3+$0x0], $0xffff  }
0x12a: {  	v4 =	vor.u32 v22, v3  }
0x12b: {  	v5 =	vor.u32 v23, v2;
	_ =	sdelay $0x3  }
0x12c: {  	[tilespmem:v4+s22+$0x0] =	vst.idx.msk $0xffff, v1  }
0x12d: {  	v1 =	vld.idx.msk [tilespmem:v5+s3+$0x0], $0xffff  }
0x12e: {  	v4 =	vor.u32 v24, v3  }
0x12f: {  	v5 =	vor.u32 v25, v2;
	_ =	sdelay $0x3  }
0x130: {  	[tilespmem:v4+s22+$0x0] =	vst.idx.msk $0xffff, v1  }
0x131: {  	v1 =	vld.idx.msk [tilespmem:v5+s3+$0x0], $0xffff  }
0x132: {  	v4 =	vor.u32 v26, v3  }
0x133: {  	v5 =	vor.u32 v27, v2;
	_ =	sdelay $0x3  }
0x134: {  	[tilespmem:v4+s22+$0x0] =	vst.idx.msk $0xffff, v1  }
0x135: {  	v1 =	vld.idx.msk [tilespmem:v5+s3+$0x0], $0xffff  }
0x136: {  	v4 =	vor.u32 v28, v3  }
0x137: {  	v5 =	vor.u32 v29, v2;
	_ =	sdelay $0x3  }
0x138: {  	[tilespmem:v4+s22+$0x0] =	vst.idx.msk $0xffff, v1  }
0x139: {  	v1 =	vld.idx.msk [tilespmem:v5+s3+$0x0], $0xffff  }
0x13a: {  	v4 =	vor.u32 v30, v3  }
0x13b: {  	v5 =	vor.u32 v32, v2;
	_ =	sdelay $0x3  }
0x13c: {  	[tilespmem:v4+s22+$0x0] =	vst.idx.msk $0xffff, v1  }
0x13d: {  	v1 =	vld.idx.msk [tilespmem:v5+s3+$0x0], $0xffff  }
0x13e: {  	v4 =	vor.u32 v33, v3  }
0x13f: {  	v5 =	vor.u32 v59, v2;
	_ =	sdelay $0x3  }
0x140: {  	[tilespmem:v4+s22+$0x0] =	vst.idx.msk $0xffff, v1  }
0x141: {  	v1 =	vld.idx.msk [tilespmem:v5+s3+$0x0], $0xffff  }
0x142: {  	v4 =	vor.u32 v60, v3  }
0x143: {  	v5 =	vor.u32 v61, v2  }
.Ltmp2:
0x144: {  	(pc) =	sbr.rel @p2 .LBB2_3-.Ltmp2, $3  }
0x145: {  	_ =	sdelay $0x1  }
0x146: {  	[tilespmem:v4+s22+$0x0] =	vst.idx.msk $0xffff, v1  }
0x147: {  	s9 =	sadd.s32 $0x2, s9;
	v2 =	vadd.s32 s8, v0;
	v1 =	vld.idx.msk [tilespmem:v5+s3+$0x0], $0xffff  }
0x148: {  	v4 =	vand.u32 $0xF, v2;
	v3 =	vor.u32 v62, v3  }
0x149: {  	v5 =	vor.u32 v31, v4;
	_ =	sdelay $0x3  }
0x14a: {  	[tilespmem:v3+s22+$0x0] =	vst.idx.msk $0xffff, v1;
	v1 =	vshll.u32 v4, $0x5  }
0x14b: {  	v3 =	vld.idx.msk [tilespmem:v5+s3+$0x0], $0xffff;
	v5 =	vor.u32 v0, v1  }
0x14c: {  	v6 =	vor.u32 v7, v2;
	_ =	sdelay $0x3  }
0x14d: {  	[tilespmem:v5+s22+$0x0] =	vst.idx.msk $0xffff, v3  }
0x14e: {  	v5 =	vor.u32 v8, v1;
	v3 =	vld.idx.msk [tilespmem:v6+s3+$0x0], $0xffff  }
0x14f: {  	v6 =	vor.u32 v9, v4;
	_ =	sdelay $0x3  }
0x150: {  	[tilespmem:v5+s22+$0x0] =	vst.idx.msk $0xffff, v3  }
0x151: {  	v5 =	vor.u32 v10, v1;
	v3 =	vld.idx.msk [tilespmem:v6+s3+$0x0], $0xffff  }
0x152: {  	v6 =	vor.u32 v11, v2;
	_ =	sdelay $0x3  }
0x153: {  	[tilespmem:v5+s22+$0x0] =	vst.idx.msk $0xffff, v3  }
0x154: {  	v5 =	vor.u32 v12, v1;
	v3 =	vld.idx.msk [tilespmem:v6+s3+$0x0], $0xffff  }
0x155: {  	v6 =	vor.u32 v13, v4;
	_ =	sdelay $0x3  }
0x156: {  	[tilespmem:v5+s22+$0x0] =	vst.idx.msk $0xffff, v3  }
0x157: {  	v5 =	vor.u32 v14, v1;
	v3 =	vld.idx.msk [tilespmem:v6+s3+$0x0], $0xffff  }
0x158: {  	v6 =	vor.u32 v15, v2;
	_ =	sdelay $0x3  }
0x159: {  	[tilespmem:v5+s22+$0x0] =	vst.idx.msk $0xffff, v3  }
0x15a: {  	v5 =	vor.u32 v16, v1;
	v3 =	vld.idx.msk [tilespmem:v6+s3+$0x0], $0xffff  }
0x15b: {  	v6 =	vor.u32 v17, v4;
	_ =	sdelay $0x3  }
0x15c: {  	[tilespmem:v5+s22+$0x0] =	vst.idx.msk $0xffff, v3  }
0x15d: {  	v5 =	vor.u32 v18, v1;
	v3 =	vld.idx.msk [tilespmem:v6+s3+$0x0], $0xffff  }
0x15e: {  	v6 =	vor.u32 v19, v2;
	_ =	sdelay $0x3  }
0x15f: {  	[tilespmem:v5+s22+$0x0] =	vst.idx.msk $0xffff, v3  }
0x160: {  	v5 =	vor.u32 v20, v1;
	v3 =	vld.idx.msk [tilespmem:v6+s3+$0x0], $0xffff  }
0x161: {  	v6 =	vor.u32 v21, v4;
	_ =	sdelay $0x3  }
0x162: {  	[tilespmem:v5+s22+$0x0] =	vst.idx.msk $0xffff, v3  }
0x163: {  	v5 =	vor.u32 v22, v1;
	v3 =	vld.idx.msk [tilespmem:v6+s3+$0x0], $0xffff  }
0x164: {  	v6 =	vor.u32 v23, v2;
	_ =	sdelay $0x3  }
0x165: {  	[tilespmem:v5+s22+$0x0] =	vst.idx.msk $0xffff, v3  }
0x166: {  	v5 =	vor.u32 v24, v1;
	v3 =	vld.idx.msk [tilespmem:v6+s3+$0x0], $0xffff  }
0x167: {  	v6 =	vor.u32 v25, v4;
	_ =	sdelay $0x3  }
0x168: {  	[tilespmem:v5+s22+$0x0] =	vst.idx.msk $0xffff, v3  }
0x169: {  	v5 =	vor.u32 v26, v1;
	v3 =	vld.idx.msk [tilespmem:v6+s3+$0x0], $0xffff  }
0x16a: {  	v6 =	vor.u32 v27, v2;
	_ =	sdelay $0x3  }
0x16b: {  	[tilespmem:v5+s22+$0x0] =	vst.idx.msk $0xffff, v3  }
0x16c: {  	v5 =	vor.u32 v28, v1;
	v3 =	vld.idx.msk [tilespmem:v6+s3+$0x0], $0xffff  }
0x16d: {  	v6 =	vor.u32 v29, v4;
	_ =	sdelay $0x3  }
0x16e: {  	[tilespmem:v5+s22+$0x0] =	vst.idx.msk $0xffff, v3  }
0x16f: {  	v5 =	vor.u32 v30, v1;
	v3 =	vld.idx.msk [tilespmem:v6+s3+$0x0], $0xffff  }
0x170: {  	v6 =	vor.u32 v32, v2;
	_ =	sdelay $0x3  }
0x171: {  	[tilespmem:v5+s22+$0x0] =	vst.idx.msk $0xffff, v3  }
0x172: {  	v5 =	vor.u32 v33, v1;
	v3 =	vld.idx.msk [tilespmem:v6+s3+$0x0], $0xffff  }
0x173: {  	v4 =	vor.u32 v59, v4;
	_ =	sdelay $0x3  }
0x174: {  	[tilespmem:v5+s22+$0x0] =	vst.idx.msk $0xffff, v3  }
0x175: {  	v3 =	vld.idx.msk [tilespmem:v4+s3+$0x0], $0xffff;
	v4 =	vor.u32 v60, v1  }
0x176: {  	v2 =	vor.u32 v61, v2;
	_ =	sdelay $0x2  }
0x177: {  	s8 =	sadd.s32 $0x1, s8  }
0x178: {  	[tilespmem:v4+s22+$0x0] =	vst.idx.msk $0xffff, v3;
	v3 =	vadd.s32 s8, v0  }
0x179: {  	v1 =	vor.u32 v62, v1;
	v2 =	vld.idx.msk [tilespmem:v2+s3+$0x0], $0xffff;
	v3 =	vand.u32 $0xF, v3  }
0x17a: {  	v4 =	vor.u32 v31, v3;
	_ =	sdelay $0x3  }
0x17b: {  	[tilespmem:v1+s22+$0x0] =	vst.idx.msk $0xffff, v2;
	v1 =	vshll.u32 v3, $0x5  }
0x17c: {  	v2 =	vld.idx.msk [tilespmem:v4+s3+$0x0], $0xffff;
	v4 =	vor.u32 v0, v1  }
0x17d: {  	v5 =	vor.u32 v7, v3;
	_ =	sdelay $0x3  }
0x17e: {  	[tilespmem:v4+s22+$0x0] =	vst.idx.msk $0xffff, v2  }
0x17f: {  	v8 =	vor.u32 v8, v1;
	v2 =	vld.idx.msk [tilespmem:v5+s3+$0x0], $0xffff  }
0x180: {  	v9 =	vor.u32 v9, v3;
	_ =	sdelay $0x3  }
0x181: {  	[tilespmem:v8+s22+$0x0] =	vst.idx.msk $0xffff, v2  }
0x182: {  	v10 =	vor.u32 v10, v1;
	v2 =	vld.idx.msk [tilespmem:v9+s3+$0x0], $0xffff  }
0x183: {  	v8 =	vor.u32 v11, v3;
	_ =	sdelay $0x3  }
0x184: {  	[tilespmem:v10+s22+$0x0] =	vst.idx.msk $0xffff, v2  }
0x185: {  	v9 =	vor.u32 v12, v1;
	v2 =	vld.idx.msk [tilespmem:v8+s3+$0x0], $0xffff  }
0x186: {  	v10 =	vor.u32 v13, v3;
	_ =	sdelay $0x3  }
0x187: {  	[tilespmem:v9+s22+$0x0] =	vst.idx.msk $0xffff, v2  }
0x188: {  	v11 =	vor.u32 v14, v1;
	v2 =	vld.idx.msk [tilespmem:v10+s3+$0x0], $0xffff  }
0x189: {  	v12 =	vor.u32 v15, v3;
	_ =	sdelay $0x3  }
0x18a: {  	[tilespmem:v11+s22+$0x0] =	vst.idx.msk $0xffff, v2  }
0x18b: {  	v13 =	vor.u32 v16, v1;
	v2 =	vld.idx.msk [tilespmem:v12+s3+$0x0], $0xffff  }
0x18c: {  	v14 =	vor.u32 v17, v3;
	_ =	sdelay $0x3  }
0x18d: {  	[tilespmem:v13+s22+$0x0] =	vst.idx.msk $0xffff, v2  }
0x18e: {  	v15 =	vor.u32 v18, v1;
	v2 =	vld.idx.msk [tilespmem:v14+s3+$0x0], $0xffff  }
0x18f: {  	v16 =	vor.u32 v19, v3;
	_ =	sdelay $0x3  }
0x190: {  	[tilespmem:v15+s22+$0x0] =	vst.idx.msk $0xffff, v2  }
0x191: {  	v17 =	vor.u32 v20, v1;
	v2 =	vld.idx.msk [tilespmem:v16+s3+$0x0], $0xffff  }
0x192: {  	v18 =	vor.u32 v21, v3;
	_ =	sdelay $0x3  }
0x193: {  	[tilespmem:v17+s22+$0x0] =	vst.idx.msk $0xffff, v2  }
0x194: {  	v19 =	vor.u32 v22, v1;
	v2 =	vld.idx.msk [tilespmem:v18+s3+$0x0], $0xffff  }
0x195: {  	v20 =	vor.u32 v23, v3;
	_ =	sdelay $0x3  }
0x196: {  	[tilespmem:v19+s22+$0x0] =	vst.idx.msk $0xffff, v2  }
0x197: {  	v21 =	vor.u32 v24, v1;
	v2 =	vld.idx.msk [tilespmem:v20+s3+$0x0], $0xffff  }
0x198: {  	v22 =	vor.u32 v25, v3;
	_ =	sdelay $0x3  }
0x199: {  	[tilespmem:v21+s22+$0x0] =	vst.idx.msk $0xffff, v2  }
0x19a: {  	v23 =	vor.u32 v26, v1;
	v2 =	vld.idx.msk [tilespmem:v22+s3+$0x0], $0xffff  }
0x19b: {  	v24 =	vor.u32 v27, v3;
	_ =	sdelay $0x3  }
0x19c: {  	[tilespmem:v23+s22+$0x0] =	vst.idx.msk $0xffff, v2  }
0x19d: {  	v25 =	vor.u32 v28, v1;
	v2 =	vld.idx.msk [tilespmem:v24+s3+$0x0], $0xffff  }
0x19e: {  	v26 =	vor.u32 v29, v3;
	_ =	sdelay $0x3  }
0x19f: {  	[tilespmem:v25+s22+$0x0] =	vst.idx.msk $0xffff, v2  }
0x1a0: {  	v27 =	vor.u32 v30, v1;
	v2 =	vld.idx.msk [tilespmem:v26+s3+$0x0], $0xffff  }
0x1a1: {  	v32 =	vor.u32 v32, v3;
	_ =	sdelay $0x3  }
0x1a2: {  	[tilespmem:v27+s22+$0x0] =	vst.idx.msk $0xffff, v2  }
0x1a3: {  	v33 =	vor.u32 v33, v1;
	v2 =	vld.idx.msk [tilespmem:v32+s3+$0x0], $0xffff  }
0x1a4: {  	v59 =	vor.u32 v59, v3;
	_ =	sdelay $0x3  }
0x1a5: {  	[tilespmem:v33+s22+$0x0] =	vst.idx.msk $0xffff, v2  }
0x1a6: {  	v60 =	vor.u32 v60, v1;
	v2 =	vld.idx.msk [tilespmem:v59+s3+$0x0], $0xffff  }
0x1a7: {  	v3 =	vor.u32 v61, v3;
	_ =	sdelay $0x3  }
0x1a8: {  	[tilespmem:v60+s22+$0x0] =	vst.idx.msk $0xffff, v2  }
0x1a9: {  	v1 =	vor.u32 v62, v1;
	v2 =	vld.idx.msk [tilespmem:v3+s3+$0x0], $0xffff  }
0x1aa: {  	s15 =	sshll.u32 s7, $0x9;
	p2 =	sne.s32 s7, $0x3D  }
.Ltmp3:
0x1ab: {  	s8 =	sadd.s32 s4, s15;
	(pc) =	sbr.rel @p2 .LBB2_6-.Ltmp3, $4  }
0x1ac: {  	s9 =	smin.u32 s8, $0xF4180  }
0x1ad: {  	s9 =	sshll.u32 s9, $0x2  }
0x1ae: {  	s9 =	sadd.s32 s6, s9;
	[tilespmem:v1+s22+$0x0] =	vst.idx.msk $0xffff, v2  }
0x1af: {  	[hbm4b:s9+s3] =	stream.linear.scatter [tilespmem:s22], [sflag:$0x5], $0x1000, $0x38;
	[tilespmem:$0x8000] =	vst v63  }
.Ltmp4:
0x1b0: {  	(pc) =	sbr.rel .LBB2_7-.Ltmp4, $4  }
0x1b1: {  	_ = 	snop  }
0x1b2: {  	_ =	swait.ge [sflag:s23], $0x1000  }
0x1b3: {  	[sflag:s23] =	ssyncset.done $0x0  }
0x1b4: {  	v12 =	vld [tilespmem:$0x1FDF0];
	[sflag:s23] =	ssyncadd.s32 $0xFFFFF000  }
.LBB2_6:
0x1b5: {  	s9 =	smin.u32 s8, $0xF3F80  }
.Ltmp5:
0x1b6: {  	s9 =	sadd.s32 s9, s10;
	(pc) =	sbr.rel @p1 .LBB2_8-.Ltmp5, $4  }
0x1b7: {  	[tilespmem:s3], [sflag:$0x1] =	stream.strided.gather [hbm4b:s9+s17], $0x1000, s16, s17, $0x38;
	[tilespmem:$0x8000] =	vst v63  }
0x1b8: {  	_ =	swait.ge [sflag:s23], $0x1000  }
0x1b9: {  	[sflag:s23] =	ssyncset.done $0x0  }
0x1ba: {  	v12 =	vld [tilespmem:$0x1FDF0];
	[sflag:s23] =	ssyncadd.s32 $0xFFFFF000  }
.LBB2_7:
0x1bb: {  	_ =	swait.ge [sflag:s24], $0x1000  }
0x1bc: {  	[sflag:s24] =	ssyncset.done $0x0  }
0x1bd: {  	[sflag:s24] =	ssyncadd.s32 $0xFFFFF000  }
.LBB2_8:
0x1be: {  	s9 =	simm.s32 $0x0  }
0x1bf: {  	v1 =	vadd.s32 s9, v0  }
0x1c0: {  	v4 =	vand.u32 $0xF, v1  }
0x1c1: {  	v2 =	vor.u32 v63, v4;
	_ =	sdelay $0x3  }
0x1c2: {  	v7 =	vshll.u32 v4, $0x5  }
0x1c3: {  	v3 =	vor.u32 v12, v7;
	v2 =	vld.idx.msk [tilespmem:v2+s3+$0x0], $0xffff  }
0x1c4: {  	v5 =	vor.u32 v34, v1;
	_ =	sdelay $0x3  }
0x1c5: {  	[tilespmem:v3+s22+$0x0] =	vst.idx.msk $0xffff, v2  }
0x1c6: {  	v3 =	vor.u32 v35, v7;
	v2 =	vld.idx.msk [tilespmem:v5+s3+$0x0], $0xffff  }
0x1c7: {  	v5 =	vor.u32 v36, v4;
	_ =	sdelay $0x3  }
0x1c8: {  	[tilespmem:v3+s22+$0x0] =	vst.idx.msk $0xffff, v2  }
0x1c9: {  	v3 =	vor.u32 v37, v7;
	v2 =	vld.idx.msk [tilespmem:v5+s3+$0x0], $0xffff  }
0x1ca: {  	v5 =	vor.u32 v38, v1;
	_ =	sdelay $0x3  }
0x1cb: {  	[tilespmem:v3+s22+$0x0] =	vst.idx.msk $0xffff, v2  }
0x1cc: {  	v3 =	vor.u32 v39, v7;
	v2 =	vld.idx.msk [tilespmem:v5+s3+$0x0], $0xffff  }
0x1cd: {  	v5 =	vor.u32 v40, v4;
	_ =	sdelay $0x3  }
0x1ce: {  	[tilespmem:v3+s22+$0x0] =	vst.idx.msk $0xffff, v2  }
0x1cf: {  	v3 =	vor.u32 v41, v7;
	v2 =	vld.idx.msk [tilespmem:v5+s3+$0x0], $0xffff  }
0x1d0: {  	v5 =	vor.u32 v42, v1;
	_ =	sdelay $0x3  }
0x1d1: {  	[tilespmem:v3+s22+$0x0] =	vst.idx.msk $0xffff, v2  }
0x1d2: {  	v3 =	vor.u32 v43, v7;
	v2 =	vld.idx.msk [tilespmem:v5+s3+$0x0], $0xffff  }
0x1d3: {  	v5 =	vor.u32 v44, v4;
	_ =	sdelay $0x3  }
0x1d4: {  	[tilespmem:v3+s22+$0x0] =	vst.idx.msk $0xffff, v2  }
0x1d5: {  	v3 =	vor.u32 v45, v7;
	v2 =	vld.idx.msk [tilespmem:v5+s3+$0x0], $0xffff  }
0x1d6: {  	v5 =	vor.u32 v46, v1;
	_ =	sdelay $0x3  }
0x1d7: {  	[tilespmem:v3+s22+$0x0] =	vst.idx.msk $0xffff, v2  }
0x1d8: {  	v3 =	vor.u32 v47, v7;
	v2 =	vld.idx.msk [tilespmem:v5+s3+$0x0], $0xffff  }
0x1d9: {  	v5 =	vor.u32 v48, v4;
	_ =	sdelay $0x3  }
0x1da: {  	[tilespmem:v3+s22+$0x0] =	vst.idx.msk $0xffff, v2  }
0x1db: {  	v3 =	vor.u32 v49, v7;
	v2 =	vld.idx.msk [tilespmem:v5+s3+$0x0], $0xffff  }
0x1dc: {  	v5 =	vor.u32 v50, v1;
	_ =	sdelay $0x3  }
0x1dd: {  	[tilespmem:v3+s22+$0x0] =	vst.idx.msk $0xffff, v2  }
0x1de: {  	v3 =	vor.u32 v51, v7;
	v2 =	vld.idx.msk [tilespmem:v5+s3+$0x0], $0xffff  }
0x1df: {  	v5 =	vor.u32 v52, v4;
	_ =	sdelay $0x3  }
0x1e0: {  	[tilespmem:v3+s22+$0x0] =	vst.idx.msk $0xffff, v2  }
0x1e1: {  	v3 =	vor.u32 v53, v7;
	v2 =	vld.idx.msk [tilespmem:v5+s3+$0x0], $0xffff  }
0x1e2: {  	v5 =	vor.u32 v54, v1;
	_ =	sdelay $0x3  }
0x1e3: {  	[tilespmem:v3+s22+$0x0] =	vst.idx.msk $0xffff, v2  }
0x1e4: {  	v3 =	vor.u32 v55, v7;
	v2 =	vld.idx.msk [tilespmem:v5+s3+$0x0], $0xffff  }
0x1e5: {  	v5 =	vor.u32 v56, v4;
	_ =	sdelay $0x3  }
0x1e6: {  	[tilespmem:v3+s22+$0x0] =	vst.idx.msk $0xffff, v2  }
0x1e7: {  	v3 =	vor.u32 v57, v7;
	v2 =	vld.idx.msk [tilespmem:v5+s3+$0x0], $0xffff  }
0x1e8: {  	v5 =	vor.u32 v58, v1;
	_ =	sdelay $0x3  }
0x1e9: {  	[tilespmem:v3+s22+$0x0] =	vst.idx.msk $0xffff, v2;
	v2 =	vor.u32 $0x1A10, v0  }
0x1ea: {  	v3 =	vor.u32 $0x1860, v31;
	v5 =	vld.idx.msk [tilespmem:v5+s3+$0x0], $0xffff;
	v6 =	vor.u32 v2, v7  }
0x1eb: {  	v8 =	vor.u32 v3, v4;
	_ =	sdelay $0x3  }
0x1ec: {  	v4 =	vor.u32 $0x1C10, v0;
	[tilespmem:v6+s22+$0x0] =	vst.idx.msk $0xffff, v5  }
0x1ed: {  	v5 =	vor.u32 $0x1870, v31;
	v6 =	vld.idx.msk [tilespmem:v8+s3+$0x0], $0xffff;
	v8 =	vor.u32 v4, v7  }
0x1ee: {  	v1 =	vor.u32 v5, v1;
	_ =	sdelay $0x2  }
0x1ef: {  	s15 =	simm.s32 $0x1  }
0x1f0: {  	[tilespmem:v8+s22+$0x0] =	vst.idx.msk $0xffff, v6;
	v6 =	vor.u32 $0x1E10, v0;
	v8 =	vadd.s32 s15, v0  }
0x1f1: {  	v1 =	vld.idx.msk [tilespmem:v1+s3+$0x0], $0xffff;
	v7 =	vor.u32 v6, v7;
	v9 =	vand.u32 $0xF, v8  }
0x1f2: {  	v10 =	vor.u32 v63, v9;
	_ =	sdelay $0x3  }
0x1f3: {  	v8 =	vshll.u32 v9, $0x5;
	[tilespmem:v7+s22+$0x0] =	vst.idx.msk $0xffff, v1  }
0x1f4: {  	v7 =	vor.u32 v12, v8;
	v1 =	vld.idx.msk [tilespmem:v10+s3+$0x0], $0xffff  }
0x1f5: {  	v10 =	vor.u32 v34, v9;
	_ =	sdelay $0x3  }
0x1f6: {  	[tilespmem:v7+s22+$0x0] =	vst.idx.msk $0xffff, v1  }
0x1f7: {  	v7 =	vor.u32 v35, v8;
	v1 =	vld.idx.msk [tilespmem:v10+s3+$0x0], $0xffff  }
0x1f8: {  	v10 =	vor.u32 v36, v9;
	_ =	sdelay $0x3  }
0x1f9: {  	[tilespmem:v7+s22+$0x0] =	vst.idx.msk $0xffff, v1  }
0x1fa: {  	v7 =	vor.u32 v37, v8;
	v1 =	vld.idx.msk [tilespmem:v10+s3+$0x0], $0xffff  }
0x1fb: {  	v10 =	vor.u32 v38, v9;
	_ =	sdelay $0x3  }
0x1fc: {  	[tilespmem:v7+s22+$0x0] =	vst.idx.msk $0xffff, v1  }
0x1fd: {  	v7 =	vor.u32 v39, v8;
	v1 =	vld.idx.msk [tilespmem:v10+s3+$0x0], $0xffff  }
0x1fe: {  	v10 =	vor.u32 v40, v9;
	_ =	sdelay $0x3  }
0x1ff: {  	[tilespmem:v7+s22+$0x0] =	vst.idx.msk $0xffff, v1  }
0x200: {  	v7 =	vor.u32 v41, v8;
	v1 =	vld.idx.msk [tilespmem:v10+s3+$0x0], $0xffff  }
0x201: {  	v10 =	vor.u32 v42, v9;
	_ =	sdelay $0x3  }
0x202: {  	[tilespmem:v7+s22+$0x0] =	vst.idx.msk $0xffff, v1  }
0x203: {  	v7 =	vor.u32 v43, v8;
	v1 =	vld.idx.msk [tilespmem:v10+s3+$0x0], $0xffff  }
0x204: {  	v10 =	vor.u32 v44, v9;
	_ =	sdelay $0x3  }
0x205: {  	[tilespmem:v7+s22+$0x0] =	vst.idx.msk $0xffff, v1  }
0x206: {  	v7 =	vor.u32 v45, v8;
	v1 =	vld.idx.msk [tilespmem:v10+s3+$0x0], $0xffff  }
0x207: {  	v10 =	vor.u32 v46, v9;
	_ =	sdelay $0x3  }
0x208: {  	[tilespmem:v7+s22+$0x0] =	vst.idx.msk $0xffff, v1  }
0x209: {  	v7 =	vor.u32 v47, v8;
	v1 =	vld.idx.msk [tilespmem:v10+s3+$0x0], $0xffff  }
0x20a: {  	v10 =	vor.u32 v48, v9;
	_ =	sdelay $0x3  }
0x20b: {  	[tilespmem:v7+s22+$0x0] =	vst.idx.msk $0xffff, v1  }
0x20c: {  	v7 =	vor.u32 v49, v8;
	v1 =	vld.idx.msk [tilespmem:v10+s3+$0x0], $0xffff  }
0x20d: {  	v10 =	vor.u32 v50, v9;
	_ =	sdelay $0x3  }
0x20e: {  	[tilespmem:v7+s22+$0x0] =	vst.idx.msk $0xffff, v1  }
0x20f: {  	v7 =	vor.u32 v51, v8;
	v1 =	vld.idx.msk [tilespmem:v10+s3+$0x0], $0xffff  }
0x210: {  	v10 =	vor.u32 v52, v9;
	_ =	sdelay $0x3  }
0x211: {  	[tilespmem:v7+s22+$0x0] =	vst.idx.msk $0xffff, v1  }
0x212: {  	v7 =	vor.u32 v53, v8;
	v1 =	vld.idx.msk [tilespmem:v10+s3+$0x0], $0xffff  }
0x213: {  	v10 =	vor.u32 v54, v9;
	_ =	sdelay $0x3  }
0x214: {  	[tilespmem:v7+s22+$0x0] =	vst.idx.msk $0xffff, v1  }
0x215: {  	v7 =	vor.u32 v55, v8;
	v1 =	vld.idx.msk [tilespmem:v10+s3+$0x0], $0xffff  }
0x216: {  	v10 =	vor.u32 v56, v9;
	_ =	sdelay $0x3  }
0x217: {  	[tilespmem:v7+s22+$0x0] =	vst.idx.msk $0xffff, v1  }
0x218: {  	v7 =	vor.u32 v57, v8;
	v1 =	vld.idx.msk [tilespmem:v10+s3+$0x0], $0xffff  }
0x219: {  	v10 =	vor.u32 v58, v9;
	_ =	sdelay $0x3  }
0x21a: {  	[tilespmem:v7+s22+$0x0] =	vst.idx.msk $0xffff, v1  }
0x21b: {  	v7 =	vor.u32 v2, v8;
	v1 =	vld.idx.msk [tilespmem:v10+s3+$0x0], $0xffff  }
0x21c: {  	v10 =	vor.u32 v3, v9;
	_ =	sdelay $0x3  }
0x21d: {  	[tilespmem:v7+s22+$0x0] =	vst.idx.msk $0xffff, v1  }
0x21e: {  	v7 =	vor.u32 v4, v8;
	v1 =	vld.idx.msk [tilespmem:v10+s3+$0x0], $0xffff  }
0x21f: {  	v9 =	vor.u32 v5, v9;
	_ =	sdelay $0x3  }
0x220: {  	s9 =	simm.s32 $0x2;
	[tilespmem:v7+s22+$0x0] =	vst.idx.msk $0xffff, v1  }
0x221: {  	s13 =	simm.s32 $0x4;
	v7 =	vadd.s32 s9, v0;
	v1 =	vld.idx.msk [tilespmem:v9+s3+$0x0], $0xffff  }
.LBB2_9:
0x222: {  	p3 =	sne.s32 s13, $0xE;
	v9 =	vand.u32 $0xF, v7;
	v8 =	vor.u32 v6, v8  }
0x223: {  	v10 =	vor.u32 v63, v9;
	_ =	sdelay $0x3  }
0x224: {  	[tilespmem:v8+s22+$0x0] =	vst.idx.msk $0xffff, v1  }
0x225: {  	v8 =	vshll.u32 v9, $0x5;
	v1 =	vld.idx.msk [tilespmem:v10+s3+$0x0], $0xffff  }
0x226: {  	v10 =	vor.u32 v12, v8  }
0x227: {  	v11 =	vor.u32 v34, v7;
	_ =	sdelay $0x3  }
0x228: {  	[tilespmem:v10+s22+$0x0] =	vst.idx.msk $0xffff, v1  }
0x229: {  	v1 =	vld.idx.msk [tilespmem:v11+s3+$0x0], $0xffff  }
0x22a: {  	v10 =	vor.u32 v35, v8  }
0x22b: {  	v11 =	vor.u32 v36, v9;
	_ =	sdelay $0x3  }
0x22c: {  	[tilespmem:v10+s22+$0x0] =	vst.idx.msk $0xffff, v1  }
0x22d: {  	v1 =	vld.idx.msk [tilespmem:v11+s3+$0x0], $0xffff  }
0x22e: {  	v10 =	vor.u32 v37, v8  }
0x22f: {  	v11 =	vor.u32 v38, v7;
	_ =	sdelay $0x3  }
0x230: {  	[tilespmem:v10+s22+$0x0] =	vst.idx.msk $0xffff, v1  }
0x231: {  	v1 =	vld.idx.msk [tilespmem:v11+s3+$0x0], $0xffff  }
0x232: {  	v10 =	vor.u32 v39, v8  }
0x233: {  	v11 =	vor.u32 v40, v9;
	_ =	sdelay $0x3  }
0x234: {  	[tilespmem:v10+s22+$0x0] =	vst.idx.msk $0xffff, v1  }
0x235: {  	v1 =	vld.idx.msk [tilespmem:v11+s3+$0x0], $0xffff  }
0x236: {  	v10 =	vor.u32 v41, v8  }
0x237: {  	v11 =	vor.u32 v42, v7;
	_ =	sdelay $0x3  }
0x238: {  	[tilespmem:v10+s22+$0x0] =	vst.idx.msk $0xffff, v1  }
0x239: {  	v1 =	vld.idx.msk [tilespmem:v11+s3+$0x0], $0xffff  }
0x23a: {  	v10 =	vor.u32 v43, v8  }
0x23b: {  	v11 =	vor.u32 v44, v9;
	_ =	sdelay $0x3  }
0x23c: {  	[tilespmem:v10+s22+$0x0] =	vst.idx.msk $0xffff, v1  }
0x23d: {  	v1 =	vld.idx.msk [tilespmem:v11+s3+$0x0], $0xffff  }
0x23e: {  	v10 =	vor.u32 v45, v8  }
0x23f: {  	v11 =	vor.u32 v46, v7;
	_ =	sdelay $0x3  }
0x240: {  	[tilespmem:v10+s22+$0x0] =	vst.idx.msk $0xffff, v1  }
0x241: {  	v1 =	vld.idx.msk [tilespmem:v11+s3+$0x0], $0xffff  }
0x242: {  	v10 =	vor.u32 v47, v8  }
0x243: {  	v11 =	vor.u32 v48, v9;
	_ =	sdelay $0x3  }
0x244: {  	[tilespmem:v10+s22+$0x0] =	vst.idx.msk $0xffff, v1  }
0x245: {  	v1 =	vld.idx.msk [tilespmem:v11+s3+$0x0], $0xffff  }
0x246: {  	v10 =	vor.u32 v49, v8  }
0x247: {  	v11 =	vor.u32 v50, v7;
	_ =	sdelay $0x3  }
0x248: {  	[tilespmem:v10+s22+$0x0] =	vst.idx.msk $0xffff, v1  }
0x249: {  	v1 =	vld.idx.msk [tilespmem:v11+s3+$0x0], $0xffff  }
0x24a: {  	v10 =	vor.u32 v51, v8  }
0x24b: {  	v11 =	vor.u32 v52, v9;
	_ =	sdelay $0x3  }
0x24c: {  	[tilespmem:v10+s22+$0x0] =	vst.idx.msk $0xffff, v1  }
0x24d: {  	v1 =	vld.idx.msk [tilespmem:v11+s3+$0x0], $0xffff  }
0x24e: {  	v10 =	vor.u32 v53, v8  }
0x24f: {  	v11 =	vor.u32 v54, v7;
	_ =	sdelay $0x3  }
0x250: {  	[tilespmem:v10+s22+$0x0] =	vst.idx.msk $0xffff, v1  }
0x251: {  	v1 =	vld.idx.msk [tilespmem:v11+s3+$0x0], $0xffff  }
0x252: {  	v10 =	vor.u32 v55, v8  }
0x253: {  	v11 =	vor.u32 v56, v9;
	_ =	sdelay $0x3  }
0x254: {  	[tilespmem:v10+s22+$0x0] =	vst.idx.msk $0xffff, v1  }
0x255: {  	v1 =	vld.idx.msk [tilespmem:v11+s3+$0x0], $0xffff  }
0x256: {  	v10 =	vor.u32 v57, v8  }
0x257: {  	v11 =	vor.u32 v58, v7;
	_ =	sdelay $0x3  }
0x258: {  	[tilespmem:v10+s22+$0x0] =	vst.idx.msk $0xffff, v1  }
0x259: {  	v1 =	vld.idx.msk [tilespmem:v11+s3+$0x0], $0xffff  }
0x25a: {  	v10 =	vor.u32 v2, v8  }
0x25b: {  	v9 =	vor.u32 v3, v9;
	_ =	sdelay $0x3  }
0x25c: {  	[tilespmem:v10+s22+$0x0] =	vst.idx.msk $0xffff, v1  }
0x25d: {  	v1 =	vld.idx.msk [tilespmem:v9+s3+$0x0], $0xffff  }
0x25e: {  	v9 =	vor.u32 v4, v8  }
0x25f: {  	v7 =	vor.u32 v5, v7;
	_ =	sdelay $0x3  }
0x260: {  	s15 =	sadd.s32 $0x1, s9;
	s9 =	smov.u32 s13;
	[tilespmem:v9+s22+$0x0] =	vst.idx.msk $0xffff, v1  }
0x261: {  	v1 =	vld.idx.msk [tilespmem:v7+s3+$0x0], $0xffff;
	v7 =	vadd.s32 s15, v0  }
0x262: {  	v8 =	vor.u32 v6, v8;
	v7 =	vand.u32 $0xF, v7  }
0x263: {  	v9 =	vor.u32 v63, v7;
	_ =	sdelay $0x3  }
0x264: {  	[tilespmem:v8+s22+$0x0] =	vst.idx.msk $0xffff, v1  }
0x265: {  	v8 =	vshll.u32 v7, $0x5;
	v1 =	vld.idx.msk [tilespmem:v9+s3+$0x0], $0xffff  }
0x266: {  	v9 =	vor.u32 v12, v8  }
0x267: {  	v10 =	vor.u32 v34, v7;
	_ =	sdelay $0x3  }
0x268: {  	[tilespmem:v9+s22+$0x0] =	vst.idx.msk $0xffff, v1  }
0x269: {  	v1 =	vld.idx.msk [tilespmem:v10+s3+$0x0], $0xffff  }
0x26a: {  	v9 =	vor.u32 v35, v8  }
0x26b: {  	v10 =	vor.u32 v36, v7;
	_ =	sdelay $0x3  }
0x26c: {  	[tilespmem:v9+s22+$0x0] =	vst.idx.msk $0xffff, v1  }
0x26d: {  	v1 =	vld.idx.msk [tilespmem:v10+s3+$0x0], $0xffff  }
0x26e: {  	v9 =	vor.u32 v37, v8  }
0x26f: {  	v10 =	vor.u32 v38, v7;
	_ =	sdelay $0x3  }
0x270: {  	[tilespmem:v9+s22+$0x0] =	vst.idx.msk $0xffff, v1  }
0x271: {  	v1 =	vld.idx.msk [tilespmem:v10+s3+$0x0], $0xffff  }
0x272: {  	v9 =	vor.u32 v39, v8  }
0x273: {  	v10 =	vor.u32 v40, v7;
	_ =	sdelay $0x3  }
0x274: {  	[tilespmem:v9+s22+$0x0] =	vst.idx.msk $0xffff, v1  }
0x275: {  	v1 =	vld.idx.msk [tilespmem:v10+s3+$0x0], $0xffff  }
0x276: {  	v9 =	vor.u32 v41, v8  }
0x277: {  	v10 =	vor.u32 v42, v7;
	_ =	sdelay $0x3  }
0x278: {  	[tilespmem:v9+s22+$0x0] =	vst.idx.msk $0xffff, v1  }
0x279: {  	v1 =	vld.idx.msk [tilespmem:v10+s3+$0x0], $0xffff  }
0x27a: {  	v9 =	vor.u32 v43, v8  }
0x27b: {  	v10 =	vor.u32 v44, v7;
	_ =	sdelay $0x3  }
0x27c: {  	[tilespmem:v9+s22+$0x0] =	vst.idx.msk $0xffff, v1  }
0x27d: {  	v1 =	vld.idx.msk [tilespmem:v10+s3+$0x0], $0xffff  }
0x27e: {  	v9 =	vor.u32 v45, v8  }
0x27f: {  	v10 =	vor.u32 v46, v7;
	_ =	sdelay $0x3  }
0x280: {  	[tilespmem:v9+s22+$0x0] =	vst.idx.msk $0xffff, v1  }
0x281: {  	v1 =	vld.idx.msk [tilespmem:v10+s3+$0x0], $0xffff  }
0x282: {  	v9 =	vor.u32 v47, v8  }
0x283: {  	v10 =	vor.u32 v48, v7;
	_ =	sdelay $0x3  }
0x284: {  	[tilespmem:v9+s22+$0x0] =	vst.idx.msk $0xffff, v1  }
0x285: {  	v1 =	vld.idx.msk [tilespmem:v10+s3+$0x0], $0xffff  }
0x286: {  	v9 =	vor.u32 v49, v8  }
0x287: {  	v10 =	vor.u32 v50, v7;
	_ =	sdelay $0x3  }
0x288: {  	[tilespmem:v9+s22+$0x0] =	vst.idx.msk $0xffff, v1  }
0x289: {  	v1 =	vld.idx.msk [tilespmem:v10+s3+$0x0], $0xffff  }
0x28a: {  	v9 =	vor.u32 v51, v8  }
0x28b: {  	v10 =	vor.u32 v52, v7;
	_ =	sdelay $0x3  }
0x28c: {  	[tilespmem:v9+s22+$0x0] =	vst.idx.msk $0xffff, v1  }
0x28d: {  	v1 =	vld.idx.msk [tilespmem:v10+s3+$0x0], $0xffff  }
0x28e: {  	v9 =	vor.u32 v53, v8  }
0x28f: {  	v10 =	vor.u32 v54, v7;
	_ =	sdelay $0x3  }
0x290: {  	[tilespmem:v9+s22+$0x0] =	vst.idx.msk $0xffff, v1  }
0x291: {  	v1 =	vld.idx.msk [tilespmem:v10+s3+$0x0], $0xffff  }
0x292: {  	v9 =	vor.u32 v55, v8  }
0x293: {  	v10 =	vor.u32 v56, v7;
	_ =	sdelay $0x3  }
0x294: {  	[tilespmem:v9+s22+$0x0] =	vst.idx.msk $0xffff, v1  }
0x295: {  	v1 =	vld.idx.msk [tilespmem:v10+s3+$0x0], $0xffff  }
0x296: {  	v9 =	vor.u32 v57, v8  }
0x297: {  	v10 =	vor.u32 v58, v7;
	_ =	sdelay $0x3  }
0x298: {  	[tilespmem:v9+s22+$0x0] =	vst.idx.msk $0xffff, v1  }
0x299: {  	v1 =	vld.idx.msk [tilespmem:v10+s3+$0x0], $0xffff  }
0x29a: {  	v9 =	vor.u32 v2, v8  }
0x29b: {  	v10 =	vor.u32 v3, v7;
	_ =	sdelay $0x3  }
0x29c: {  	[tilespmem:v9+s22+$0x0] =	vst.idx.msk $0xffff, v1  }
0x29d: {  	v1 =	vld.idx.msk [tilespmem:v10+s3+$0x0], $0xffff  }
0x29e: {  	v9 =	vor.u32 v4, v8  }
0x29f: {  	v10 =	vor.u32 v5, v7  }
.Ltmp6:
0x2a0: {  	(pc) =	sbr.rel @p3 .LBB2_9-.Ltmp6, $3  }
0x2a1: {  	_ =	sdelay $0x1  }
0x2a2: {  	[tilespmem:v9+s22+$0x0] =	vst.idx.msk $0xffff, v1  }
0x2a3: {  	s13 =	sadd.s32 $0x2, s13;
	v7 =	vadd.s32 s9, v0;
	v1 =	vld.idx.msk [tilespmem:v10+s3+$0x0], $0xffff  }
0x2a4: {  	v9 =	vand.u32 $0xF, v7;
	v8 =	vor.u32 v6, v8  }
0x2a5: {  	v10 =	vor.u32 v63, v9;
	_ =	sdelay $0x3  }
0x2a6: {  	[tilespmem:v8+s22+$0x0] =	vst.idx.msk $0xffff, v1;
	v1 =	vshll.u32 v9, $0x5  }
0x2a7: {  	v8 =	vld.idx.msk [tilespmem:v10+s3+$0x0], $0xffff;
	v22 =	vor.u32 v12, v1  }
0x2a8: {  	v11 =	vor.u32 v34, v7;
	_ =	sdelay $0x3  }
0x2a9: {  	[tilespmem:v22+s22+$0x0] =	vst.idx.msk $0xffff, v8  }
0x2aa: {  	v23 =	vor.u32 v35, v1;
	v8 =	vld.idx.msk [tilespmem:v11+s3+$0x0], $0xffff  }
0x2ab: {  	v24 =	vor.u32 v36, v9;
	_ =	sdelay $0x3  }
0x2ac: {  	[tilespmem:v23+s22+$0x0] =	vst.idx.msk $0xffff, v8  }
0x2ad: {  	v25 =	vor.u32 v37, v1;
	v8 =	vld.idx.msk [tilespmem:v24+s3+$0x0], $0xffff  }
0x2ae: {  	v26 =	vor.u32 v38, v7;
	_ =	sdelay $0x3  }
0x2af: {  	[tilespmem:v25+s22+$0x0] =	vst.idx.msk $0xffff, v8  }
0x2b0: {  	v27 =	vor.u32 v39, v1;
	v8 =	vld.idx.msk [tilespmem:v26+s3+$0x0], $0xffff  }
0x2b1: {  	v32 =	vor.u32 v40, v9;
	_ =	sdelay $0x3  }
0x2b2: {  	[tilespmem:v27+s22+$0x0] =	vst.idx.msk $0xffff, v8  }
0x2b3: {  	v33 =	vor.u32 v41, v1;
	v8 =	vld.idx.msk [tilespmem:v32+s3+$0x0], $0xffff  }
0x2b4: {  	v59 =	vor.u32 v42, v7;
	_ =	sdelay $0x3  }
0x2b5: {  	[tilespmem:v33+s22+$0x0] =	vst.idx.msk $0xffff, v8  }
0x2b6: {  	v60 =	vor.u32 v43, v1;
	v8 =	vld.idx.msk [tilespmem:v59+s3+$0x0], $0xffff  }
0x2b7: {  	v61 =	vor.u32 v44, v9;
	_ =	sdelay $0x3  }
0x2b8: {  	[tilespmem:v60+s22+$0x0] =	vst.idx.msk $0xffff, v8  }
0x2b9: {  	v62 =	vor.u32 v45, v1;
	v8 =	vld.idx.msk [tilespmem:v61+s3+$0x0], $0xffff  }
0x2ba: {  	v13 =	vor.u32 v46, v7;
	_ =	sdelay $0x3  }
0x2bb: {  	[tilespmem:v62+s22+$0x0] =	vst.idx.msk $0xffff, v8  }
0x2bc: {  	v14 =	vor.u32 v47, v1;
	v8 =	vld.idx.msk [tilespmem:v13+s3+$0x0], $0xffff  }
0x2bd: {  	v15 =	vor.u32 v48, v9;
	_ =	sdelay $0x3  }
0x2be: {  	[tilespmem:v14+s22+$0x0] =	vst.idx.msk $0xffff, v8  }
0x2bf: {  	v16 =	vor.u32 v49, v1;
	v8 =	vld.idx.msk [tilespmem:v15+s3+$0x0], $0xffff  }
0x2c0: {  	v17 =	vor.u32 v50, v7;
	_ =	sdelay $0x3  }
0x2c1: {  	[tilespmem:v16+s22+$0x0] =	vst.idx.msk $0xffff, v8  }
0x2c2: {  	v18 =	vor.u32 v51, v1;
	v8 =	vld.idx.msk [tilespmem:v17+s3+$0x0], $0xffff  }
0x2c3: {  	v19 =	vor.u32 v52, v9;
	_ =	sdelay $0x3  }
0x2c4: {  	[tilespmem:v18+s22+$0x0] =	vst.idx.msk $0xffff, v8  }
0x2c5: {  	v20 =	vor.u32 v53, v1;
	v8 =	vld.idx.msk [tilespmem:v19+s3+$0x0], $0xffff  }
0x2c6: {  	v21 =	vor.u32 v54, v7;
	_ =	sdelay $0x3  }
0x2c7: {  	[tilespmem:v20+s22+$0x0] =	vst.idx.msk $0xffff, v8  }
0x2c8: {  	v22 =	vor.u32 v55, v1;
	v8 =	vld.idx.msk [tilespmem:v21+s3+$0x0], $0xffff  }
0x2c9: {  	v23 =	vor.u32 v56, v9;
	_ =	sdelay $0x3  }
0x2ca: {  	[tilespmem:v22+s22+$0x0] =	vst.idx.msk $0xffff, v8  }
0x2cb: {  	v24 =	vor.u32 v57, v1;
	v8 =	vld.idx.msk [tilespmem:v23+s3+$0x0], $0xffff  }
0x2cc: {  	v25 =	vor.u32 v58, v7;
	_ =	sdelay $0x3  }
0x2cd: {  	[tilespmem:v24+s22+$0x0] =	vst.idx.msk $0xffff, v8  }
0x2ce: {  	v26 =	vor.u32 v2, v1;
	v8 =	vld.idx.msk [tilespmem:v25+s3+$0x0], $0xffff  }
0x2cf: {  	v9 =	vor.u32 v3, v9;
	_ =	sdelay $0x3  }
0x2d0: {  	[tilespmem:v26+s22+$0x0] =	vst.idx.msk $0xffff, v8  }
0x2d1: {  	v27 =	vor.u32 v4, v1;
	v8 =	vld.idx.msk [tilespmem:v9+s3+$0x0], $0xffff  }
0x2d2: {  	v32 =	vor.u32 v5, v7;
	_ =	sdelay $0x2  }
0x2d3: {  	s9 =	sadd.s32 $0x1, s9  }
0x2d4: {  	v33 =	vadd.s32 s9, v0;
	[tilespmem:v27+s22+$0x0] =	vst.idx.msk $0xffff, v8  }
0x2d5: {  	v1 =	vor.u32 v6, v1;
	v8 =	vand.u32 $0xF, v33;
	v7 =	vld.idx.msk [tilespmem:v32+s3+$0x0], $0xffff  }
0x2d6: {  	v59 =	vor.u32 v63, v8;
	_ =	sdelay $0x3  }
0x2d7: {  	[tilespmem:v1+s22+$0x0] =	vst.idx.msk $0xffff, v7;
	v1 =	vshll.u32 v8, $0x5  }
0x2d8: {  	v7 =	vld.idx.msk [tilespmem:v59+s3+$0x0], $0xffff;
	v60 =	vor.u32 v12, v1  }
0x2d9: {  	v61 =	vor.u32 v34, v8;
	_ =	sdelay $0x3  }
0x2da: {  	[tilespmem:v60+s22+$0x0] =	vst.idx.msk $0xffff, v7  }
0x2db: {  	v62 =	vor.u32 v35, v1;
	v7 =	vld.idx.msk [tilespmem:v61+s3+$0x0], $0xffff  }
0x2dc: {  	v63 =	vor.u32 v36, v8;
	_ =	sdelay $0x3  }
0x2dd: {  	[tilespmem:v62+s22+$0x0] =	vst.idx.msk $0xffff, v7  }
0x2de: {  	v12 =	vor.u32 v37, v1;
	v7 =	vld.idx.msk [tilespmem:v63+s3+$0x0], $0xffff  }
0x2df: {  	v13 =	vor.u32 v38, v8;
	_ =	sdelay $0x3  }
0x2e0: {  	[tilespmem:v12+s22+$0x0] =	vst.idx.msk $0xffff, v7  }
0x2e1: {  	v14 =	vor.u32 v39, v1;
	v7 =	vld.idx.msk [tilespmem:v13+s3+$0x0], $0xffff  }
0x2e2: {  	v15 =	vor.u32 v40, v8;
	_ =	sdelay $0x3  }
0x2e3: {  	[tilespmem:v14+s22+$0x0] =	vst.idx.msk $0xffff, v7  }
0x2e4: {  	v16 =	vor.u32 v41, v1;
	v7 =	vld.idx.msk [tilespmem:v15+s3+$0x0], $0xffff  }
0x2e5: {  	v17 =	vor.u32 v42, v8;
	_ =	sdelay $0x3  }
0x2e6: {  	[tilespmem:v16+s22+$0x0] =	vst.idx.msk $0xffff, v7  }
0x2e7: {  	v18 =	vor.u32 v43, v1;
	v7 =	vld.idx.msk [tilespmem:v17+s3+$0x0], $0xffff  }
0x2e8: {  	v19 =	vor.u32 v44, v8;
	_ =	sdelay $0x3  }
0x2e9: {  	[tilespmem:v18+s22+$0x0] =	vst.idx.msk $0xffff, v7  }
0x2ea: {  	v20 =	vor.u32 v45, v1;
	v7 =	vld.idx.msk [tilespmem:v19+s3+$0x0], $0xffff  }
0x2eb: {  	v21 =	vor.u32 v46, v8;
	_ =	sdelay $0x3  }
0x2ec: {  	[tilespmem:v20+s22+$0x0] =	vst.idx.msk $0xffff, v7  }
0x2ed: {  	v22 =	vor.u32 v47, v1;
	v7 =	vld.idx.msk [tilespmem:v21+s3+$0x0], $0xffff  }
0x2ee: {  	v23 =	vor.u32 v48, v8;
	_ =	sdelay $0x3  }
0x2ef: {  	[tilespmem:v22+s22+$0x0] =	vst.idx.msk $0xffff, v7  }
0x2f0: {  	v24 =	vor.u32 v49, v1;
	v7 =	vld.idx.msk [tilespmem:v23+s3+$0x0], $0xffff  }
0x2f1: {  	v25 =	vor.u32 v50, v8;
	_ =	sdelay $0x3  }
0x2f2: {  	[tilespmem:v24+s22+$0x0] =	vst.idx.msk $0xffff, v7  }
0x2f3: {  	v26 =	vor.u32 v51, v1;
	v7 =	vld.idx.msk [tilespmem:v25+s3+$0x0], $0xffff  }
0x2f4: {  	v27 =	vor.u32 v52, v8;
	_ =	sdelay $0x3  }
0x2f5: {  	[tilespmem:v26+s22+$0x0] =	vst.idx.msk $0xffff, v7  }
0x2f6: {  	v32 =	vor.u32 v53, v1;
	v7 =	vld.idx.msk [tilespmem:v27+s3+$0x0], $0xffff  }
0x2f7: {  	v33 =	vor.u32 v54, v8;
	_ =	sdelay $0x3  }
0x2f8: {  	[tilespmem:v32+s22+$0x0] =	vst.idx.msk $0xffff, v7  }
0x2f9: {  	v59 =	vor.u32 v55, v1;
	v7 =	vld.idx.msk [tilespmem:v33+s3+$0x0], $0xffff  }
0x2fa: {  	v60 =	vor.u32 v56, v8;
	_ =	sdelay $0x3  }
0x2fb: {  	[tilespmem:v59+s22+$0x0] =	vst.idx.msk $0xffff, v7  }
0x2fc: {  	v61 =	vor.u32 v57, v1;
	v7 =	vld.idx.msk [tilespmem:v60+s3+$0x0], $0xffff  }
0x2fd: {  	v62 =	vor.u32 v58, v8;
	_ =	sdelay $0x3  }
0x2fe: {  	[tilespmem:v61+s22+$0x0] =	vst.idx.msk $0xffff, v7  }
0x2ff: {  	v2 =	vor.u32 v2, v1;
	v7 =	vld.idx.msk [tilespmem:v62+s3+$0x0], $0xffff  }
0x300: {  	v3 =	vor.u32 v3, v8;
	_ =	sdelay $0x3  }
0x301: {  	[tilespmem:v2+s22+$0x0] =	vst.idx.msk $0xffff, v7  }
0x302: {  	v2 =	vld.idx.msk [tilespmem:v3+s3+$0x0], $0xffff;
	v3 =	vor.u32 v4, v1  }
0x303: {  	v63 =	vor.u32 v5, v8;
	_ =	sdelay $0x3  }
0x304: {  	[tilespmem:v3+s22+$0x0] =	vst.idx.msk $0xffff, v2  }
0x305: {  	v1 =	vor.u32 v6, v1;
	v2 =	vld.idx.msk [tilespmem:v63+s3+$0x0], $0xffff;
	_ =	sdelay $0x1  }
.Ltmp7:
0x306: {  	s15 =	sor.u32 $0x80, s8;
	(pc) =	sbr.rel @p2 .LBB2_12-.Ltmp7, $4  }
0x307: {  	s9 =	smin.u32 s15, $0xF4180  }
0x308: {  	s9 =	sshll.u32 s9, $0x2  }
0x309: {  	s9 =	sadd.s32 s6, s9;
	[tilespmem:v1+s22+$0x0] =	vst.idx.msk $0xffff, v2  }
0x30a: {  	[hbm4b:s9+s3] =	stream.linear.scatter [tilespmem:s25], [sflag:$0x6], $0x1000, $0x38;
	[tilespmem:$0x8000] =	vst v63  }
.Ltmp8:
0x30b: {  	(pc) =	sbr.rel .LBB2_13-.Ltmp8, $4  }
0x30c: {  	_ = 	snop  }
0x30d: {  	_ =	swait.ge [sflag:s26], $0x1000  }
0x30e: {  	[sflag:s26] =	ssyncset.done $0x0  }
0x30f: {  	[sflag:s26] =	ssyncadd.s32 $0xFFFFF000  }
.LBB2_12:
0x310: {  	s9 =	smin.u32 s8, $0xF3F00  }
.Ltmp9:
0x311: {  	s9 =	sadd.s32 s9, s11;
	(pc) =	sbr.rel @p1 .LBB2_14-.Ltmp9, $4  }
0x312: {  	[tilespmem:s18], [sflag:$0x2] =	stream.strided.gather [hbm4b:s9+s17], $0x1000, s16, s17, $0x38;
	[tilespmem:$0x8000] =	vst v63  }
0x313: {  	_ =	swait.ge [sflag:s26], $0x1000  }
0x314: {  	[sflag:s26] =	ssyncset.done $0x0  }
0x315: {  	[sflag:s26] =	ssyncadd.s32 $0xFFFFF000  }
.LBB2_13:
0x316: {  	_ =	swait.ge [sflag:s28], $0x1000  }
0x317: {  	[sflag:s28] =	ssyncset.done $0x0  }
0x318: {  	[sflag:s28] =	ssyncadd.s32 $0xFFFFF000  }
.LBB2_14:
0x319: {  	s9 =	simm.s32 $0x0  }
0x31a: {  	v1 =	vadd.s32 s9, v0  }
0x31b: {  	v60 =	vor.u32 $0x2000, v31;
	v26 =	vand.u32 $0xF, v1  }
0x31c: {  	v2 =	vor.u32 v60, v26;
	_ =	sdelay $0x3  }
0x31d: {  	v59 =	vor.u32 $0x2000, v0;
	v29 =	vshll.u32 v26, $0x5  }
0x31e: {  	v61 =	vor.u32 $0x2010, v31;
	v3 =	vor.u32 v59, v29;
	v2 =	vld.idx.msk [tilespmem:v2+s3+$0x0], $0xffff  }
0x31f: {  	v4 =	vor.u32 v61, v1;
	_ =	sdelay $0x3  }
0x320: {  	v62 =	vor.u32 $0x2200, v0;
	[tilespmem:v3+s22+$0x0] =	vst.idx.msk $0xffff, v2  }
0x321: {  	v63 =	vor.u32 $0x2020, v31;
	v3 =	vor.u32 v62, v29;
	v2 =	vld.idx.msk [tilespmem:v4+s3+$0x0], $0xffff  }
0x322: {  	v4 =	vor.u32 v63, v26;
	_ =	sdelay $0x3  }
0x323: {  	[tilespmem:v3+s22+$0x0] =	vst.idx.msk $0xffff, v2;
	v2 =	vor.u32 $0x2400, v0  }
0x324: {  	v3 =	vor.u32 $0x2030, v31;
	v4 =	vld.idx.msk [tilespmem:v4+s3+$0x0], $0xffff;
	v5 =	vor.u32 v2, v29  }
0x325: {  	v6 =	vor.u32 v3, v1;
	_ =	sdelay $0x3  }
0x326: {  	[tilespmem:v5+s22+$0x0] =	vst.idx.msk $0xffff, v4;
	v4 =	vor.u32 $0x2600, v0  }
0x327: {  	v5 =	vor.u32 $0x2040, v31;
	v6 =	vld.idx.msk [tilespmem:v6+s3+$0x0], $0xffff;
	v7 =	vor.u32 v4, v29  }
0x328: {  	v8 =	vor.u32 v5, v26;
	_ =	sdelay $0x3  }
0x329: {  	[tilespmem:v7+s22+$0x0] =	vst.idx.msk $0xffff, v6;
	v6 =	vor.u32 $0x2800, v0  }
0x32a: {  	v7 =	vor.u32 $0x2050, v31;
	v8 =	vld.idx.msk [tilespmem:v8+s3+$0x0], $0xffff;
	v9 =	vor.u32 v6, v29  }
0x32b: {  	v10 =	vor.u32 v7, v1;
	_ =	sdelay $0x3  }
0x32c: {  	[tilespmem:v9+s22+$0x0] =	vst.idx.msk $0xffff, v8;
	v8 =	vor.u32 $0x2A00, v0  }
0x32d: {  	v9 =	vor.u32 $0x2060, v31;
	v10 =	vld.idx.msk [tilespmem:v10+s3+$0x0], $0xffff;
	v11 =	vor.u32 v8, v29  }
0x32e: {  	v12 =	vor.u32 v9, v26;
	_ =	sdelay $0x3  }
0x32f: {  	[tilespmem:v11+s22+$0x0] =	vst.idx.msk $0xffff, v10;
	v10 =	vor.u32 $0x2C00, v0  }
0x330: {  	v11 =	vor.u32 $0x2070, v31;
	v12 =	vld.idx.msk [tilespmem:v12+s3+$0x0], $0xffff;
	v13 =	vor.u32 v10, v29  }
0x331: {  	v14 =	vor.u32 v11, v1;
	_ =	sdelay $0x3  }
0x332: {  	[tilespmem:v13+s22+$0x0] =	vst.idx.msk $0xffff, v12;
	v12 =	vor.u32 $0x2E00, v0  }
0x333: {  	v13 =	vor.u32 $0x2800, v31;
	v14 =	vld.idx.msk [tilespmem:v14+s3+$0x0], $0xffff;
	v15 =	vor.u32 v12, v29  }
0x334: {  	v16 =	vor.u32 v13, v26;
	_ =	sdelay $0x3  }
0x335: {  	[tilespmem:v15+s22+$0x0] =	vst.idx.msk $0xffff, v14;
	v14 =	vor.u32 $0x2010, v0  }
0x336: {  	v15 =	vor.u32 $0x2810, v31;
	v16 =	vld.idx.msk [tilespmem:v16+s3+$0x0], $0xffff;
	v17 =	vor.u32 v14, v29  }
0x337: {  	v18 =	vor.u32 v15, v1;
	_ =	sdelay $0x3  }
0x338: {  	[tilespmem:v17+s22+$0x0] =	vst.idx.msk $0xffff, v16;
	v16 =	vor.u32 $0x2210, v0  }
0x339: {  	v17 =	vor.u32 $0x2820, v31;
	v18 =	vld.idx.msk [tilespmem:v18+s3+$0x0], $0xffff;
	v19 =	vor.u32 v16, v29  }
0x33a: {  	v20 =	vor.u32 v17, v26;
	_ =	sdelay $0x3  }
0x33b: {  	[tilespmem:v19+s22+$0x0] =	vst.idx.msk $0xffff, v18;
	v18 =	vor.u32 $0x2410, v0  }
0x33c: {  	v19 =	vor.u32 $0x2830, v31;
	v20 =	vld.idx.msk [tilespmem:v20+s3+$0x0], $0xffff;
	v21 =	vor.u32 v18, v29  }
0x33d: {  	v22 =	vor.u32 v19, v1;
	_ =	sdelay $0x3  }
0x33e: {  	[tilespmem:v21+s22+$0x0] =	vst.idx.msk $0xffff, v20;
	v20 =	vor.u32 $0x2610, v0  }
0x33f: {  	v21 =	vor.u32 $0x2840, v31;
	v22 =	vld.idx.msk [tilespmem:v22+s3+$0x0], $0xffff;
	v23 =	vor.u32 v20, v29  }
0x340: {  	v24 =	vor.u32 v21, v26;
	_ =	sdelay $0x3  }
0x341: {  	[tilespmem:v23+s22+$0x0] =	vst.idx.msk $0xffff, v22;
	v22 =	vor.u32 $0x2810, v0  }
0x342: {  	v23 =	vor.u32 $0x2850, v31;
	v24 =	vld.idx.msk [tilespmem:v24+s3+$0x0], $0xffff;
	v25 =	vor.u32 v22, v29  }
0x343: {  	v27 =	vor.u32 v23, v1;
	_ =	sdelay $0x3  }
0x344: {  	[tilespmem:v25+s22+$0x0] =	vst.idx.msk $0xffff, v24;
	v24 =	vor.u32 $0x2A10, v0  }
0x345: {  	v25 =	vor.u32 $0x2860, v31;
	v27 =	vld.idx.msk [tilespmem:v27+s3+$0x0], $0xffff;
	v28 =	vor.u32 v24, v29  }
0x346: {  	v30 =	vor.u32 v25, v26;
	_ =	sdelay $0x3  }
0x347: {  	v26 =	vor.u32 $0x2C10, v0;
	[tilespmem:v28+s22+$0x0] =	vst.idx.msk $0xffff, v27  }
0x348: {  	v27 =	vor.u32 $0x2870, v31;
	v28 =	vld.idx.msk [tilespmem:v30+s3+$0x0], $0xffff;
	v30 =	vor.u32 v26, v29  }
0x349: {  	v1 =	vor.u32 v27, v1;
	_ =	sdelay $0x2  }
0x34a: {  	s15 =	simm.s32 $0x1  }
0x34b: {  	[tilespmem:v30+s22+$0x0] =	vst.idx.msk $0xffff, v28;
	v28 =	vor.u32 $0x2E10, v0;
	v30 =	vadd.s32 s15, v0  }
0x34c: {  	v32 =	vld.idx.msk [tilespmem:v1+s3+$0x0], $0xffff;
	v29 =	vor.u32 v28, v29;
	v31 =	vand.u32 $0xF, v30  }
0x34d: {  	v1 =	vor.u32 v60, v31;
	_ =	sdelay $0x3  }
0x34e: {  	v30 =	vshll.u32 v31, $0x5;
	[tilespmem:v29+s22+$0x0] =	vst.idx.msk $0xffff, v32  }
0x34f: {  	v29 =	vor.u32 v59, v30;
	v32 =	vld.idx.msk [tilespmem:v1+s3+$0x0], $0xffff  }
0x350: {  	v1 =	vor.u32 v61, v31;
	_ =	sdelay $0x3  }
0x351: {  	[tilespmem:v29+s22+$0x0] =	vst.idx.msk $0xffff, v32  }
0x352: {  	v29 =	vor.u32 v62, v30;
	v32 =	vld.idx.msk [tilespmem:v1+s3+$0x0], $0xffff  }
0x353: {  	v1 =	vor.u32 v63, v31;
	_ =	sdelay $0x3  }
0x354: {  	[tilespmem:v29+s22+$0x0] =	vst.idx.msk $0xffff, v32  }
0x355: {  	v29 =	vor.u32 v2, v30;
	v32 =	vld.idx.msk [tilespmem:v1+s3+$0x0], $0xffff  }
0x356: {  	v1 =	vor.u32 v3, v31;
	_ =	sdelay $0x3  }
0x357: {  	[tilespmem:v29+s22+$0x0] =	vst.idx.msk $0xffff, v32  }
0x358: {  	v29 =	vor.u32 v4, v30;
	v32 =	vld.idx.msk [tilespmem:v1+s3+$0x0], $0xffff  }
0x359: {  	v1 =	vor.u32 v5, v31;
	_ =	sdelay $0x3  }
0x35a: {  	[tilespmem:v29+s22+$0x0] =	vst.idx.msk $0xffff, v32  }
0x35b: {  	v29 =	vor.u32 v6, v30;
	v32 =	vld.idx.msk [tilespmem:v1+s3+$0x0], $0xffff  }
0x35c: {  	v1 =	vor.u32 v7, v31;
	_ =	sdelay $0x3  }
0x35d: {  	[tilespmem:v29+s22+$0x0] =	vst.idx.msk $0xffff, v32  }
0x35e: {  	v29 =	vor.u32 v8, v30;
	v32 =	vld.idx.msk [tilespmem:v1+s3+$0x0], $0xffff  }
0x35f: {  	v1 =	vor.u32 v9, v31;
	_ =	sdelay $0x3  }
0x360: {  	[tilespmem:v29+s22+$0x0] =	vst.idx.msk $0xffff, v32  }
0x361: {  	v29 =	vor.u32 v10, v30;
	v32 =	vld.idx.msk [tilespmem:v1+s3+$0x0], $0xffff  }
0x362: {  	v1 =	vor.u32 v11, v31;
	_ =	sdelay $0x3  }
0x363: {  	[tilespmem:v29+s22+$0x0] =	vst.idx.msk $0xffff, v32  }
0x364: {  	v29 =	vor.u32 v12, v30;
	v32 =	vld.idx.msk [tilespmem:v1+s3+$0x0], $0xffff  }
0x365: {  	v1 =	vor.u32 v13, v31;
	_ =	sdelay $0x3  }
0x366: {  	[tilespmem:v29+s22+$0x0] =	vst.idx.msk $0xffff, v32  }
0x367: {  	v29 =	vor.u32 v14, v30;
	v32 =	vld.idx.msk [tilespmem:v1+s3+$0x0], $0xffff  }
0x368: {  	v1 =	vor.u32 v15, v31;
	_ =	sdelay $0x3  }
0x369: {  	[tilespmem:v29+s22+$0x0] =	vst.idx.msk $0xffff, v32  }
0x36a: {  	v29 =	vor.u32 v16, v30;
	v32 =	vld.idx.msk [tilespmem:v1+s3+$0x0], $0xffff  }
0x36b: {  	v1 =	vor.u32 v17, v31;
	_ =	sdelay $0x3  }
0x36c: {  	[tilespmem:v29+s22+$0x0] =	vst.idx.msk $0xffff, v32  }
0x36d: {  	v29 =	vor.u32 v18, v30;
	v32 =	vld.idx.msk [tilespmem:v1+s3+$0x0], $0xffff  }
0x36e: {  	v1 =	vor.u32 v19, v31;
	_ =	sdelay $0x3  }
0x36f: {  	[tilespmem:v29+s22+$0x0] =	vst.idx.msk $0xffff, v32  }
0x370: {  	v29 =	vor.u32 v20, v30;
	v32 =	vld.idx.msk [tilespmem:v1+s3+$0x0], $0xffff  }
0x371: {  	v1 =	vor.u32 v21, v31;
	_ =	sdelay $0x3  }
0x372: {  	[tilespmem:v29+s22+$0x0] =	vst.idx.msk $0xffff, v32  }
0x373: {  	v29 =	vor.u32 v22, v30;
	v32 =	vld.idx.msk [tilespmem:v1+s3+$0x0], $0xffff  }
0x374: {  	v1 =	vor.u32 v23, v31;
	_ =	sdelay $0x3  }
0x375: {  	[tilespmem:v29+s22+$0x0] =	vst.idx.msk $0xffff, v32  }
0x376: {  	v29 =	vor.u32 v24, v30;
	v32 =	vld.idx.msk [tilespmem:v1+s3+$0x0], $0xffff  }
0x377: {  	v1 =	vor.u32 v25, v31;
	_ =	sdelay $0x3  }
0x378: {  	[tilespmem:v29+s22+$0x0] =	vst.idx.msk $0xffff, v32  }
0x379: {  	v29 =	vor.u32 v26, v30;
	v1 =	vld.idx.msk [tilespmem:v1+s3+$0x0], $0xffff  }
0x37a: {  	v31 =	vor.u32 v27, v31;
	_ =	sdelay $0x3  }
0x37b: {  	s9 =	simm.s32 $0x2;
	[tilespmem:v29+s22+$0x0] =	vst.idx.msk $0xffff, v1  }
0x37c: {  	s13 =	simm.s32 $0x4;
	v29 =	vadd.s32 s9, v0;
	v31 =	vld.idx.msk [tilespmem:v31+s3+$0x0], $0xffff  }
.LBB2_15:
0x37d: {  	p3 =	sne.s32 s13, $0xE;
	v1 =	vand.u32 $0xF, v29;
	v30 =	vor.u32 v28, v30  }
0x37e: {  	v32 =	vor.u32 v60, v1;
	_ =	sdelay $0x3  }
0x37f: {  	[tilespmem:v30+s22+$0x0] =	vst.idx.msk $0xffff, v31  }
0x380: {  	v30 =	vshll.u32 v1, $0x5;
	v31 =	vld.idx.msk [tilespmem:v32+s3+$0x0], $0xffff  }
0x381: {  	v32 =	vor.u32 v59, v30  }
0x382: {  	v33 =	vor.u32 v61, v29;
	_ =	sdelay $0x3  }
0x383: {  	[tilespmem:v32+s22+$0x0] =	vst.idx.msk $0xffff, v31  }
0x384: {  	v31 =	vld.idx.msk [tilespmem:v33+s3+$0x0], $0xffff  }
0x385: {  	v32 =	vor.u32 v62, v30  }
0x386: {  	v33 =	vor.u32 v63, v1;
	_ =	sdelay $0x3  }
0x387: {  	[tilespmem:v32+s22+$0x0] =	vst.idx.msk $0xffff, v31  }
0x388: {  	v31 =	vld.idx.msk [tilespmem:v33+s3+$0x0], $0xffff  }
0x389: {  	v32 =	vor.u32 v2, v30  }
0x38a: {  	v33 =	vor.u32 v3, v29;
	_ =	sdelay $0x3  }
0x38b: {  	[tilespmem:v32+s22+$0x0] =	vst.idx.msk $0xffff, v31  }
0x38c: {  	v31 =	vld.idx.msk [tilespmem:v33+s3+$0x0], $0xffff  }
0x38d: {  	v32 =	vor.u32 v4, v30  }
0x38e: {  	v33 =	vor.u32 v5, v1;
	_ =	sdelay $0x3  }
0x38f: {  	[tilespmem:v32+s22+$0x0] =	vst.idx.msk $0xffff, v31  }
0x390: {  	v31 =	vld.idx.msk [tilespmem:v33+s3+$0x0], $0xffff  }
0x391: {  	v32 =	vor.u32 v6, v30  }
0x392: {  	v33 =	vor.u32 v7, v29;
	_ =	sdelay $0x3  }
0x393: {  	[tilespmem:v32+s22+$0x0] =	vst.idx.msk $0xffff, v31  }
0x394: {  	v31 =	vld.idx.msk [tilespmem:v33+s3+$0x0], $0xffff  }
0x395: {  	v32 =	vor.u32 v8, v30  }
0x396: {  	v33 =	vor.u32 v9, v1;
	_ =	sdelay $0x3  }
0x397: {  	[tilespmem:v32+s22+$0x0] =	vst.idx.msk $0xffff, v31  }
0x398: {  	v31 =	vld.idx.msk [tilespmem:v33+s3+$0x0], $0xffff  }
0x399: {  	v32 =	vor.u32 v10, v30  }
0x39a: {  	v33 =	vor.u32 v11, v29;
	_ =	sdelay $0x3  }
0x39b: {  	[tilespmem:v32+s22+$0x0] =	vst.idx.msk $0xffff, v31  }
0x39c: {  	v31 =	vld.idx.msk [tilespmem:v33+s3+$0x0], $0xffff  }
0x39d: {  	v32 =	vor.u32 v12, v30  }
0x39e: {  	v33 =	vor.u32 v13, v1;
	_ =	sdelay $0x3  }
0x39f: {  	[tilespmem:v32+s22+$0x0] =	vst.idx.msk $0xffff, v31  }
0x3a0: {  	v31 =	vld.idx.msk [tilespmem:v33+s3+$0x0], $0xffff  }
0x3a1: {  	v32 =	vor.u32 v14, v30  }
0x3a2: {  	v33 =	vor.u32 v15, v29;
	_ =	sdelay $0x3  }
0x3a3: {  	[tilespmem:v32+s22+$0x0] =	vst.idx.msk $0xffff, v31  }
0x3a4: {  	v31 =	vld.idx.msk [tilespmem:v33+s3+$0x0], $0xffff  }
0x3a5: {  	v32 =	vor.u32 v16, v30  }
0x3a6: {  	v33 =	vor.u32 v17, v1;
	_ =	sdelay $0x3  }
0x3a7: {  	[tilespmem:v32+s22+$0x0] =	vst.idx.msk $0xffff, v31  }
0x3a8: {  	v31 =	vld.idx.msk [tilespmem:v33+s3+$0x0], $0xffff  }
0x3a9: {  	v32 =	vor.u32 v18, v30  }
0x3aa: {  	v33 =	vor.u32 v19, v29;
	_ =	sdelay $0x3  }
0x3ab: {  	[tilespmem:v32+s22+$0x0] =	vst.idx.msk $0xffff, v31  }
0x3ac: {  	v31 =	vld.idx.msk [tilespmem:v33+s3+$0x0], $0xffff  }
0x3ad: {  	v32 =	vor.u32 v20, v30  }
0x3ae: {  	v33 =	vor.u32 v21, v1;
	_ =	sdelay $0x3  }
0x3af: {  	[tilespmem:v32+s22+$0x0] =	vst.idx.msk $0xffff, v31  }
0x3b0: {  	v31 =	vld.idx.msk [tilespmem:v33+s3+$0x0], $0xffff  }
0x3b1: {  	v32 =	vor.u32 v22, v30  }
0x3b2: {  	v33 =	vor.u32 v23, v29;
	_ =	sdelay $0x3  }
0x3b3: {  	[tilespmem:v32+s22+$0x0] =	vst.idx.msk $0xffff, v31  }
0x3b4: {  	v31 =	vld.idx.msk [tilespmem:v33+s3+$0x0], $0xffff  }
0x3b5: {  	v32 =	vor.u32 v24, v30  }
0x3b6: {  	v1 =	vor.u32 v25, v1;
	_ =	sdelay $0x3  }
0x3b7: {  	[tilespmem:v32+s22+$0x0] =	vst.idx.msk $0xffff, v31  }
0x3b8: {  	v1 =	vld.idx.msk [tilespmem:v1+s3+$0x0], $0xffff  }
0x3b9: {  	v31 =	vor.u32 v26, v30  }
0x3ba: {  	v29 =	vor.u32 v27, v29;
	_ =	sdelay $0x3  }
0x3bb: {  	s15 =	sadd.s32 $0x1, s9;
	s9 =	smov.u32 s13;
	[tilespmem:v31+s22+$0x0] =	vst.idx.msk $0xffff, v1  }
0x3bc: {  	v1 =	vld.idx.msk [tilespmem:v29+s3+$0x0], $0xffff;
	v29 =	vadd.s32 s15, v0  }
0x3bd: {  	v30 =	vor.u32 v28, v30;
	v29 =	vand.u32 $0xF, v29  }
0x3be: {  	v31 =	vor.u32 v60, v29;
	_ =	sdelay $0x3  }
0x3bf: {  	[tilespmem:v30+s22+$0x0] =	vst.idx.msk $0xffff, v1  }
0x3c0: {  	v30 =	vshll.u32 v29, $0x5;
	v1 =	vld.idx.msk [tilespmem:v31+s3+$0x0], $0xffff  }
0x3c1: {  	v31 =	vor.u32 v59, v30  }
0x3c2: {  	v32 =	vor.u32 v61, v29;
	_ =	sdelay $0x3  }
0x3c3: {  	[tilespmem:v31+s22+$0x0] =	vst.idx.msk $0xffff, v1  }
0x3c4: {  	v1 =	vld.idx.msk [tilespmem:v32+s3+$0x0], $0xffff  }
0x3c5: {  	v31 =	vor.u32 v62, v30  }
0x3c6: {  	v32 =	vor.u32 v63, v29;
	_ =	sdelay $0x3  }
0x3c7: {  	[tilespmem:v31+s22+$0x0] =	vst.idx.msk $0xffff, v1  }
0x3c8: {  	v1 =	vld.idx.msk [tilespmem:v32+s3+$0x0], $0xffff  }
0x3c9: {  	v31 =	vor.u32 v2, v30  }
0x3ca: {  	v32 =	vor.u32 v3, v29;
	_ =	sdelay $0x3  }
0x3cb: {  	[tilespmem:v31+s22+$0x0] =	vst.idx.msk $0xffff, v1  }
0x3cc: {  	v1 =	vld.idx.msk [tilespmem:v32+s3+$0x0], $0xffff  }
0x3cd: {  	v31 =	vor.u32 v4, v30  }
0x3ce: {  	v32 =	vor.u32 v5, v29;
	_ =	sdelay $0x3  }
0x3cf: {  	[tilespmem:v31+s22+$0x0] =	vst.idx.msk $0xffff, v1  }
0x3d0: {  	v1 =	vld.idx.msk [tilespmem:v32+s3+$0x0], $0xffff  }
0x3d1: {  	v31 =	vor.u32 v6, v30  }
0x3d2: {  	v32 =	vor.u32 v7, v29;
	_ =	sdelay $0x3  }
0x3d3: {  	[tilespmem:v31+s22+$0x0] =	vst.idx.msk $0xffff, v1  }
0x3d4: {  	v1 =	vld.idx.msk [tilespmem:v32+s3+$0x0], $0xffff  }
0x3d5: {  	v31 =	vor.u32 v8, v30  }
0x3d6: {  	v32 =	vor.u32 v9, v29;
	_ =	sdelay $0x3  }
0x3d7: {  	[tilespmem:v31+s22+$0x0] =	vst.idx.msk $0xffff, v1  }
0x3d8: {  	v1 =	vld.idx.msk [tilespmem:v32+s3+$0x0], $0xffff  }
0x3d9: {  	v31 =	vor.u32 v10, v30  }
0x3da: {  	v32 =	vor.u32 v11, v29;
	_ =	sdelay $0x3  }
0x3db: {  	[tilespmem:v31+s22+$0x0] =	vst.idx.msk $0xffff, v1  }
0x3dc: {  	v1 =	vld.idx.msk [tilespmem:v32+s3+$0x0], $0xffff  }
0x3dd: {  	v31 =	vor.u32 v12, v30  }
0x3de: {  	v32 =	vor.u32 v13, v29;
	_ =	sdelay $0x3  }
0x3df: {  	[tilespmem:v31+s22+$0x0] =	vst.idx.msk $0xffff, v1  }
0x3e0: {  	v1 =	vld.idx.msk [tilespmem:v32+s3+$0x0], $0xffff  }
0x3e1: {  	v31 =	vor.u32 v14, v30  }
0x3e2: {  	v32 =	vor.u32 v15, v29;
	_ =	sdelay $0x3  }
0x3e3: {  	[tilespmem:v31+s22+$0x0] =	vst.idx.msk $0xffff, v1  }
0x3e4: {  	v1 =	vld.idx.msk [tilespmem:v32+s3+$0x0], $0xffff  }
0x3e5: {  	v31 =	vor.u32 v16, v30  }
0x3e6: {  	v32 =	vor.u32 v17, v29;
	_ =	sdelay $0x3  }
0x3e7: {  	[tilespmem:v31+s22+$0x0] =	vst.idx.msk $0xffff, v1  }
0x3e8: {  	v1 =	vld.idx.msk [tilespmem:v32+s3+$0x0], $0xffff  }
0x3e9: {  	v31 =	vor.u32 v18, v30  }
0x3ea: {  	v32 =	vor.u32 v19, v29;
	_ =	sdelay $0x3  }
0x3eb: {  	[tilespmem:v31+s22+$0x0] =	vst.idx.msk $0xffff, v1  }
0x3ec: {  	v1 =	vld.idx.msk [tilespmem:v32+s3+$0x0], $0xffff  }
0x3ed: {  	v31 =	vor.u32 v20, v30  }
0x3ee: {  	v32 =	vor.u32 v21, v29;
	_ =	sdelay $0x3  }
0x3ef: {  	[tilespmem:v31+s22+$0x0] =	vst.idx.msk $0xffff, v1  }
0x3f0: {  	v1 =	vld.idx.msk [tilespmem:v32+s3+$0x0], $0xffff  }
0x3f1: {  	v31 =	vor.u32 v22, v30  }
0x3f2: {  	v32 =	vor.u32 v23, v29;
	_ =	sdelay $0x3  }
0x3f3: {  	[tilespmem:v31+s22+$0x0] =	vst.idx.msk $0xffff, v1  }
0x3f4: {  	v1 =	vld.idx.msk [tilespmem:v32+s3+$0x0], $0xffff  }
0x3f5: {  	v31 =	vor.u32 v24, v30  }
0x3f6: {  	v32 =	vor.u32 v25, v29;
	_ =	sdelay $0x3  }
0x3f7: {  	[tilespmem:v31+s22+$0x0] =	vst.idx.msk $0xffff, v1  }
0x3f8: {  	v1 =	vld.idx.msk [tilespmem:v32+s3+$0x0], $0xffff  }
0x3f9: {  	v31 =	vor.u32 v26, v30  }
0x3fa: {  	v32 =	vor.u32 v27, v29  }
.Ltmp10:
0x3fb: {  	(pc) =	sbr.rel @p3 .LBB2_15-.Ltmp10, $3  }
0x3fc: {  	_ =	sdelay $0x1  }
0x3fd: {  	[tilespmem:v31+s22+$0x0] =	vst.idx.msk $0xffff, v1  }
0x3fe: {  	s13 =	sadd.s32 $0x2, s13;
	v29 =	vadd.s32 s9, v0;
	v31 =	vld.idx.msk [tilespmem:v32+s3+$0x0], $0xffff  }
0x3ff: {  	v1 =	vand.u32 $0xF, v29;
	v30 =	vor.u32 v28, v30  }
0x400: {  	v32 =	vor.u32 v60, v1;
	_ =	sdelay $0x3  }
0x401: {  	[tilespmem:v30+s22+$0x0] =	vst.idx.msk $0xffff, v31;
	v30 =	vshll.u32 v1, $0x5  }
0x402: {  	v31 =	vld.idx.msk [tilespmem:v32+s3+$0x0], $0xffff;
	v32 =	vor.u32 v59, v30  }
0x403: {  	v33 =	vor.u32 v61, v29;
	_ =	sdelay $0x3  }
0x404: {  	[tilespmem:v32+s22+$0x0] =	vst.idx.msk $0xffff, v31  }
0x405: {  	v32 =	vor.u32 v62, v30;
	v31 =	vld.idx.msk [tilespmem:v33+s3+$0x0], $0xffff  }
0x406: {  	v33 =	vor.u32 v63, v1;
	_ =	sdelay $0x3  }
0x407: {  	[tilespmem:v32+s22+$0x0] =	vst.idx.msk $0xffff, v31  }
0x408: {  	v32 =	vor.u32 v2, v30;
	v31 =	vld.idx.msk [tilespmem:v33+s3+$0x0], $0xffff  }
0x409: {  	v33 =	vor.u32 v3, v29;
	_ =	sdelay $0x3  }
0x40a: {  	[tilespmem:v32+s22+$0x0] =	vst.idx.msk $0xffff, v31  }
0x40b: {  	v32 =	vor.u32 v4, v30;
	v31 =	vld.idx.msk [tilespmem:v33+s3+$0x0], $0xffff  }
0x40c: {  	v33 =	vor.u32 v5, v1;
	_ =	sdelay $0x3  }
0x40d: {  	[tilespmem:v32+s22+$0x0] =	vst.idx.msk $0xffff, v31  }
0x40e: {  	v32 =	vor.u32 v6, v30;
	v31 =	vld.idx.msk [tilespmem:v33+s3+$0x0], $0xffff  }
0x40f: {  	v33 =	vor.u32 v7, v29;
	_ =	sdelay $0x3  }
0x410: {  	[tilespmem:v32+s22+$0x0] =	vst.idx.msk $0xffff, v31  }
0x411: {  	v32 =	vor.u32 v8, v30;
	v31 =	vld.idx.msk [tilespmem:v33+s3+$0x0], $0xffff  }
0x412: {  	v33 =	vor.u32 v9, v1;
	_ =	sdelay $0x3  }
0x413: {  	[tilespmem:v32+s22+$0x0] =	vst.idx.msk $0xffff, v31  }
0x414: {  	v32 =	vor.u32 v10, v30;
	v31 =	vld.idx.msk [tilespmem:v33+s3+$0x0], $0xffff  }
0x415: {  	v33 =	vor.u32 v11, v29;
	_ =	sdelay $0x3  }
0x416: {  	[tilespmem:v32+s22+$0x0] =	vst.idx.msk $0xffff, v31  }
0x417: {  	v32 =	vor.u32 v12, v30;
	v31 =	vld.idx.msk [tilespmem:v33+s3+$0x0], $0xffff  }
0x418: {  	v33 =	vor.u32 v13, v1;
	_ =	sdelay $0x3  }
0x419: {  	[tilespmem:v32+s22+$0x0] =	vst.idx.msk $0xffff, v31  }
0x41a: {  	v32 =	vor.u32 v14, v30;
	v31 =	vld.idx.msk [tilespmem:v33+s3+$0x0], $0xffff  }
0x41b: {  	v33 =	vor.u32 v15, v29;
	_ =	sdelay $0x3  }
0x41c: {  	[tilespmem:v32+s22+$0x0] =	vst.idx.msk $0xffff, v31  }
0x41d: {  	v32 =	vor.u32 v16, v30;
	v31 =	vld.idx.msk [tilespmem:v33+s3+$0x0], $0xffff  }
0x41e: {  	v33 =	vor.u32 v17, v1;
	_ =	sdelay $0x3  }
0x41f: {  	[tilespmem:v32+s22+$0x0] =	vst.idx.msk $0xffff, v31  }
0x420: {  	v32 =	vor.u32 v18, v30;
	v31 =	vld.idx.msk [tilespmem:v33+s3+$0x0], $0xffff  }
0x421: {  	v33 =	vor.u32 v19, v29;
	_ =	sdelay $0x3  }
0x422: {  	[tilespmem:v32+s22+$0x0] =	vst.idx.msk $0xffff, v31  }
0x423: {  	v32 =	vor.u32 v20, v30;
	v31 =	vld.idx.msk [tilespmem:v33+s3+$0x0], $0xffff  }
0x424: {  	v33 =	vor.u32 v21, v1;
	_ =	sdelay $0x3  }
0x425: {  	[tilespmem:v32+s22+$0x0] =	vst.idx.msk $0xffff, v31  }
0x426: {  	v32 =	vor.u32 v22, v30;
	v31 =	vld.idx.msk [tilespmem:v33+s3+$0x0], $0xffff  }
0x427: {  	v33 =	vor.u32 v23, v29;
	_ =	sdelay $0x3  }
0x428: {  	[tilespmem:v32+s22+$0x0] =	vst.idx.msk $0xffff, v31  }
0x429: {  	v32 =	vor.u32 v24, v30;
	v31 =	vld.idx.msk [tilespmem:v33+s3+$0x0], $0xffff  }
0x42a: {  	v1 =	vor.u32 v25, v1;
	_ =	sdelay $0x3  }
0x42b: {  	[tilespmem:v32+s22+$0x0] =	vst.idx.msk $0xffff, v31  }
0x42c: {  	v33 =	vor.u32 v26, v30;
	v1 =	vld.idx.msk [tilespmem:v1+s3+$0x0], $0xffff  }
0x42d: {  	v32 =	vor.u32 v27, v29;
	_ =	sdelay $0x2  }
0x42e: {  	s9 =	sadd.s32 $0x1, s9  }
0x42f: {  	[tilespmem:v33+s22+$0x0] =	vst.idx.msk $0xffff, v1;
	v1 =	vadd.s32 s9, v0  }
0x430: {  	v30 =	vor.u32 v28, v30;
	v29 =	vld.idx.msk [tilespmem:v32+s3+$0x0], $0xffff;
	v1 =	vand.u32 $0xF, v1  }
0x431: {  	v33 =	vor.u32 v60, v1;
	_ =	sdelay $0x3  }
0x432: {  	[tilespmem:v30+s22+$0x0] =	vst.idx.msk $0xffff, v29;
	v29 =	vshll.u32 v1, $0x5  }
0x433: {  	v30 =	vld.idx.msk [tilespmem:v33+s3+$0x0], $0xffff;
	v60 =	vor.u32 v59, v29  }
0x434: {  	v59 =	vor.u32 v61, v1;
	_ =	sdelay $0x3  }
0x435: {  	[tilespmem:v60+s22+$0x0] =	vst.idx.msk $0xffff, v30  }
0x436: {  	v60 =	vor.u32 v62, v29;
	v30 =	vld.idx.msk [tilespmem:v59+s3+$0x0], $0xffff  }
0x437: {  	v61 =	vor.u32 v63, v1;
	_ =	sdelay $0x3  }
0x438: {  	[tilespmem:v60+s22+$0x0] =	vst.idx.msk $0xffff, v30  }
0x439: {  	v2 =	vor.u32 v2, v29;
	v30 =	vld.idx.msk [tilespmem:v61+s3+$0x0], $0xffff  }
0x43a: {  	v3 =	vor.u32 v3, v1;
	_ =	sdelay $0x3  }
0x43b: {  	[tilespmem:v2+s22+$0x0] =	vst.idx.msk $0xffff, v30  }
0x43c: {  	v2 =	vld.idx.msk [tilespmem:v3+s3+$0x0], $0xffff;
	v3 =	vor.u32 v4, v29  }
0x43d: {  	v62 =	vor.u32 v5, v1;
	_ =	sdelay $0x3  }
0x43e: {  	[tilespmem:v3+s22+$0x0] =	vst.idx.msk $0xffff, v2  }
0x43f: {  	v3 =	vor.u32 v6, v29;
	v2 =	vld.idx.msk [tilespmem:v62+s3+$0x0], $0xffff  }
0x440: {  	v63 =	vor.u32 v7, v1;
	_ =	sdelay $0x3  }
0x441: {  	[tilespmem:v3+s22+$0x0] =	vst.idx.msk $0xffff, v2  }
0x442: {  	v3 =	vor.u32 v8, v29;
	v2 =	vld.idx.msk [tilespmem:v63+s3+$0x0], $0xffff  }
0x443: {  	v30 =	vor.u32 v9, v1;
	_ =	sdelay $0x3  }
0x444: {  	[tilespmem:v3+s22+$0x0] =	vst.idx.msk $0xffff, v2  }
0x445: {  	v3 =	vor.u32 v10, v29;
	v2 =	vld.idx.msk [tilespmem:v30+s3+$0x0], $0xffff  }
0x446: {  	v31 =	vor.u32 v11, v1;
	_ =	sdelay $0x3  }
0x447: {  	[tilespmem:v3+s22+$0x0] =	vst.idx.msk $0xffff, v2  }
0x448: {  	v3 =	vor.u32 v12, v29;
	v2 =	vld.idx.msk [tilespmem:v31+s3+$0x0], $0xffff  }
0x449: {  	v32 =	vor.u32 v13, v1;
	_ =	sdelay $0x3  }
0x44a: {  	[tilespmem:v3+s22+$0x0] =	vst.idx.msk $0xffff, v2  }
0x44b: {  	v3 =	vor.u32 v14, v29;
	v2 =	vld.idx.msk [tilespmem:v32+s3+$0x0], $0xffff  }
0x44c: {  	v33 =	vor.u32 v15, v1;
	_ =	sdelay $0x3  }
0x44d: {  	[tilespmem:v3+s22+$0x0] =	vst.idx.msk $0xffff, v2  }
0x44e: {  	v3 =	vor.u32 v16, v29;
	v2 =	vld.idx.msk [tilespmem:v33+s3+$0x0], $0xffff  }
0x44f: {  	v59 =	vor.u32 v17, v1;
	_ =	sdelay $0x3  }
0x450: {  	[tilespmem:v3+s22+$0x0] =	vst.idx.msk $0xffff, v2  }
0x451: {  	v3 =	vor.u32 v18, v29;
	v2 =	vld.idx.msk [tilespmem:v59+s3+$0x0], $0xffff  }
0x452: {  	v60 =	vor.u32 v19, v1;
	_ =	sdelay $0x3  }
0x453: {  	[tilespmem:v3+s22+$0x0] =	vst.idx.msk $0xffff, v2  }
0x454: {  	v3 =	vor.u32 v20, v29;
	v2 =	vld.idx.msk [tilespmem:v60+s3+$0x0], $0xffff  }
0x455: {  	v61 =	vor.u32 v21, v1;
	_ =	sdelay $0x3  }
0x456: {  	[tilespmem:v3+s22+$0x0] =	vst.idx.msk $0xffff, v2  }
0x457: {  	v3 =	vor.u32 v22, v29;
	v2 =	vld.idx.msk [tilespmem:v61+s3+$0x0], $0xffff  }
0x458: {  	v62 =	vor.u32 v23, v1;
	_ =	sdelay $0x3  }
0x459: {  	[tilespmem:v3+s22+$0x0] =	vst.idx.msk $0xffff, v2  }
0x45a: {  	v3 =	vor.u32 v24, v29;
	v2 =	vld.idx.msk [tilespmem:v62+s3+$0x0], $0xffff  }
0x45b: {  	v63 =	vor.u32 v25, v1;
	_ =	sdelay $0x3  }
0x45c: {  	[tilespmem:v3+s22+$0x0] =	vst.idx.msk $0xffff, v2  }
0x45d: {  	v3 =	vor.u32 v26, v29;
	v2 =	vld.idx.msk [tilespmem:v63+s3+$0x0], $0xffff  }
0x45e: {  	v1 =	vor.u32 v27, v1;
	_ =	sdelay $0x3  }
0x45f: {  	[tilespmem:v3+s22+$0x0] =	vst.idx.msk $0xffff, v2  }
0x460: {  	v2 =	vor.u32 v28, v29;
	v1 =	vld.idx.msk [tilespmem:v1+s3+$0x0], $0xffff;
	_ =	sdelay $0x1  }
.Ltmp11:
0x461: {  	s15 =	sor.u32 $0x100, s8;
	(pc) =	sbr.rel @p2 .LBB2_18-.Ltmp11, $4  }
0x462: {  	s9 =	smin.u32 s15, $0xF4180  }
0x463: {  	s9 =	sshll.u32 s9, $0x2  }
0x464: {  	s9 =	sadd.s32 s6, s9;
	[tilespmem:v2+s22+$0x0] =	vst.idx.msk $0xffff, v1  }
0x465: {  	[hbm4b:s9+s3] =	stream.linear.scatter [tilespmem:s29], [sflag:$0x7], $0x1000, $0x38;
	[tilespmem:$0x8000] =	vst v63  }
.Ltmp12:
0x466: {  	(pc) =	sbr.rel .LBB2_19-.Ltmp12, $4  }
0x467: {  	_ = 	snop  }
0x468: {  	_ =	swait.ge [sflag:s30], $0x1000  }
0x469: {  	[sflag:s30] =	ssyncset.done $0x0  }
0x46a: {  	v31 =	vld [tilespmem:$0x1FFF0];
	[sflag:s30] =	ssyncadd.s32 $0xFFFFF000  }
.LBB2_18:
0x46b: {  	s9 =	smin.u32 s8, $0xF3E80  }
.Ltmp13:
0x46c: {  	s9 =	sadd.s32 s9, s12;
	(pc) =	sbr.rel @p1 .LBB2_20-.Ltmp13, $4  }
0x46d: {  	[tilespmem:s19], [sflag:$0x3] =	stream.strided.gather [hbm4b:s9+s17], $0x1000, s16, s17, $0x38;
	[tilespmem:$0x8000] =	vst v63  }
0x46e: {  	_ =	swait.ge [sflag:s30], $0x1000  }
0x46f: {  	[sflag:s30] =	ssyncset.done $0x0  }
0x470: {  	v31 =	vld [tilespmem:$0x1FFF0];
	[sflag:s30] =	ssyncadd.s32 $0xFFFFF000  }
.LBB2_19:
0x471: {  	_ =	swait.ge [sflag:s31], $0x1000  }
0x472: {  	[sflag:s31] =	ssyncset.done $0x0  }
0x473: {  	[sflag:s31] =	ssyncadd.s32 $0xFFFFF000  }
.LBB2_20:
0x474: {  	_ =	sdelay $0x1  }
0x475: {  	s9 =	simm.s32 $0x0  }
0x476: {  	v1 =	vadd.s32 s9, v0  }
0x477: {  	v26 =	vand.u32 $0xF, v1;
	v60 =	vor.u32 $0x3000, v31  }
0x478: {  	v2 =	vor.u32 v60, v26;
	_ =	sdelay $0x3  }
0x479: {  	v59 =	vor.u32 $0x3000, v0;
	v29 =	vshll.u32 v26, $0x5  }
0x47a: {  	v3 =	vor.u32 v59, v29;
	v61 =	vor.u32 $0x3010, v31;
	v2 =	vld.idx.msk [tilespmem:v2+s3+$0x0], $0xffff  }
0x47b: {  	v4 =	vor.u32 v61, v1;
	_ =	sdelay $0x3  }
0x47c: {  	v62 =	vor.u32 $0x3200, v0;
	[tilespmem:v3+s22+$0x0] =	vst.idx.msk $0xffff, v2  }
0x47d: {  	v2 =	vor.u32 $0x3020, v31;
	v3 =	vld.idx.msk [tilespmem:v4+s3+$0x0], $0xffff;
	v4 =	vor.u32 v62, v29  }
0x47e: {  	v5 =	vor.u32 v2, v26;
	_ =	sdelay $0x3  }
0x47f: {  	v63 =	vor.u32 $0x3400, v0;
	[tilespmem:v4+s22+$0x0] =	vst.idx.msk $0xffff, v3  }
0x480: {  	v3 =	vor.u32 $0x3030, v31;
	v4 =	vld.idx.msk [tilespmem:v5+s3+$0x0], $0xffff;
	v5 =	vor.u32 v63, v29  }
0x481: {  	v6 =	vor.u32 v3, v1;
	_ =	sdelay $0x3  }
0x482: {  	[tilespmem:v5+s22+$0x0] =	vst.idx.msk $0xffff, v4;
	v4 =	vor.u32 $0x3600, v0  }
0x483: {  	v5 =	vor.u32 $0x3040, v31;
	v6 =	vld.idx.msk [tilespmem:v6+s3+$0x0], $0xffff;
	v7 =	vor.u32 v4, v29  }
0x484: {  	v8 =	vor.u32 v5, v26;
	_ =	sdelay $0x3  }
0x485: {  	[tilespmem:v7+s22+$0x0] =	vst.idx.msk $0xffff, v6;
	v6 =	vor.u32 $0x3800, v0  }
0x486: {  	v7 =	vor.u32 $0x3050, v31;
	v8 =	vld.idx.msk [tilespmem:v8+s3+$0x0], $0xffff;
	v9 =	vor.u32 v6, v29  }
0x487: {  	v10 =	vor.u32 v7, v1;
	_ =	sdelay $0x3  }
0x488: {  	[tilespmem:v9+s22+$0x0] =	vst.idx.msk $0xffff, v8;
	v8 =	vor.u32 $0x3A00, v0  }
0x489: {  	v9 =	vor.u32 $0x3060, v31;
	v10 =	vld.idx.msk [tilespmem:v10+s3+$0x0], $0xffff;
	v11 =	vor.u32 v8, v29  }
0x48a: {  	v12 =	vor.u32 v9, v26;
	_ =	sdelay $0x3  }
0x48b: {  	[tilespmem:v11+s22+$0x0] =	vst.idx.msk $0xffff, v10;
	v10 =	vor.u32 $0x3C00, v0  }
0x48c: {  	v11 =	vor.u32 $0x3070, v31;
	v12 =	vld.idx.msk [tilespmem:v12+s3+$0x0], $0xffff;
	v13 =	vor.u32 v10, v29  }
0x48d: {  	v14 =	vor.u32 v11, v1;
	_ =	sdelay $0x3  }
0x48e: {  	[tilespmem:v13+s22+$0x0] =	vst.idx.msk $0xffff, v12;
	v12 =	vor.u32 $0x3E00, v0  }
0x48f: {  	v13 =	vor.u32 $0x3800, v31;
	v14 =	vld.idx.msk [tilespmem:v14+s3+$0x0], $0xffff;
	v15 =	vor.u32 v12, v29  }
0x490: {  	v16 =	vor.u32 v13, v26;
	_ =	sdelay $0x3  }
0x491: {  	[tilespmem:v15+s22+$0x0] =	vst.idx.msk $0xffff, v14;
	v14 =	vor.u32 $0x3010, v0  }
0x492: {  	v15 =	vor.u32 $0x3810, v31;
	v16 =	vld.idx.msk [tilespmem:v16+s3+$0x0], $0xffff;
	v17 =	vor.u32 v14, v29  }
0x493: {  	v18 =	vor.u32 v15, v1;
	_ =	sdelay $0x3  }
0x494: {  	[tilespmem:v17+s22+$0x0] =	vst.idx.msk $0xffff, v16;
	v16 =	vor.u32 $0x3210, v0  }
0x495: {  	v17 =	vor.u32 $0x3820, v31;
	v18 =	vld.idx.msk [tilespmem:v18+s3+$0x0], $0xffff;
	v19 =	vor.u32 v16, v29  }
0x496: {  	v20 =	vor.u32 v17, v26;
	_ =	sdelay $0x3  }
0x497: {  	[tilespmem:v19+s22+$0x0] =	vst.idx.msk $0xffff, v18;
	v18 =	vor.u32 $0x3410, v0  }
0x498: {  	v19 =	vor.u32 $0x3830, v31;
	v20 =	vld.idx.msk [tilespmem:v20+s3+$0x0], $0xffff;
	v21 =	vor.u32 v18, v29  }
0x499: {  	v22 =	vor.u32 v19, v1;
	_ =	sdelay $0x3  }
0x49a: {  	[tilespmem:v21+s22+$0x0] =	vst.idx.msk $0xffff, v20;
	v20 =	vor.u32 $0x3610, v0  }
0x49b: {  	v21 =	vor.u32 $0x3840, v31;
	v22 =	vld.idx.msk [tilespmem:v22+s3+$0x0], $0xffff;
	v23 =	vor.u32 v20, v29  }
0x49c: {  	v24 =	vor.u32 v21, v26;
	_ =	sdelay $0x3  }
0x49d: {  	[tilespmem:v23+s22+$0x0] =	vst.idx.msk $0xffff, v22;
	v22 =	vor.u32 $0x3810, v0  }
0x49e: {  	v23 =	vor.u32 $0x3850, v31;
	v24 =	vld.idx.msk [tilespmem:v24+s3+$0x0], $0xffff;
	v25 =	vor.u32 v22, v29  }
0x49f: {  	v27 =	vor.u32 v23, v1;
	_ =	sdelay $0x3  }
0x4a0: {  	[tilespmem:v25+s22+$0x0] =	vst.idx.msk $0xffff, v24;
	v24 =	vor.u32 $0x3A10, v0  }
0x4a1: {  	v25 =	vor.u32 $0x3860, v31;
	v27 =	vld.idx.msk [tilespmem:v27+s3+$0x0], $0xffff;
	v28 =	vor.u32 v24, v29  }
0x4a2: {  	v30 =	vor.u32 v25, v26;
	_ =	sdelay $0x3  }
0x4a3: {  	v26 =	vor.u32 $0x3C10, v0;
	[tilespmem:v28+s22+$0x0] =	vst.idx.msk $0xffff, v27  }
0x4a4: {  	v27 =	vor.u32 $0x3870, v31;
	v28 =	vld.idx.msk [tilespmem:v30+s3+$0x0], $0xffff;
	v30 =	vor.u32 v26, v29  }
0x4a5: {  	v1 =	vor.u32 v27, v1;
	_ =	sdelay $0x2  }
0x4a6: {  	s15 =	simm.s32 $0x1  }
0x4a7: {  	[tilespmem:v30+s22+$0x0] =	vst.idx.msk $0xffff, v28;
	v28 =	vor.u32 $0x3E10, v0;
	v30 =	vadd.s32 s15, v0  }
0x4a8: {  	v1 =	vld.idx.msk [tilespmem:v1+s3+$0x0], $0xffff;
	v29 =	vor.u32 v28, v29;
	v31 =	vand.u32 $0xF, v30  }
0x4a9: {  	v32 =	vor.u32 v60, v31;
	_ =	sdelay $0x3  }
0x4aa: {  	v30 =	vshll.u32 v31, $0x5;
	[tilespmem:v29+s22+$0x0] =	vst.idx.msk $0xffff, v1  }
0x4ab: {  	v29 =	vor.u32 v59, v30;
	v1 =	vld.idx.msk [tilespmem:v32+s3+$0x0], $0xffff  }
0x4ac: {  	v32 =	vor.u32 v61, v31;
	_ =	sdelay $0x3  }
0x4ad: {  	[tilespmem:v29+s22+$0x0] =	vst.idx.msk $0xffff, v1  }
0x4ae: {  	v29 =	vor.u32 v62, v30;
	v1 =	vld.idx.msk [tilespmem:v32+s3+$0x0], $0xffff  }
0x4af: {  	v32 =	vor.u32 v2, v31;
	_ =	sdelay $0x3  }
0x4b0: {  	[tilespmem:v29+s22+$0x0] =	vst.idx.msk $0xffff, v1  }
0x4b1: {  	v29 =	vor.u32 v63, v30;
	v1 =	vld.idx.msk [tilespmem:v32+s3+$0x0], $0xffff  }
0x4b2: {  	v32 =	vor.u32 v3, v31;
	_ =	sdelay $0x3  }
0x4b3: {  	[tilespmem:v29+s22+$0x0] =	vst.idx.msk $0xffff, v1  }
0x4b4: {  	v29 =	vor.u32 v4, v30;
	v1 =	vld.idx.msk [tilespmem:v32+s3+$0x0], $0xffff  }
0x4b5: {  	v32 =	vor.u32 v5, v31;
	_ =	sdelay $0x3  }
0x4b6: {  	[tilespmem:v29+s22+$0x0] =	vst.idx.msk $0xffff, v1  }
0x4b7: {  	v29 =	vor.u32 v6, v30;
	v1 =	vld.idx.msk [tilespmem:v32+s3+$0x0], $0xffff  }
0x4b8: {  	v32 =	vor.u32 v7, v31;
	_ =	sdelay $0x3  }
0x4b9: {  	[tilespmem:v29+s22+$0x0] =	vst.idx.msk $0xffff, v1  }
0x4ba: {  	v29 =	vor.u32 v8, v30;
	v1 =	vld.idx.msk [tilespmem:v32+s3+$0x0], $0xffff  }
0x4bb: {  	v32 =	vor.u32 v9, v31;
	_ =	sdelay $0x3  }
0x4bc: {  	[tilespmem:v29+s22+$0x0] =	vst.idx.msk $0xffff, v1  }
0x4bd: {  	v29 =	vor.u32 v10, v30;
	v1 =	vld.idx.msk [tilespmem:v32+s3+$0x0], $0xffff  }
0x4be: {  	v32 =	vor.u32 v11, v31;
	_ =	sdelay $0x3  }
0x4bf: {  	[tilespmem:v29+s22+$0x0] =	vst.idx.msk $0xffff, v1  }
0x4c0: {  	v29 =	vor.u32 v12, v30;
	v1 =	vld.idx.msk [tilespmem:v32+s3+$0x0], $0xffff  }
0x4c1: {  	v32 =	vor.u32 v13, v31;
	_ =	sdelay $0x3  }
0x4c2: {  	[tilespmem:v29+s22+$0x0] =	vst.idx.msk $0xffff, v1  }
0x4c3: {  	v29 =	vor.u32 v14, v30;
	v1 =	vld.idx.msk [tilespmem:v32+s3+$0x0], $0xffff  }
0x4c4: {  	v32 =	vor.u32 v15, v31;
	_ =	sdelay $0x3  }
0x4c5: {  	[tilespmem:v29+s22+$0x0] =	vst.idx.msk $0xffff, v1  }
0x4c6: {  	v29 =	vor.u32 v16, v30;
	v1 =	vld.idx.msk [tilespmem:v32+s3+$0x0], $0xffff  }
0x4c7: {  	v32 =	vor.u32 v17, v31;
	_ =	sdelay $0x3  }
0x4c8: {  	[tilespmem:v29+s22+$0x0] =	vst.idx.msk $0xffff, v1  }
0x4c9: {  	v29 =	vor.u32 v18, v30;
	v1 =	vld.idx.msk [tilespmem:v32+s3+$0x0], $0xffff  }
0x4ca: {  	v32 =	vor.u32 v19, v31;
	_ =	sdelay $0x3  }
0x4cb: {  	[tilespmem:v29+s22+$0x0] =	vst.idx.msk $0xffff, v1  }
0x4cc: {  	v29 =	vor.u32 v20, v30;
	v1 =	vld.idx.msk [tilespmem:v32+s3+$0x0], $0xffff  }
0x4cd: {  	v32 =	vor.u32 v21, v31;
	_ =	sdelay $0x3  }
0x4ce: {  	[tilespmem:v29+s22+$0x0] =	vst.idx.msk $0xffff, v1  }
0x4cf: {  	v29 =	vor.u32 v22, v30;
	v1 =	vld.idx.msk [tilespmem:v32+s3+$0x0], $0xffff  }
0x4d0: {  	v32 =	vor.u32 v23, v31;
	_ =	sdelay $0x3  }
0x4d1: {  	[tilespmem:v29+s22+$0x0] =	vst.idx.msk $0xffff, v1  }
0x4d2: {  	v29 =	vor.u32 v24, v30;
	v1 =	vld.idx.msk [tilespmem:v32+s3+$0x0], $0xffff  }
0x4d3: {  	v32 =	vor.u32 v25, v31;
	_ =	sdelay $0x3  }
0x4d4: {  	[tilespmem:v29+s22+$0x0] =	vst.idx.msk $0xffff, v1  }
0x4d5: {  	v29 =	vor.u32 v26, v30;
	v1 =	vld.idx.msk [tilespmem:v32+s3+$0x0], $0xffff  }
0x4d6: {  	v31 =	vor.u32 v27, v31;
	_ =	sdelay $0x3  }
0x4d7: {  	s9 =	simm.s32 $0x2;
	[tilespmem:v29+s22+$0x0] =	vst.idx.msk $0xffff, v1  }
0x4d8: {  	s13 =	simm.s32 $0x4;
	v29 =	vadd.s32 s9, v0;
	v31 =	vld.idx.msk [tilespmem:v31+s3+$0x0], $0xffff  }
.LBB2_21:
0x4d9: {  	p1 =	sne.s32 s13, $0xE;
	v1 =	vand.u32 $0xF, v29;
	v30 =	vor.u32 v28, v30  }
0x4da: {  	v32 =	vor.u32 v60, v1;
	_ =	sdelay $0x3  }
0x4db: {  	[tilespmem:v30+s22+$0x0] =	vst.idx.msk $0xffff, v31  }
0x4dc: {  	v30 =	vshll.u32 v1, $0x5;
	v31 =	vld.idx.msk [tilespmem:v32+s3+$0x0], $0xffff  }
0x4dd: {  	v32 =	vor.u32 v59, v30  }
0x4de: {  	v33 =	vor.u32 v61, v29;
	_ =	sdelay $0x3  }
0x4df: {  	[tilespmem:v32+s22+$0x0] =	vst.idx.msk $0xffff, v31  }
0x4e0: {  	v31 =	vld.idx.msk [tilespmem:v33+s3+$0x0], $0xffff  }
0x4e1: {  	v32 =	vor.u32 v62, v30  }
0x4e2: {  	v33 =	vor.u32 v2, v1;
	_ =	sdelay $0x3  }
0x4e3: {  	[tilespmem:v32+s22+$0x0] =	vst.idx.msk $0xffff, v31  }
0x4e4: {  	v31 =	vld.idx.msk [tilespmem:v33+s3+$0x0], $0xffff  }
0x4e5: {  	v32 =	vor.u32 v63, v30  }
0x4e6: {  	v33 =	vor.u32 v3, v29;
	_ =	sdelay $0x3  }
0x4e7: {  	[tilespmem:v32+s22+$0x0] =	vst.idx.msk $0xffff, v31  }
0x4e8: {  	v31 =	vld.idx.msk [tilespmem:v33+s3+$0x0], $0xffff  }
0x4e9: {  	v32 =	vor.u32 v4, v30  }
0x4ea: {  	v33 =	vor.u32 v5, v1;
	_ =	sdelay $0x3  }
0x4eb: {  	[tilespmem:v32+s22+$0x0] =	vst.idx.msk $0xffff, v31  }
0x4ec: {  	v31 =	vld.idx.msk [tilespmem:v33+s3+$0x0], $0xffff  }
0x4ed: {  	v32 =	vor.u32 v6, v30  }
0x4ee: {  	v33 =	vor.u32 v7, v29;
	_ =	sdelay $0x3  }
0x4ef: {  	[tilespmem:v32+s22+$0x0] =	vst.idx.msk $0xffff, v31  }
0x4f0: {  	v31 =	vld.idx.msk [tilespmem:v33+s3+$0x0], $0xffff  }
0x4f1: {  	v32 =	vor.u32 v8, v30  }
0x4f2: {  	v33 =	vor.u32 v9, v1;
	_ =	sdelay $0x3  }
0x4f3: {  	[tilespmem:v32+s22+$0x0] =	vst.idx.msk $0xffff, v31  }
0x4f4: {  	v31 =	vld.idx.msk [tilespmem:v33+s3+$0x0], $0xffff  }
0x4f5: {  	v32 =	vor.u32 v10, v30  }
0x4f6: {  	v33 =	vor.u32 v11, v29;
	_ =	sdelay $0x3  }
0x4f7: {  	[tilespmem:v32+s22+$0x0] =	vst.idx.msk $0xffff, v31  }
0x4f8: {  	v31 =	vld.idx.msk [tilespmem:v33+s3+$0x0], $0xffff  }
0x4f9: {  	v32 =	vor.u32 v12, v30  }
0x4fa: {  	v33 =	vor.u32 v13, v1;
	_ =	sdelay $0x3  }
0x4fb: {  	[tilespmem:v32+s22+$0x0] =	vst.idx.msk $0xffff, v31  }
0x4fc: {  	v31 =	vld.idx.msk [tilespmem:v33+s3+$0x0], $0xffff  }
0x4fd: {  	v32 =	vor.u32 v14, v30  }
0x4fe: {  	v33 =	vor.u32 v15, v29;
	_ =	sdelay $0x3  }
0x4ff: {  	[tilespmem:v32+s22+$0x0] =	vst.idx.msk $0xffff, v31  }
0x500: {  	v31 =	vld.idx.msk [tilespmem:v33+s3+$0x0], $0xffff  }
0x501: {  	v32 =	vor.u32 v16, v30  }
0x502: {  	v33 =	vor.u32 v17, v1;
	_ =	sdelay $0x3  }
0x503: {  	[tilespmem:v32+s22+$0x0] =	vst.idx.msk $0xffff, v31  }
0x504: {  	v31 =	vld.idx.msk [tilespmem:v33+s3+$0x0], $0xffff  }
0x505: {  	v32 =	vor.u32 v18, v30  }
0x506: {  	v33 =	vor.u32 v19, v29;
	_ =	sdelay $0x3  }
0x507: {  	[tilespmem:v32+s22+$0x0] =	vst.idx.msk $0xffff, v31  }
0x508: {  	v31 =	vld.idx.msk [tilespmem:v33+s3+$0x0], $0xffff  }
0x509: {  	v32 =	vor.u32 v20, v30  }
0x50a: {  	v33 =	vor.u32 v21, v1;
	_ =	sdelay $0x3  }
0x50b: {  	[tilespmem:v32+s22+$0x0] =	vst.idx.msk $0xffff, v31  }
0x50c: {  	v31 =	vld.idx.msk [tilespmem:v33+s3+$0x0], $0xffff  }
0x50d: {  	v32 =	vor.u32 v22, v30  }
0x50e: {  	v33 =	vor.u32 v23, v29;
	_ =	sdelay $0x3  }
0x50f: {  	[tilespmem:v32+s22+$0x0] =	vst.idx.msk $0xffff, v31  }
0x510: {  	v31 =	vld.idx.msk [tilespmem:v33+s3+$0x0], $0xffff  }
0x511: {  	v32 =	vor.u32 v24, v30  }
0x512: {  	v1 =	vor.u32 v25, v1;
	_ =	sdelay $0x3  }
0x513: {  	[tilespmem:v32+s22+$0x0] =	vst.idx.msk $0xffff, v31  }
0x514: {  	v1 =	vld.idx.msk [tilespmem:v1+s3+$0x0], $0xffff  }
0x515: {  	v31 =	vor.u32 v26, v30  }
0x516: {  	v29 =	vor.u32 v27, v29;
	_ =	sdelay $0x3  }
0x517: {  	s15 =	sadd.s32 $0x1, s9;
	s9 =	smov.u32 s13;
	[tilespmem:v31+s22+$0x0] =	vst.idx.msk $0xffff, v1  }
0x518: {  	v1 =	vld.idx.msk [tilespmem:v29+s3+$0x0], $0xffff;
	v29 =	vadd.s32 s15, v0  }
0x519: {  	v30 =	vor.u32 v28, v30;
	v29 =	vand.u32 $0xF, v29  }
0x51a: {  	v31 =	vor.u32 v60, v29;
	_ =	sdelay $0x3  }
0x51b: {  	[tilespmem:v30+s22+$0x0] =	vst.idx.msk $0xffff, v1  }
0x51c: {  	v30 =	vshll.u32 v29, $0x5;
	v1 =	vld.idx.msk [tilespmem:v31+s3+$0x0], $0xffff  }
0x51d: {  	v31 =	vor.u32 v59, v30  }
0x51e: {  	v32 =	vor.u32 v61, v29;
	_ =	sdelay $0x3  }
0x51f: {  	[tilespmem:v31+s22+$0x0] =	vst.idx.msk $0xffff, v1  }
0x520: {  	v1 =	vld.idx.msk [tilespmem:v32+s3+$0x0], $0xffff  }
0x521: {  	v31 =	vor.u32 v62, v30  }
0x522: {  	v32 =	vor.u32 v2, v29;
	_ =	sdelay $0x3  }
0x523: {  	[tilespmem:v31+s22+$0x0] =	vst.idx.msk $0xffff, v1  }
0x524: {  	v1 =	vld.idx.msk [tilespmem:v32+s3+$0x0], $0xffff  }
0x525: {  	v31 =	vor.u32 v63, v30  }
0x526: {  	v32 =	vor.u32 v3, v29;
	_ =	sdelay $0x3  }
0x527: {  	[tilespmem:v31+s22+$0x0] =	vst.idx.msk $0xffff, v1  }
0x528: {  	v1 =	vld.idx.msk [tilespmem:v32+s3+$0x0], $0xffff  }
0x529: {  	v31 =	vor.u32 v4, v30  }
0x52a: {  	v32 =	vor.u32 v5, v29;
	_ =	sdelay $0x3  }
0x52b: {  	[tilespmem:v31+s22+$0x0] =	vst.idx.msk $0xffff, v1  }
0x52c: {  	v1 =	vld.idx.msk [tilespmem:v32+s3+$0x0], $0xffff  }
0x52d: {  	v31 =	vor.u32 v6, v30  }
0x52e: {  	v32 =	vor.u32 v7, v29;
	_ =	sdelay $0x3  }
0x52f: {  	[tilespmem:v31+s22+$0x0] =	vst.idx.msk $0xffff, v1  }
0x530: {  	v1 =	vld.idx.msk [tilespmem:v32+s3+$0x0], $0xffff  }
0x531: {  	v31 =	vor.u32 v8, v30  }
0x532: {  	v32 =	vor.u32 v9, v29;
	_ =	sdelay $0x3  }
0x533: {  	[tilespmem:v31+s22+$0x0] =	vst.idx.msk $0xffff, v1  }
0x534: {  	v1 =	vld.idx.msk [tilespmem:v32+s3+$0x0], $0xffff  }
0x535: {  	v31 =	vor.u32 v10, v30  }
0x536: {  	v32 =	vor.u32 v11, v29;
	_ =	sdelay $0x3  }
0x537: {  	[tilespmem:v31+s22+$0x0] =	vst.idx.msk $0xffff, v1  }
0x538: {  	v1 =	vld.idx.msk [tilespmem:v32+s3+$0x0], $0xffff  }
0x539: {  	v31 =	vor.u32 v12, v30  }
0x53a: {  	v32 =	vor.u32 v13, v29;
	_ =	sdelay $0x3  }
0x53b: {  	[tilespmem:v31+s22+$0x0] =	vst.idx.msk $0xffff, v1  }
0x53c: {  	v1 =	vld.idx.msk [tilespmem:v32+s3+$0x0], $0xffff  }
0x53d: {  	v31 =	vor.u32 v14, v30  }
0x53e: {  	v32 =	vor.u32 v15, v29;
	_ =	sdelay $0x3  }
0x53f: {  	[tilespmem:v31+s22+$0x0] =	vst.idx.msk $0xffff, v1  }
0x540: {  	v1 =	vld.idx.msk [tilespmem:v32+s3+$0x0], $0xffff  }
0x541: {  	v31 =	vor.u32 v16, v30  }
0x542: {  	v32 =	vor.u32 v17, v29;
	_ =	sdelay $0x3  }
0x543: {  	[tilespmem:v31+s22+$0x0] =	vst.idx.msk $0xffff, v1  }
0x544: {  	v1 =	vld.idx.msk [tilespmem:v32+s3+$0x0], $0xffff  }
0x545: {  	v31 =	vor.u32 v18, v30  }
0x546: {  	v32 =	vor.u32 v19, v29;
	_ =	sdelay $0x3  }
0x547: {  	[tilespmem:v31+s22+$0x0] =	vst.idx.msk $0xffff, v1  }
0x548: {  	v1 =	vld.idx.msk [tilespmem:v32+s3+$0x0], $0xffff  }
0x549: {  	v31 =	vor.u32 v20, v30  }
0x54a: {  	v32 =	vor.u32 v21, v29;
	_ =	sdelay $0x3  }
0x54b: {  	[tilespmem:v31+s22+$0x0] =	vst.idx.msk $0xffff, v1  }
0x54c: {  	v1 =	vld.idx.msk [tilespmem:v32+s3+$0x0], $0xffff  }
0x54d: {  	v31 =	vor.u32 v22, v30  }
0x54e: {  	v32 =	vor.u32 v23, v29;
	_ =	sdelay $0x3  }
0x54f: {  	[tilespmem:v31+s22+$0x0] =	vst.idx.msk $0xffff, v1  }
0x550: {  	v1 =	vld.idx.msk [tilespmem:v32+s3+$0x0], $0xffff  }
0x551: {  	v31 =	vor.u32 v24, v30  }
0x552: {  	v32 =	vor.u32 v25, v29;
	_ =	sdelay $0x3  }
0x553: {  	[tilespmem:v31+s22+$0x0] =	vst.idx.msk $0xffff, v1  }
0x554: {  	v1 =	vld.idx.msk [tilespmem:v32+s3+$0x0], $0xffff  }
0x555: {  	v31 =	vor.u32 v26, v30  }
0x556: {  	v32 =	vor.u32 v27, v29  }
.Ltmp14:
0x557: {  	(pc) =	sbr.rel @p1 .LBB2_21-.Ltmp14, $3  }
0x558: {  	_ =	sdelay $0x1  }
0x559: {  	[tilespmem:v31+s22+$0x0] =	vst.idx.msk $0xffff, v1  }
0x55a: {  	s13 =	sadd.s32 $0x2, s13;
	v29 =	vadd.s32 s9, v0;
	v31 =	vld.idx.msk [tilespmem:v32+s3+$0x0], $0xffff  }
0x55b: {  	v1 =	vand.u32 $0xF, v29;
	v30 =	vor.u32 v28, v30  }
0x55c: {  	v32 =	vor.u32 v60, v1;
	_ =	sdelay $0x3  }
0x55d: {  	[tilespmem:v30+s22+$0x0] =	vst.idx.msk $0xffff, v31;
	v30 =	vshll.u32 v1, $0x5  }
0x55e: {  	v31 =	vld.idx.msk [tilespmem:v32+s3+$0x0], $0xffff;
	v32 =	vor.u32 v59, v30  }
0x55f: {  	v33 =	vor.u32 v61, v29;
	_ =	sdelay $0x3  }
0x560: {  	[tilespmem:v32+s22+$0x0] =	vst.idx.msk $0xffff, v31  }
0x561: {  	v32 =	vor.u32 v62, v30;
	v31 =	vld.idx.msk [tilespmem:v33+s3+$0x0], $0xffff  }
0x562: {  	v33 =	vor.u32 v2, v1;
	_ =	sdelay $0x3  }
0x563: {  	[tilespmem:v32+s22+$0x0] =	vst.idx.msk $0xffff, v31  }
0x564: {  	v32 =	vor.u32 v63, v30;
	v31 =	vld.idx.msk [tilespmem:v33+s3+$0x0], $0xffff  }
0x565: {  	v33 =	vor.u32 v3, v29;
	_ =	sdelay $0x3  }
0x566: {  	[tilespmem:v32+s22+$0x0] =	vst.idx.msk $0xffff, v31  }
0x567: {  	v32 =	vor.u32 v4, v30;
	v31 =	vld.idx.msk [tilespmem:v33+s3+$0x0], $0xffff  }
0x568: {  	v33 =	vor.u32 v5, v1;
	_ =	sdelay $0x3  }
0x569: {  	[tilespmem:v32+s22+$0x0] =	vst.idx.msk $0xffff, v31  }
0x56a: {  	v32 =	vor.u32 v6, v30;
	v31 =	vld.idx.msk [tilespmem:v33+s3+$0x0], $0xffff  }
0x56b: {  	v33 =	vor.u32 v7, v29;
	_ =	sdelay $0x3  }
0x56c: {  	[tilespmem:v32+s22+$0x0] =	vst.idx.msk $0xffff, v31  }
0x56d: {  	v32 =	vor.u32 v8, v30;
	v31 =	vld.idx.msk [tilespmem:v33+s3+$0x0], $0xffff  }
0x56e: {  	v33 =	vor.u32 v9, v1;
	_ =	sdelay $0x3  }
0x56f: {  	[tilespmem:v32+s22+$0x0] =	vst.idx.msk $0xffff, v31  }
0x570: {  	v32 =	vor.u32 v10, v30;
	v31 =	vld.idx.msk [tilespmem:v33+s3+$0x0], $0xffff  }
0x571: {  	v33 =	vor.u32 v11, v29;
	_ =	sdelay $0x3  }
0x572: {  	[tilespmem:v32+s22+$0x0] =	vst.idx.msk $0xffff, v31  }
0x573: {  	v32 =	vor.u32 v12, v30;
	v31 =	vld.idx.msk [tilespmem:v33+s3+$0x0], $0xffff  }
0x574: {  	v33 =	vor.u32 v13, v1;
	_ =	sdelay $0x3  }
0x575: {  	[tilespmem:v32+s22+$0x0] =	vst.idx.msk $0xffff, v31  }
0x576: {  	v32 =	vor.u32 v14, v30;
	v31 =	vld.idx.msk [tilespmem:v33+s3+$0x0], $0xffff  }
0x577: {  	v33 =	vor.u32 v15, v29;
	_ =	sdelay $0x3  }
0x578: {  	[tilespmem:v32+s22+$0x0] =	vst.idx.msk $0xffff, v31  }
0x579: {  	v32 =	vor.u32 v16, v30;
	v31 =	vld.idx.msk [tilespmem:v33+s3+$0x0], $0xffff  }
0x57a: {  	v33 =	vor.u32 v17, v1;
	_ =	sdelay $0x3  }
0x57b: {  	[tilespmem:v32+s22+$0x0] =	vst.idx.msk $0xffff, v31  }
0x57c: {  	v32 =	vor.u32 v18, v30;
	v31 =	vld.idx.msk [tilespmem:v33+s3+$0x0], $0xffff  }
0x57d: {  	v33 =	vor.u32 v19, v29;
	_ =	sdelay $0x3  }
0x57e: {  	[tilespmem:v32+s22+$0x0] =	vst.idx.msk $0xffff, v31  }
0x57f: {  	v32 =	vor.u32 v20, v30;
	v31 =	vld.idx.msk [tilespmem:v33+s3+$0x0], $0xffff  }
0x580: {  	v33 =	vor.u32 v21, v1;
	_ =	sdelay $0x3  }
0x581: {  	[tilespmem:v32+s22+$0x0] =	vst.idx.msk $0xffff, v31  }
0x582: {  	v32 =	vor.u32 v22, v30;
	v31 =	vld.idx.msk [tilespmem:v33+s3+$0x0], $0xffff  }
0x583: {  	v33 =	vor.u32 v23, v29;
	_ =	sdelay $0x3  }
0x584: {  	[tilespmem:v32+s22+$0x0] =	vst.idx.msk $0xffff, v31  }
0x585: {  	v32 =	vor.u32 v24, v30;
	v31 =	vld.idx.msk [tilespmem:v33+s3+$0x0], $0xffff  }
0x586: {  	v1 =	vor.u32 v25, v1;
	_ =	sdelay $0x3  }
0x587: {  	[tilespmem:v32+s22+$0x0] =	vst.idx.msk $0xffff, v31  }
0x588: {  	v33 =	vor.u32 v26, v30;
	v1 =	vld.idx.msk [tilespmem:v1+s3+$0x0], $0xffff  }
0x589: {  	v32 =	vor.u32 v27, v29;
	_ =	sdelay $0x2  }
0x58a: {  	s9 =	sadd.s32 $0x1, s9  }
0x58b: {  	[tilespmem:v33+s22+$0x0] =	vst.idx.msk $0xffff, v1;
	v1 =	vadd.s32 s9, v0  }
0x58c: {  	v30 =	vor.u32 v28, v30;
	v29 =	vld.idx.msk [tilespmem:v32+s3+$0x0], $0xffff;
	v1 =	vand.u32 $0xF, v1  }
0x58d: {  	v33 =	vor.u32 v60, v1;
	_ =	sdelay $0x3  }
0x58e: {  	[tilespmem:v30+s22+$0x0] =	vst.idx.msk $0xffff, v29;
	v29 =	vshll.u32 v1, $0x5  }
0x58f: {  	v30 =	vld.idx.msk [tilespmem:v33+s3+$0x0], $0xffff;
	v60 =	vor.u32 v59, v29  }
0x590: {  	v59 =	vor.u32 v61, v1;
	_ =	sdelay $0x3  }
0x591: {  	[tilespmem:v60+s22+$0x0] =	vst.idx.msk $0xffff, v30  }
0x592: {  	v60 =	vor.u32 v62, v29;
	v30 =	vld.idx.msk [tilespmem:v59+s3+$0x0], $0xffff  }
0x593: {  	v2 =	vor.u32 v2, v1;
	_ =	sdelay $0x3  }
0x594: {  	[tilespmem:v60+s22+$0x0] =	vst.idx.msk $0xffff, v30  }
0x595: {  	v61 =	vor.u32 v63, v29;
	v2 =	vld.idx.msk [tilespmem:v2+s3+$0x0], $0xffff  }
0x596: {  	v3 =	vor.u32 v3, v1;
	_ =	sdelay $0x3  }
0x597: {  	[tilespmem:v61+s22+$0x0] =	vst.idx.msk $0xffff, v2  }
0x598: {  	v2 =	vld.idx.msk [tilespmem:v3+s3+$0x0], $0xffff;
	v3 =	vor.u32 v4, v29  }
0x599: {  	v62 =	vor.u32 v5, v1;
	_ =	sdelay $0x3  }
0x59a: {  	[tilespmem:v3+s22+$0x0] =	vst.idx.msk $0xffff, v2  }
0x59b: {  	v3 =	vor.u32 v6, v29;
	v2 =	vld.idx.msk [tilespmem:v62+s3+$0x0], $0xffff  }
0x59c: {  	v63 =	vor.u32 v7, v1;
	_ =	sdelay $0x3  }
0x59d: {  	[tilespmem:v3+s22+$0x0] =	vst.idx.msk $0xffff, v2  }
0x59e: {  	v3 =	vor.u32 v8, v29;
	v2 =	vld.idx.msk [tilespmem:v63+s3+$0x0], $0xffff  }
0x59f: {  	v30 =	vor.u32 v9, v1;
	_ =	sdelay $0x3  }
0x5a0: {  	[tilespmem:v3+s22+$0x0] =	vst.idx.msk $0xffff, v2  }
0x5a1: {  	v3 =	vor.u32 v10, v29;
	v2 =	vld.idx.msk [tilespmem:v30+s3+$0x0], $0xffff  }
0x5a2: {  	v31 =	vor.u32 v11, v1;
	_ =	sdelay $0x3  }
0x5a3: {  	[tilespmem:v3+s22+$0x0] =	vst.idx.msk $0xffff, v2  }
0x5a4: {  	v3 =	vor.u32 v12, v29;
	v2 =	vld.idx.msk [tilespmem:v31+s3+$0x0], $0xffff  }
0x5a5: {  	v32 =	vor.u32 v13, v1;
	_ =	sdelay $0x3  }
0x5a6: {  	[tilespmem:v3+s22+$0x0] =	vst.idx.msk $0xffff, v2  }
0x5a7: {  	v3 =	vor.u32 v14, v29;
	v2 =	vld.idx.msk [tilespmem:v32+s3+$0x0], $0xffff  }
0x5a8: {  	v33 =	vor.u32 v15, v1;
	_ =	sdelay $0x3  }
0x5a9: {  	[tilespmem:v3+s22+$0x0] =	vst.idx.msk $0xffff, v2  }
0x5aa: {  	v3 =	vor.u32 v16, v29;
	v2 =	vld.idx.msk [tilespmem:v33+s3+$0x0], $0xffff  }
0x5ab: {  	v59 =	vor.u32 v17, v1;
	_ =	sdelay $0x3  }
0x5ac: {  	[tilespmem:v3+s22+$0x0] =	vst.idx.msk $0xffff, v2  }
0x5ad: {  	v3 =	vor.u32 v18, v29;
	v2 =	vld.idx.msk [tilespmem:v59+s3+$0x0], $0xffff  }
0x5ae: {  	v60 =	vor.u32 v19, v1;
	_ =	sdelay $0x3  }
0x5af: {  	[tilespmem:v3+s22+$0x0] =	vst.idx.msk $0xffff, v2  }
0x5b0: {  	v3 =	vor.u32 v20, v29;
	v2 =	vld.idx.msk [tilespmem:v60+s3+$0x0], $0xffff  }
0x5b1: {  	v61 =	vor.u32 v21, v1;
	_ =	sdelay $0x3  }
0x5b2: {  	[tilespmem:v3+s22+$0x0] =	vst.idx.msk $0xffff, v2  }
0x5b3: {  	v3 =	vor.u32 v22, v29;
	v2 =	vld.idx.msk [tilespmem:v61+s3+$0x0], $0xffff  }
0x5b4: {  	v62 =	vor.u32 v23, v1;
	_ =	sdelay $0x3  }
0x5b5: {  	[tilespmem:v3+s22+$0x0] =	vst.idx.msk $0xffff, v2  }
0x5b6: {  	v3 =	vor.u32 v24, v29;
	v2 =	vld.idx.msk [tilespmem:v62+s3+$0x0], $0xffff  }
0x5b7: {  	v63 =	vor.u32 v25, v1;
	_ =	sdelay $0x3  }
0x5b8: {  	[tilespmem:v3+s22+$0x0] =	vst.idx.msk $0xffff, v2  }
0x5b9: {  	v3 =	vor.u32 v26, v29;
	v2 =	vld.idx.msk [tilespmem:v63+s3+$0x0], $0xffff  }
0x5ba: {  	v1 =	vor.u32 v27, v1;
	_ =	sdelay $0x3  }
0x5bb: {  	[tilespmem:v3+s22+$0x0] =	vst.idx.msk $0xffff, v2  }
0x5bc: {  	v2 =	vor.u32 v28, v29;
	v1 =	vld.idx.msk [tilespmem:v1+s3+$0x0], $0xffff  }
0x5bd: {  	p1 =	seq.s32 s7, $0x3D  }
.Ltmp15:
0x5be: {  	s15 =	sor.u32 $0x180, s8;
	(pc) =	sbr.rel @p1 .LBB2_24-.Ltmp15, $4  }
0x5bf: {  	s9 =	smin.u32 s15, $0xF4180  }
0x5c0: {  	s9 =	sshll.u32 s9, $0x2  }
0x5c1: {  	s9 =	sadd.s32 s6, s9;
	[tilespmem:v2+s22+$0x0] =	vst.idx.msk $0xffff, v1  }
0x5c2: {  	[hbm4b:s9+s3] =	stream.linear.scatter [tilespmem:s2], [sflag:$0x8], $0x1000, $0x38;
	[tilespmem:$0x8000] =	vst v63  }
0x5c3: {  	v31 =	vld [tilespmem:$0x1FFF0]  }
0x5c4: {  	v7 =	vld [tilespmem:$0x1FE00]  }
0x5c5: {  	v8 =	vld [tilespmem:$0x1FE10]  }
0x5c6: {  	v9 =	vld [tilespmem:$0x1FE20]  }
0x5c7: {  	v10 =	vld [tilespmem:$0x1FE30]  }
0x5c8: {  	v11 =	vld [tilespmem:$0x1FE40]  }
0x5c9: {  	v12 =	vld [tilespmem:$0x1FE50]  }
0x5ca: {  	v13 =	vld [tilespmem:$0x1FE60]  }
0x5cb: {  	v14 =	vld [tilespmem:$0x1FE70]  }
0x5cc: {  	v15 =	vld [tilespmem:$0x1FE80]  }
0x5cd: {  	v16 =	vld [tilespmem:$0x1FE90]  }
0x5ce: {  	v17 =	vld [tilespmem:$0x1FEA0]  }
0x5cf: {  	v18 =	vld [tilespmem:$0x1FEB0]  }
0x5d0: {  	v19 =	vld [tilespmem:$0x1FEC0]  }
0x5d1: {  	v20 =	vld [tilespmem:$0x1FED0]  }
0x5d2: {  	v21 =	vld [tilespmem:$0x1FEE0]  }
0x5d3: {  	v22 =	vld [tilespmem:$0x1FEF0]  }
0x5d4: {  	v23 =	vld [tilespmem:$0x1FF00]  }
0x5d5: {  	v24 =	vld [tilespmem:$0x1FF10]  }
0x5d6: {  	v25 =	vld [tilespmem:$0x1FF20]  }
0x5d7: {  	v26 =	vld [tilespmem:$0x1FF30]  }
0x5d8: {  	v27 =	vld [tilespmem:$0x1FF40]  }
0x5d9: {  	v28 =	vld [tilespmem:$0x1FF50]  }
0x5da: {  	v29 =	vld [tilespmem:$0x1FF60]  }
0x5db: {  	v30 =	vld [tilespmem:$0x1FF70]  }
0x5dc: {  	v32 =	vld [tilespmem:$0x1FF80]  }
0x5dd: {  	v33 =	vld [tilespmem:$0x1FF90]  }
.Ltmp16:
0x5de: {  	v62 =	vld [tilespmem:$0x1FFD0];
	(pc) =	sbr.rel .LBB2_2-.Ltmp16, $4  }
0x5df: {  	v63 =	vld [tilespmem:$0x1FFE0]  }
0x5e0: {  	s8 =	smin.u32 s8, $0xF3E00;
	v59 =	vld [tilespmem:$0x1FFA0]  }
0x5e1: {  	s7 =	sadd.s32 $0x1, s7;
	v60 =	vld [tilespmem:$0x1FFB0];
	s8 =	sadd.s32 s8, s14  }
0x5e2: {  	v61 =	vld [tilespmem:$0x1FFC0];
	[tilespmem:s20], [sflag:$0x4] =	stream.strided.gather [hbm4b:s8+s17], $0x1000, s16, s17, $0x38  }
.LBB2_25:
0x5e3: {  	_ =	sfence.sel $0x180000  }
0x5e4: {  	[bflag:$0x0] =	sbarrier.arrive $0xFFFF  }
0x5e5: {  	_ =	strace $0x90000047  }
0x5e6: {  	s0 =	stileid.u32;
	[bflag:$0x2] =	sbarrier.arrive $0xFFFF  }
0x5e7: {  	p0 =	sne.s32 s0, $0x0;
	s0 =	rddreg [dreg:$0x3]  }
0x5e8: {  	s0 =	sadd.s32 @!p0 $0x100000, s0  }
0x5e9: {  	[sflag:s0] =	ssyncadd.tile.s32 @!p0 $0x1;
	_ =	shalt  }
.Lfunc_end2:
_tile_overlayer_lowered:
.L_overlay_start_2:
0x5ea: {  	(tag) =	ssettag $0x2  }
0x5eb: {  	s0 =	rddreg [dreg:$0x0];
	s2 =	stileid.u32  }
0x5ec: {  	s1 =	rddreg [dreg:$0x1];
	p0 =	sne.s32 s2, $0x0  }
0x5ed: {  	s3 =	rddreg [dreg:$0x2];
	[bflag:$0x3] =	sbarrier.arrive $0xFFFF;
	s2 =	simm.s32 @!p0 $0x1C09  }
0x5ee: {  	[timem:s3], [sflag:s2] =	dma.local @!p0 [hbm:s0], s1  }
0x5ef: {  	s0 =	simm.s32 @!p0 $0x9  }
0x5f0: {  	_ =	swait.ge @!p0 [sflag:s0], s1  }
0x5f1: {  	s1 =	ssub.s32 @!p0 $0x0, s1;
	[sflag:s0] =	ssyncset.done @!p0 $0x0  }
0x5f2: {  	[sflag:s0] =	ssyncadd.s32 @!p0 s1  }
0x5f3: {  	[bflag:$0x3] =	sbarrier.arrive $0xFFFF  }
0x5f4: {  	_ =	shalt  }

// kernel: kernel.7.cloned.1.call-start
scs
__scs_entry_jumppad:
0x0: {  	(pc) =	sbr.rel $0x88, $3  }
0x1: {  	(tag) =	ssettag $0x0;
	lr =	simm.s32 $0x1  }
0x2: {  	[smem:$0x3F9F] =	sst lr;
	_ =	strace $0xD0000000  }
0x3: {  	_ = 	snop  }
0x4: {  	_ = 	snop  }
0x5: {  	_ = 	snop  }
0x6: {  	_ = 	snop  }
0x7: {  	_ = 	snop  }
__scs_overlays_trampoline_lowered:
0x8: {  	[smem:$0x3FAE] =	sst s0  }
0x9: {  	[smem:$0x3FAF] =	sst s1  }
0xa: {  	[smem:$0x3FB0] =	sst s2  }
0xb: {  	[smem:$0x3FB1] =	sst s3  }
0xc: {  	[smem:$0x3FB2] =	sst s4  }
0xd: {  	[smem:$0x3FB3] =	sst s5  }
0xe: {  	[smem:$0x3FB4] =	sst s6  }
0xf: {  	[smem:$0x3FB5] =	sst s7  }
0x10: {  	[smem:$0x3FB6] =	sst s8  }
0x11: {  	[smem:$0x3FB7] =	sst s9;
	s0 =	simm.s32 @!p0 $0x0  }
0x12: {  	s1 =	sld [smem:$0x3F9D];
	s0 =	simm.s32 @p0 $0x1  }
0x13: {  	[smem:$0x3FB8] =	sst s0;
	s0 =	simm.s32 @!p1 $0x0  }
0x14: {  	s2 =	sld [smem:$0x3F9C];
	s0 =	simm.s32 @p1 $0x1  }
0x15: {  	[smem:$0x3FB9] =	sst s0;
	s0 =	simm.s32 @!p2 $0x0  }
0x16: {  	s3 =	sld [smem:$0x3FDB];
	s0 =	simm.s32 @p2 $0x1  }
0x17: {  	s4 =	simm.s32 $0x1BF5;
	[smem:$0x3FBB] =	sst s0  }
0x18: {  	s0 =	sld [smem:$0x3F9E];
	_ =	swait.ge [sflag:s4], $0x0  }
0x19: {  	s7 =	sld [smem:$0x3F9F]  }
0x1a: {  	s8 =	sadd.s32 $0xFFFFE003, lr  }
0x1b: {  	s9 =	sadd.s32 $0xFFFFFEF7, lr;
	s5 =	simm.s32 $0xFFFFFFFF;
	p2 =	slt.u32 s8, $0xFFFFF086  }
0x1c: {  	p1 =	slt.u32 s9, $0xF7A;
	s5 =	simm.s32 @!p2 $0x0  }
0x1d: {  	s5 =	simm.s32 @p1 $0x1;
	p0 =	seq.s32 s7, s2  }
0x1e: {  	s7 =	smul.u32 @!p0 $0xF7A, s2;
	p2 =	seq.s32 @!p0 s5, $0x0  }
0x1f: {  	s9 =	smul.u32 $0xF7A, s1;
	s8 =	simm.s32 @!p0 $0x1BF5;
	p2 =	por !p2, p0  }
0x20: {  	[sflag:s8] =	ssyncset.s32 @!p0 $0xFFFFF086;
	s6 =	sadd.s32 @!p0 s3, s7;
	s7 =	simm.s32 @!p0 $0x108  }
0x21: {  	s3 =	sadd.s32 s3, s9;
	s6 =	sadd.s32 @!p0 $0x88, s6;
	s7 =	simm.s32 @p2 $0x1082  }
0x22: {  	[simem:s7], [sflag:s8] =	dma.local @!p0 [hbm:s6], $0xF7A  }
0x23: {  	s9 =	sor.u32 $0xD0000000, s2;
	s6 =	simm.s32 $0x108;
	_ =	swait.ge @!p0 [sflag:s8], $0x0  }
0x24: {  	s3 =	sadd.s32 $0x88, s3;
	s6 =	simm.s32 @!p1 $0x1082;
	[sflag:s4] =	ssyncset.s32 $0xFFFFF086  }
0x25: {  	[simem:s6], [sflag:s4] =	dma.local [hbm:s3], $0xF7A  }
0x26: {  	[smem:$0x3F9F] =	sst s1;
	(tag) =	ssettag s2;
	_ =	strace s9  }
0x27: {  	s1 =	sld [smem:$0x3FAF]  }
0x28: {  	s2 =	sld [smem:$0x3FB0]  }
0x29: {  	s4 =	sld [smem:$0x3FB2]  }
0x2a: {  	p0 =	seq.s32 s5, $0x0;
	s5 =	sld [smem:$0x3FB3]  }
0x2b: {  	s6 =	sld [smem:$0x3FB4]  }
0x2c: {  	s7 =	sld [smem:$0x3FB5]  }
0x2d: {  	s3 =	simm.s32 $0x108;
	s8 =	sld [smem:$0x3FB6]  }
0x2e: {  	s3 =	simm.s32 @!p0 $0x1082;
	s9 =	sld [smem:$0x3FB7]  }
0x2f: {  	lr =	sadd.s32 s0, s3;
	s0 =	sld [smem:$0x3FAE]  }
0x30: {  	s3 =	sld [smem:$0x3FB1]  }
0x31: {  	[smem:$0x3FBA] =	sst s10  }
0x32: {  	s10 =	sld [smem:$0x3FB8];
	_ =	sdelay $0x3  }
0x33: {  	p0 =	seq.s32 s10, $0x1;
	s10 =	sld [smem:$0x3FBA];
	_ =	sdelay $0x3  }
0x34: {  	[smem:$0x3FBA] =	sst s10  }
0x35: {  	s10 =	sld [smem:$0x3FB9];
	_ =	sdelay $0x3  }
0x36: {  	p1 =	seq.s32 s10, $0x1;
	s10 =	sld [smem:$0x3FBA];
	_ =	sdelay $0x3  }
0x37: {  	[smem:$0x3FBA] =	sst s10  }
0x38: {  	s10 =	sld [smem:$0x3FBB]  }
0x39: {  	_ = 	snop;
	(pc) =	sbr.ind lr, $3  }
0x3a: {  	_ = 	snop  }
0x3b: {  	_ = 	snop  }
0x3c: {  	p2 =	seq.s32 s10, $0x1;
	s10 =	sld [smem:$0x3FBA]  }
0x3d: {  	_ =	shalt  }
0x3e: {  	_ =	shalt  }
0x3f: {  	_ =	shalt  }
0x40: {  	_ =	shalt  }
0x41: {  	_ =	shalt  }
0x42: {  	_ =	shalt  }
0x43: {  	_ =	shalt  }
0x44: {  	_ =	shalt  }
0x45: {  	_ =	shalt  }
0x46: {  	_ =	shalt  }
0x47: {  	_ =	shalt  }
0x48: {  	_ =	shalt  }
0x49: {  	_ =	shalt  }
0x4a: {  	_ =	shalt  }
0x4b: {  	_ =	shalt  }
0x4c: {  	_ =	shalt  }
0x4d: {  	_ =	shalt  }
0x4e: {  	_ =	shalt  }
0x4f: {  	_ =	shalt  }
0x50: {  	_ =	shalt  }
0x51: {  	_ =	shalt  }
0x52: {  	_ =	shalt  }
0x53: {  	_ =	shalt  }
0x54: {  	_ =	shalt  }
0x55: {  	_ =	shalt  }
0x56: {  	_ =	shalt  }
0x57: {  	_ =	shalt  }
0x58: {  	_ =	shalt  }
0x59: {  	_ =	shalt  }
0x5a: {  	_ =	shalt  }
0x5b: {  	_ =	shalt  }
0x5c: {  	_ =	shalt  }
0x5d: {  	_ =	shalt  }
0x5e: {  	_ =	shalt  }
0x5f: {  	_ =	shalt  }
0x60: {  	_ =	shalt  }
0x61: {  	_ =	shalt  }
0x62: {  	_ =	shalt  }
0x63: {  	_ =	shalt  }
0x64: {  	_ =	shalt  }
0x65: {  	_ =	shalt  }
0x66: {  	_ =	shalt  }
0x67: {  	_ =	shalt  }
0x68: {  	_ =	shalt  }
0x69: {  	_ =	shalt  }
0x6a: {  	_ =	shalt  }
0x6b: {  	_ =	shalt  }
0x6c: {  	_ =	shalt  }
0x6d: {  	_ =	shalt  }
0x6e: {  	_ =	shalt  }
0x6f: {  	_ =	shalt  }
0x70: {  	_ =	shalt  }
0x71: {  	_ =	shalt  }
0x72: {  	_ =	shalt  }
0x73: {  	_ =	shalt  }
0x74: {  	_ =	shalt  }
0x75: {  	_ =	shalt  }
0x76: {  	_ =	shalt  }
0x77: {  	_ =	shalt  }
0x78: {  	_ =	shalt  }
0x79: {  	_ =	shalt  }
0x7a: {  	_ =	shalt  }
0x7b: {  	_ =	shalt  }
0x7c: {  	_ =	shalt  }
0x7d: {  	_ =	shalt  }
0x7e: {  	_ =	shalt  }
0x7f: {  	_ =	shalt  }
0x80: {  	_ =	shalt  }
0x81: {  	_ =	shalt  }
0x82: {  	_ =	shalt  }
0x83: {  	_ =	shalt  }
0x84: {  	_ =	shalt  }
0x85: {  	_ =	shalt  }
0x86: {  	_ =	shalt  }
0x87: {  	_ =	shalt  }
.Lfunc_end0:
.L_simem_size_0:
called_computation.1_lowered:
.L_overlay_start_0:
0x88: {  	s2 =	sld [smem:$0x3FD9]  }
0x89: {  	s3 =	sld [smem:$0x3FFE];
	_ =	sdelay $0x1  }
0x8a: {  	s1 =	srdreg.scid  }
0x8b: {  	s0 =	sand.u32 $0x1, s1  }
0x8c: {  	s17 =	sshll.u32 s0, $0xA;
	s2 =	sadd.s32 s3, s2  }
0x8d: {  	s2 =	sadd.s32 s2, s17  }
0x8e: {  	[smem:$0x3FC6] =	sst s2  }
0x8f: {  	_ = 	snop  }
0x90: {  	s2 =	sld [smem:$0x3FD0];
	(tm) =	ssettm $0x1  }
0x91: {  	s18 =	sld [smem:$0x3FFB];
	_ =	sdelay $0x3  }
0x92: {  	_ =	strace s18  }
0x93: {  	s3 =	sld [smem:$0x3FFC];
	_ =	sdelay $0x3  }
0x94: {  	_ =	strace s3  }
0x95: {  	s3 =	sld [smem:$0x3FFD];
	_ =	sdelay $0x3  }
0x96: {  	_ =	strace s3  }
0x97: {  	_ =	strace $0x8FFFFFFF  }
0x98: {  	s19 =	sld [smem:$0x3FDB];
	_ =	sdelay $0x1  }
0x99: {  	s4 =	simm.s32 $_scs_section_size  }
0x9a: {  	s5 =	simm.s32 $_size__tile_overlayer_lowered;
	s6 =	simm.s32 $_tile_overlayer_lowered  }
0x9b: {  	s22 =	simm.s32 $0x1BFF;
	s21 =	sshll.u32 s6, $0x1;
	s3 =	sadd.s32 s4, s19  }
0x9c: {  	s7 =	simm.s32 $0x0;
	s20 =	sshll.u32 s5, $0x1;
	s5 =	sadd.s32 s21, s3  }
0x9d: {  	[timem:s7], [sflag:s22] =	dma.local [hbm:s5], s20  }
0x9e: {  	_ =	swait.ge [sflag:s22], s20  }
0x9f: {  	s4 =	ssub.s32 $0x0, s20;
	[sflag:s22] =	ssyncset.done $0x0  }
0xa0: {  	[sflag:s22] =	ssyncadd.s32 s4;
	_ =	sdelay $0x1  }
0xa1: {  	s23 =	simm.s32 $0x1B8B  }
0xa2: {  	_ =	swait.ge [sflag:s23], $0x1  }
0xa3: {  	[sflag:s23] =	ssyncset.done $0x0  }
0xa4: {  	s25 =	simm.s32 $0x1B8E;
	s24 =	sld [smem:$0x3FFE];
	[sflag:s23] =	ssyncadd.s32 $0xFFFFFFFF  }
0xa5: {  	s26 =	simm.s32 $execute0_lowered;
	[smem:$0x3FD2] =	sst s25  }
0xa6: {  	s5 =	sshll.u32 s26, $0x1;
	_ =	strace $0x80000049;
	[dreg:$0x1] =	wrdreg $0xFFFFFFFF  }
0xa7: {  	s28 =	simm.s32 $_size_execute0_lowered;
	s3 =	sadd.s32 s3, s5;
	[dreg:$0x0] =	wrdreg $0x0  }
0xa8: {  	s5 =	sshll.u32 s28, $0x1;
	[dreg:$0x2] =	wrdreg s3  }
0xa9: {  	[dreg:$0x3] =	wrdreg s5  }
0xaa: {  	[dreg:$0x4] =	wrdreg $0xC0  }
0xab: {  	_ =	task [dreg:s7], $0x5FFFF  }
0xac: {  	[dreg:$0x1] =	wrdreg $0xFFFFFFFF  }
0xad: {  	[dreg:$0x0] =	wrdreg $0x60  }
0xae: {  	[dreg:$0x2] =	wrdreg s24  }
0xaf: {  	[dreg:$0x3] =	wrdreg s2  }
0xb0: {  	[dreg:$0x4] =	wrdreg $0x9  }
0xb1: {  	_ =	task.clear_ibuf [dreg:s7], $0x5FFFF;
	_ =	strace $0x90000049  }
0xb2: {  	s29 =	simm.s32 $0x9;
	_ =	strace $0x8000004B  }
0xb3: {  	_ =	swait.ge [sflag:s29], $0x1  }
0xb4: {  	[sflag:s29] =	ssyncadd.s32 $0xFFFFFFFF  }
0xb5: {  	_ =	strace $0x9000004B  }
0xb6: {  	_ =	sfence  }
0xb7: {  	s30 =	sld [smem:$0x0];
	_ =	sdelay $0x2  }
0xb8: {  	s31 =	sshll.u32 s1, $0xD;
	s1 =	sshrl.u32 s1, $0x2  }
0xb9: {  	s3 =	sand.u32 $0x4000, s31;
	s1 =	sadd.s32 s1, s30  }
0xba: {  	s0 =	sor.u32 s3, s0;
	s1 =	sshll.u32 s1, $0x11  }
0xbb: {  	s0 =	sor.u32 s1, s0  }
0xbc: {  	s0 =	sadd.s32 $0x8F2B, s0  }
0xbd: {  	[sflag:s0] =	ssyncadd.remote.s32 $0x1  }
0xbe: {  	_ =	sfence.sel $0xFFFF  }
0xbf: {  	[dreg:$0x0] =	wrdreg $0xFFFFFFFF;
	(pc) =	sbr.abs _section_cstart, $3  }
0xc0: {  	[dreg:$0x1] =	wrdreg $0xFFFFFFFF  }
0xc1: {  	_ =	task.clear_ibuf [dreg:s7], $0x2FFFF;
	_ =	strace $0x9FFFFFFF  }
0xc2: {  	(tm) =	ssettm $0x7FFFFFFF  }
0xc3: {  	_ =	shalt  }
tec
execute0_lowered:
.L_overlay_start_1:
0x0: {  	(tag) =	ssettag $0x1  }
0x1: {  	v0 =	vlaneseq.u32  }
0x2: {  	v1 =	vmul.u32 $0x80, v0;
	v2 =	vor.u32 $0x200, v0  }
0x3: {  	s0 =	rddreg [dreg:$0x0];
	s1 =	srdreg.scid;
	v4 =	vor.u32 $0x400, v0;
	v6 =	vor.u32 $0x600, v0;
	v8 =	vor.u32 $0x800, v0  }
0x4: {  	s3 =	stileid.u32;
	s2 =	rddreg [dreg:$0x1];
	s15 =	simm.s32 $0x80;
	v10 =	vor.u32 $0xA00, v0;
	v12 =	vor.u32 $0xC00, v0;
	v14 =	vor.u32 $0xE00, v0  }
0x5: {  	s18 =	simm.s32 $0x1900;
	s19 =	simm.s32 $0x2900;
	s20 =	simm.s32 $0x1;
	v17 =	vor.u32 $0x10, v0;
	v18 =	vor.u32 $0x210, v0;
	v20 =	vor.u32 $0x410, v0  }
0x6: {  	s21 =	simm.s32 $0x3900;
	s22 =	simm.s32 $0x3D00;
	s23 =	simm.s32 $0x4100;
	v22 =	vor.u32 $0x610, v0;
	v24 =	vor.u32 $0x810, v0;
	v26 =	vor.u32 $0xA10, v0  }
0x7: {  	s24 =	simm.s32 $0x4500;
	s28 =	simm.s32 $0x4900;
	s29 =	simm.s32 $0x4D00;
	v28 =	vor.u32 $0xC10, v0;
	v30 =	vor.u32 $0xE10, v0;
	v3 =	vor.u32 $0x10, v1  }
0x8: {  	s30 =	simm.s32 $0x5100;
	s31 =	simm.s32 $0x5500;
	s1 =	sand.u32 $0x1, s1;
	v5 =	vor.u32 $0x20, v1;
	v7 =	vor.u32 $0x30, v1;
	v9 =	vor.u32 $0x40, v1  }
0x9: {  	s4 =	sshll.u32 s3, $0x1;
	s3 =	simm.s32 $0x0;
	s8 =	sadd.s32 $0x2000, s2;
	v11 =	vor.u32 $0x50, v1;
	v13 =	vor.u32 $0x60, v1;
	v15 =	vor.u32 $0x70, v1  }
0xa: {  	s9 =	sadd.s32 $0x3000, s2;
	s10 =	sadd.s32 $0x4000, s2;
	s11 =	sadd.s32 $0x5000, s2;
	v16 =	vor.u32 $0x800, v1;
	v19 =	vor.u32 $0x810, v1;
	v21 =	vor.u32 $0x820, v1  }
0xb: {  	s12 =	sadd.s32 $0x6000, s2;
	s13 =	sadd.s32 $0x7000, s2;
	s5 =	sor.u32 s1, s4;
	v23 =	vor.u32 $0x830, v1;
	v25 =	vor.u32 $0x840, v1;
	v27 =	vor.u32 $0x850, v1  }
0xc: {  	[smem:$0x7FF] =	sst s3;
	s1 =	ssub.s32 $0x2, s1;
	s4 =	sshll.u32 s5, $0x4;
	v29 =	vor.u32 $0x860, v1;
	v31 =	vor.u32 $0x870, v1;
	v32 =	vor.u32 $0x1000, v1  }
.Ltmp0:
0xd: {  	_ =	strace $0x8000004A;
	s7 =	sshrl.u32 s1, $0x1;
	v33 =	vor.u32 $0x1010, v1;
	v34 =	vor.u32 $0x1020, v1;
	v35 =	vor.u32 $0x1030, v1;
	(pc) =	sbr.rel .LBB2_1-.Ltmp0, $4  }
0xe: {  	v36 =	vor.u32 $0x1040, v1;
	v37 =	vor.u32 $0x1050, v1;
	v38 =	vor.u32 $0x1060, v1;
	s6 =	sadd.s32 s4, s0;
	s4 =	sadd.s32 $0xA00, s0;
	s25 =	ssub.s32 s1, s7  }
0xf: {  	v39 =	vor.u32 $0x1070, v1;
	v40 =	vor.u32 $0x1800, v1;
	v41 =	vor.u32 $0x1810, v1;
	s7 =	sadd.s32 $0x1000, s2;
	s26 =	sadd.s32 $0x3D1400, s6;
	s6 =	sshll.u32 s5, $0x7  }
0x10: {  	v42 =	vor.u32 $0x1820, v1;
	v43 =	vor.u32 $0x1830, v1;
	v44 =	vor.u32 $0x1840, v1;
	s0 =	smax.u32 s25, $0x1;
	s25 =	simm.s32 $0x2;
	[dreg:$0x3] =	wrdreg s26  }
0x11: {  	v45 =	vor.u32 $0x1850, v1;
	v46 =	vor.u32 $0x1860, v1;
	v47 =	vor.u32 $0x1870, v1;
	[dreg:$0x4] =	wrdreg s0;
	s26 =	simm.s32 $0x4;
	s0 =	simm.s32 $0x0  }
.LBB2_12:
0x12: {  	s1 =	simm.s32 $0x3  }
0x13: {  	_ =	swait.ge [sflag:s1], $0x1000  }
0x14: {  	[sflag:s1] =	ssyncset.done $0x0  }
0x15: {  	[sflag:s1] =	ssyncadd.s32 $0xFFFFF000  }
0x16: {  	_ =	swait.ge [sflag:s26], $0x1000  }
0x17: {  	s0 =	sadd.s32 $0x1, s0;
	s17 =	rddreg [dreg:$0x4]  }
0x18: {  	p0 =	sne.s32 s0, s17  }
.Ltmp1:
0x19: {  	_ = 	snop;
	(pc) =	sbr.rel @!p0 .LBB2_13-.Ltmp1, $3  }
0x1a: {  	_ =	sdelay $0x1  }
0x1b: {  	[sflag:s26] =	ssyncset.done $0x0  }
0x1c: {  	[sflag:s26] =	ssyncadd.s32 $0xFFFFF000  }
.LBB2_1:
0x1d: {  	s1 =	rddreg [dreg:$0x3];
	s5 =	simm.s32 $0x1000;
	s17 =	simm.s32 $0x5  }
0x1e: {  	[tilespmem:s3], [sflag:$0x5] =	stream.strided.gather [hbm4b:s1+s15], $0x1900, s5, s15, $0x38;
	[tilespmem:$0x5900] =	vst v63  }
0x1f: {  	_ =	swait.ge [sflag:s17], $0x1900  }
0x20: {  	[sflag:s17] =	ssyncset.done $0x0  }
0x21: {  	[sflag:s17] =	ssyncadd.s32 $0xFFFFE700  }
0x22: {  	[tilespmem:s18], [sflag:$0x1] =	stream.indirect.gather [hbm4b:s4+s15], $0x20, s3, s15, $0xb8;
	[tilespmem:$0x5900] =	vst v63  }
0x23: {  	s16 =	simm.s32 $0x0  }
0x24: {  	[tilespmem:s19], [sflag:$0x2] =	stream.indirect.gather [hbm4b:s4+s15], $0x20, s15, s15, $0xb8;
	[tilespmem:$0x5900] =	vst v63  }
.LBB2_2:
0x25: {  	s5 =	simm.s32 $0x0  }
0x26: {  	v48 =	vadd.s32 s5, v0  }
0x27: {  	v49 =	vand.u32 $0xF, v48  }
0x28: {  	_ =	swait.ge [sflag:s20], $0x1000;
	v50 =	vshll.u32 v49, $0x5  }
0x29: {  	p0 =	seq.s32 s16, $0x0;
	[sflag:s20] =	ssyncset.done $0x0;
	v51 =	vor.u32 v0, v50  }
0x2a: {  	s5 =	simm.s32 @!p0 $0x3;
	[sflag:s20] =	ssyncadd.s32 $0xFFFFF000  }
0x2b: {  	_ =	swait.ge @!p0 [sflag:s5], $0x1000  }
0x2c: {  	v52 =	vor.u32 v1, v49;
	[sflag:s5] =	ssyncset.done @!p0 $0x0  }
0x2d: {  	v53 =	vand.u32 $0x7, v48;
	v52 =	vand.u32 $0x788, v52;
	[sflag:s5] =	ssyncadd.s32 @!p0 $0xFFFFF000  }
0x2e: {  	v52 =	vor.u32 v53, v52;
	v51 =	vld.idx.msk [tilespmem:v51+s18+$0x0], $0xffff  }
0x2f: {  	v54 =	vor.u32 v2, v50;
	_ =	sdelay $0x3  }
0x30: {  	[tilespmem:v52+s21+$0x0] =	vst.idx.msk $0xffff, v51  }
0x31: {  	v59 =	vor.u32 v3, v48;
	v51 =	vld.idx.msk [tilespmem:v54+s18+$0x0], $0xffff  }
0x32: {  	v60 =	vor.u32 v4, v50;
	_ =	sdelay $0x2  }
0x33: {  	v55 =	vor.u32 v5, v49  }
0x34: {  	v61 =	vand.u32 $0x7A8, v55;
	[tilespmem:v59+s21+$0x0] =	vst.idx.msk $0xffff, v51  }
0x35: {  	v51 =	vor.u32 v53, v61;
	v52 =	vld.idx.msk [tilespmem:v60+s18+$0x0], $0xffff  }
0x36: {  	v62 =	vor.u32 v6, v50;
	_ =	sdelay $0x3  }
0x37: {  	[tilespmem:v51+s21+$0x0] =	vst.idx.msk $0xffff, v52  }
0x38: {  	v63 =	vor.u32 v7, v48;
	v51 =	vld.idx.msk [tilespmem:v62+s18+$0x0], $0xffff  }
0x39: {  	v57 =	vor.u32 v8, v50;
	_ =	sdelay $0x2  }
0x3a: {  	v58 =	vor.u32 v9, v49  }
0x3b: {  	v59 =	vand.u32 $0x7C8, v58;
	[tilespmem:v63+s21+$0x0] =	vst.idx.msk $0xffff, v51  }
0x3c: {  	v51 =	vor.u32 v53, v59;
	v52 =	vld.idx.msk [tilespmem:v57+s18+$0x0], $0xffff  }
0x3d: {  	v60 =	vor.u32 v10, v50;
	_ =	sdelay $0x3  }
0x3e: {  	[tilespmem:v51+s21+$0x0] =	vst.idx.msk $0xffff, v52  }
0x3f: {  	v61 =	vor.u32 v11, v48;
	v51 =	vld.idx.msk [tilespmem:v60+s18+$0x0], $0xffff  }
0x40: {  	v62 =	vor.u32 v12, v50;
	_ =	sdelay $0x2  }
0x41: {  	v63 =	vor.u32 v13, v49  }
0x42: {  	v56 =	vand.u32 $0x7E8, v63;
	[tilespmem:v61+s21+$0x0] =	vst.idx.msk $0xffff, v51  }
0x43: {  	v51 =	vor.u32 v53, v56;
	v52 =	vld.idx.msk [tilespmem:v62+s18+$0x0], $0xffff  }
0x44: {  	v57 =	vor.u32 v14, v50;
	_ =	sdelay $0x3  }
0x45: {  	[tilespmem:v51+s21+$0x0] =	vst.idx.msk $0xffff, v52  }
0x46: {  	v58 =	vor.u32 v15, v48;
	v51 =	vld.idx.msk [tilespmem:v57+s18+$0x0], $0xffff  }
0x47: {  	v59 =	vor.u32 v17, v50;
	_ =	sdelay $0x2  }
0x48: {  	v60 =	vor.u32 v16, v49  }
0x49: {  	v61 =	vand.u32 $0xF88, v60;
	[tilespmem:v58+s21+$0x0] =	vst.idx.msk $0xffff, v51  }
0x4a: {  	v51 =	vor.u32 v53, v61;
	v52 =	vld.idx.msk [tilespmem:v59+s18+$0x0], $0xffff  }
0x4b: {  	v62 =	vor.u32 v18, v50;
	_ =	sdelay $0x3  }
0x4c: {  	[tilespmem:v51+s21+$0x0] =	vst.idx.msk $0xffff, v52  }
0x4d: {  	v63 =	vor.u32 v19, v48;
	v51 =	vld.idx.msk [tilespmem:v62+s18+$0x0], $0xffff  }
0x4e: {  	v57 =	vor.u32 v20, v50;
	_ =	sdelay $0x2  }
0x4f: {  	v58 =	vor.u32 v21, v49  }
0x50: {  	v59 =	vand.u32 $0xFA8, v58;
	[tilespmem:v63+s21+$0x0] =	vst.idx.msk $0xffff, v51  }
0x51: {  	v51 =	vor.u32 v53, v59;
	v52 =	vld.idx.msk [tilespmem:v57+s18+$0x0], $0xffff  }
0x52: {  	v60 =	vor.u32 v22, v50;
	_ =	sdelay $0x3  }
0x53: {  	[tilespmem:v51+s21+$0x0] =	vst.idx.msk $0xffff, v52  }
0x54: {  	v61 =	vor.u32 v23, v48;
	v51 =	vld.idx.msk [tilespmem:v60+s18+$0x0], $0xffff  }
0x55: {  	v62 =	vor.u32 v24, v50;
	_ =	sdelay $0x2  }
0x56: {  	v63 =	vor.u32 v25, v49  }
0x57: {  	v57 =	vand.u32 $0xFC8, v63;
	[tilespmem:v61+s21+$0x0] =	vst.idx.msk $0xffff, v51  }
0x58: {  	v51 =	vor.u32 v53, v57;
	v52 =	vld.idx.msk [tilespmem:v62+s18+$0x0], $0xffff  }
0x59: {  	v58 =	vor.u32 v26, v50;
	_ =	sdelay $0x3  }
0x5a: {  	[tilespmem:v51+s21+$0x0] =	vst.idx.msk $0xffff, v52  }
0x5b: {  	v59 =	vor.u32 v27, v48;
	v51 =	vld.idx.msk [tilespmem:v58+s18+$0x0], $0xffff  }
0x5c: {  	v60 =	vor.u32 v28, v50;
	_ =	sdelay $0x2  }
0x5d: {  	v49 =	vor.u32 v29, v49  }
0x5e: {  	v49 =	vand.u32 $0xFE8, v49;
	[tilespmem:v59+s21+$0x0] =	vst.idx.msk $0xffff, v51  }
0x5f: {  	v49 =	vor.u32 v53, v49;
	v51 =	vld.idx.msk [tilespmem:v60+s18+$0x0], $0xffff  }
0x60: {  	v50 =	vor.u32 v30, v50;
	_ =	sdelay $0x1  }
0x61: {  	s17 =	simm.s32 $0x1  }
0x62: {  	v61 =	vadd.s32 s17, v0  }
0x63: {  	[tilespmem:v49+s21+$0x0] =	vst.idx.msk $0xffff, v51;
	v51 =	vand.u32 $0xF, v61  }
0x64: {  	v48 =	vor.u32 v31, v48;
	v49 =	vld.idx.msk [tilespmem:v50+s18+$0x0], $0xffff;
	v50 =	vshll.u32 v51, $0x5  }
0x65: {  	v62 =	vor.u32 v0, v50;
	_ =	sdelay $0x2  }
0x66: {  	v63 =	vor.u32 v1, v51  }
0x67: {  	v57 =	vand.u32 $0x788, v63;
	[tilespmem:v48+s21+$0x0] =	vst.idx.msk $0xffff, v49;
	v49 =	vand.u32 $0x7, v61  }
0x68: {  	v58 =	vld.idx.msk [tilespmem:v62+s18+$0x0], $0xffff;
	v48 =	vor.u32 v49, v57  }
0x69: {  	v59 =	vor.u32 v2, v50;
	_ =	sdelay $0x2  }
0x6a: {  	v60 =	vor.u32 v3, v51  }
0x6b: {  	v61 =	vand.u32 $0x798, v60;
	[tilespmem:v48+s21+$0x0] =	vst.idx.msk $0xffff, v58  }
0x6c: {  	v48 =	vor.u32 v49, v61;
	v52 =	vld.idx.msk [tilespmem:v59+s18+$0x0], $0xffff  }
0x6d: {  	v62 =	vor.u32 v4, v50;
	_ =	sdelay $0x2  }
0x6e: {  	v63 =	vor.u32 v5, v51  }
0x6f: {  	v56 =	vand.u32 $0x7A8, v63;
	[tilespmem:v48+s21+$0x0] =	vst.idx.msk $0xffff, v52  }
0x70: {  	v48 =	vor.u32 v49, v56;
	v52 =	vld.idx.msk [tilespmem:v62+s18+$0x0], $0xffff  }
0x71: {  	v57 =	vor.u32 v6, v50;
	_ =	sdelay $0x2  }
0x72: {  	v58 =	vor.u32 v7, v51  }
0x73: {  	v59 =	vand.u32 $0x7B8, v58;
	[tilespmem:v48+s21+$0x0] =	vst.idx.msk $0xffff, v52  }
0x74: {  	v48 =	vor.u32 v49, v59;
	v52 =	vld.idx.msk [tilespmem:v57+s18+$0x0], $0xffff  }
0x75: {  	v60 =	vor.u32 v8, v50;
	_ =	sdelay $0x2  }
0x76: {  	v61 =	vor.u32 v9, v51  }
0x77: {  	v62 =	vand.u32 $0x7C8, v61;
	[tilespmem:v48+s21+$0x0] =	vst.idx.msk $0xffff, v52  }
0x78: {  	v48 =	vor.u32 v49, v62;
	v52 =	vld.idx.msk [tilespmem:v60+s18+$0x0], $0xffff  }
0x79: {  	v63 =	vor.u32 v10, v50;
	_ =	sdelay $0x2  }
0x7a: {  	v57 =	vor.u32 v11, v51  }
0x7b: {  	v58 =	vand.u32 $0x7D8, v57;
	[tilespmem:v48+s21+$0x0] =	vst.idx.msk $0xffff, v52  }
0x7c: {  	v48 =	vor.u32 v49, v58;
	v52 =	vld.idx.msk [tilespmem:v63+s18+$0x0], $0xffff  }
0x7d: {  	v59 =	vor.u32 v12, v50;
	_ =	sdelay $0x2  }
0x7e: {  	v60 =	vor.u32 v13, v51  }
0x7f: {  	v61 =	vand.u32 $0x7E8, v60;
	[tilespmem:v48+s21+$0x0] =	vst.idx.msk $0xffff, v52  }
0x80: {  	v48 =	vor.u32 v49, v61;
	v52 =	vld.idx.msk [tilespmem:v59+s18+$0x0], $0xffff  }
0x81: {  	v62 =	vor.u32 v14, v50;
	_ =	sdelay $0x2  }
0x82: {  	v63 =	vor.u32 v15, v51  }
0x83: {  	v56 =	vand.u32 $0x7F8, v63;
	[tilespmem:v48+s21+$0x0] =	vst.idx.msk $0xffff, v52  }
0x84: {  	v48 =	vor.u32 v49, v56;
	v52 =	vld.idx.msk [tilespmem:v62+s18+$0x0], $0xffff  }
0x85: {  	v57 =	vor.u32 v17, v50;
	_ =	sdelay $0x2  }
0x86: {  	v58 =	vor.u32 v16, v51  }
0x87: {  	v59 =	vand.u32 $0xF88, v58;
	[tilespmem:v48+s21+$0x0] =	vst.idx.msk $0xffff, v52  }
0x88: {  	v48 =	vor.u32 v49, v59;
	v52 =	vld.idx.msk [tilespmem:v57+s18+$0x0], $0xffff  }
0x89: {  	v60 =	vor.u32 v18, v50;
	_ =	sdelay $0x2  }
0x8a: {  	v61 =	vor.u32 v19, v51  }
0x8b: {  	v62 =	vand.u32 $0xF98, v61;
	[tilespmem:v48+s21+$0x0] =	vst.idx.msk $0xffff, v52  }
0x8c: {  	v48 =	vor.u32 v49, v62;
	v52 =	vld.idx.msk [tilespmem:v60+s18+$0x0], $0xffff  }
0x8d: {  	v63 =	vor.u32 v20, v50;
	_ =	sdelay $0x2  }
0x8e: {  	v57 =	vor.u32 v21, v51  }
0x8f: {  	v58 =	vand.u32 $0xFA8, v57;
	[tilespmem:v48+s21+$0x0] =	vst.idx.msk $0xffff, v52  }
0x90: {  	v48 =	vor.u32 v49, v58;
	v52 =	vld.idx.msk [tilespmem:v63+s18+$0x0], $0xffff  }
0x91: {  	v59 =	vor.u32 v22, v50;
	_ =	sdelay $0x2  }
0x92: {  	v60 =	vor.u32 v23, v51  }
0x93: {  	v61 =	vand.u32 $0xFB8, v60;
	[tilespmem:v48+s21+$0x0] =	vst.idx.msk $0xffff, v52  }
0x94: {  	v48 =	vor.u32 v49, v61;
	v52 =	vld.idx.msk [tilespmem:v59+s18+$0x0], $0xffff  }
0x95: {  	v62 =	vor.u32 v24, v50;
	_ =	sdelay $0x2  }
0x96: {  	v63 =	vor.u32 v25, v51  }
0x97: {  	v57 =	vand.u32 $0xFC8, v63;
	[tilespmem:v48+s21+$0x0] =	vst.idx.msk $0xffff, v52  }
0x98: {  	v48 =	vor.u32 v49, v57;
	v52 =	vld.idx.msk [tilespmem:v62+s18+$0x0], $0xffff  }
0x99: {  	v58 =	vor.u32 v26, v50;
	_ =	sdelay $0x2  }
0x9a: {  	v59 =	vor.u32 v27, v51  }
0x9b: {  	v60 =	vand.u32 $0xFD8, v59;
	[tilespmem:v48+s21+$0x0] =	vst.idx.msk $0xffff, v52  }
0x9c: {  	v48 =	vor.u32 v49, v60;
	v52 =	vld.idx.msk [tilespmem:v58+s18+$0x0], $0xffff  }
0x9d: {  	v61 =	vor.u32 v28, v50;
	_ =	sdelay $0x2  }
0x9e: {  	v62 =	vor.u32 v29, v51  }
0x9f: {  	v63 =	vand.u32 $0xFE8, v62;
	[tilespmem:v48+s21+$0x0] =	vst.idx.msk $0xffff, v52  }
0xa0: {  	v54 =	vor.u32 v49, v63;
	v53 =	vld.idx.msk [tilespmem:v61+s18+$0x0], $0xffff  }
0xa1: {  	v52 =	vor.u32 v30, v50;
	_ =	sdelay $0x2  }
0xa2: {  	s14 =	simm.s32 $0x2  }
0xa3: {  	s5 =	sshll.u32 s16, $0xF;
	s17 =	simm.s32 $0x4;
	v48 =	vadd.s32 s14, v0;
	v50 =	vor.u32 v31, v51;
	[tilespmem:v54+s21+$0x0] =	vst.idx.msk $0xffff, v53  }
.LBB2_3:
0xa4: {  	p1 =	sne.s32 s17, $0xE;
	v51 =	vand.u32 $0xF, v48;
	v52 =	vld.idx.msk [tilespmem:v52+s18+$0x0], $0xffff;
	v53 =	vand.u32 $0xFF8, v50  }
0xa5: {  	v50 =	vshll.u32 v51, $0x5;
	v49 =	vor.u32 v49, v53  }
0xa6: {  	v53 =	vor.u32 v0, v50;
	_ =	sdelay $0x3  }
0xa7: {  	v54 =	vor.u32 v1, v51;
	[tilespmem:v49+s21+$0x0] =	vst.idx.msk $0xffff, v52  }
0xa8: {  	v49 =	vand.u32 $0x7, v48;
	v52 =	vld.idx.msk [tilespmem:v53+s18+$0x0], $0xffff;
	v53 =	vand.u32 $0x788, v54  }
0xa9: {  	v53 =	vor.u32 v49, v53  }
0xaa: {  	v54 =	vor.u32 v2, v50;
	_ =	sdelay $0x3  }
0xab: {  	[tilespmem:v53+s21+$0x0] =	vst.idx.msk $0xffff, v52  }
0xac: {  	v52 =	vld.idx.msk [tilespmem:v54+s18+$0x0], $0xffff  }
0xad: {  	v53 =	vor.u32 v3, v48  }
0xae: {  	v54 =	vor.u32 v4, v50;
	_ =	sdelay $0x3  }
0xaf: {  	[tilespmem:v53+s21+$0x0] =	vst.idx.msk $0xffff, v52;
	v52 =	vor.u32 v5, v51  }
0xb0: {  	v53 =	vld.idx.msk [tilespmem:v54+s18+$0x0], $0xffff;
	v52 =	vand.u32 $0x7A8, v52  }
0xb1: {  	v52 =	vor.u32 v49, v52  }
0xb2: {  	v54 =	vor.u32 v6, v50;
	_ =	sdelay $0x3  }
0xb3: {  	[tilespmem:v52+s21+$0x0] =	vst.idx.msk $0xffff, v53  }
0xb4: {  	v52 =	vld.idx.msk [tilespmem:v54+s18+$0x0], $0xffff  }
0xb5: {  	v53 =	vor.u32 v7, v48  }
0xb6: {  	v54 =	vor.u32 v8, v50;
	_ =	sdelay $0x3  }
0xb7: {  	[tilespmem:v53+s21+$0x0] =	vst.idx.msk $0xffff, v52;
	v52 =	vor.u32 v9, v51  }
0xb8: {  	v53 =	vld.idx.msk [tilespmem:v54+s18+$0x0], $0xffff;
	v52 =	vand.u32 $0x7C8, v52  }
0xb9: {  	v52 =	vor.u32 v49, v52  }
0xba: {  	v54 =	vor.u32 v10, v50;
	_ =	sdelay $0x3  }
0xbb: {  	[tilespmem:v52+s21+$0x0] =	vst.idx.msk $0xffff, v53  }
0xbc: {  	v52 =	vld.idx.msk [tilespmem:v54+s18+$0x0], $0xffff  }
0xbd: {  	v53 =	vor.u32 v11, v48  }
0xbe: {  	v54 =	vor.u32 v12, v50;
	_ =	sdelay $0x3  }
0xbf: {  	[tilespmem:v53+s21+$0x0] =	vst.idx.msk $0xffff, v52;
	v52 =	vor.u32 v13, v51  }
0xc0: {  	v53 =	vld.idx.msk [tilespmem:v54+s18+$0x0], $0xffff;
	v52 =	vand.u32 $0x7E8, v52  }
0xc1: {  	v52 =	vor.u32 v49, v52  }
0xc2: {  	v54 =	vor.u32 v14, v50;
	_ =	sdelay $0x3  }
0xc3: {  	[tilespmem:v52+s21+$0x0] =	vst.idx.msk $0xffff, v53  }
0xc4: {  	v52 =	vld.idx.msk [tilespmem:v54+s18+$0x0], $0xffff  }
0xc5: {  	v53 =	vor.u32 v15, v48  }
0xc6: {  	v54 =	vor.u32 v17, v50;
	_ =	sdelay $0x3  }
0xc7: {  	[tilespmem:v53+s21+$0x0] =	vst.idx.msk $0xffff, v52;
	v52 =	vor.u32 v16, v51  }
0xc8: {  	v53 =	vld.idx.msk [tilespmem:v54+s18+$0x0], $0xffff;
	v52 =	vand.u32 $0xF88, v52  }
0xc9: {  	v52 =	vor.u32 v49, v52  }
0xca: {  	v54 =	vor.u32 v18, v50;
	_ =	sdelay $0x3  }
0xcb: {  	[tilespmem:v52+s21+$0x0] =	vst.idx.msk $0xffff, v53  }
0xcc: {  	v52 =	vld.idx.msk [tilespmem:v54+s18+$0x0], $0xffff  }
0xcd: {  	v53 =	vor.u32 v19, v48  }
0xce: {  	v54 =	vor.u32 v20, v50;
	_ =	sdelay $0x3  }
0xcf: {  	[tilespmem:v53+s21+$0x0] =	vst.idx.msk $0xffff, v52;
	v52 =	vor.u32 v21, v51  }
0xd0: {  	v53 =	vld.idx.msk [tilespmem:v54+s18+$0x0], $0xffff;
	v52 =	vand.u32 $0xFA8, v52  }
0xd1: {  	v52 =	vor.u32 v49, v52  }
0xd2: {  	v54 =	vor.u32 v22, v50;
	_ =	sdelay $0x3  }
0xd3: {  	[tilespmem:v52+s21+$0x0] =	vst.idx.msk $0xffff, v53  }
0xd4: {  	v52 =	vld.idx.msk [tilespmem:v54+s18+$0x0], $0xffff  }
0xd5: {  	v53 =	vor.u32 v23, v48  }
0xd6: {  	v54 =	vor.u32 v24, v50;
	_ =	sdelay $0x3  }
0xd7: {  	[tilespmem:v53+s21+$0x0] =	vst.idx.msk $0xffff, v52;
	v52 =	vor.u32 v25, v51  }
0xd8: {  	v53 =	vld.idx.msk [tilespmem:v54+s18+$0x0], $0xffff;
	v52 =	vand.u32 $0xFC8, v52  }
0xd9: {  	v52 =	vor.u32 v49, v52  }
0xda: {  	v54 =	vor.u32 v26, v50;
	_ =	sdelay $0x3  }
0xdb: {  	[tilespmem:v52+s21+$0x0] =	vst.idx.msk $0xffff, v53  }
0xdc: {  	v52 =	vld.idx.msk [tilespmem:v54+s18+$0x0], $0xffff  }
0xdd: {  	v53 =	vor.u32 v27, v48  }
0xde: {  	v54 =	vor.u32 v28, v50;
	_ =	sdelay $0x3  }
0xdf: {  	v51 =	vor.u32 v29, v51;
	[tilespmem:v53+s21+$0x0] =	vst.idx.msk $0xffff, v52  }
0xe0: {  	v51 =	vand.u32 $0xFE8, v51;
	v52 =	vld.idx.msk [tilespmem:v54+s18+$0x0], $0xffff  }
0xe1: {  	v49 =	vor.u32 v49, v51  }
0xe2: {  	v50 =	vor.u32 v30, v50;
	_ =	sdelay $0x2  }
0xe3: {  	s1 =	sadd.s32 $0x1, s14;
	s14 =	smov.u32 s17  }
0xe4: {  	[tilespmem:v49+s21+$0x0] =	vst.idx.msk $0xffff, v52;
	v49 =	vadd.s32 s1, v0  }
0xe5: {  	v51 =	vld.idx.msk [tilespmem:v50+s18+$0x0], $0xffff;
	v50 =	vand.u32 $0xF, v49  }
0xe6: {  	v52 =	vor.u32 v31, v48;
	v48 =	vshll.u32 v50, $0x5  }
0xe7: {  	v53 =	vor.u32 v0, v48;
	_ =	sdelay $0x3  }
0xe8: {  	[tilespmem:v52+s21+$0x0] =	vst.idx.msk $0xffff, v51;
	v51 =	vor.u32 v1, v50  }
0xe9: {  	v49 =	vand.u32 $0x7, v49;
	v52 =	vld.idx.msk [tilespmem:v53+s18+$0x0], $0xffff;
	v51 =	vand.u32 $0x788, v51  }
0xea: {  	v51 =	vor.u32 v49, v51  }
0xeb: {  	v53 =	vor.u32 v2, v48;
	_ =	sdelay $0x3  }
0xec: {  	[tilespmem:v51+s21+$0x0] =	vst.idx.msk $0xffff, v52;
	v51 =	vor.u32 v3, v50  }
0xed: {  	v52 =	vld.idx.msk [tilespmem:v53+s18+$0x0], $0xffff;
	v51 =	vand.u32 $0x798, v51  }
0xee: {  	v51 =	vor.u32 v49, v51  }
0xef: {  	v53 =	vor.u32 v4, v48;
	_ =	sdelay $0x3  }
0xf0: {  	[tilespmem:v51+s21+$0x0] =	vst.idx.msk $0xffff, v52;
	v51 =	vor.u32 v5, v50  }
0xf1: {  	v52 =	vld.idx.msk [tilespmem:v53+s18+$0x0], $0xffff;
	v51 =	vand.u32 $0x7A8, v51  }
0xf2: {  	v51 =	vor.u32 v49, v51  }
0xf3: {  	v53 =	vor.u32 v6, v48;
	_ =	sdelay $0x3  }
0xf4: {  	[tilespmem:v51+s21+$0x0] =	vst.idx.msk $0xffff, v52;
	v51 =	vor.u32 v7, v50  }
0xf5: {  	v52 =	vld.idx.msk [tilespmem:v53+s18+$0x0], $0xffff;
	v51 =	vand.u32 $0x7B8, v51  }
0xf6: {  	v51 =	vor.u32 v49, v51  }
0xf7: {  	v53 =	vor.u32 v8, v48;
	_ =	sdelay $0x3  }
0xf8: {  	[tilespmem:v51+s21+$0x0] =	vst.idx.msk $0xffff, v52;
	v51 =	vor.u32 v9, v50  }
0xf9: {  	v52 =	vld.idx.msk [tilespmem:v53+s18+$0x0], $0xffff;
	v51 =	vand.u32 $0x7C8, v51  }
0xfa: {  	v51 =	vor.u32 v49, v51  }
0xfb: {  	v53 =	vor.u32 v10, v48;
	_ =	sdelay $0x3  }
0xfc: {  	[tilespmem:v51+s21+$0x0] =	vst.idx.msk $0xffff, v52;
	v51 =	vor.u32 v11, v50  }
0xfd: {  	v52 =	vld.idx.msk [tilespmem:v53+s18+$0x0], $0xffff;
	v51 =	vand.u32 $0x7D8, v51  }
0xfe: {  	v51 =	vor.u32 v49, v51  }
0xff: {  	v53 =	vor.u32 v12, v48;
	_ =	sdelay $0x3  }
0x100: {  	[tilespmem:v51+s21+$0x0] =	vst.idx.msk $0xffff, v52;
	v51 =	vor.u32 v13, v50  }
0x101: {  	v52 =	vld.idx.msk [tilespmem:v53+s18+$0x0], $0xffff;
	v51 =	vand.u32 $0x7E8, v51  }
0x102: {  	v51 =	vor.u32 v49, v51  }
0x103: {  	v53 =	vor.u32 v14, v48;
	_ =	sdelay $0x3  }
0x104: {  	[tilespmem:v51+s21+$0x0] =	vst.idx.msk $0xffff, v52;
	v51 =	vor.u32 v15, v50  }
0x105: {  	v52 =	vld.idx.msk [tilespmem:v53+s18+$0x0], $0xffff;
	v51 =	vand.u32 $0x7F8, v51  }
0x106: {  	v51 =	vor.u32 v49, v51  }
0x107: {  	v53 =	vor.u32 v17, v48;
	_ =	sdelay $0x3  }
0x108: {  	[tilespmem:v51+s21+$0x0] =	vst.idx.msk $0xffff, v52;
	v51 =	vor.u32 v16, v50  }
0x109: {  	v52 =	vld.idx.msk [tilespmem:v53+s18+$0x0], $0xffff;
	v51 =	vand.u32 $0xF88, v51  }
0x10a: {  	v51 =	vor.u32 v49, v51  }
0x10b: {  	v53 =	vor.u32 v18, v48;
	_ =	sdelay $0x3  }
0x10c: {  	[tilespmem:v51+s21+$0x0] =	vst.idx.msk $0xffff, v52;
	v51 =	vor.u32 v19, v50  }
0x10d: {  	v52 =	vld.idx.msk [tilespmem:v53+s18+$0x0], $0xffff;
	v51 =	vand.u32 $0xF98, v51  }
0x10e: {  	v51 =	vor.u32 v49, v51  }
0x10f: {  	v53 =	vor.u32 v20, v48;
	_ =	sdelay $0x3  }
0x110: {  	[tilespmem:v51+s21+$0x0] =	vst.idx.msk $0xffff, v52;
	v51 =	vor.u32 v21, v50  }
0x111: {  	v52 =	vld.idx.msk [tilespmem:v53+s18+$0x0], $0xffff;
	v51 =	vand.u32 $0xFA8, v51  }
0x112: {  	v51 =	vor.u32 v49, v51  }
0x113: {  	v53 =	vor.u32 v22, v48;
	_ =	sdelay $0x3  }
0x114: {  	[tilespmem:v51+s21+$0x0] =	vst.idx.msk $0xffff, v52;
	v51 =	vor.u32 v23, v50  }
0x115: {  	v52 =	vld.idx.msk [tilespmem:v53+s18+$0x0], $0xffff;
	v51 =	vand.u32 $0xFB8, v51  }
0x116: {  	v51 =	vor.u32 v49, v51  }
0x117: {  	v53 =	vor.u32 v24, v48;
	_ =	sdelay $0x3  }
0x118: {  	[tilespmem:v51+s21+$0x0] =	vst.idx.msk $0xffff, v52;
	v51 =	vor.u32 v25, v50  }
0x119: {  	v52 =	vld.idx.msk [tilespmem:v53+s18+$0x0], $0xffff;
	v51 =	vand.u32 $0xFC8, v51  }
0x11a: {  	v51 =	vor.u32 v49, v51  }
0x11b: {  	v53 =	vor.u32 v26, v48;
	_ =	sdelay $0x3  }
0x11c: {  	[tilespmem:v51+s21+$0x0] =	vst.idx.msk $0xffff, v52;
	v51 =	vor.u32 v27, v50  }
0x11d: {  	v52 =	vld.idx.msk [tilespmem:v53+s18+$0x0], $0xffff;
	v51 =	vand.u32 $0xFD8, v51  }
0x11e: {  	v51 =	vor.u32 v49, v51  }
0x11f: {  	v53 =	vor.u32 v28, v48;
	_ =	sdelay $0x3  }
0x120: {  	[tilespmem:v51+s21+$0x0] =	vst.idx.msk $0xffff, v52;
	v51 =	vor.u32 v29, v50  }
0x121: {  	v53 =	vld.idx.msk [tilespmem:v53+s18+$0x0], $0xffff;
	v51 =	vand.u32 $0xFE8, v51  }
0x122: {  	v51 =	vor.u32 v49, v51  }
.Ltmp2:
0x123: {  	v52 =	vor.u32 v30, v48;
	(pc) =	sbr.rel @p1 .LBB2_3-.Ltmp2, $2  }
0x124: {  	_ =	sdelay $0x2  }
0x125: {  	s17 =	sadd.s32 $0x2, s17;
	v48 =	vadd.s32 s14, v0;
	v50 =	vor.u32 v31, v50;
	[tilespmem:v51+s21+$0x0] =	vst.idx.msk $0xffff, v53  }
0x126: {  	_ =	sdelay $0x2  }
0x127: {  	v51 =	vand.u32 $0xF, v48;
	v50 =	vand.u32 $0xFF8, v50  }
0x128: {  	v52 =	vld.idx.msk [tilespmem:v52+s18+$0x0], $0xffff;
	v53 =	vshll.u32 v51, $0x5;
	v49 =	vor.u32 v49, v50  }
0x129: {  	v59 =	vor.u32 v0, v53;
	_ =	sdelay $0x2  }
0x12a: {  	v54 =	vor.u32 v1, v51  }
0x12b: {  	v60 =	vand.u32 $0x788, v54;
	[tilespmem:v49+s21+$0x0] =	vst.idx.msk $0xffff, v52;
	v52 =	vand.u32 $0x7, v48  }
0x12c: {  	v50 =	vld.idx.msk [tilespmem:v59+s18+$0x0], $0xffff;
	v49 =	vor.u32 v52, v60  }
0x12d: {  	v61 =	vor.u32 v2, v53;
	_ =	sdelay $0x3  }
0x12e: {  	[tilespmem:v49+s21+$0x0] =	vst.idx.msk $0xffff, v50  }
0x12f: {  	v62 =	vor.u32 v3, v48;
	v49 =	vld.idx.msk [tilespmem:v61+s18+$0x0], $0xffff  }
0x130: {  	v63 =	vor.u32 v4, v53;
	_ =	sdelay $0x2  }
0x131: {  	v55 =	vor.u32 v5, v51  }
0x132: {  	v56 =	vand.u32 $0x7A8, v55;
	[tilespmem:v62+s21+$0x0] =	vst.idx.msk $0xffff, v49  }
0x133: {  	v49 =	vor.u32 v52, v56;
	v50 =	vld.idx.msk [tilespmem:v63+s18+$0x0], $0xffff  }
0x134: {  	v57 =	vor.u32 v6, v53;
	_ =	sdelay $0x3  }
0x135: {  	[tilespmem:v49+s21+$0x0] =	vst.idx.msk $0xffff, v50  }
0x136: {  	v58 =	vor.u32 v7, v48;
	v49 =	vld.idx.msk [tilespmem:v57+s18+$0x0], $0xffff  }
0x137: {  	v59 =	vor.u32 v8, v53;
	_ =	sdelay $0x2  }
0x138: {  	v60 =	vor.u32 v9, v51  }
0x139: {  	v61 =	vand.u32 $0x7C8, v60;
	[tilespmem:v58+s21+$0x0] =	vst.idx.msk $0xffff, v49  }
0x13a: {  	v49 =	vor.u32 v52, v61;
	v50 =	vld.idx.msk [tilespmem:v59+s18+$0x0], $0xffff  }
0x13b: {  	v62 =	vor.u32 v10, v53;
	_ =	sdelay $0x3  }
0x13c: {  	[tilespmem:v49+s21+$0x0] =	vst.idx.msk $0xffff, v50  }
0x13d: {  	v63 =	vor.u32 v11, v48;
	v49 =	vld.idx.msk [tilespmem:v62+s18+$0x0], $0xffff  }
0x13e: {  	v57 =	vor.u32 v12, v53;
	_ =	sdelay $0x2  }
0x13f: {  	v58 =	vor.u32 v13, v51  }
0x140: {  	v59 =	vand.u32 $0x7E8, v58;
	[tilespmem:v63+s21+$0x0] =	vst.idx.msk $0xffff, v49  }
0x141: {  	v49 =	vor.u32 v52, v59;
	v50 =	vld.idx.msk [tilespmem:v57+s18+$0x0], $0xffff  }
0x142: {  	v60 =	vor.u32 v14, v53;
	_ =	sdelay $0x3  }
0x143: {  	[tilespmem:v49+s21+$0x0] =	vst.idx.msk $0xffff, v50  }
0x144: {  	v61 =	vor.u32 v15, v48;
	v49 =	vld.idx.msk [tilespmem:v60+s18+$0x0], $0xffff  }
0x145: {  	v62 =	vor.u32 v17, v53;
	_ =	sdelay $0x2  }
0x146: {  	v63 =	vor.u32 v16, v51  }
0x147: {  	v57 =	vand.u32 $0xF88, v63;
	[tilespmem:v61+s21+$0x0] =	vst.idx.msk $0xffff, v49  }
0x148: {  	v49 =	vor.u32 v52, v57;
	v50 =	vld.idx.msk [tilespmem:v62+s18+$0x0], $0xffff  }
0x149: {  	v58 =	vor.u32 v18, v53;
	_ =	sdelay $0x3  }
0x14a: {  	[tilespmem:v49+s21+$0x0] =	vst.idx.msk $0xffff, v50  }
0x14b: {  	v59 =	vor.u32 v19, v48;
	v49 =	vld.idx.msk [tilespmem:v58+s18+$0x0], $0xffff  }
0x14c: {  	v60 =	vor.u32 v20, v53;
	_ =	sdelay $0x2  }
0x14d: {  	v61 =	vor.u32 v21, v51  }
0x14e: {  	v62 =	vand.u32 $0xFA8, v61;
	[tilespmem:v59+s21+$0x0] =	vst.idx.msk $0xffff, v49  }
0x14f: {  	v49 =	vor.u32 v52, v62;
	v50 =	vld.idx.msk [tilespmem:v60+s18+$0x0], $0xffff  }
0x150: {  	v63 =	vor.u32 v22, v53;
	_ =	sdelay $0x3  }
0x151: {  	[tilespmem:v49+s21+$0x0] =	vst.idx.msk $0xffff, v50  }
0x152: {  	v57 =	vor.u32 v23, v48;
	v49 =	vld.idx.msk [tilespmem:v63+s18+$0x0], $0xffff  }
0x153: {  	v58 =	vor.u32 v24, v53;
	_ =	sdelay $0x2  }
0x154: {  	v59 =	vor.u32 v25, v51  }
0x155: {  	v60 =	vand.u32 $0xFC8, v59;
	[tilespmem:v57+s21+$0x0] =	vst.idx.msk $0xffff, v49  }
0x156: {  	v49 =	vor.u32 v52, v60;
	v50 =	vld.idx.msk [tilespmem:v58+s18+$0x0], $0xffff  }
0x157: {  	v61 =	vor.u32 v26, v53;
	_ =	sdelay $0x3  }
0x158: {  	[tilespmem:v49+s21+$0x0] =	vst.idx.msk $0xffff, v50  }
0x159: {  	v62 =	vor.u32 v27, v48;
	v49 =	vld.idx.msk [tilespmem:v61+s18+$0x0], $0xffff  }
0x15a: {  	v63 =	vor.u32 v28, v53;
	_ =	sdelay $0x2  }
0x15b: {  	v51 =	vor.u32 v29, v51  }
0x15c: {  	v56 =	vand.u32 $0xFE8, v51;
	[tilespmem:v62+s21+$0x0] =	vst.idx.msk $0xffff, v49  }
0x15d: {  	v49 =	vor.u32 v52, v56;
	v50 =	vld.idx.msk [tilespmem:v63+s18+$0x0], $0xffff  }
0x15e: {  	v57 =	vor.u32 v30, v53;
	_ =	sdelay $0x1  }
0x15f: {  	s1 =	sadd.s32 $0x1, s14  }
0x160: {  	v58 =	vadd.s32 s1, v0  }
0x161: {  	[tilespmem:v49+s21+$0x0] =	vst.idx.msk $0xffff, v50;
	v49 =	vand.u32 $0xF, v58  }
0x162: {  	v59 =	vor.u32 v31, v48;
	v50 =	vld.idx.msk [tilespmem:v57+s18+$0x0], $0xffff;
	v51 =	vshll.u32 v49, $0x5  }
0x163: {  	v60 =	vor.u32 v0, v51;
	_ =	sdelay $0x2  }
0x164: {  	v61 =	vor.u32 v1, v49  }
0x165: {  	v62 =	vand.u32 $0x788, v61;
	[tilespmem:v59+s21+$0x0] =	vst.idx.msk $0xffff, v50;
	v50 =	vand.u32 $0x7, v58  }
0x166: {  	v63 =	vld.idx.msk [tilespmem:v60+s18+$0x0], $0xffff;
	v48 =	vor.u32 v50, v62  }
0x167: {  	v57 =	vor.u32 v2, v51;
	_ =	sdelay $0x2  }
0x168: {  	v58 =	vor.u32 v3, v49  }
0x169: {  	v59 =	vand.u32 $0x798, v58;
	[tilespmem:v48+s21+$0x0] =	vst.idx.msk $0xffff, v63  }
0x16a: {  	v48 =	vor.u32 v50, v59;
	v52 =	vld.idx.msk [tilespmem:v57+s18+$0x0], $0xffff  }
0x16b: {  	v60 =	vor.u32 v4, v51;
	_ =	sdelay $0x2  }
0x16c: {  	v61 =	vor.u32 v5, v49  }
0x16d: {  	v62 =	vand.u32 $0x7A8, v61;
	[tilespmem:v48+s21+$0x0] =	vst.idx.msk $0xffff, v52  }
0x16e: {  	v48 =	vor.u32 v50, v62;
	v52 =	vld.idx.msk [tilespmem:v60+s18+$0x0], $0xffff  }
0x16f: {  	v63 =	vor.u32 v6, v51;
	_ =	sdelay $0x2  }
0x170: {  	v57 =	vor.u32 v7, v49  }
0x171: {  	v58 =	vand.u32 $0x7B8, v57;
	[tilespmem:v48+s21+$0x0] =	vst.idx.msk $0xffff, v52  }
0x172: {  	v48 =	vor.u32 v50, v58;
	v52 =	vld.idx.msk [tilespmem:v63+s18+$0x0], $0xffff  }
0x173: {  	v59 =	vor.u32 v8, v51;
	_ =	sdelay $0x2  }
0x174: {  	v60 =	vor.u32 v9, v49  }
0x175: {  	v61 =	vand.u32 $0x7C8, v60;
	[tilespmem:v48+s21+$0x0] =	vst.idx.msk $0xffff, v52  }
0x176: {  	v48 =	vor.u32 v50, v61;
	v52 =	vld.idx.msk [tilespmem:v59+s18+$0x0], $0xffff  }
0x177: {  	v62 =	vor.u32 v10, v51;
	_ =	sdelay $0x2  }
0x178: {  	v63 =	vor.u32 v11, v49  }
0x179: {  	v56 =	vand.u32 $0x7D8, v63;
	[tilespmem:v48+s21+$0x0] =	vst.idx.msk $0xffff, v52  }
0x17a: {  	v48 =	vor.u32 v50, v56;
	v52 =	vld.idx.msk [tilespmem:v62+s18+$0x0], $0xffff  }
0x17b: {  	v57 =	vor.u32 v12, v51;
	_ =	sdelay $0x2  }
0x17c: {  	v58 =	vor.u32 v13, v49  }
0x17d: {  	v59 =	vand.u32 $0x7E8, v58;
	[tilespmem:v48+s21+$0x0] =	vst.idx.msk $0xffff, v52  }
0x17e: {  	v48 =	vor.u32 v50, v59;
	v52 =	vld.idx.msk [tilespmem:v57+s18+$0x0], $0xffff  }
0x17f: {  	v60 =	vor.u32 v14, v51;
	_ =	sdelay $0x2  }
0x180: {  	v61 =	vor.u32 v15, v49  }
0x181: {  	v62 =	vand.u32 $0x7F8, v61;
	[tilespmem:v48+s21+$0x0] =	vst.idx.msk $0xffff, v52  }
0x182: {  	v48 =	vor.u32 v50, v62;
	v52 =	vld.idx.msk [tilespmem:v60+s18+$0x0], $0xffff  }
0x183: {  	v63 =	vor.u32 v17, v51;
	_ =	sdelay $0x2  }
0x184: {  	v57 =	vor.u32 v16, v49  }
0x185: {  	v58 =	vand.u32 $0xF88, v57;
	[tilespmem:v48+s21+$0x0] =	vst.idx.msk $0xffff, v52  }
0x186: {  	v48 =	vor.u32 v50, v58;
	v52 =	vld.idx.msk [tilespmem:v63+s18+$0x0], $0xffff  }
0x187: {  	v59 =	vor.u32 v18, v51;
	_ =	sdelay $0x2  }
0x188: {  	v60 =	vor.u32 v19, v49  }
0x189: {  	v61 =	vand.u32 $0xF98, v60;
	[tilespmem:v48+s21+$0x0] =	vst.idx.msk $0xffff, v52  }
0x18a: {  	v48 =	vor.u32 v50, v61;
	v52 =	vld.idx.msk [tilespmem:v59+s18+$0x0], $0xffff  }
0x18b: {  	v62 =	vor.u32 v20, v51;
	_ =	sdelay $0x2  }
0x18c: {  	v63 =	vor.u32 v21, v49  }
0x18d: {  	v56 =	vand.u32 $0xFA8, v63;
	[tilespmem:v48+s21+$0x0] =	vst.idx.msk $0xffff, v52  }
0x18e: {  	v48 =	vor.u32 v50, v56;
	v52 =	vld.idx.msk [tilespmem:v62+s18+$0x0], $0xffff  }
0x18f: {  	v57 =	vor.u32 v22, v51;
	_ =	sdelay $0x2  }
0x190: {  	v58 =	vor.u32 v23, v49  }
0x191: {  	v59 =	vand.u32 $0xFB8, v58;
	[tilespmem:v48+s21+$0x0] =	vst.idx.msk $0xffff, v52  }
0x192: {  	v48 =	vor.u32 v50, v59;
	v52 =	vld.idx.msk [tilespmem:v57+s18+$0x0], $0xffff  }
0x193: {  	v60 =	vor.u32 v24, v51;
	_ =	sdelay $0x2  }
0x194: {  	v61 =	vor.u32 v25, v49  }
0x195: {  	v62 =	vand.u32 $0xFC8, v61;
	[tilespmem:v48+s21+$0x0] =	vst.idx.msk $0xffff, v52  }
0x196: {  	v48 =	vor.u32 v50, v62;
	v52 =	vld.idx.msk [tilespmem:v60+s18+$0x0], $0xffff  }
0x197: {  	v63 =	vor.u32 v26, v51;
	_ =	sdelay $0x2  }
0x198: {  	v57 =	vor.u32 v27, v49  }
0x199: {  	v58 =	vand.u32 $0xFD8, v57;
	[tilespmem:v48+s21+$0x0] =	vst.idx.msk $0xffff, v52  }
0x19a: {  	v48 =	vor.u32 v50, v58;
	v52 =	vld.idx.msk [tilespmem:v63+s18+$0x0], $0xffff  }
0x19b: {  	v59 =	vor.u32 v28, v51;
	_ =	sdelay $0x2  }
0x19c: {  	v60 =	vor.u32 v29, v49  }
0x19d: {  	v61 =	vand.u32 $0xFE8, v60;
	[tilespmem:v48+s21+$0x0] =	vst.idx.msk $0xffff, v52  }
0x19e: {  	v48 =	vor.u32 v50, v61;
	v52 =	vld.idx.msk [tilespmem:v59+s18+$0x0], $0xffff  }
0x19f: {  	v51 =	vor.u32 v30, v51;
	_ =	sdelay $0x2  }
0x1a0: {  	v49 =	vor.u32 v31, v49  }
0x1a1: {  	v62 =	vand.u32 $0xFF8, v49;
	[tilespmem:v48+s21+$0x0] =	vst.idx.msk $0xffff, v52  }
0x1a2: {  	v48 =	vor.u32 v50, v62;
	v63 =	vld.idx.msk [tilespmem:v51+s18+$0x0], $0xffff;
	_ =	sdelay $0x3  }
0x1a3: {  	s5 =	sor.u32 s6, s5  }
0x1a4: {  	s14 =	sadd.s32 s2, s5;
	[tilespmem:v48+s21+$0x0] =	vst.idx.msk $0xffff, v63  }
0x1a5: {  	[hbm4b:s14+s3] =	stream.linear.scatter [tilespmem:s21], [sflag:$0x3], $0x400, $0x38;
	[tilespmem:$0x5900] =	vst v63  }
0x1a6: {  	p1 =	sne.s32 s16, $0x18;
	s17 =	sadd.s32 s5, s7  }
0x1a7: {  	[hbm4b:s17+s3] =	stream.linear.scatter [tilespmem:s22], [sflag:$0x3], $0x400, $0x38;
	[tilespmem:$0x5900] =	vst v63  }
.Ltmp3:
0x1a8: {  	_ = 	snop;
	(pc) =	sbr.rel @p1 .LBB2_6-.Ltmp3, $4  }
0x1a9: {  	s14 =	sadd.s32 s5, s8  }
0x1aa: {  	[hbm4b:s14+s3] =	stream.linear.scatter [tilespmem:s23], [sflag:$0x3], $0x400, $0x38;
	[tilespmem:$0x5900] =	vst v63  }
0x1ab: {  	s17 =	sadd.s32 s5, s9  }
0x1ac: {  	[hbm4b:s17+s3] =	stream.linear.scatter [tilespmem:s24], [sflag:$0x3], $0x400, $0x38;
	[tilespmem:$0x5900] =	vst v63  }
.Ltmp4:
0x1ad: {  	(pc) =	sbr.rel .LBB2_7-.Ltmp4, $4  }
0x1ae: {  	_ = 	snop  }
0x1af: {  	_ =	swait.ge [sflag:s25], $0x1000  }
0x1b0: {  	[sflag:s25] =	ssyncset.done $0x0  }
0x1b1: {  	[sflag:s25] =	ssyncadd.s32 $0xFFFFF000  }
.LBB2_6:
0x1b2: {  	s1 =	sshll.u32 s16, $0x8  }
0x1b3: {  	s1 =	sand.u32 $0x3FFFFF00, s1  }
.Ltmp5:
0x1b4: {  	s1 =	sadd.s32 $0x100, s1;
	(pc) =	sbr.rel @p0 .LBB2_8-.Ltmp5, $4  }
0x1b5: {  	[tilespmem:s18], [sflag:$0x1] =	stream.indirect.gather [hbm4b:s4+s15], $0x20, s1, s15, $0xb8;
	[tilespmem:$0x5900] =	vst v63  }
0x1b6: {  	_ =	swait.ge [sflag:s25], $0x1000  }
0x1b7: {  	[sflag:s25] =	ssyncset.done $0x0  }
0x1b8: {  	[sflag:s25] =	ssyncadd.s32 $0xFFFFF000  }
.LBB2_7:
0x1b9: {  	_ =	swait.ge [sflag:s26], $0x1000  }
0x1ba: {  	[sflag:s26] =	ssyncset.done $0x0  }
0x1bb: {  	[sflag:s26] =	ssyncadd.s32 $0xFFFFF000  }
.LBB2_8:
0x1bc: {  	s1 =	simm.s32 $0x0  }
0x1bd: {  	v48 =	vadd.s32 s1, v0  }
0x1be: {  	v49 =	vand.u32 $0xF, v48  }
0x1bf: {  	v50 =	vshll.u32 v49, $0x5  }
0x1c0: {  	v51 =	vor.u32 v0, v50;
	_ =	sdelay $0x2  }
0x1c1: {  	v52 =	vor.u32 v32, v49  }
0x1c2: {  	v53 =	vand.u32 $0x7, v48;
	v52 =	vand.u32 $0x1788, v52  }
0x1c3: {  	v52 =	vor.u32 v53, v52;
	v51 =	vld.idx.msk [tilespmem:v51+s19+$0x0], $0xffff  }
0x1c4: {  	v54 =	vor.u32 v2, v50;
	_ =	sdelay $0x3  }
0x1c5: {  	[tilespmem:v52+s21+$0x0] =	vst.idx.msk $0xffff, v51  }
0x1c6: {  	v59 =	vor.u32 v33, v48;
	v51 =	vld.idx.msk [tilespmem:v54+s19+$0x0], $0xffff  }
0x1c7: {  	v60 =	vor.u32 v4, v50;
	_ =	sdelay $0x2  }
0x1c8: {  	v55 =	vor.u32 v34, v49  }
0x1c9: {  	v61 =	vand.u32 $0x17A8, v55;
	[tilespmem:v59+s21+$0x0] =	vst.idx.msk $0xffff, v51  }
0x1ca: {  	v51 =	vor.u32 v53, v61;
	v52 =	vld.idx.msk [tilespmem:v60+s19+$0x0], $0xffff  }
0x1cb: {  	v62 =	vor.u32 v6, v50;
	_ =	sdelay $0x3  }
0x1cc: {  	[tilespmem:v51+s21+$0x0] =	vst.idx.msk $0xffff, v52  }
0x1cd: {  	v63 =	vor.u32 v35, v48;
	v51 =	vld.idx.msk [tilespmem:v62+s19+$0x0], $0xffff  }
0x1ce: {  	v57 =	vor.u32 v8, v50;
	_ =	sdelay $0x2  }
0x1cf: {  	v58 =	vor.u32 v36, v49  }
0x1d0: {  	v59 =	vand.u32 $0x17C8, v58;
	[tilespmem:v63+s21+$0x0] =	vst.idx.msk $0xffff, v51  }
0x1d1: {  	v51 =	vor.u32 v53, v59;
	v52 =	vld.idx.msk [tilespmem:v57+s19+$0x0], $0xffff  }
0x1d2: {  	v60 =	vor.u32 v10, v50;
	_ =	sdelay $0x3  }
0x1d3: {  	[tilespmem:v51+s21+$0x0] =	vst.idx.msk $0xffff, v52  }
0x1d4: {  	v61 =	vor.u32 v37, v48;
	v51 =	vld.idx.msk [tilespmem:v60+s19+$0x0], $0xffff  }
0x1d5: {  	v62 =	vor.u32 v12, v50;
	_ =	sdelay $0x2  }
0x1d6: {  	v63 =	vor.u32 v38, v49  }
0x1d7: {  	v56 =	vand.u32 $0x17E8, v63;
	[tilespmem:v61+s21+$0x0] =	vst.idx.msk $0xffff, v51  }
0x1d8: {  	v51 =	vor.u32 v53, v56;
	v52 =	vld.idx.msk [tilespmem:v62+s19+$0x0], $0xffff  }
0x1d9: {  	v57 =	vor.u32 v14, v50;
	_ =	sdelay $0x3  }
0x1da: {  	[tilespmem:v51+s21+$0x0] =	vst.idx.msk $0xffff, v52  }
0x1db: {  	v58 =	vor.u32 v39, v48;
	v51 =	vld.idx.msk [tilespmem:v57+s19+$0x0], $0xffff  }
0x1dc: {  	v59 =	vor.u32 v17, v50;
	_ =	sdelay $0x2  }
0x1dd: {  	v60 =	vor.u32 v40, v49  }
0x1de: {  	v61 =	vand.u32 $0x1F88, v60;
	[tilespmem:v58+s21+$0x0] =	vst.idx.msk $0xffff, v51  }
0x1df: {  	v51 =	vor.u32 v53, v61;
	v52 =	vld.idx.msk [tilespmem:v59+s19+$0x0], $0xffff  }
0x1e0: {  	v62 =	vor.u32 v18, v50;
	_ =	sdelay $0x3  }
0x1e1: {  	[tilespmem:v51+s21+$0x0] =	vst.idx.msk $0xffff, v52  }
0x1e2: {  	v63 =	vor.u32 v41, v48;
	v51 =	vld.idx.msk [tilespmem:v62+s19+$0x0], $0xffff  }
0x1e3: {  	v57 =	vor.u32 v20, v50;
	_ =	sdelay $0x2  }
0x1e4: {  	v58 =	vor.u32 v42, v49  }
0x1e5: {  	v59 =	vand.u32 $0x1FA8, v58;
	[tilespmem:v63+s21+$0x0] =	vst.idx.msk $0xffff, v51  }
0x1e6: {  	v51 =	vor.u32 v53, v59;
	v52 =	vld.idx.msk [tilespmem:v57+s19+$0x0], $0xffff  }
0x1e7: {  	v60 =	vor.u32 v22, v50;
	_ =	sdelay $0x3  }
0x1e8: {  	[tilespmem:v51+s21+$0x0] =	vst.idx.msk $0xffff, v52  }
0x1e9: {  	v61 =	vor.u32 v43, v48;
	v51 =	vld.idx.msk [tilespmem:v60+s19+$0x0], $0xffff  }
0x1ea: {  	v62 =	vor.u32 v24, v50;
	_ =	sdelay $0x2  }
0x1eb: {  	v63 =	vor.u32 v44, v49  }
0x1ec: {  	v57 =	vand.u32 $0x1FC8, v63;
	[tilespmem:v61+s21+$0x0] =	vst.idx.msk $0xffff, v51  }
0x1ed: {  	v51 =	vor.u32 v53, v57;
	v52 =	vld.idx.msk [tilespmem:v62+s19+$0x0], $0xffff  }
0x1ee: {  	v58 =	vor.u32 v26, v50;
	_ =	sdelay $0x3  }
0x1ef: {  	[tilespmem:v51+s21+$0x0] =	vst.idx.msk $0xffff, v52  }
0x1f0: {  	v59 =	vor.u32 v45, v48;
	v51 =	vld.idx.msk [tilespmem:v58+s19+$0x0], $0xffff  }
0x1f1: {  	v60 =	vor.u32 v28, v50;
	_ =	sdelay $0x2  }
0x1f2: {  	v49 =	vor.u32 v46, v49  }
0x1f3: {  	v49 =	vand.u32 $0x1FE8, v49;
	[tilespmem:v59+s21+$0x0] =	vst.idx.msk $0xffff, v51  }
0x1f4: {  	v49 =	vor.u32 v53, v49;
	v51 =	vld.idx.msk [tilespmem:v60+s19+$0x0], $0xffff  }
0x1f5: {  	v50 =	vor.u32 v30, v50;
	_ =	sdelay $0x1  }
0x1f6: {  	s17 =	simm.s32 $0x1  }
0x1f7: {  	v61 =	vadd.s32 s17, v0  }
0x1f8: {  	[tilespmem:v49+s21+$0x0] =	vst.idx.msk $0xffff, v51;
	v51 =	vand.u32 $0xF, v61  }
0x1f9: {  	v48 =	vor.u32 v47, v48;
	v49 =	vld.idx.msk [tilespmem:v50+s19+$0x0], $0xffff;
	v50 =	vshll.u32 v51, $0x5  }
0x1fa: {  	v62 =	vor.u32 v0, v50;
	_ =	sdelay $0x2  }
0x1fb: {  	v63 =	vor.u32 v32, v51  }
0x1fc: {  	v57 =	vand.u32 $0x1788, v63;
	[tilespmem:v48+s21+$0x0] =	vst.idx.msk $0xffff, v49;
	v49 =	vand.u32 $0x7, v61  }
0x1fd: {  	v58 =	vld.idx.msk [tilespmem:v62+s19+$0x0], $0xffff;
	v48 =	vor.u32 v49, v57  }
0x1fe: {  	v59 =	vor.u32 v2, v50;
	_ =	sdelay $0x2  }
0x1ff: {  	v60 =	vor.u32 v33, v51  }
0x200: {  	v61 =	vand.u32 $0x1798, v60;
	[tilespmem:v48+s21+$0x0] =	vst.idx.msk $0xffff, v58  }
0x201: {  	v48 =	vor.u32 v49, v61;
	v52 =	vld.idx.msk [tilespmem:v59+s19+$0x0], $0xffff  }
0x202: {  	v62 =	vor.u32 v4, v50;
	_ =	sdelay $0x2  }
0x203: {  	v63 =	vor.u32 v34, v51  }
0x204: {  	v56 =	vand.u32 $0x17A8, v63;
	[tilespmem:v48+s21+$0x0] =	vst.idx.msk $0xffff, v52  }
0x205: {  	v48 =	vor.u32 v49, v56;
	v52 =	vld.idx.msk [tilespmem:v62+s19+$0x0], $0xffff  }
0x206: {  	v57 =	vor.u32 v6, v50;
	_ =	sdelay $0x2  }
0x207: {  	v58 =	vor.u32 v35, v51  }
0x208: {  	v59 =	vand.u32 $0x17B8, v58;
	[tilespmem:v48+s21+$0x0] =	vst.idx.msk $0xffff, v52  }
0x209: {  	v48 =	vor.u32 v49, v59;
	v52 =	vld.idx.msk [tilespmem:v57+s19+$0x0], $0xffff  }
0x20a: {  	v60 =	vor.u32 v8, v50;
	_ =	sdelay $0x2  }
0x20b: {  	v61 =	vor.u32 v36, v51  }
0x20c: {  	v62 =	vand.u32 $0x17C8, v61;
	[tilespmem:v48+s21+$0x0] =	vst.idx.msk $0xffff, v52  }
0x20d: {  	v48 =	vor.u32 v49, v62;
	v52 =	vld.idx.msk [tilespmem:v60+s19+$0x0], $0xffff  }
0x20e: {  	v63 =	vor.u32 v10, v50;
	_ =	sdelay $0x2  }
0x20f: {  	v57 =	vor.u32 v37, v51  }
0x210: {  	v58 =	vand.u32 $0x17D8, v57;
	[tilespmem:v48+s21+$0x0] =	vst.idx.msk $0xffff, v52  }
0x211: {  	v48 =	vor.u32 v49, v58;
	v52 =	vld.idx.msk [tilespmem:v63+s19+$0x0], $0xffff  }
0x212: {  	v59 =	vor.u32 v12, v50;
	_ =	sdelay $0x2  }
0x213: {  	v60 =	vor.u32 v38, v51  }
0x214: {  	v61 =	vand.u32 $0x17E8, v60;
	[tilespmem:v48+s21+$0x0] =	vst.idx.msk $0xffff, v52  }
0x215: {  	v48 =	vor.u32 v49, v61;
	v52 =	vld.idx.msk [tilespmem:v59+s19+$0x0], $0xffff  }
0x216: {  	v62 =	vor.u32 v14, v50;
	_ =	sdelay $0x2  }
0x217: {  	v63 =	vor.u32 v39, v51  }
0x218: {  	v56 =	vand.u32 $0x17F8, v63;
	[tilespmem:v48+s21+$0x0] =	vst.idx.msk $0xffff, v52  }
0x219: {  	v48 =	vor.u32 v49, v56;
	v52 =	vld.idx.msk [tilespmem:v62+s19+$0x0], $0xffff  }
0x21a: {  	v57 =	vor.u32 v17, v50;
	_ =	sdelay $0x2  }
0x21b: {  	v58 =	vor.u32 v40, v51  }
0x21c: {  	v59 =	vand.u32 $0x1F88, v58;
	[tilespmem:v48+s21+$0x0] =	vst.idx.msk $0xffff, v52  }
0x21d: {  	v48 =	vor.u32 v49, v59;
	v52 =	vld.idx.msk [tilespmem:v57+s19+$0x0], $0xffff  }
0x21e: {  	v60 =	vor.u32 v18, v50;
	_ =	sdelay $0x2  }
0x21f: {  	v61 =	vor.u32 v41, v51  }
0x220: {  	v62 =	vand.u32 $0x1F98, v61;
	[tilespmem:v48+s21+$0x0] =	vst.idx.msk $0xffff, v52  }
0x221: {  	v48 =	vor.u32 v49, v62;
	v52 =	vld.idx.msk [tilespmem:v60+s19+$0x0], $0xffff  }
0x222: {  	v63 =	vor.u32 v20, v50;
	_ =	sdelay $0x2  }
0x223: {  	v57 =	vor.u32 v42, v51  }
0x224: {  	v58 =	vand.u32 $0x1FA8, v57;
	[tilespmem:v48+s21+$0x0] =	vst.idx.msk $0xffff, v52  }
0x225: {  	v48 =	vor.u32 v49, v58;
	v52 =	vld.idx.msk [tilespmem:v63+s19+$0x0], $0xffff  }
0x226: {  	v59 =	vor.u32 v22, v50;
	_ =	sdelay $0x2  }
0x227: {  	v60 =	vor.u32 v43, v51  }
0x228: {  	v61 =	vand.u32 $0x1FB8, v60;
	[tilespmem:v48+s21+$0x0] =	vst.idx.msk $0xffff, v52  }
0x229: {  	v48 =	vor.u32 v49, v61;
	v52 =	vld.idx.msk [tilespmem:v59+s19+$0x0], $0xffff  }
0x22a: {  	v62 =	vor.u32 v24, v50;
	_ =	sdelay $0x2  }
0x22b: {  	v63 =	vor.u32 v44, v51  }
0x22c: {  	v57 =	vand.u32 $0x1FC8, v63;
	[tilespmem:v48+s21+$0x0] =	vst.idx.msk $0xffff, v52  }
0x22d: {  	v48 =	vor.u32 v49, v57;
	v52 =	vld.idx.msk [tilespmem:v62+s19+$0x0], $0xffff  }
0x22e: {  	v58 =	vor.u32 v26, v50;
	_ =	sdelay $0x2  }
0x22f: {  	v59 =	vor.u32 v45, v51  }
0x230: {  	v60 =	vand.u32 $0x1FD8, v59;
	[tilespmem:v48+s21+$0x0] =	vst.idx.msk $0xffff, v52  }
0x231: {  	v48 =	vor.u32 v49, v60;
	v52 =	vld.idx.msk [tilespmem:v58+s19+$0x0], $0xffff  }
0x232: {  	v61 =	vor.u32 v28, v50;
	_ =	sdelay $0x2  }
0x233: {  	v62 =	vor.u32 v46, v51  }
0x234: {  	v63 =	vand.u32 $0x1FE8, v62;
	[tilespmem:v48+s21+$0x0] =	vst.idx.msk $0xffff, v52  }
0x235: {  	v54 =	vor.u32 v49, v63;
	v53 =	vld.idx.msk [tilespmem:v61+s19+$0x0], $0xffff  }
0x236: {  	v52 =	vor.u32 v30, v50;
	_ =	sdelay $0x2  }
0x237: {  	s14 =	simm.s32 $0x2  }
0x238: {  	s17 =	simm.s32 $0x4;
	v48 =	vadd.s32 s14, v0;
	v50 =	vor.u32 v47, v51;
	[tilespmem:v54+s21+$0x0] =	vst.idx.msk $0xffff, v53  }
.LBB2_9:
0x239: {  	p0 =	sne.s32 s17, $0xE;
	v51 =	vand.u32 $0xF, v48;
	v52 =	vld.idx.msk [tilespmem:v52+s19+$0x0], $0xffff;
	v53 =	vand.u32 $0x1FF8, v50  }
0x23a: {  	v50 =	vshll.u32 v51, $0x5;
	v49 =	vor.u32 v49, v53  }
0x23b: {  	v53 =	vor.u32 v0, v50;
	_ =	sdelay $0x3  }
0x23c: {  	v54 =	vor.u32 v32, v51;
	[tilespmem:v49+s21+$0x0] =	vst.idx.msk $0xffff, v52  }
0x23d: {  	v49 =	vand.u32 $0x7, v48;
	v52 =	vld.idx.msk [tilespmem:v53+s19+$0x0], $0xffff;
	v53 =	vand.u32 $0x1788, v54  }
0x23e: {  	v53 =	vor.u32 v49, v53  }
0x23f: {  	v54 =	vor.u32 v2, v50;
	_ =	sdelay $0x3  }
0x240: {  	[tilespmem:v53+s21+$0x0] =	vst.idx.msk $0xffff, v52  }
0x241: {  	v52 =	vld.idx.msk [tilespmem:v54+s19+$0x0], $0xffff  }
0x242: {  	v53 =	vor.u32 v33, v48  }
0x243: {  	v54 =	vor.u32 v4, v50;
	_ =	sdelay $0x3  }
0x244: {  	[tilespmem:v53+s21+$0x0] =	vst.idx.msk $0xffff, v52;
	v52 =	vor.u32 v34, v51  }
0x245: {  	v53 =	vld.idx.msk [tilespmem:v54+s19+$0x0], $0xffff;
	v52 =	vand.u32 $0x17A8, v52  }
0x246: {  	v52 =	vor.u32 v49, v52  }
0x247: {  	v54 =	vor.u32 v6, v50;
	_ =	sdelay $0x3  }
0x248: {  	[tilespmem:v52+s21+$0x0] =	vst.idx.msk $0xffff, v53  }
0x249: {  	v52 =	vld.idx.msk [tilespmem:v54+s19+$0x0], $0xffff  }
0x24a: {  	v53 =	vor.u32 v35, v48  }
0x24b: {  	v54 =	vor.u32 v8, v50;
	_ =	sdelay $0x3  }
0x24c: {  	[tilespmem:v53+s21+$0x0] =	vst.idx.msk $0xffff, v52;
	v52 =	vor.u32 v36, v51  }
0x24d: {  	v53 =	vld.idx.msk [tilespmem:v54+s19+$0x0], $0xffff;
	v52 =	vand.u32 $0x17C8, v52  }
0x24e: {  	v52 =	vor.u32 v49, v52  }
0x24f: {  	v54 =	vor.u32 v10, v50;
	_ =	sdelay $0x3  }
0x250: {  	[tilespmem:v52+s21+$0x0] =	vst.idx.msk $0xffff, v53  }
0x251: {  	v52 =	vld.idx.msk [tilespmem:v54+s19+$0x0], $0xffff  }
0x252: {  	v53 =	vor.u32 v37, v48  }
0x253: {  	v54 =	vor.u32 v12, v50;
	_ =	sdelay $0x3  }
0x254: {  	[tilespmem:v53+s21+$0x0] =	vst.idx.msk $0xffff, v52;
	v52 =	vor.u32 v38, v51  }
0x255: {  	v53 =	vld.idx.msk [tilespmem:v54+s19+$0x0], $0xffff;
	v52 =	vand.u32 $0x17E8, v52  }
0x256: {  	v52 =	vor.u32 v49, v52  }
0x257: {  	v54 =	vor.u32 v14, v50;
	_ =	sdelay $0x3  }
0x258: {  	[tilespmem:v52+s21+$0x0] =	vst.idx.msk $0xffff, v53  }
0x259: {  	v52 =	vld.idx.msk [tilespmem:v54+s19+$0x0], $0xffff  }
0x25a: {  	v53 =	vor.u32 v39, v48  }
0x25b: {  	v54 =	vor.u32 v17, v50;
	_ =	sdelay $0x3  }
0x25c: {  	[tilespmem:v53+s21+$0x0] =	vst.idx.msk $0xffff, v52;
	v52 =	vor.u32 v40, v51  }
0x25d: {  	v53 =	vld.idx.msk [tilespmem:v54+s19+$0x0], $0xffff;
	v52 =	vand.u32 $0x1F88, v52  }
0x25e: {  	v52 =	vor.u32 v49, v52  }
0x25f: {  	v54 =	vor.u32 v18, v50;
	_ =	sdelay $0x3  }
0x260: {  	[tilespmem:v52+s21+$0x0] =	vst.idx.msk $0xffff, v53  }
0x261: {  	v52 =	vld.idx.msk [tilespmem:v54+s19+$0x0], $0xffff  }
0x262: {  	v53 =	vor.u32 v41, v48  }
0x263: {  	v54 =	vor.u32 v20, v50;
	_ =	sdelay $0x3  }
0x264: {  	[tilespmem:v53+s21+$0x0] =	vst.idx.msk $0xffff, v52;
	v52 =	vor.u32 v42, v51  }
0x265: {  	v53 =	vld.idx.msk [tilespmem:v54+s19+$0x0], $0xffff;
	v52 =	vand.u32 $0x1FA8, v52  }
0x266: {  	v52 =	vor.u32 v49, v52  }
0x267: {  	v54 =	vor.u32 v22, v50;
	_ =	sdelay $0x3  }
0x268: {  	[tilespmem:v52+s21+$0x0] =	vst.idx.msk $0xffff, v53  }
0x269: {  	v52 =	vld.idx.msk [tilespmem:v54+s19+$0x0], $0xffff  }
0x26a: {  	v53 =	vor.u32 v43, v48  }
0x26b: {  	v54 =	vor.u32 v24, v50;
	_ =	sdelay $0x3  }
0x26c: {  	[tilespmem:v53+s21+$0x0] =	vst.idx.msk $0xffff, v52;
	v52 =	vor.u32 v44, v51  }
0x26d: {  	v53 =	vld.idx.msk [tilespmem:v54+s19+$0x0], $0xffff;
	v52 =	vand.u32 $0x1FC8, v52  }
0x26e: {  	v52 =	vor.u32 v49, v52  }
0x26f: {  	v54 =	vor.u32 v26, v50;
	_ =	sdelay $0x3  }
0x270: {  	[tilespmem:v52+s21+$0x0] =	vst.idx.msk $0xffff, v53  }
0x271: {  	v52 =	vld.idx.msk [tilespmem:v54+s19+$0x0], $0xffff  }
0x272: {  	v53 =	vor.u32 v45, v48  }
0x273: {  	v54 =	vor.u32 v28, v50;
	_ =	sdelay $0x3  }
0x274: {  	v51 =	vor.u32 v46, v51;
	[tilespmem:v53+s21+$0x0] =	vst.idx.msk $0xffff, v52  }
0x275: {  	v51 =	vand.u32 $0x1FE8, v51;
	v52 =	vld.idx.msk [tilespmem:v54+s19+$0x0], $0xffff  }
0x276: {  	v49 =	vor.u32 v49, v51  }
0x277: {  	v50 =	vor.u32 v30, v50;
	_ =	sdelay $0x2  }
0x278: {  	s1 =	sadd.s32 $0x1, s14;
	s14 =	smov.u32 s17  }
0x279: {  	[tilespmem:v49+s21+$0x0] =	vst.idx.msk $0xffff, v52;
	v49 =	vadd.s32 s1, v0  }
0x27a: {  	v51 =	vld.idx.msk [tilespmem:v50+s19+$0x0], $0xffff;
	v50 =	vand.u32 $0xF, v49  }
0x27b: {  	v52 =	vor.u32 v47, v48;
	v48 =	vshll.u32 v50, $0x5  }
0x27c: {  	v53 =	vor.u32 v0, v48;
	_ =	sdelay $0x3  }
0x27d: {  	[tilespmem:v52+s21+$0x0] =	vst.idx.msk $0xffff, v51;
	v51 =	vor.u32 v32, v50  }
0x27e: {  	v49 =	vand.u32 $0x7, v49;
	v52 =	vld.idx.msk [tilespmem:v53+s19+$0x0], $0xffff;
	v51 =	vand.u32 $0x1788, v51  }
0x27f: {  	v51 =	vor.u32 v49, v51  }
0x280: {  	v53 =	vor.u32 v2, v48;
	_ =	sdelay $0x3  }
0x281: {  	[tilespmem:v51+s21+$0x0] =	vst.idx.msk $0xffff, v52;
	v51 =	vor.u32 v33, v50  }
0x282: {  	v52 =	vld.idx.msk [tilespmem:v53+s19+$0x0], $0xffff;
	v51 =	vand.u32 $0x1798, v51  }
0x283: {  	v51 =	vor.u32 v49, v51  }
0x284: {  	v53 =	vor.u32 v4, v48;
	_ =	sdelay $0x3  }
0x285: {  	[tilespmem:v51+s21+$0x0] =	vst.idx.msk $0xffff, v52;
	v51 =	vor.u32 v34, v50  }
0x286: {  	v52 =	vld.idx.msk [tilespmem:v53+s19+$0x0], $0xffff;
	v51 =	vand.u32 $0x17A8, v51  }
0x287: {  	v51 =	vor.u32 v49, v51  }
0x288: {  	v53 =	vor.u32 v6, v48;
	_ =	sdelay $0x3  }
0x289: {  	[tilespmem:v51+s21+$0x0] =	vst.idx.msk $0xffff, v52;
	v51 =	vor.u32 v35, v50  }
0x28a: {  	v52 =	vld.idx.msk [tilespmem:v53+s19+$0x0], $0xffff;
	v51 =	vand.u32 $0x17B8, v51  }
0x28b: {  	v51 =	vor.u32 v49, v51  }
0x28c: {  	v53 =	vor.u32 v8, v48;
	_ =	sdelay $0x3  }
0x28d: {  	[tilespmem:v51+s21+$0x0] =	vst.idx.msk $0xffff, v52;
	v51 =	vor.u32 v36, v50  }
0x28e: {  	v52 =	vld.idx.msk [tilespmem:v53+s19+$0x0], $0xffff;
	v51 =	vand.u32 $0x17C8, v51  }
0x28f: {  	v51 =	vor.u32 v49, v51  }
0x290: {  	v53 =	vor.u32 v10, v48;
	_ =	sdelay $0x3  }
0x291: {  	[tilespmem:v51+s21+$0x0] =	vst.idx.msk $0xffff, v52;
	v51 =	vor.u32 v37, v50  }
0x292: {  	v52 =	vld.idx.msk [tilespmem:v53+s19+$0x0], $0xffff;
	v51 =	vand.u32 $0x17D8, v51  }
0x293: {  	v51 =	vor.u32 v49, v51  }
0x294: {  	v53 =	vor.u32 v12, v48;
	_ =	sdelay $0x3  }
0x295: {  	[tilespmem:v51+s21+$0x0] =	vst.idx.msk $0xffff, v52;
	v51 =	vor.u32 v38, v50  }
0x296: {  	v52 =	vld.idx.msk [tilespmem:v53+s19+$0x0], $0xffff;
	v51 =	vand.u32 $0x17E8, v51  }
0x297: {  	v51 =	vor.u32 v49, v51  }
0x298: {  	v53 =	vor.u32 v14, v48;
	_ =	sdelay $0x3  }
0x299: {  	[tilespmem:v51+s21+$0x0] =	vst.idx.msk $0xffff, v52;
	v51 =	vor.u32 v39, v50  }
0x29a: {  	v52 =	vld.idx.msk [tilespmem:v53+s19+$0x0], $0xffff;
	v51 =	vand.u32 $0x17F8, v51  }
0x29b: {  	v51 =	vor.u32 v49, v51  }
0x29c: {  	v53 =	vor.u32 v17, v48;
	_ =	sdelay $0x3  }
0x29d: {  	[tilespmem:v51+s21+$0x0] =	vst.idx.msk $0xffff, v52;
	v51 =	vor.u32 v40, v50  }
0x29e: {  	v52 =	vld.idx.msk [tilespmem:v53+s19+$0x0], $0xffff;
	v51 =	vand.u32 $0x1F88, v51  }
0x29f: {  	v51 =	vor.u32 v49, v51  }
0x2a0: {  	v53 =	vor.u32 v18, v48;
	_ =	sdelay $0x3  }
0x2a1: {  	[tilespmem:v51+s21+$0x0] =	vst.idx.msk $0xffff, v52;
	v51 =	vor.u32 v41, v50  }
0x2a2: {  	v52 =	vld.idx.msk [tilespmem:v53+s19+$0x0], $0xffff;
	v51 =	vand.u32 $0x1F98, v51  }
0x2a3: {  	v51 =	vor.u32 v49, v51  }
0x2a4: {  	v53 =	vor.u32 v20, v48;
	_ =	sdelay $0x3  }
0x2a5: {  	[tilespmem:v51+s21+$0x0] =	vst.idx.msk $0xffff, v52;
	v51 =	vor.u32 v42, v50  }
0x2a6: {  	v52 =	vld.idx.msk [tilespmem:v53+s19+$0x0], $0xffff;
	v51 =	vand.u32 $0x1FA8, v51  }
0x2a7: {  	v51 =	vor.u32 v49, v51  }
0x2a8: {  	v53 =	vor.u32 v22, v48;
	_ =	sdelay $0x3  }
0x2a9: {  	[tilespmem:v51+s21+$0x0] =	vst.idx.msk $0xffff, v52;
	v51 =	vor.u32 v43, v50  }
0x2aa: {  	v52 =	vld.idx.msk [tilespmem:v53+s19+$0x0], $0xffff;
	v51 =	vand.u32 $0x1FB8, v51  }
0x2ab: {  	v51 =	vor.u32 v49, v51  }
0x2ac: {  	v53 =	vor.u32 v24, v48;
	_ =	sdelay $0x3  }
0x2ad: {  	[tilespmem:v51+s21+$0x0] =	vst.idx.msk $0xffff, v52;
	v51 =	vor.u32 v44, v50  }
0x2ae: {  	v52 =	vld.idx.msk [tilespmem:v53+s19+$0x0], $0xffff;
	v51 =	vand.u32 $0x1FC8, v51  }
0x2af: {  	v51 =	vor.u32 v49, v51  }
0x2b0: {  	v53 =	vor.u32 v26, v48;
	_ =	sdelay $0x3  }
0x2b1: {  	[tilespmem:v51+s21+$0x0] =	vst.idx.msk $0xffff, v52;
	v51 =	vor.u32 v45, v50  }
0x2b2: {  	v52 =	vld.idx.msk [tilespmem:v53+s19+$0x0], $0xffff;
	v51 =	vand.u32 $0x1FD8, v51  }
0x2b3: {  	v51 =	vor.u32 v49, v51  }
0x2b4: {  	v53 =	vor.u32 v28, v48;
	_ =	sdelay $0x3  }
0x2b5: {  	[tilespmem:v51+s21+$0x0] =	vst.idx.msk $0xffff, v52;
	v51 =	vor.u32 v46, v50  }
0x2b6: {  	v53 =	vld.idx.msk [tilespmem:v53+s19+$0x0], $0xffff;
	v51 =	vand.u32 $0x1FE8, v51  }
0x2b7: {  	v51 =	vor.u32 v49, v51  }
.Ltmp6:
0x2b8: {  	v52 =	vor.u32 v30, v48;
	(pc) =	sbr.rel @p0 .LBB2_9-.Ltmp6, $2  }
0x2b9: {  	_ =	sdelay $0x2  }
0x2ba: {  	s17 =	sadd.s32 $0x2, s17;
	v48 =	vadd.s32 s14, v0;
	v50 =	vor.u32 v47, v50;
	[tilespmem:v51+s21+$0x0] =	vst.idx.msk $0xffff, v53  }
0x2bb: {  	_ =	sdelay $0x2  }
0x2bc: {  	v51 =	vand.u32 $0xF, v48;
	v50 =	vand.u32 $0x1FF8, v50  }
0x2bd: {  	v52 =	vld.idx.msk [tilespmem:v52+s19+$0x0], $0xffff;
	v53 =	vshll.u32 v51, $0x5;
	v49 =	vor.u32 v49, v50  }
0x2be: {  	v59 =	vor.u32 v0, v53;
	_ =	sdelay $0x2  }
0x2bf: {  	v54 =	vor.u32 v32, v51  }
0x2c0: {  	v60 =	vand.u32 $0x1788, v54;
	[tilespmem:v49+s21+$0x0] =	vst.idx.msk $0xffff, v52;
	v52 =	vand.u32 $0x7, v48  }
0x2c1: {  	v50 =	vld.idx.msk [tilespmem:v59+s19+$0x0], $0xffff;
	v49 =	vor.u32 v52, v60  }
0x2c2: {  	v61 =	vor.u32 v2, v53;
	_ =	sdelay $0x3  }
0x2c3: {  	[tilespmem:v49+s21+$0x0] =	vst.idx.msk $0xffff, v50  }
0x2c4: {  	v62 =	vor.u32 v33, v48;
	v49 =	vld.idx.msk [tilespmem:v61+s19+$0x0], $0xffff  }
0x2c5: {  	v63 =	vor.u32 v4, v53;
	_ =	sdelay $0x2  }
0x2c6: {  	v55 =	vor.u32 v34, v51  }
0x2c7: {  	v56 =	vand.u32 $0x17A8, v55;
	[tilespmem:v62+s21+$0x0] =	vst.idx.msk $0xffff, v49  }
0x2c8: {  	v49 =	vor.u32 v52, v56;
	v50 =	vld.idx.msk [tilespmem:v63+s19+$0x0], $0xffff  }
0x2c9: {  	v57 =	vor.u32 v6, v53;
	_ =	sdelay $0x3  }
0x2ca: {  	[tilespmem:v49+s21+$0x0] =	vst.idx.msk $0xffff, v50  }
0x2cb: {  	v58 =	vor.u32 v35, v48;
	v49 =	vld.idx.msk [tilespmem:v57+s19+$0x0], $0xffff  }
0x2cc: {  	v59 =	vor.u32 v8, v53;
	_ =	sdelay $0x2  }
0x2cd: {  	v60 =	vor.u32 v36, v51  }
0x2ce: {  	v61 =	vand.u32 $0x17C8, v60;
	[tilespmem:v58+s21+$0x0] =	vst.idx.msk $0xffff, v49  }
0x2cf: {  	v49 =	vor.u32 v52, v61;
	v50 =	vld.idx.msk [tilespmem:v59+s19+$0x0], $0xffff  }
0x2d0: {  	v62 =	vor.u32 v10, v53;
	_ =	sdelay $0x3  }
0x2d1: {  	[tilespmem:v49+s21+$0x0] =	vst.idx.msk $0xffff, v50  }
0x2d2: {  	v63 =	vor.u32 v37, v48;
	v49 =	vld.idx.msk [tilespmem:v62+s19+$0x0], $0xffff  }
0x2d3: {  	v57 =	vor.u32 v12, v53;
	_ =	sdelay $0x2  }
0x2d4: {  	v58 =	vor.u32 v38, v51  }
0x2d5: {  	v59 =	vand.u32 $0x17E8, v58;
	[tilespmem:v63+s21+$0x0] =	vst.idx.msk $0xffff, v49  }
0x2d6: {  	v49 =	vor.u32 v52, v59;
	v50 =	vld.idx.msk [tilespmem:v57+s19+$0x0], $0xffff  }
0x2d7: {  	v60 =	vor.u32 v14, v53;
	_ =	sdelay $0x3  }
0x2d8: {  	[tilespmem:v49+s21+$0x0] =	vst.idx.msk $0xffff, v50  }
0x2d9: {  	v61 =	vor.u32 v39, v48;
	v49 =	vld.idx.msk [tilespmem:v60+s19+$0x0], $0xffff  }
0x2da: {  	v62 =	vor.u32 v17, v53;
	_ =	sdelay $0x2  }
0x2db: {  	v63 =	vor.u32 v40, v51  }
0x2dc: {  	v57 =	vand.u32 $0x1F88, v63;
	[tilespmem:v61+s21+$0x0] =	vst.idx.msk $0xffff, v49  }
0x2dd: {  	v49 =	vor.u32 v52, v57;
	v50 =	vld.idx.msk [tilespmem:v62+s19+$0x0], $0xffff  }
0x2de: {  	v58 =	vor.u32 v18, v53;
	_ =	sdelay $0x3  }
0x2df: {  	[tilespmem:v49+s21+$0x0] =	vst.idx.msk $0xffff, v50  }
0x2e0: {  	v59 =	vor.u32 v41, v48;
	v49 =	vld.idx.msk [tilespmem:v58+s19+$0x0], $0xffff  }
0x2e1: {  	v60 =	vor.u32 v20, v53;
	_ =	sdelay $0x2  }
0x2e2: {  	v61 =	vor.u32 v42, v51  }
0x2e3: {  	v62 =	vand.u32 $0x1FA8, v61;
	[tilespmem:v59+s21+$0x0] =	vst.idx.msk $0xffff, v49  }
0x2e4: {  	v49 =	vor.u32 v52, v62;
	v50 =	vld.idx.msk [tilespmem:v60+s19+$0x0], $0xffff  }
0x2e5: {  	v63 =	vor.u32 v22, v53;
	_ =	sdelay $0x3  }
0x2e6: {  	[tilespmem:v49+s21+$0x0] =	vst.idx.msk $0xffff, v50  }
0x2e7: {  	v57 =	vor.u32 v43, v48;
	v49 =	vld.idx.msk [tilespmem:v63+s19+$0x0], $0xffff  }
0x2e8: {  	v58 =	vor.u32 v24, v53;
	_ =	sdelay $0x2  }
0x2e9: {  	v59 =	vor.u32 v44, v51  }
0x2ea: {  	v60 =	vand.u32 $0x1FC8, v59;
	[tilespmem:v57+s21+$0x0] =	vst.idx.msk $0xffff, v49  }
0x2eb: {  	v49 =	vor.u32 v52, v60;
	v50 =	vld.idx.msk [tilespmem:v58+s19+$0x0], $0xffff  }
0x2ec: {  	v61 =	vor.u32 v26, v53;
	_ =	sdelay $0x3  }
0x2ed: {  	[tilespmem:v49+s21+$0x0] =	vst.idx.msk $0xffff, v50  }
0x2ee: {  	v62 =	vor.u32 v45, v48;
	v49 =	vld.idx.msk [tilespmem:v61+s19+$0x0], $0xffff  }
0x2ef: {  	v63 =	vor.u32 v28, v53;
	_ =	sdelay $0x2  }
0x2f0: {  	v51 =	vor.u32 v46, v51  }
0x2f1: {  	v56 =	vand.u32 $0x1FE8, v51;
	[tilespmem:v62+s21+$0x0] =	vst.idx.msk $0xffff, v49  }
0x2f2: {  	v49 =	vor.u32 v52, v56;
	v50 =	vld.idx.msk [tilespmem:v63+s19+$0x0], $0xffff  }
0x2f3: {  	v57 =	vor.u32 v30, v53;
	_ =	sdelay $0x1  }
0x2f4: {  	s1 =	sadd.s32 $0x1, s14  }
0x2f5: {  	v58 =	vadd.s32 s1, v0  }
0x2f6: {  	[tilespmem:v49+s21+$0x0] =	vst.idx.msk $0xffff, v50;
	v49 =	vand.u32 $0xF, v58  }
0x2f7: {  	v59 =	vor.u32 v47, v48;
	v50 =	vld.idx.msk [tilespmem:v57+s19+$0x0], $0xffff;
	v51 =	vshll.u32 v49, $0x5  }
0x2f8: {  	v60 =	vor.u32 v0, v51;
	_ =	sdelay $0x2  }
0x2f9: {  	v61 =	vor.u32 v32, v49  }
0x2fa: {  	v62 =	vand.u32 $0x1788, v61;
	[tilespmem:v59+s21+$0x0] =	vst.idx.msk $0xffff, v50;
	v50 =	vand.u32 $0x7, v58  }
0x2fb: {  	v63 =	vld.idx.msk [tilespmem:v60+s19+$0x0], $0xffff;
	v48 =	vor.u32 v50, v62  }
0x2fc: {  	v57 =	vor.u32 v2, v51;
	_ =	sdelay $0x2  }
0x2fd: {  	v58 =	vor.u32 v33, v49  }
0x2fe: {  	v59 =	vand.u32 $0x1798, v58;
	[tilespmem:v48+s21+$0x0] =	vst.idx.msk $0xffff, v63  }
0x2ff: {  	v48 =	vor.u32 v50, v59;
	v52 =	vld.idx.msk [tilespmem:v57+s19+$0x0], $0xffff  }
0x300: {  	v60 =	vor.u32 v4, v51;
	_ =	sdelay $0x2  }
0x301: {  	v61 =	vor.u32 v34, v49  }
0x302: {  	v62 =	vand.u32 $0x17A8, v61;
	[tilespmem:v48+s21+$0x0] =	vst.idx.msk $0xffff, v52  }
0x303: {  	v48 =	vor.u32 v50, v62;
	v52 =	vld.idx.msk [tilespmem:v60+s19+$0x0], $0xffff  }
0x304: {  	v63 =	vor.u32 v6, v51;
	_ =	sdelay $0x2  }
0x305: {  	v57 =	vor.u32 v35, v49  }
0x306: {  	v58 =	vand.u32 $0x17B8, v57;
	[tilespmem:v48+s21+$0x0] =	vst.idx.msk $0xffff, v52  }
0x307: {  	v48 =	vor.u32 v50, v58;
	v52 =	vld.idx.msk [tilespmem:v63+s19+$0x0], $0xffff  }
0x308: {  	v59 =	vor.u32 v8, v51;
	_ =	sdelay $0x2  }
0x309: {  	v60 =	vor.u32 v36, v49  }
0x30a: {  	v61 =	vand.u32 $0x17C8, v60;
	[tilespmem:v48+s21+$0x0] =	vst.idx.msk $0xffff, v52  }
0x30b: {  	v48 =	vor.u32 v50, v61;
	v52 =	vld.idx.msk [tilespmem:v59+s19+$0x0], $0xffff  }
0x30c: {  	v62 =	vor.u32 v10, v51;
	_ =	sdelay $0x2  }
0x30d: {  	v63 =	vor.u32 v37, v49  }
0x30e: {  	v56 =	vand.u32 $0x17D8, v63;
	[tilespmem:v48+s21+$0x0] =	vst.idx.msk $0xffff, v52  }
0x30f: {  	v48 =	vor.u32 v50, v56;
	v52 =	vld.idx.msk [tilespmem:v62+s19+$0x0], $0xffff  }
0x310: {  	v57 =	vor.u32 v12, v51;
	_ =	sdelay $0x2  }
0x311: {  	v58 =	vor.u32 v38, v49  }
0x312: {  	v59 =	vand.u32 $0x17E8, v58;
	[tilespmem:v48+s21+$0x0] =	vst.idx.msk $0xffff, v52  }
0x313: {  	v48 =	vor.u32 v50, v59;
	v52 =	vld.idx.msk [tilespmem:v57+s19+$0x0], $0xffff  }
0x314: {  	v60 =	vor.u32 v14, v51;
	_ =	sdelay $0x2  }
0x315: {  	v61 =	vor.u32 v39, v49  }
0x316: {  	v62 =	vand.u32 $0x17F8, v61;
	[tilespmem:v48+s21+$0x0] =	vst.idx.msk $0xffff, v52  }
0x317: {  	v48 =	vor.u32 v50, v62;
	v52 =	vld.idx.msk [tilespmem:v60+s19+$0x0], $0xffff  }
0x318: {  	v63 =	vor.u32 v17, v51;
	_ =	sdelay $0x2  }
0x319: {  	v57 =	vor.u32 v40, v49  }
0x31a: {  	v58 =	vand.u32 $0x1F88, v57;
	[tilespmem:v48+s21+$0x0] =	vst.idx.msk $0xffff, v52  }
0x31b: {  	v48 =	vor.u32 v50, v58;
	v52 =	vld.idx.msk [tilespmem:v63+s19+$0x0], $0xffff  }
0x31c: {  	v59 =	vor.u32 v18, v51;
	_ =	sdelay $0x2  }
0x31d: {  	v60 =	vor.u32 v41, v49  }
0x31e: {  	v61 =	vand.u32 $0x1F98, v60;
	[tilespmem:v48+s21+$0x0] =	vst.idx.msk $0xffff, v52  }
0x31f: {  	v48 =	vor.u32 v50, v61;
	v52 =	vld.idx.msk [tilespmem:v59+s19+$0x0], $0xffff  }
0x320: {  	v62 =	vor.u32 v20, v51;
	_ =	sdelay $0x2  }
0x321: {  	v63 =	vor.u32 v42, v49  }
0x322: {  	v56 =	vand.u32 $0x1FA8, v63;
	[tilespmem:v48+s21+$0x0] =	vst.idx.msk $0xffff, v52  }
0x323: {  	v48 =	vor.u32 v50, v56;
	v52 =	vld.idx.msk [tilespmem:v62+s19+$0x0], $0xffff  }
0x324: {  	v57 =	vor.u32 v22, v51;
	_ =	sdelay $0x2  }
0x325: {  	v58 =	vor.u32 v43, v49  }
0x326: {  	v59 =	vand.u32 $0x1FB8, v58;
	[tilespmem:v48+s21+$0x0] =	vst.idx.msk $0xffff, v52  }
0x327: {  	v48 =	vor.u32 v50, v59;
	v52 =	vld.idx.msk [tilespmem:v57+s19+$0x0], $0xffff  }
0x328: {  	v60 =	vor.u32 v24, v51;
	_ =	sdelay $0x2  }
0x329: {  	v61 =	vor.u32 v44, v49  }
0x32a: {  	v62 =	vand.u32 $0x1FC8, v61;
	[tilespmem:v48+s21+$0x0] =	vst.idx.msk $0xffff, v52  }
0x32b: {  	v48 =	vor.u32 v50, v62;
	v52 =	vld.idx.msk [tilespmem:v60+s19+$0x0], $0xffff  }
0x32c: {  	v63 =	vor.u32 v26, v51;
	_ =	sdelay $0x2  }
0x32d: {  	v57 =	vor.u32 v45, v49  }
0x32e: {  	v58 =	vand.u32 $0x1FD8, v57;
	[tilespmem:v48+s21+$0x0] =	vst.idx.msk $0xffff, v52  }
0x32f: {  	v48 =	vor.u32 v50, v58;
	v52 =	vld.idx.msk [tilespmem:v63+s19+$0x0], $0xffff  }
0x330: {  	v59 =	vor.u32 v28, v51;
	_ =	sdelay $0x2  }
0x331: {  	v60 =	vor.u32 v46, v49  }
0x332: {  	v61 =	vand.u32 $0x1FE8, v60;
	[tilespmem:v48+s21+$0x0] =	vst.idx.msk $0xffff, v52  }
0x333: {  	v48 =	vor.u32 v50, v61;
	v52 =	vld.idx.msk [tilespmem:v59+s19+$0x0], $0xffff  }
0x334: {  	v51 =	vor.u32 v30, v51;
	_ =	sdelay $0x2  }
0x335: {  	v49 =	vor.u32 v47, v49  }
0x336: {  	v62 =	vand.u32 $0x1FF8, v49;
	[tilespmem:v48+s21+$0x0] =	vst.idx.msk $0xffff, v52  }
0x337: {  	v48 =	vor.u32 v50, v62;
	v63 =	vld.idx.msk [tilespmem:v51+s19+$0x0], $0xffff;
	_ =	sdelay $0x4  }
0x338: {  	s14 =	sadd.s32 s5, s10;
	[tilespmem:v48+s21+$0x0] =	vst.idx.msk $0xffff, v63  }
0x339: {  	[hbm4b:s14+s3] =	stream.linear.scatter [tilespmem:s28], [sflag:$0x4], $0x400, $0x38;
	[tilespmem:$0x5900] =	vst v63  }
0x33a: {  	s17 =	sadd.s32 s5, s11;
	p0 =	seq.s32 s16, $0x18  }
0x33b: {  	[hbm4b:s17+s3] =	stream.linear.scatter [tilespmem:s29], [sflag:$0x4], $0x400, $0x38;
	[tilespmem:$0x5900] =	vst v63  }
.Ltmp7:
0x33c: {  	_ = 	snop;
	(pc) =	sbr.rel @p0 .LBB2_12-.Ltmp7, $4  }
0x33d: {  	s14 =	sadd.s32 s5, s12  }
0x33e: {  	[hbm4b:s14+s3] =	stream.linear.scatter [tilespmem:s30], [sflag:$0x4], $0x400, $0x38;
	[tilespmem:$0x5900] =	vst v63  }
0x33f: {  	s17 =	sadd.s32 s5, s13  }
0x340: {  	[hbm4b:s17+s3] =	stream.linear.scatter [tilespmem:s31], [sflag:$0x4], $0x400, $0x38;
	[tilespmem:$0x5900] =	vst v63  }
.Ltmp8:
0x341: {  	(pc) =	sbr.rel .LBB2_2-.Ltmp8, $4  }
0x342: {  	s1 =	sshll.u32 s16, $0x8  }
0x343: {  	s1 =	sand.u32 $0x3FFFFF00, s1  }
0x344: {  	s16 =	sadd.s32 $0x1, s16;
	s1 =	sadd.s32 $0x180, s1  }
0x345: {  	[tilespmem:s19], [sflag:$0x2] =	stream.indirect.gather [hbm4b:s4+s15], $0x20, s1, s15, $0xb8;
	[tilespmem:$0x5900] =	vst v63  }
.LBB2_13:
0x346: {  	_ =	sfence.sel $0x180000  }
0x347: {  	[bflag:$0x0] =	sbarrier.arrive $0xFFFF  }
0x348: {  	_ =	strace $0x9000004A  }
0x349: {  	s0 =	stileid.u32;
	[bflag:$0x2] =	sbarrier.arrive $0xFFFF  }
0x34a: {  	p0 =	sne.s32 s0, $0x0;
	s0 =	rddreg [dreg:$0x2]  }
0x34b: {  	s0 =	sadd.s32 @!p0 $0x100000, s0  }
0x34c: {  	[sflag:s0] =	ssyncadd.tile.s32 @!p0 $0x1;
	_ =	shalt  }
.Lfunc_end2:
_tile_overlayer_lowered:
.L_overlay_start_2:
0x34d: {  	(tag) =	ssettag $0x2  }
0x34e: {  	s0 =	rddreg [dreg:$0x0];
	s2 =	stileid.u32  }
0x34f: {  	s1 =	rddreg [dreg:$0x1];
	p0 =	sne.s32 s2, $0x0  }
0x350: {  	s3 =	rddreg [dreg:$0x2];
	[bflag:$0x3] =	sbarrier.arrive $0xFFFF;
	s2 =	simm.s32 @!p0 $0x1C05  }
0x351: {  	[timem:s3], [sflag:s2] =	dma.local @!p0 [hbm:s0], s1  }
0x352: {  	s0 =	simm.s32 @!p0 $0x5  }
0x353: {  	_ =	swait.ge @!p0 [sflag:s0], s1  }
0x354: {  	s1 =	ssub.s32 @!p0 $0x0, s1;
	[sflag:s0] =	ssyncset.done @!p0 $0x0  }
0x355: {  	[sflag:s0] =	ssyncadd.s32 @!p0 s1  }
0x356: {  	[bflag:$0x3] =	sbarrier.arrive $0xFFFF  }
0x357: {  	_ =	shalt  }

</sc_bundles>
